<compile_context>
chip_gen: v7x
topology: tpu7x:2x2x1
jax: 0.10.2.dev20260603
libtpu: 0.0.44.dev20260713+nightly
codegen_flags: <defaults>
</compile_context>

<pallas_src>
import jax
import jax.numpy as jnp
from jax import lax
from jax.experimental import pallas as pl
from jax.experimental.pallas import tpu as pltpu
from jax.experimental.pallas import tpu_sc as plsc

VOCAB = 1000000
D = 128
B = 16384
NC = 2
NS = 16
NW = NC * NS
BPW = B // NW
CH = 128
NCHUNK = BPW // CH
NG = D // 16
NB = CH // 16
ALPHA = 0.02


def _body(node_emb, rel_center, rel_offset, src_hbm, anc_hbm, rid_hbm,
          dist_hbm, inbox_hbm,
          rid_v, cbuf, obuf, idx_s, idx_a, rows_t, rows_a,
          acc_a, acc_b, dist_v, inbox_v,
          sem_t0, sem_a0, sem_t1, sem_a1, sem_out):
    wid = lax.axis_index("s") * NC + lax.axis_index("c")
    base = wid * BPW
    sem_t = [sem_t0, sem_t1]
    sem_a = [sem_a0, sem_a1]

    cp_is = pltpu.async_copy(src_hbm.at[pl.ds(base, BPW)], idx_s, sem_t0)
    cp_ia = pltpu.async_copy(anc_hbm.at[pl.ds(base, BPW)], idx_a, sem_a0)
    cp_is.wait()
    cp_ia.wait()

    def issue(k, sl):
        off = k * CH
        cp_t = pltpu.async_copy(node_emb.at[idx_s.at[pl.ds(off, CH)]],
                                rows_t.at[sl], sem_t[sl])
        cp_a = pltpu.async_copy(node_emb.at[idx_a.at[pl.ds(off, CH)]],
                                rows_a.at[sl], sem_a[sl])
        return cp_t, cp_a

    pending = issue(0, 0)

    pltpu.sync_copy(rid_hbm, rid_v)
    cp_c = pltpu.async_copy(rel_center.at[rid_v], cbuf, sem_t1)
    cp_o = pltpu.async_copy(rel_offset.at[rid_v], obuf, sem_a1)
    cp_c.wait()
    cp_o.wait()
    csum = []
    osum = []
    zero = jnp.zeros((16,), jnp.float32)
    for g in range(NG):
        sl = pl.ds(g * 16, 16)
        csum.append(cbuf[0, sl] + cbuf[1, sl])
        osum.append(jnp.maximum(obuf[0, sl], zero) +
                    jnp.maximum(obuf[1, sl], zero))

    out_cps = []

    for k in range(NCHUNK):
        buf = k % 2
        if k + 1 < NCHUNK:
            nxt = issue(k + 1, (k + 1) % 2)
        else:
            nxt = None
        pending[0].wait()
        pending[1].wait()
        pending = nxt
        if k >= 2:
            out_cps.pop(0).wait()
            out_cps.pop(0).wait()

        @plsc.parallel_loop(0, CH, unroll=1)
        def row(i):
            s_out = zero
            s_del = zero
            for g in range(NG):
                sl = pl.ds(g * 16, 16)
                delta = jnp.abs(rows_t[buf, i, sl] - rows_a[buf, i, sl]
                                - csum[g])
                s_out = s_out + jnp.maximum(delta - osum[g], zero)
                s_del = s_del + delta
            acc_a[i, :] = s_out
            acc_b[i, :] = s_del

        @plsc.parallel_loop(0, NB, unroll=1)
        def block(b):
            i0 = b * 16
            lane = lax.iota(jnp.int32, 16)
            row_idx = i0 + lane
            s1 = zero
            s2 = zero
            for c in range(16):
                col = jnp.full((16,), c, jnp.int32)
                s1 = s1 + plsc.load_gather(acc_a, [row_idx, col])
                s2 = s2 + plsc.load_gather(acc_b, [row_idx, col])
            dist_v[buf, pl.ds(i0, 16)] = (1.0 - ALPHA) * s1 + ALPHA * s2
            inbox_v[buf, pl.ds(i0, 16)] = (s1 == 0.0).astype(jnp.int32)

        off = base + k * CH
        out_cps.append(pltpu.async_copy(dist_v.at[buf],
                                        dist_hbm.at[pl.ds(off, CH)], sem_out))
        out_cps.append(pltpu.async_copy(inbox_v.at[buf],
                                        inbox_hbm.at[pl.ds(off, CH)],
                                        sem_out))

    for cp in out_cps:
        cp.wait()


@jax.jit
def _run(node_emb, rel_center, rel_offset, source_nodes, anchor_nodes,
         rel_ids):
    mesh = plsc.VectorSubcoreMesh(core_axis_name="c", subcore_axis_name="s")
    fn = pl.kernel(
        _body,
        out_type=(
            jax.ShapeDtypeStruct((B,), jnp.float32),
            jax.ShapeDtypeStruct((B,), jnp.int32),
        ),
        mesh=mesh,
        compiler_params=pltpu.CompilerParams(needs_layout_passes=False),
        scratch_types=[
            pltpu.VMEM((2,), jnp.int32),
            pltpu.VMEM((2, D), jnp.float32),
            pltpu.VMEM((2, D), jnp.float32),
            pltpu.VMEM((BPW,), jnp.int32),
            pltpu.VMEM((BPW,), jnp.int32),
            pltpu.VMEM((2, CH, D), jnp.float32),
            pltpu.VMEM((2, CH, D), jnp.float32),
            pltpu.VMEM((CH, 16), jnp.float32),
            pltpu.VMEM((CH, 16), jnp.float32),
            pltpu.VMEM((2, CH), jnp.float32),
            pltpu.VMEM((2, CH), jnp.int32),
            pltpu.SemaphoreType.DMA,
            pltpu.SemaphoreType.DMA,
            pltpu.SemaphoreType.DMA,
            pltpu.SemaphoreType.DMA,
            pltpu.SemaphoreType.DMA,
        ],
    )
    return fn(node_emb, rel_center, rel_offset, source_nodes, anchor_nodes,
              rel_ids)


def kernel(node_emb, rel_center, rel_offset, source_nodes, anchor_nodes,
           rel_ids):
    return _run(node_emb, rel_center, rel_offset,
                source_nodes.astype(jnp.int32), anchor_nodes.astype(jnp.int32),
                rel_ids.astype(jnp.int32))

# --- scband reference (transcript-rebuilt; emitter-appended) ---
"""Pipeline reference for scband-query-encoder-decoder-953482740237 (READ-ONLY COPY).

The authoritative reference and input builder live on the scoring server;
editing this copy changes nothing except your own understanding.
"""

import jax, jax.numpy as jnp
import numpy as np

VOCAB = 1000000
D = 128
N_REL = 100
B = 16384


def setup_inputs(seed: int = 0) -> dict:
    key = jax.random.key(seed)
    k1, k2, k3, k4, k5, k6 = jax.random.split(key, 6)
    node_emb = jax.random.normal(k1, (VOCAB, D), dtype=jnp.float32) * 0.1
    rel_center = jax.random.normal(k2, (N_REL, D), dtype=jnp.float32) * 0.1
    rel_offset = jax.random.normal(k3, (N_REL, D), dtype=jnp.float32) * 0.1
    source_nodes = jax.random.randint(k4, (B,), 0, VOCAB)
    anchor_nodes = jax.random.randint(k5, (B,), 0, VOCAB)
    rel_ids = jax.random.randint(k6, (2,), 0, N_REL)
    return {
        "node_emb": node_emb,
        "rel_center": rel_center,
        "rel_offset": rel_offset,
        "source_nodes": source_nodes,
        "anchor_nodes": anchor_nodes,
        "rel_ids": rel_ids,
    }


def reference(node_emb, rel_center, rel_offset, source_nodes, anchor_nodes, rel_ids):
    # '2-chain' query path of QueryEncoderDecoder.forward
    a = 0.02
    # enc(source_nodes, target_type): embedding lookup
    target_embeds = jnp.take(node_emb, source_nodes, axis=0)  # [B, D]
    # enc(anchor_nodes, anchor_type)
    embeds = jnp.take(node_emb, anchor_nodes, axis=0)  # [B, D]
    offset_embeddings = jnp.zeros_like(embeds)
    # path_dec applied over reversed relation chain (box translation decoder):
    # center += rel_center[rel]; offset += relu(rel_offset[rel])
    n_rel_steps = rel_ids.shape[0]
    for i in range(n_rel_steps - 1, -1, -1):
        r = rel_ids[i]
        embeds = embeds + rel_center[r]
        offset_embeddings = offset_embeddings + jax.nn.relu(rel_offset[r])
    # dist_box
    delta = jnp.abs(target_embeds - embeds)
    distance_out = jax.nn.relu(delta - offset_embeddings)
    distance_in = jnp.minimum(delta, offset_embeddings)
    distance_box = jnp.sum(jnp.abs(distance_out), axis=-1) + a * jnp.sum(jnp.abs(distance_in), axis=-1)
    in_box = (jnp.count_nonzero(distance_out, axis=-1) == 0).astype(jnp.int32)
    return (distance_box, in_box)

if __name__ == "__main__":
    import jax
    _d = setup_inputs()
    print(jax.jit(kernel)(*tuple(_d.values())))

</pallas_src>

<mosaic_0001>
#map = affine_map<(d0, d1) -> (0, 0)>
#map1 = affine_map<(d0, d1) -> (0)>
module attributes {stable_mosaic.version = 14 : i64} {
  func.func @_body(%arg0: i32, %arg1: i32, %arg2: memref<1000000x128xf32, #tpu.memory_space<hbm>>, %arg3: memref<100x128xf32, #tpu.memory_space<hbm>>, %arg4: memref<100x128xf32, #tpu.memory_space<hbm>>, %arg5: memref<16384xi32, #tpu.memory_space<hbm>>, %arg6: memref<16384xi32, #tpu.memory_space<hbm>>, %arg7: memref<2xi32, #tpu.memory_space<hbm>>, %arg8: memref<16384xf32, #tpu.memory_space<hbm>>, %arg9: memref<16384xi32, #tpu.memory_space<hbm>>, %arg10: memref<2xi32, #tpu.memory_space<vmem>>, %arg11: memref<2x128xf32, #tpu.memory_space<vmem>>, %arg12: memref<2x128xf32, #tpu.memory_space<vmem>>, %arg13: memref<512xi32, #tpu.memory_space<vmem>>, %arg14: memref<512xi32, #tpu.memory_space<vmem>>, %arg15: memref<2x128x128xf32, #tpu.memory_space<vmem>>, %arg16: memref<2x128x128xf32, #tpu.memory_space<vmem>>, %arg17: memref<128x16xf32, #tpu.memory_space<vmem>>, %arg18: memref<128x16xf32, #tpu.memory_space<vmem>>, %arg19: memref<2x128xf32, #tpu.memory_space<vmem>>, %arg20: memref<2x128xi32, #tpu.memory_space<vmem>>, %arg21: memref<!tpu.dma_semaphore, #tpu.memory_space<semaphore_mem>>, %arg22: memref<!tpu.dma_semaphore, #tpu.memory_space<semaphore_mem>>, %arg23: memref<!tpu.dma_semaphore, #tpu.memory_space<semaphore_mem>>, %arg24: memref<!tpu.dma_semaphore, #tpu.memory_space<semaphore_mem>>, %arg25: memref<!tpu.dma_semaphore, #tpu.memory_space<semaphore_mem>>) attributes {dimension_semantics = [#tpu.dimension_semantics<core_parallel>, #tpu.dimension_semantics<subcore_parallel>], iteration_bounds = array<i64: 2, 16>, scalar_prefetch = 0 : i64, scratch_operands = 16 : i64, tpu.core_type = #tpu.core_type<sc_vector_subcore>, window_params = [{transform_indices = #map}, {transform_indices = #map}, {transform_indices = #map}, {transform_indices = #map1}, {transform_indices = #map1}, {transform_indices = #map1}, {transform_indices = #map1}, {transform_indices = #map1}]} {
    %mul3A = arith.constant 2 : i32
    %mul3A_0 = arith.muli %arg1, %mul3A : i32
    %add3A = arith.addi %mul3A_0, %arg0 : i32
    %mul3A_1 = arith.constant 512 : i32
    %mul3A_2 = arith.muli %add3A, %mul3A_1 : i32
    %dma_start3A = tpu.memref_slice %arg5[%mul3A_2] : memref<16384xi32, #tpu.memory_space<hbm>> -> memref<512xi32, #tpu.memory_space<hbm>>
    %dma_start3A_3 = tpu.memref_slice %arg5[%mul3A_2] : memref<16384xi32, #tpu.memory_space<hbm>> -> memref<512xi32, #tpu.memory_space<hbm>>
    tpu.enqueue_dma source(%dma_start3A_3 : memref<512xi32, #tpu.memory_space<hbm>>) target(%arg13 : memref<512xi32, #tpu.memory_space<vmem>>) target_semaphore(%arg21 : memref<!tpu.dma_semaphore, #tpu.memory_space<semaphore_mem>>)
    %dma_start3A_4 = tpu.memref_slice %arg6[%mul3A_2] : memref<16384xi32, #tpu.memory_space<hbm>> -> memref<512xi32, #tpu.memory_space<hbm>>
    %dma_start3A_5 = tpu.memref_slice %arg6[%mul3A_2] : memref<16384xi32, #tpu.memory_space<hbm>> -> memref<512xi32, #tpu.memory_space<hbm>>
    tpu.enqueue_dma source(%dma_start3A_5 : memref<512xi32, #tpu.memory_space<hbm>>) target(%arg14 : memref<512xi32, #tpu.memory_space<vmem>>) target_semaphore(%arg22 : memref<!tpu.dma_semaphore, #tpu.memory_space<semaphore_mem>>)
    %dma_wait3A = tpu.memref_slice %arg5[%mul3A_2] : memref<16384xi32, #tpu.memory_space<hbm>> -> memref<512xi32, #tpu.memory_space<hbm>>
    %dma_wait3A_6 = tpu.memref_slice %arg5[%mul3A_2] : memref<16384xi32, #tpu.memory_space<hbm>> -> memref<512xi32, #tpu.memory_space<hbm>>
    tpu.wait_dma2 semaphore(%arg21 : memref<!tpu.dma_semaphore, #tpu.memory_space<semaphore_mem>>) src(%dma_wait3A_6 : memref<512xi32, #tpu.memory_space<hbm>>) dst(%arg13 : memref<512xi32, #tpu.memory_space<vmem>>)
    %dma_wait3A_7 = tpu.memref_slice %arg6[%mul3A_2] : memref<16384xi32, #tpu.memory_space<hbm>> -> memref<512xi32, #tpu.memory_space<hbm>>
    %dma_wait3A_8 = tpu.memref_slice %arg6[%mul3A_2] : memref<16384xi32, #tpu.memory_space<hbm>> -> memref<512xi32, #tpu.memory_space<hbm>>
    tpu.wait_dma2 semaphore(%arg22 : memref<!tpu.dma_semaphore, #tpu.memory_space<semaphore_mem>>) src(%dma_wait3A_8 : memref<512xi32, #tpu.memory_space<hbm>>) dst(%arg14 : memref<512xi32, #tpu.memory_space<vmem>>)
    %dma_start3A_9 = arith.constant 0 : i32
    %dma_start3A_10 = arith.constant 0 : i32
    %dma_start3A_11 = arith.constant 0 : i32
    %dma_start3A_12 = tpu.memref_slice %arg15[%dma_start3A_9, %dma_start3A_10, %dma_start3A_11] : memref<2x128x128xf32, #tpu.memory_space<vmem>> -> memref<1x128x128xf32, #tpu.memory_space<vmem>>
    %dma_start3A_13 = tpu.memref_squeeze %dma_start3A_12 : memref<1x128x128xf32, #tpu.memory_space<vmem>> -> memref<128x128xf32, #tpu.memory_space<vmem>>
    %dma_start3A_14 = arith.constant 0 : i32
    %dma_start3A_15 = tpu.memref_slice %arg13[%dma_start3A_14] : memref<512xi32, #tpu.memory_space<vmem>> -> memref<128xi32, #tpu.memory_space<vmem>>
    %dma_start3A_16 = arith.constant 0 : i32
    %dma_start3A_17 = arith.constant 0 : i32
    %dma_start3A_18 = tpu.memref_slice %arg2[%dma_start3A_16, %dma_start3A_17] : memref<1000000x128xf32, #tpu.memory_space<hbm>> -> memref<1000000x128xf32, #tpu.memory_space<hbm>>
    tpu.enqueue_indirect_dma source(%dma_start3A_18 : memref<1000000x128xf32, #tpu.memory_space<hbm>>) target(%dma_start3A_13 : memref<128x128xf32, #tpu.memory_space<vmem>>) offsets(%dma_start3A_15 : memref<128xi32, #tpu.memory_space<vmem>>) semaphore(%arg21 : memref<!tpu.dma_semaphore, #tpu.memory_space<semaphore_mem>>)
    %dma_start3A_19 = arith.constant 0 : i32
    %dma_start3A_20 = arith.constant 0 : i32
    %dma_start3A_21 = arith.constant 0 : i32
    %dma_start3A_22 = tpu.memref_slice %arg16[%dma_start3A_19, %dma_start3A_20, %dma_start3A_21] : memref<2x128x128xf32, #tpu.memory_space<vmem>> -> memref<1x128x128xf32, #tpu.memory_space<vmem>>
    %dma_start3A_23 = tpu.memref_squeeze %dma_start3A_22 : memref<1x128x128xf32, #tpu.memory_space<vmem>> -> memref<128x128xf32, #tpu.memory_space<vmem>>
    %dma_start3A_24 = arith.constant 0 : i32
    %dma_start3A_25 = tpu.memref_slice %arg14[%dma_start3A_24] : memref<512xi32, #tpu.memory_space<vmem>> -> memref<128xi32, #tpu.memory_space<vmem>>
    %dma_start3A_26 = arith.constant 0 : i32
    %dma_start3A_27 = arith.constant 0 : i32
    %dma_start3A_28 = tpu.memref_slice %arg2[%dma_start3A_26, %dma_start3A_27] : memref<1000000x128xf32, #tpu.memory_space<hbm>> -> memref<1000000x128xf32, #tpu.memory_space<hbm>>
    tpu.enqueue_indirect_dma source(%dma_start3A_28 : memref<1000000x128xf32, #tpu.memory_space<hbm>>) target(%dma_start3A_23 : memref<128x128xf32, #tpu.memory_space<vmem>>) offsets(%dma_start3A_25 : memref<128xi32, #tpu.memory_space<vmem>>) semaphore(%arg22 : memref<!tpu.dma_semaphore, #tpu.memory_space<semaphore_mem>>)
    "tpu.region"() ({
      %run_scoped3A = tpu.sem_alloc : memref<!tpu.dma_semaphore, #tpu.memory_space<semaphore_mem>>
      tpu.enqueue_dma source(%arg7 : memref<2xi32, #tpu.memory_space<hbm>>) target(%arg10 : memref<2xi32, #tpu.memory_space<vmem>>) target_semaphore(%run_scoped3A : memref<!tpu.dma_semaphore, #tpu.memory_space<semaphore_mem>>)
      tpu.wait_dma2 semaphore(%run_scoped3A : memref<!tpu.dma_semaphore, #tpu.memory_space<semaphore_mem>>) src(%arg7 : memref<2xi32, #tpu.memory_space<hbm>>) dst(%arg10 : memref<2xi32, #tpu.memory_space<vmem>>)
      tpu.yield
    }) : () -> ()
    %dma_start3A_29 = arith.constant 0 : i32
    %dma_start3A_30 = arith.constant 0 : i32
    %dma_start3A_31 = tpu.memref_slice %arg3[%dma_start3A_29, %dma_start3A_30] : memref<100x128xf32, #tpu.memory_space<hbm>> -> memref<100x128xf32, #tpu.memory_space<hbm>>
    tpu.enqueue_indirect_dma source(%dma_start3A_31 : memref<100x128xf32, #tpu.memory_space<hbm>>) target(%arg11 : memref<2x128xf32, #tpu.memory_space<vmem>>) offsets(%arg10 : memref<2xi32, #tpu.memory_space<vmem>>) semaphore(%arg23 : memref<!tpu.dma_semaphore, #tpu.memory_space<semaphore_mem>>)
    %dma_start3A_32 = arith.constant 0 : i32
    %dma_start3A_33 = arith.constant 0 : i32
    %dma_start3A_34 = tpu.memref_slice %arg4[%dma_start3A_32, %dma_start3A_33] : memref<100x128xf32, #tpu.memory_space<hbm>> -> memref<100x128xf32, #tpu.memory_space<hbm>>
    tpu.enqueue_indirect_dma source(%dma_start3A_34 : memref<100x128xf32, #tpu.memory_space<hbm>>) target(%arg12 : memref<2x128xf32, #tpu.memory_space<vmem>>) offsets(%arg10 : memref<2xi32, #tpu.memory_space<vmem>>) semaphore(%arg24 : memref<!tpu.dma_semaphore, #tpu.memory_space<semaphore_mem>>)
    %dma_wait3A_35 = arith.constant 0 : i32
    %dma_wait3A_36 = arith.constant 0 : i32
    %dma_wait3A_37 = tpu.memref_slice %arg3[%dma_wait3A_35, %dma_wait3A_36] : memref<100x128xf32, #tpu.memory_space<hbm>> -> memref<100x128xf32, #tpu.memory_space<hbm>>
    tpu.wait_indirect_dma semaphore(%arg23 : memref<!tpu.dma_semaphore, #tpu.memory_space<semaphore_mem>>) src(%dma_wait3A_37 : memref<100x128xf32, #tpu.memory_space<hbm>>) dst(%arg11 : memref<2x128xf32, #tpu.memory_space<vmem>>)
    %dma_wait3A_38 = arith.constant 0 : i32
    %dma_wait3A_39 = arith.constant 0 : i32
    %dma_wait3A_40 = tpu.memref_slice %arg4[%dma_wait3A_38, %dma_wait3A_39] : memref<100x128xf32, #tpu.memory_space<hbm>> -> memref<100x128xf32, #tpu.memory_space<hbm>>
    tpu.wait_indirect_dma semaphore(%arg24 : memref<!tpu.dma_semaphore, #tpu.memory_space<semaphore_mem>>) src(%dma_wait3A_40 : memref<100x128xf32, #tpu.memory_space<hbm>>) dst(%arg12 : memref<2x128xf32, #tpu.memory_space<vmem>>)
    %broadcast_in_dim3A = arith.constant 0.000000e+00 : f32
    %broadcast_in_dim3A_41 = vector.broadcast %broadcast_in_dim3A : f32 to vector<16xf32>
    %get3A = arith.constant 0 : i32
    %get3A_42 = arith.index_cast %get3A : i32 to index
    %get3A_43 = arith.constant 0 : index
    %get3A_44 = tpu.vector_load %arg11[%get3A_42, %get3A_43] {strides = array<i32>} : memref<2x128xf32, #tpu.memory_space<vmem>>, vector<16xf32>,
    %get3A_45 = arith.constant 1 : i32
    %get3A_46 = arith.index_cast %get3A_45 : i32 to index
    %get3A_47 = arith.constant 0 : index
    %get3A_48 = tpu.vector_load %arg11[%get3A_46, %get3A_47] {strides = array<i32>} : memref<2x128xf32, #tpu.memory_space<vmem>>, vector<16xf32>,
    %add3A_49 = arith.addf %get3A_44, %get3A_48 : vector<16xf32>
    %get3A_50 = arith.constant 0 : i32
    %get3A_51 = arith.index_cast %get3A_50 : i32 to index
    %get3A_52 = arith.constant 0 : index
    %get3A_53 = tpu.vector_load %arg12[%get3A_51, %get3A_52] {strides = array<i32>} : memref<2x128xf32, #tpu.memory_space<vmem>>, vector<16xf32>,
    %max3A = arith.maximumf %get3A_53, %broadcast_in_dim3A_41 : vector<16xf32>
    %get3A_54 = arith.constant 1 : i32
    %get3A_55 = arith.index_cast %get3A_54 : i32 to index
    %get3A_56 = arith.constant 0 : index
    %get3A_57 = tpu.vector_load %arg12[%get3A_55, %get3A_56] {strides = array<i32>} : memref<2x128xf32, #tpu.memory_space<vmem>>, vector<16xf32>,
    %max3A_58 = arith.maximumf %get3A_57, %broadcast_in_dim3A_41 : vector<16xf32>
    %add3A_59 = arith.addf %max3A, %max3A_58 : vector<16xf32>
    %get3A_60 = arith.constant 0 : i32
    %get3A_61 = arith.index_cast %get3A_60 : i32 to index
    %get3A_62 = arith.constant 16 : index
    %get3A_63 = tpu.vector_load %arg11[%get3A_61, %get3A_62] {strides = array<i32>} : memref<2x128xf32, #tpu.memory_space<vmem>>, vector<16xf32>,
    %get3A_64 = arith.constant 1 : i32
    %get3A_65 = arith.index_cast %get3A_64 : i32 to index
    %get3A_66 = arith.constant 16 : index
    %get3A_67 = tpu.vector_load %arg11[%get3A_65, %get3A_66] {strides = array<i32>} : memref<2x128xf32, #tpu.memory_space<vmem>>, vector<16xf32>,
    %add3A_68 = arith.addf %get3A_63, %get3A_67 : vector<16xf32>
    %get3A_69 = arith.constant 0 : i32
    %get3A_70 = arith.index_cast %get3A_69 : i32 to index
    %get3A_71 = arith.constant 16 : index
    %get3A_72 = tpu.vector_load %arg12[%get3A_70, %get3A_71] {strides = array<i32>} : memref<2x128xf32, #tpu.memory_space<vmem>>, vector<16xf32>,
    %max3A_73 = arith.maximumf %get3A_72, %broadcast_in_dim3A_41 : vector<16xf32>
    %get3A_74 = arith.constant 1 : i32
    %get3A_75 = arith.index_cast %get3A_74 : i32 to index
    %get3A_76 = arith.constant 16 : index
    %get3A_77 = tpu.vector_load %arg12[%get3A_75, %get3A_76] {strides = array<i32>} : memref<2x128xf32, #tpu.memory_space<vmem>>, vector<16xf32>,
    %max3A_78 = arith.maximumf %get3A_77, %broadcast_in_dim3A_41 : vector<16xf32>
    %add3A_79 = arith.addf %max3A_73, %max3A_78 : vector<16xf32>
    %get3A_80 = arith.constant 0 : i32
    %get3A_81 = arith.index_cast %get3A_80 : i32 to index
    %get3A_82 = arith.constant 32 : index
    %get3A_83 = tpu.vector_load %arg11[%get3A_81, %get3A_82] {strides = array<i32>} : memref<2x128xf32, #tpu.memory_space<vmem>>, vector<16xf32>,
    %get3A_84 = arith.constant 1 : i32
    %get3A_85 = arith.index_cast %get3A_84 : i32 to index
    %get3A_86 = arith.constant 32 : index
    %get3A_87 = tpu.vector_load %arg11[%get3A_85, %get3A_86] {strides = array<i32>} : memref<2x128xf32, #tpu.memory_space<vmem>>, vector<16xf32>,
    %add3A_88 = arith.addf %get3A_83, %get3A_87 : vector<16xf32>
    %get3A_89 = arith.constant 0 : i32
    %get3A_90 = arith.index_cast %get3A_89 : i32 to index
    %get3A_91 = arith.constant 32 : index
    %get3A_92 = tpu.vector_load %arg12[%get3A_90, %get3A_91] {strides = array<i32>} : memref<2x128xf32, #tpu.memory_space<vmem>>, vector<16xf32>,
    %max3A_93 = arith.maximumf %get3A_92, %broadcast_in_dim3A_41 : vector<16xf32>
    %get3A_94 = arith.constant 1 : i32
    %get3A_95 = arith.index_cast %get3A_94 : i32 to index
    %get3A_96 = arith.constant 32 : index
    %get3A_97 = tpu.vector_load %arg12[%get3A_95, %get3A_96] {strides = array<i32>} : memref<2x128xf32, #tpu.memory_space<vmem>>, vector<16xf32>,
    %max3A_98 = arith.maximumf %get3A_97, %broadcast_in_dim3A_41 : vector<16xf32>
    %add3A_99 = arith.addf %max3A_93, %max3A_98 : vector<16xf32>
    %get3A_100 = arith.constant 0 : i32
    %get3A_101 = arith.index_cast %get3A_100 : i32 to index
    %get3A_102 = arith.constant 48 : index
    %get3A_103 = tpu.vector_load %arg11[%get3A_101, %get3A_102] {strides = array<i32>} : memref<2x128xf32, #tpu.memory_space<vmem>>, vector<16xf32>,
    %get3A_104 = arith.constant 1 : i32
    %get3A_105 = arith.index_cast %get3A_104 : i32 to index
    %get3A_106 = arith.constant 48 : index
    %get3A_107 = tpu.vector_load %arg11[%get3A_105, %get3A_106] {strides = array<i32>} : memref<2x128xf32, #tpu.memory_space<vmem>>, vector<16xf32>,
    %add3A_108 = arith.addf %get3A_103, %get3A_107 : vector<16xf32>
    %get3A_109 = arith.constant 0 : i32
    %get3A_110 = arith.index_cast %get3A_109 : i32 to index
    %get3A_111 = arith.constant 48 : index
    %get3A_112 = tpu.vector_load %arg12[%get3A_110, %get3A_111] {strides = array<i32>} : memref<2x128xf32, #tpu.memory_space<vmem>>, vector<16xf32>,
    %max3A_113 = arith.maximumf %get3A_112, %broadcast_in_dim3A_41 : vector<16xf32>
    %get3A_114 = arith.constant 1 : i32
    %get3A_115 = arith.index_cast %get3A_114 : i32 to index
    %get3A_116 = arith.constant 48 : index
    %get3A_117 = tpu.vector_load %arg12[%get3A_115, %get3A_116] {strides = array<i32>} : memref<2x128xf32, #tpu.memory_space<vmem>>, vector<16xf32>,
    %max3A_118 = arith.maximumf %get3A_117, %broadcast_in_dim3A_41 : vector<16xf32>
    %add3A_119 = arith.addf %max3A_113, %max3A_118 : vector<16xf32>
    %get3A_120 = arith.constant 0 : i32
    %get3A_121 = arith.index_cast %get3A_120 : i32 to index
    %get3A_122 = arith.constant 64 : index
    %get3A_123 = tpu.vector_load %arg11[%get3A_121, %get3A_122] {strides = array<i32>} : memref<2x128xf32, #tpu.memory_space<vmem>>, vector<16xf32>,
    %get3A_124 = arith.constant 1 : i32
    %get3A_125 = arith.index_cast %get3A_124 : i32 to index
    %get3A_126 = arith.constant 64 : index
    %get3A_127 = tpu.vector_load %arg11[%get3A_125, %get3A_126] {strides = array<i32>} : memref<2x128xf32, #tpu.memory_space<vmem>>, vector<16xf32>,
    %add3A_128 = arith.addf %get3A_123, %get3A_127 : vector<16xf32>
    %get3A_129 = arith.constant 0 : i32
    %get3A_130 = arith.index_cast %get3A_129 : i32 to index
    %get3A_131 = arith.constant 64 : index
    %get3A_132 = tpu.vector_load %arg12[%get3A_130, %get3A_131] {strides = array<i32>} : memref<2x128xf32, #tpu.memory_space<vmem>>, vector<16xf32>,
    %max3A_133 = arith.maximumf %get3A_132, %broadcast_in_dim3A_41 : vector<16xf32>
    %get3A_134 = arith.constant 1 : i32
    %get3A_135 = arith.index_cast %get3A_134 : i32 to index
    %get3A_136 = arith.constant 64 : index
    %get3A_137 = tpu.vector_load %arg12[%get3A_135, %get3A_136] {strides = array<i32>} : memref<2x128xf32, #tpu.memory_space<vmem>>, vector<16xf32>,
    %max3A_138 = arith.maximumf %get3A_137, %broadcast_in_dim3A_41 : vector<16xf32>
    %add3A_139 = arith.addf %max3A_133, %max3A_138 : vector<16xf32>
    %get3A_140 = arith.constant 0 : i32
    %get3A_141 = arith.index_cast %get3A_140 : i32 to index
    %get3A_142 = arith.constant 80 : index
    %get3A_143 = tpu.vector_load %arg11[%get3A_141, %get3A_142] {strides = array<i32>} : memref<2x128xf32, #tpu.memory_space<vmem>>, vector<16xf32>,
    %get3A_144 = arith.constant 1 : i32
    %get3A_145 = arith.index_cast %get3A_144 : i32 to index
    %get3A_146 = arith.constant 80 : index
    %get3A_147 = tpu.vector_load %arg11[%get3A_145, %get3A_146] {strides = array<i32>} : memref<2x128xf32, #tpu.memory_space<vmem>>, vector<16xf32>,
    %add3A_148 = arith.addf %get3A_143, %get3A_147 : vector<16xf32>
    %get3A_149 = arith.constant 0 : i32
    %get3A_150 = arith.index_cast %get3A_149 : i32 to index
    %get3A_151 = arith.constant 80 : index
    %get3A_152 = tpu.vector_load %arg12[%get3A_150, %get3A_151] {strides = array<i32>} : memref<2x128xf32, #tpu.memory_space<vmem>>, vector<16xf32>,
    %max3A_153 = arith.maximumf %get3A_152, %broadcast_in_dim3A_41 : vector<16xf32>
    %get3A_154 = arith.constant 1 : i32
    %get3A_155 = arith.index_cast %get3A_154 : i32 to index
    %get3A_156 = arith.constant 80 : index
    %get3A_157 = tpu.vector_load %arg12[%get3A_155, %get3A_156] {strides = array<i32>} : memref<2x128xf32, #tpu.memory_space<vmem>>, vector<16xf32>,
    %max3A_158 = arith.maximumf %get3A_157, %broadcast_in_dim3A_41 : vector<16xf32>
    %add3A_159 = arith.addf %max3A_153, %max3A_158 : vector<16xf32>
    %get3A_160 = arith.constant 0 : i32
    %get3A_161 = arith.index_cast %get3A_160 : i32 to index
    %get3A_162 = arith.constant 96 : index
    %get3A_163 = tpu.vector_load %arg11[%get3A_161, %get3A_162] {strides = array<i32>} : memref<2x128xf32, #tpu.memory_space<vmem>>, vector<16xf32>,
    %get3A_164 = arith.constant 1 : i32
    %get3A_165 = arith.index_cast %get3A_164 : i32 to index
    %get3A_166 = arith.constant 96 : index
    %get3A_167 = tpu.vector_load %arg11[%get3A_165, %get3A_166] {strides = array<i32>} : memref<2x128xf32, #tpu.memory_space<vmem>>, vector<16xf32>,
    %add3A_168 = arith.addf %get3A_163, %get3A_167 : vector<16xf32>
    %get3A_169 = arith.constant 0 : i32
    %get3A_170 = arith.index_cast %get3A_169 : i32 to index
    %get3A_171 = arith.constant 96 : index
    %get3A_172 = tpu.vector_load %arg12[%get3A_170, %get3A_171] {strides = array<i32>} : memref<2x128xf32, #tpu.memory_space<vmem>>, vector<16xf32>,
    %max3A_173 = arith.maximumf %get3A_172, %broadcast_in_dim3A_41 : vector<16xf32>
    %get3A_174 = arith.constant 1 : i32
    %get3A_175 = arith.index_cast %get3A_174 : i32 to index
    %get3A_176 = arith.constant 96 : index
    %get3A_177 = tpu.vector_load %arg12[%get3A_175, %get3A_176] {strides = array<i32>} : memref<2x128xf32, #tpu.memory_space<vmem>>, vector<16xf32>,
    %max3A_178 = arith.maximumf %get3A_177, %broadcast_in_dim3A_41 : vector<16xf32>
    %add3A_179 = arith.addf %max3A_173, %max3A_178 : vector<16xf32>
    %get3A_180 = arith.constant 0 : i32
    %get3A_181 = arith.index_cast %get3A_180 : i32 to index
    %get3A_182 = arith.constant 112 : index
    %get3A_183 = tpu.vector_load %arg11[%get3A_181, %get3A_182] {strides = array<i32>} : memref<2x128xf32, #tpu.memory_space<vmem>>, vector<16xf32>,
    %get3A_184 = arith.constant 1 : i32
    %get3A_185 = arith.index_cast %get3A_184 : i32 to index
    %get3A_186 = arith.constant 112 : index
    %get3A_187 = tpu.vector_load %arg11[%get3A_185, %get3A_186] {strides = array<i32>} : memref<2x128xf32, #tpu.memory_space<vmem>>, vector<16xf32>,
    %add3A_188 = arith.addf %get3A_183, %get3A_187 : vector<16xf32>
    %get3A_189 = arith.constant 0 : i32
    %get3A_190 = arith.index_cast %get3A_189 : i32 to index
    %get3A_191 = arith.constant 112 : index
    %get3A_192 = tpu.vector_load %arg12[%get3A_190, %get3A_191] {strides = array<i32>} : memref<2x128xf32, #tpu.memory_space<vmem>>, vector<16xf32>,
    %max3A_193 = arith.maximumf %get3A_192, %broadcast_in_dim3A_41 : vector<16xf32>
    %get3A_194 = arith.constant 1 : i32
    %get3A_195 = arith.index_cast %get3A_194 : i32 to index
    %get3A_196 = arith.constant 112 : index
    %get3A_197 = tpu.vector_load %arg12[%get3A_195, %get3A_196] {strides = array<i32>} : memref<2x128xf32, #tpu.memory_space<vmem>>, vector<16xf32>,
    %max3A_198 = arith.maximumf %get3A_197, %broadcast_in_dim3A_41 : vector<16xf32>
    %add3A_199 = arith.addf %max3A_193, %max3A_198 : vector<16xf32>
    %dma_start3A_200 = arith.constant 1 : i32
    %dma_start3A_201 = arith.constant 0 : i32
    %dma_start3A_202 = arith.constant 0 : i32
    %dma_start3A_203 = tpu.memref_slice %arg15[%dma_start3A_200, %dma_start3A_201, %dma_start3A_202] : memref<2x128x128xf32, #tpu.memory_space<vmem>> -> memref<1x128x128xf32, #tpu.memory_space<vmem>>
    %dma_start3A_204 = tpu.memref_squeeze %dma_start3A_203 : memref<1x128x128xf32, #tpu.memory_space<vmem>> -> memref<128x128xf32, #tpu.memory_space<vmem>>
    %dma_start3A_205 = arith.constant 128 : i32
    %dma_start3A_206 = tpu.memref_slice %arg13[%dma_start3A_205] : memref<512xi32, #tpu.memory_space<vmem>> -> memref<128xi32, #tpu.memory_space<vmem>>
    %dma_start3A_207 = arith.constant 0 : i32
    %dma_start3A_208 = arith.constant 0 : i32
    %dma_start3A_209 = tpu.memref_slice %arg2[%dma_start3A_207, %dma_start3A_208] : memref<1000000x128xf32, #tpu.memory_space<hbm>> -> memref<1000000x128xf32, #tpu.memory_space<hbm>>
    tpu.enqueue_indirect_dma source(%dma_start3A_209 : memref<1000000x128xf32, #tpu.memory_space<hbm>>) target(%dma_start3A_204 : memref<128x128xf32, #tpu.memory_space<vmem>>) offsets(%dma_start3A_206 : memref<128xi32, #tpu.memory_space<vmem>>) semaphore(%arg23 : memref<!tpu.dma_semaphore, #tpu.memory_space<semaphore_mem>>)
    %dma_start3A_210 = arith.constant 1 : i32
    %dma_start3A_211 = arith.constant 0 : i32
    %dma_start3A_212 = arith.constant 0 : i32
    %dma_start3A_213 = tpu.memref_slice %arg16[%dma_start3A_210, %dma_start3A_211, %dma_start3A_212] : memref<2x128x128xf32, #tpu.memory_space<vmem>> -> memref<1x128x128xf32, #tpu.memory_space<vmem>>
    %dma_start3A_214 = tpu.memref_squeeze %dma_start3A_213 : memref<1x128x128xf32, #tpu.memory_space<vmem>> -> memref<128x128xf32, #tpu.memory_space<vmem>>
    %dma_start3A_215 = arith.constant 128 : i32
    %dma_start3A_216 = tpu.memref_slice %arg14[%dma_start3A_215] : memref<512xi32, #tpu.memory_space<vmem>> -> memref<128xi32, #tpu.memory_space<vmem>>
    %dma_start3A_217 = arith.constant 0 : i32
    %dma_start3A_218 = arith.constant 0 : i32
    %dma_start3A_219 = tpu.memref_slice %arg2[%dma_start3A_217, %dma_start3A_218] : memref<1000000x128xf32, #tpu.memory_space<hbm>> -> memref<1000000x128xf32, #tpu.memory_space<hbm>>
    tpu.enqueue_indirect_dma source(%dma_start3A_219 : memref<1000000x128xf32, #tpu.memory_space<hbm>>) target(%dma_start3A_214 : memref<128x128xf32, #tpu.memory_space<vmem>>) offsets(%dma_start3A_216 : memref<128xi32, #tpu.memory_space<vmem>>) semaphore(%arg24 : memref<!tpu.dma_semaphore, #tpu.memory_space<semaphore_mem>>)
    %dma_wait3A_220 = arith.constant 0 : i32
    %dma_wait3A_221 = arith.constant 0 : i32
    %dma_wait3A_222 = arith.constant 0 : i32
    %dma_wait3A_223 = tpu.memref_slice %arg15[%dma_wait3A_220, %dma_wait3A_221, %dma_wait3A_222] : memref<2x128x128xf32, #tpu.memory_space<vmem>> -> memref<1x128x128xf32, #tpu.memory_space<vmem>>
    %dma_wait3A_224 = tpu.memref_squeeze %dma_wait3A_223 : memref<1x128x128xf32, #tpu.memory_space<vmem>> -> memref<128x128xf32, #tpu.memory_space<vmem>>
    %dma_wait3A_225 = arith.constant 0 : i32
    %dma_wait3A_226 = tpu.memref_slice %arg13[%dma_wait3A_225] : memref<512xi32, #tpu.memory_space<vmem>> -> memref<128xi32, #tpu.memory_space<vmem>>
    %dma_wait3A_227 = arith.constant 0 : i32
    %dma_wait3A_228 = arith.constant 0 : i32
    %dma_wait3A_229 = tpu.memref_slice %arg2[%dma_wait3A_227, %dma_wait3A_228] : memref<1000000x128xf32, #tpu.memory_space<hbm>> -> memref<1000000x128xf32, #tpu.memory_space<hbm>>
    tpu.wait_indirect_dma semaphore(%arg21 : memref<!tpu.dma_semaphore, #tpu.memory_space<semaphore_mem>>) src(%dma_wait3A_229 : memref<1000000x128xf32, #tpu.memory_space<hbm>>) dst(%dma_wait3A_224 : memref<128x128xf32, #tpu.memory_space<vmem>>)
    %dma_wait3A_230 = arith.constant 0 : i32
    %dma_wait3A_231 = arith.constant 0 : i32
    %dma_wait3A_232 = arith.constant 0 : i32
    %dma_wait3A_233 = tpu.memref_slice %arg16[%dma_wait3A_230, %dma_wait3A_231, %dma_wait3A_232] : memref<2x128x128xf32, #tpu.memory_space<vmem>> -> memref<1x128x128xf32, #tpu.memory_space<vmem>>
    %dma_wait3A_234 = tpu.memref_squeeze %dma_wait3A_233 : memref<1x128x128xf32, #tpu.memory_space<vmem>> -> memref<128x128xf32, #tpu.memory_space<vmem>>
    %dma_wait3A_235 = arith.constant 0 : i32
    %dma_wait3A_236 = tpu.memref_slice %arg14[%dma_wait3A_235] : memref<512xi32, #tpu.memory_space<vmem>> -> memref<128xi32, #tpu.memory_space<vmem>>
    %dma_wait3A_237 = arith.constant 0 : i32
    %dma_wait3A_238 = arith.constant 0 : i32
    %dma_wait3A_239 = tpu.memref_slice %arg2[%dma_wait3A_237, %dma_wait3A_238] : memref<1000000x128xf32, #tpu.memory_space<hbm>> -> memref<1000000x128xf32, #tpu.memory_space<hbm>>
    tpu.wait_indirect_dma semaphore(%arg22 : memref<!tpu.dma_semaphore, #tpu.memory_space<semaphore_mem>>) src(%dma_wait3A_239 : memref<1000000x128xf32, #tpu.memory_space<hbm>>) dst(%dma_wait3A_234 : memref<128x128xf32, #tpu.memory_space<vmem>>)
    %parallel_loop3A = arith.constant 0 : i32
    %parallel_loop3A_240 = arith.constant 128 : i32
    %parallel_loop3A_241 = arith.constant 1 : i32
    scf.for %parallel_loop3A_515 = %parallel_loop3A to %parallel_loop3A_240 step %parallel_loop3A_241  : i32 {
      %parallel_loop3A_516 = arith.constant 0 : i32
      %parallel_loop3A_517 = arith.index_cast %parallel_loop3A_516 : i32 to index
      %parallel_loop3A_518 = arith.index_cast %parallel_loop3A_515 : i32 to index
      %parallel_loop3A_519 = arith.constant 0 : index
      %parallel_loop3A_520 = tpu.vector_load %arg15[%parallel_loop3A_517, %parallel_loop3A_518, %parallel_loop3A_519] {strides = array<i32>} : memref<2x128x128xf32, #tpu.memory_space<vmem>>, vector<16xf32>,
      %parallel_loop3A_521 = arith.constant 0 : i32
      %parallel_loop3A_522 = arith.index_cast %parallel_loop3A_521 : i32 to index
      %parallel_loop3A_523 = arith.index_cast %parallel_loop3A_515 : i32 to index
      %parallel_loop3A_524 = arith.constant 0 : index
      %parallel_loop3A_525 = tpu.vector_load %arg16[%parallel_loop3A_522, %parallel_loop3A_523, %parallel_loop3A_524] {strides = array<i32>} : memref<2x128x128xf32, #tpu.memory_space<vmem>>, vector<16xf32>,
      %parallel_loop3A_526 = arith.subf %parallel_loop3A_520, %parallel_loop3A_525 : vector<16xf32>
      %parallel_loop3A_527 = arith.subf %parallel_loop3A_526, %add3A_49 : vector<16xf32>
      %parallel_loop3A_528 = math.absf %parallel_loop3A_527 : vector<16xf32>
      %parallel_loop3A_529 = arith.subf %parallel_loop3A_528, %add3A_59 : vector<16xf32>
      %parallel_loop3A_530 = arith.maximumf %parallel_loop3A_529, %broadcast_in_dim3A_41 : vector<16xf32>
      %parallel_loop3A_531 = arith.addf %broadcast_in_dim3A_41, %parallel_loop3A_530 : vector<16xf32>
      %parallel_loop3A_532 = arith.addf %broadcast_in_dim3A_41, %parallel_loop3A_528 : vector<16xf32>
      %parallel_loop3A_533 = arith.constant 0 : i32
      %parallel_loop3A_534 = arith.index_cast %parallel_loop3A_533 : i32 to index
      %parallel_loop3A_535 = arith.index_cast %parallel_loop3A_515 : i32 to index
      %parallel_loop3A_536 = arith.constant 16 : index
      %parallel_loop3A_537 = tpu.vector_load %arg15[%parallel_loop3A_534, %parallel_loop3A_535, %parallel_loop3A_536] {strides = array<i32>} : memref<2x128x128xf32, #tpu.memory_space<vmem>>, vector<16xf32>,
      %parallel_loop3A_538 = arith.constant 0 : i32
      %parallel_loop3A_539 = arith.index_cast %parallel_loop3A_538 : i32 to index
      %parallel_loop3A_540 = arith.index_cast %parallel_loop3A_515 : i32 to index
      %parallel_loop3A_541 = arith.constant 16 : index
      %parallel_loop3A_542 = tpu.vector_load %arg16[%parallel_loop3A_539, %parallel_loop3A_540, %parallel_loop3A_541] {strides = array<i32>} : memref<2x128x128xf32, #tpu.memory_space<vmem>>, vector<16xf32>,
      %parallel_loop3A_543 = arith.subf %parallel_loop3A_537, %parallel_loop3A_542 : vector<16xf32>
      %parallel_loop3A_544 = arith.subf %parallel_loop3A_543, %add3A_68 : vector<16xf32>
      %parallel_loop3A_545 = math.absf %parallel_loop3A_544 : vector<16xf32>
      %parallel_loop3A_546 = arith.subf %parallel_loop3A_545, %add3A_79 : vector<16xf32>
      %parallel_loop3A_547 = arith.maximumf %parallel_loop3A_546, %broadcast_in_dim3A_41 : vector<16xf32>
      %parallel_loop3A_548 = arith.addf %parallel_loop3A_531, %parallel_loop3A_547 : vector<16xf32>
      %parallel_loop3A_549 = arith.addf %parallel_loop3A_532, %parallel_loop3A_545 : vector<16xf32>
      %parallel_loop3A_550 = arith.constant 0 : i32
      %parallel_loop3A_551 = arith.index_cast %parallel_loop3A_550 : i32 to index
      %parallel_loop3A_552 = arith.index_cast %parallel_loop3A_515 : i32 to index
      %parallel_loop3A_553 = arith.constant 32 : index
      %parallel_loop3A_554 = tpu.vector_load %arg15[%parallel_loop3A_551, %parallel_loop3A_552, %parallel_loop3A_553] {strides = array<i32>} : memref<2x128x128xf32, #tpu.memory_space<vmem>>, vector<16xf32>,
      %parallel_loop3A_555 = arith.constant 0 : i32
      %parallel_loop3A_556 = arith.index_cast %parallel_loop3A_555 : i32 to index
      %parallel_loop3A_557 = arith.index_cast %parallel_loop3A_515 : i32 to index
      %parallel_loop3A_558 = arith.constant 32 : index
      %parallel_loop3A_559 = tpu.vector_load %arg16[%parallel_loop3A_556, %parallel_loop3A_557, %parallel_loop3A_558] {strides = array<i32>} : memref<2x128x128xf32, #tpu.memory_space<vmem>>, vector<16xf32>,
      %parallel_loop3A_560 = arith.subf %parallel_loop3A_554, %parallel_loop3A_559 : vector<16xf32>
      %parallel_loop3A_561 = arith.subf %parallel_loop3A_560, %add3A_88 : vector<16xf32>
      %parallel_loop3A_562 = math.absf %parallel_loop3A_561 : vector<16xf32>
      %parallel_loop3A_563 = arith.subf %parallel_loop3A_562, %add3A_99 : vector<16xf32>
      %parallel_loop3A_564 = arith.maximumf %parallel_loop3A_563, %broadcast_in_dim3A_41 : vector<16xf32>
      %parallel_loop3A_565 = arith.addf %parallel_loop3A_548, %parallel_loop3A_564 : vector<16xf32>
      %parallel_loop3A_566 = arith.addf %parallel_loop3A_549, %parallel_loop3A_562 : vector<16xf32>
      %parallel_loop3A_567 = arith.constant 0 : i32
      %parallel_loop3A_568 = arith.index_cast %parallel_loop3A_567 : i32 to index
      %parallel_loop3A_569 = arith.index_cast %parallel_loop3A_515 : i32 to index
      %parallel_loop3A_570 = arith.constant 48 : index
      %parallel_loop3A_571 = tpu.vector_load %arg15[%parallel_loop3A_568, %parallel_loop3A_569, %parallel_loop3A_570] {strides = array<i32>} : memref<2x128x128xf32, #tpu.memory_space<vmem>>, vector<16xf32>,
      %parallel_loop3A_572 = arith.constant 0 : i32
      %parallel_loop3A_573 = arith.index_cast %parallel_loop3A_572 : i32 to index
      %parallel_loop3A_574 = arith.index_cast %parallel_loop3A_515 : i32 to index
      %parallel_loop3A_575 = arith.constant 48 : index
      %parallel_loop3A_576 = tpu.vector_load %arg16[%parallel_loop3A_573, %parallel_loop3A_574, %parallel_loop3A_575] {strides = array<i32>} : memref<2x128x128xf32, #tpu.memory_space<vmem>>, vector<16xf32>,
      %parallel_loop3A_577 = arith.subf %parallel_loop3A_571, %parallel_loop3A_576 : vector<16xf32>
      %parallel_loop3A_578 = arith.subf %parallel_loop3A_577, %add3A_108 : vector<16xf32>
      %parallel_loop3A_579 = math.absf %parallel_loop3A_578 : vector<16xf32>
      %parallel_loop3A_580 = arith.subf %parallel_loop3A_579, %add3A_119 : vector<16xf32>
      %parallel_loop3A_581 = arith.maximumf %parallel_loop3A_580, %broadcast_in_dim3A_41 : vector<16xf32>
      %parallel_loop3A_582 = arith.addf %parallel_loop3A_565, %parallel_loop3A_581 : vector<16xf32>
      %parallel_loop3A_583 = arith.addf %parallel_loop3A_566, %parallel_loop3A_579 : vector<16xf32>
      %parallel_loop3A_584 = arith.constant 0 : i32
      %parallel_loop3A_585 = arith.index_cast %parallel_loop3A_584 : i32 to index
      %parallel_loop3A_586 = arith.index_cast %parallel_loop3A_515 : i32 to index
      %parallel_loop3A_587 = arith.constant 64 : index
      %parallel_loop3A_588 = tpu.vector_load %arg15[%parallel_loop3A_585, %parallel_loop3A_586, %parallel_loop3A_587] {strides = array<i32>} : memref<2x128x128xf32, #tpu.memory_space<vmem>>, vector<16xf32>,
      %parallel_loop3A_589 = arith.constant 0 : i32
      %parallel_loop3A_590 = arith.index_cast %parallel_loop3A_589 : i32 to index
      %parallel_loop3A_591 = arith.index_cast %parallel_loop3A_515 : i32 to index
      %parallel_loop3A_592 = arith.constant 64 : index
      %parallel_loop3A_593 = tpu.vector_load %arg16[%parallel_loop3A_590, %parallel_loop3A_591, %parallel_loop3A_592] {strides = array<i32>} : memref<2x128x128xf32, #tpu.memory_space<vmem>>, vector<16xf32>,
      %parallel_loop3A_594 = arith.subf %parallel_loop3A_588, %parallel_loop3A_593 : vector<16xf32>
      %parallel_loop3A_595 = arith.subf %parallel_loop3A_594, %add3A_128 : vector<16xf32>
      %parallel_loop3A_596 = math.absf %parallel_loop3A_595 : vector<16xf32>
      %parallel_loop3A_597 = arith.subf %parallel_loop3A_596, %add3A_139 : vector<16xf32>
      %parallel_loop3A_598 = arith.maximumf %parallel_loop3A_597, %broadcast_in_dim3A_41 : vector<16xf32>
      %parallel_loop3A_599 = arith.addf %parallel_loop3A_582, %parallel_loop3A_598 : vector<16xf32>
      %parallel_loop3A_600 = arith.addf %parallel_loop3A_583, %parallel_loop3A_596 : vector<16xf32>
      %parallel_loop3A_601 = arith.constant 0 : i32
      %parallel_loop3A_602 = arith.index_cast %parallel_loop3A_601 : i32 to index
      %parallel_loop3A_603 = arith.index_cast %parallel_loop3A_515 : i32 to index
      %parallel_loop3A_604 = arith.constant 80 : index
      %parallel_loop3A_605 = tpu.vector_load %arg15[%parallel_loop3A_602, %parallel_loop3A_603, %parallel_loop3A_604] {strides = array<i32>} : memref<2x128x128xf32, #tpu.memory_space<vmem>>, vector<16xf32>,
      %parallel_loop3A_606 = arith.constant 0 : i32
      %parallel_loop3A_607 = arith.index_cast %parallel_loop3A_606 : i32 to index
      %parallel_loop3A_608 = arith.index_cast %parallel_loop3A_515 : i32 to index
      %parallel_loop3A_609 = arith.constant 80 : index
      %parallel_loop3A_610 = tpu.vector_load %arg16[%parallel_loop3A_607, %parallel_loop3A_608, %parallel_loop3A_609] {strides = array<i32>} : memref<2x128x128xf32, #tpu.memory_space<vmem>>, vector<16xf32>,
      %parallel_loop3A_611 = arith.subf %parallel_loop3A_605, %parallel_loop3A_610 : vector<16xf32>
      %parallel_loop3A_612 = arith.subf %parallel_loop3A_611, %add3A_148 : vector<16xf32>
      %parallel_loop3A_613 = math.absf %parallel_loop3A_612 : vector<16xf32>
      %parallel_loop3A_614 = arith.subf %parallel_loop3A_613, %add3A_159 : vector<16xf32>
      %parallel_loop3A_615 = arith.maximumf %parallel_loop3A_614, %broadcast_in_dim3A_41 : vector<16xf32>
      %parallel_loop3A_616 = arith.addf %parallel_loop3A_599, %parallel_loop3A_615 : vector<16xf32>
      %parallel_loop3A_617 = arith.addf %parallel_loop3A_600, %parallel_loop3A_613 : vector<16xf32>
      %parallel_loop3A_618 = arith.constant 0 : i32
      %parallel_loop3A_619 = arith.index_cast %parallel_loop3A_618 : i32 to index
      %parallel_loop3A_620 = arith.index_cast %parallel_loop3A_515 : i32 to index
      %parallel_loop3A_621 = arith.constant 96 : index
      %parallel_loop3A_622 = tpu.vector_load %arg15[%parallel_loop3A_619, %parallel_loop3A_620, %parallel_loop3A_621] {strides = array<i32>} : memref<2x128x128xf32, #tpu.memory_space<vmem>>, vector<16xf32>,
      %parallel_loop3A_623 = arith.constant 0 : i32
      %parallel_loop3A_624 = arith.index_cast %parallel_loop3A_623 : i32 to index
      %parallel_loop3A_625 = arith.index_cast %parallel_loop3A_515 : i32 to index
      %parallel_loop3A_626 = arith.constant 96 : index
      %parallel_loop3A_627 = tpu.vector_load %arg16[%parallel_loop3A_624, %parallel_loop3A_625, %parallel_loop3A_626] {strides = array<i32>} : memref<2x128x128xf32, #tpu.memory_space<vmem>>, vector<16xf32>,
      %parallel_loop3A_628 = arith.subf %parallel_loop3A_622, %parallel_loop3A_627 : vector<16xf32>
      %parallel_loop3A_629 = arith.subf %parallel_loop3A_628, %add3A_168 : vector<16xf32>
      %parallel_loop3A_630 = math.absf %parallel_loop3A_629 : vector<16xf32>
      %parallel_loop3A_631 = arith.subf %parallel_loop3A_630, %add3A_179 : vector<16xf32>
      %parallel_loop3A_632 = arith.maximumf %parallel_loop3A_631, %broadcast_in_dim3A_41 : vector<16xf32>
      %parallel_loop3A_633 = arith.addf %parallel_loop3A_616, %parallel_loop3A_632 : vector<16xf32>
      %parallel_loop3A_634 = arith.addf %parallel_loop3A_617, %parallel_loop3A_630 : vector<16xf32>
      %parallel_loop3A_635 = arith.constant 0 : i32
      %parallel_loop3A_636 = arith.index_cast %parallel_loop3A_635 : i32 to index
      %parallel_loop3A_637 = arith.index_cast %parallel_loop3A_515 : i32 to index
      %parallel_loop3A_638 = arith.constant 112 : index
      %parallel_loop3A_639 = tpu.vector_load %arg15[%parallel_loop3A_636, %parallel_loop3A_637, %parallel_loop3A_638] {strides = array<i32>} : memref<2x128x128xf32, #tpu.memory_space<vmem>>, vector<16xf32>,
      %parallel_loop3A_640 = arith.constant 0 : i32
      %parallel_loop3A_641 = arith.index_cast %parallel_loop3A_640 : i32 to index
      %parallel_loop3A_642 = arith.index_cast %parallel_loop3A_515 : i32 to index
      %parallel_loop3A_643 = arith.constant 112 : index
      %parallel_loop3A_644 = tpu.vector_load %arg16[%parallel_loop3A_641, %parallel_loop3A_642, %parallel_loop3A_643] {strides = array<i32>} : memref<2x128x128xf32, #tpu.memory_space<vmem>>, vector<16xf32>,
      %parallel_loop3A_645 = arith.subf %parallel_loop3A_639, %parallel_loop3A_644 : vector<16xf32>
      %parallel_loop3A_646 = arith.subf %parallel_loop3A_645, %add3A_188 : vector<16xf32>
      %parallel_loop3A_647 = math.absf %parallel_loop3A_646 : vector<16xf32>
      %parallel_loop3A_648 = arith.subf %parallel_loop3A_647, %add3A_199 : vector<16xf32>
      %parallel_loop3A_649 = arith.maximumf %parallel_loop3A_648, %broadcast_in_dim3A_41 : vector<16xf32>
      %parallel_loop3A_650 = arith.addf %parallel_loop3A_633, %parallel_loop3A_649 : vector<16xf32>
      %parallel_loop3A_651 = arith.addf %parallel_loop3A_634, %parallel_loop3A_647 : vector<16xf32>
      %parallel_loop3A_652 = arith.index_cast %parallel_loop3A_515 : i32 to index
      %parallel_loop3A_653 = arith.constant 0 : index
      %parallel_loop3A_654 = tpu.vector_load %arg17[%parallel_loop3A_652, %parallel_loop3A_653] {strides = array<i32>} : memref<128x16xf32, #tpu.memory_space<vmem>>, vector<16xf32>,
      tpu.vector_store %arg17[%parallel_loop3A_652, %parallel_loop3A_653], %parallel_loop3A_650 {strides = array<i32>} : memref<128x16xf32, #tpu.memory_space<vmem>>, vector<16xf32>,
      %parallel_loop3A_655 = arith.index_cast %parallel_loop3A_515 : i32 to index
      %parallel_loop3A_656 = arith.constant 0 : index
      %parallel_loop3A_657 = tpu.vector_load %arg18[%parallel_loop3A_655, %parallel_loop3A_656] {strides = array<i32>} : memref<128x16xf32, #tpu.memory_space<vmem>>, vector<16xf32>,
      tpu.vector_store %arg18[%parallel_loop3A_655, %parallel_loop3A_656], %parallel_loop3A_651 {strides = array<i32>} : memref<128x16xf32, #tpu.memory_space<vmem>>, vector<16xf32>,
    } {sc.loop_unroll_factor = 1 : i64, sc.parallel_access}
    %parallel_loop3A_242 = arith.constant 0 : i32
    %parallel_loop3A_243 = arith.constant 8 : i32
    %parallel_loop3A_244 = arith.constant 1 : i32
    scf.for %parallel_loop3A_515 = %parallel_loop3A_242 to %parallel_loop3A_243 step %parallel_loop3A_244  : i32 {
      %parallel_loop3A_516 = arith.constant 16 : i32
      %parallel_loop3A_517 = arith.muli %parallel_loop3A_515, %parallel_loop3A_516 : i32
      %parallel_loop3A_518 = tpu.iota {dimensions = array<i32: 0>} : vector<16xi32>
      %parallel_loop3A_519 = vector.broadcast %parallel_loop3A_517 : i32 to vector<16xi32>
      %parallel_loop3A_520 = arith.addi %parallel_loop3A_519, %parallel_loop3A_518 : vector<16xi32>
      %parallel_loop3A_521 = arith.constant 0 : i32
      %parallel_loop3A_522 = vector.broadcast %parallel_loop3A_521 : i32 to vector<16xi32>
      %parallel_loop3A_523 = tpu.vector_load_idx %arg17[%parallel_loop3A_520, %parallel_loop3A_522] : memref<128x16xf32, #tpu.memory_space<vmem>>[vector<16xi32>, vector<16xi32>], vector<16xf32>,
      %parallel_loop3A_524 = arith.addf %broadcast_in_dim3A_41, %parallel_loop3A_523 : vector<16xf32>
      %parallel_loop3A_525 = tpu.vector_load_idx %arg18[%parallel_loop3A_520, %parallel_loop3A_522] : memref<128x16xf32, #tpu.memory_space<vmem>>[vector<16xi32>, vector<16xi32>], vector<16xf32>,
      %parallel_loop3A_526 = arith.addf %broadcast_in_dim3A_41, %parallel_loop3A_525 : vector<16xf32>
      %parallel_loop3A_527 = arith.constant 1 : i32
      %parallel_loop3A_528 = vector.broadcast %parallel_loop3A_527 : i32 to vector<16xi32>
      %parallel_loop3A_529 = tpu.vector_load_idx %arg17[%parallel_loop3A_520, %parallel_loop3A_528] : memref<128x16xf32, #tpu.memory_space<vmem>>[vector<16xi32>, vector<16xi32>], vector<16xf32>,
      %parallel_loop3A_530 = arith.addf %parallel_loop3A_524, %parallel_loop3A_529 : vector<16xf32>
      %parallel_loop3A_531 = tpu.vector_load_idx %arg18[%parallel_loop3A_520, %parallel_loop3A_528] : memref<128x16xf32, #tpu.memory_space<vmem>>[vector<16xi32>, vector<16xi32>], vector<16xf32>,
      %parallel_loop3A_532 = arith.addf %parallel_loop3A_526, %parallel_loop3A_531 : vector<16xf32>
      %parallel_loop3A_533 = arith.constant 2 : i32
      %parallel_loop3A_534 = vector.broadcast %parallel_loop3A_533 : i32 to vector<16xi32>
      %parallel_loop3A_535 = tpu.vector_load_idx %arg17[%parallel_loop3A_520, %parallel_loop3A_534] : memref<128x16xf32, #tpu.memory_space<vmem>>[vector<16xi32>, vector<16xi32>], vector<16xf32>,
      %parallel_loop3A_536 = arith.addf %parallel_loop3A_530, %parallel_loop3A_535 : vector<16xf32>
      %parallel_loop3A_537 = tpu.vector_load_idx %arg18[%parallel_loop3A_520, %parallel_loop3A_534] : memref<128x16xf32, #tpu.memory_space<vmem>>[vector<16xi32>, vector<16xi32>], vector<16xf32>,
      %parallel_loop3A_538 = arith.addf %parallel_loop3A_532, %parallel_loop3A_537 : vector<16xf32>
      %parallel_loop3A_539 = arith.constant 3 : i32
      %parallel_loop3A_540 = vector.broadcast %parallel_loop3A_539 : i32 to vector<16xi32>
      %parallel_loop3A_541 = tpu.vector_load_idx %arg17[%parallel_loop3A_520, %parallel_loop3A_540] : memref<128x16xf32, #tpu.memory_space<vmem>>[vector<16xi32>, vector<16xi32>], vector<16xf32>,
      %parallel_loop3A_542 = arith.addf %parallel_loop3A_536, %parallel_loop3A_541 : vector<16xf32>
      %parallel_loop3A_543 = tpu.vector_load_idx %arg18[%parallel_loop3A_520, %parallel_loop3A_540] : memref<128x16xf32, #tpu.memory_space<vmem>>[vector<16xi32>, vector<16xi32>], vector<16xf32>,
      %parallel_loop3A_544 = arith.addf %parallel_loop3A_538, %parallel_loop3A_543 : vector<16xf32>
      %parallel_loop3A_545 = arith.constant 4 : i32
      %parallel_loop3A_546 = vector.broadcast %parallel_loop3A_545 : i32 to vector<16xi32>
      %parallel_loop3A_547 = tpu.vector_load_idx %arg17[%parallel_loop3A_520, %parallel_loop3A_546] : memref<128x16xf32, #tpu.memory_space<vmem>>[vector<16xi32>, vector<16xi32>], vector<16xf32>,
      %parallel_loop3A_548 = arith.addf %parallel_loop3A_542, %parallel_loop3A_547 : vector<16xf32>
      %parallel_loop3A_549 = tpu.vector_load_idx %arg18[%parallel_loop3A_520, %parallel_loop3A_546] : memref<128x16xf32, #tpu.memory_space<vmem>>[vector<16xi32>, vector<16xi32>], vector<16xf32>,
      %parallel_loop3A_550 = arith.addf %parallel_loop3A_544, %parallel_loop3A_549 : vector<16xf32>
      %parallel_loop3A_551 = arith.constant 5 : i32
      %parallel_loop3A_552 = vector.broadcast %parallel_loop3A_551 : i32 to vector<16xi32>
      %parallel_loop3A_553 = tpu.vector_load_idx %arg17[%parallel_loop3A_520, %parallel_loop3A_552] : memref<128x16xf32, #tpu.memory_space<vmem>>[vector<16xi32>, vector<16xi32>], vector<16xf32>,
      %parallel_loop3A_554 = arith.addf %parallel_loop3A_548, %parallel_loop3A_553 : vector<16xf32>
      %parallel_loop3A_555 = tpu.vector_load_idx %arg18[%parallel_loop3A_520, %parallel_loop3A_552] : memref<128x16xf32, #tpu.memory_space<vmem>>[vector<16xi32>, vector<16xi32>], vector<16xf32>,
      %parallel_loop3A_556 = arith.addf %parallel_loop3A_550, %parallel_loop3A_555 : vector<16xf32>
      %parallel_loop3A_557 = arith.constant 6 : i32
      %parallel_loop3A_558 = vector.broadcast %parallel_loop3A_557 : i32 to vector<16xi32>
      %parallel_loop3A_559 = tpu.vector_load_idx %arg17[%parallel_loop3A_520, %parallel_loop3A_558] : memref<128x16xf32, #tpu.memory_space<vmem>>[vector<16xi32>, vector<16xi32>], vector<16xf32>,
      %parallel_loop3A_560 = arith.addf %parallel_loop3A_554, %parallel_loop3A_559 : vector<16xf32>
      %parallel_loop3A_561 = tpu.vector_load_idx %arg18[%parallel_loop3A_520, %parallel_loop3A_558] : memref<128x16xf32, #tpu.memory_space<vmem>>[vector<16xi32>, vector<16xi32>], vector<16xf32>,
      %parallel_loop3A_562 = arith.addf %parallel_loop3A_556, %parallel_loop3A_561 : vector<16xf32>
      %parallel_loop3A_563 = arith.constant 7 : i32
      %parallel_loop3A_564 = vector.broadcast %parallel_loop3A_563 : i32 to vector<16xi32>
      %parallel_loop3A_565 = tpu.vector_load_idx %arg17[%parallel_loop3A_520, %parallel_loop3A_564] : memref<128x16xf32, #tpu.memory_space<vmem>>[vector<16xi32>, vector<16xi32>], vector<16xf32>,
      %parallel_loop3A_566 = arith.addf %parallel_loop3A_560, %parallel_loop3A_565 : vector<16xf32>
      %parallel_loop3A_567 = tpu.vector_load_idx %arg18[%parallel_loop3A_520, %parallel_loop3A_564] : memref<128x16xf32, #tpu.memory_space<vmem>>[vector<16xi32>, vector<16xi32>], vector<16xf32>,
      %parallel_loop3A_568 = arith.addf %parallel_loop3A_562, %parallel_loop3A_567 : vector<16xf32>
      %parallel_loop3A_569 = arith.constant 8 : i32
      %parallel_loop3A_570 = vector.broadcast %parallel_loop3A_569 : i32 to vector<16xi32>
      %parallel_loop3A_571 = tpu.vector_load_idx %arg17[%parallel_loop3A_520, %parallel_loop3A_570] : memref<128x16xf32, #tpu.memory_space<vmem>>[vector<16xi32>, vector<16xi32>], vector<16xf32>,
      %parallel_loop3A_572 = arith.addf %parallel_loop3A_566, %parallel_loop3A_571 : vector<16xf32>
      %parallel_loop3A_573 = tpu.vector_load_idx %arg18[%parallel_loop3A_520, %parallel_loop3A_570] : memref<128x16xf32, #tpu.memory_space<vmem>>[vector<16xi32>, vector<16xi32>], vector<16xf32>,
      %parallel_loop3A_574 = arith.addf %parallel_loop3A_568, %parallel_loop3A_573 : vector<16xf32>
      %parallel_loop3A_575 = arith.constant 9 : i32
      %parallel_loop3A_576 = vector.broadcast %parallel_loop3A_575 : i32 to vector<16xi32>
      %parallel_loop3A_577 = tpu.vector_load_idx %arg17[%parallel_loop3A_520, %parallel_loop3A_576] : memref<128x16xf32, #tpu.memory_space<vmem>>[vector<16xi32>, vector<16xi32>], vector<16xf32>,
      %parallel_loop3A_578 = arith.addf %parallel_loop3A_572, %parallel_loop3A_577 : vector<16xf32>
      %parallel_loop3A_579 = tpu.vector_load_idx %arg18[%parallel_loop3A_520, %parallel_loop3A_576] : memref<128x16xf32, #tpu.memory_space<vmem>>[vector<16xi32>, vector<16xi32>], vector<16xf32>,
      %parallel_loop3A_580 = arith.addf %parallel_loop3A_574, %parallel_loop3A_579 : vector<16xf32>
      %parallel_loop3A_581 = arith.constant 10 : i32
      %parallel_loop3A_582 = vector.broadcast %parallel_loop3A_581 : i32 to vector<16xi32>
      %parallel_loop3A_583 = tpu.vector_load_idx %arg17[%parallel_loop3A_520, %parallel_loop3A_582] : memref<128x16xf32, #tpu.memory_space<vmem>>[vector<16xi32>, vector<16xi32>], vector<16xf32>,
      %parallel_loop3A_584 = arith.addf %parallel_loop3A_578, %parallel_loop3A_583 : vector<16xf32>
      %parallel_loop3A_585 = tpu.vector_load_idx %arg18[%parallel_loop3A_520, %parallel_loop3A_582] : memref<128x16xf32, #tpu.memory_space<vmem>>[vector<16xi32>, vector<16xi32>], vector<16xf32>,
      %parallel_loop3A_586 = arith.addf %parallel_loop3A_580, %parallel_loop3A_585 : vector<16xf32>
      %parallel_loop3A_587 = arith.constant 11 : i32
      %parallel_loop3A_588 = vector.broadcast %parallel_loop3A_587 : i32 to vector<16xi32>
      %parallel_loop3A_589 = tpu.vector_load_idx %arg17[%parallel_loop3A_520, %parallel_loop3A_588] : memref<128x16xf32, #tpu.memory_space<vmem>>[vector<16xi32>, vector<16xi32>], vector<16xf32>,
      %parallel_loop3A_590 = arith.addf %parallel_loop3A_584, %parallel_loop3A_589 : vector<16xf32>
      %parallel_loop3A_591 = tpu.vector_load_idx %arg18[%parallel_loop3A_520, %parallel_loop3A_588] : memref<128x16xf32, #tpu.memory_space<vmem>>[vector<16xi32>, vector<16xi32>], vector<16xf32>,
      %parallel_loop3A_592 = arith.addf %parallel_loop3A_586, %parallel_loop3A_591 : vector<16xf32>
      %parallel_loop3A_593 = arith.constant 12 : i32
      %parallel_loop3A_594 = vector.broadcast %parallel_loop3A_593 : i32 to vector<16xi32>
      %parallel_loop3A_595 = tpu.vector_load_idx %arg17[%parallel_loop3A_520, %parallel_loop3A_594] : memref<128x16xf32, #tpu.memory_space<vmem>>[vector<16xi32>, vector<16xi32>], vector<16xf32>,
      %parallel_loop3A_596 = arith.addf %parallel_loop3A_590, %parallel_loop3A_595 : vector<16xf32>
      %parallel_loop3A_597 = tpu.vector_load_idx %arg18[%parallel_loop3A_520, %parallel_loop3A_594] : memref<128x16xf32, #tpu.memory_space<vmem>>[vector<16xi32>, vector<16xi32>], vector<16xf32>,
      %parallel_loop3A_598 = arith.addf %parallel_loop3A_592, %parallel_loop3A_597 : vector<16xf32>
      %parallel_loop3A_599 = arith.constant 13 : i32
      %parallel_loop3A_600 = vector.broadcast %parallel_loop3A_599 : i32 to vector<16xi32>
      %parallel_loop3A_601 = tpu.vector_load_idx %arg17[%parallel_loop3A_520, %parallel_loop3A_600] : memref<128x16xf32, #tpu.memory_space<vmem>>[vector<16xi32>, vector<16xi32>], vector<16xf32>,
      %parallel_loop3A_602 = arith.addf %parallel_loop3A_596, %parallel_loop3A_601 : vector<16xf32>
      %parallel_loop3A_603 = tpu.vector_load_idx %arg18[%parallel_loop3A_520, %parallel_loop3A_600] : memref<128x16xf32, #tpu.memory_space<vmem>>[vector<16xi32>, vector<16xi32>], vector<16xf32>,
      %parallel_loop3A_604 = arith.addf %parallel_loop3A_598, %parallel_loop3A_603 : vector<16xf32>
      %parallel_loop3A_605 = arith.constant 14 : i32
      %parallel_loop3A_606 = vector.broadcast %parallel_loop3A_605 : i32 to vector<16xi32>
      %parallel_loop3A_607 = tpu.vector_load_idx %arg17[%parallel_loop3A_520, %parallel_loop3A_606] : memref<128x16xf32, #tpu.memory_space<vmem>>[vector<16xi32>, vector<16xi32>], vector<16xf32>,
      %parallel_loop3A_608 = arith.addf %parallel_loop3A_602, %parallel_loop3A_607 : vector<16xf32>
      %parallel_loop3A_609 = tpu.vector_load_idx %arg18[%parallel_loop3A_520, %parallel_loop3A_606] : memref<128x16xf32, #tpu.memory_space<vmem>>[vector<16xi32>, vector<16xi32>], vector<16xf32>,
      %parallel_loop3A_610 = arith.addf %parallel_loop3A_604, %parallel_loop3A_609 : vector<16xf32>
      %parallel_loop3A_611 = arith.constant 15 : i32
      %parallel_loop3A_612 = vector.broadcast %parallel_loop3A_611 : i32 to vector<16xi32>
      %parallel_loop3A_613 = tpu.vector_load_idx %arg17[%parallel_loop3A_520, %parallel_loop3A_612] : memref<128x16xf32, #tpu.memory_space<vmem>>[vector<16xi32>, vector<16xi32>], vector<16xf32>,
      %parallel_loop3A_614 = arith.addf %parallel_loop3A_608, %parallel_loop3A_613 : vector<16xf32>
      %parallel_loop3A_615 = tpu.vector_load_idx %arg18[%parallel_loop3A_520, %parallel_loop3A_612] : memref<128x16xf32, #tpu.memory_space<vmem>>[vector<16xi32>, vector<16xi32>], vector<16xf32>,
      %parallel_loop3A_616 = arith.addf %parallel_loop3A_610, %parallel_loop3A_615 : vector<16xf32>
      %parallel_loop3A_617 = arith.constant 9.800000e-01 : f32
      %parallel_loop3A_618 = vector.broadcast %parallel_loop3A_617 : f32 to vector<16xf32>
      %parallel_loop3A_619 = arith.mulf %parallel_loop3A_618, %parallel_loop3A_614 : vector<16xf32>
      %parallel_loop3A_620 = arith.constant 2.000000e-02 : f32
      %parallel_loop3A_621 = vector.broadcast %parallel_loop3A_620 : f32 to vector<16xf32>
      %parallel_loop3A_622 = arith.mulf %parallel_loop3A_621, %parallel_loop3A_616 : vector<16xf32>
      %parallel_loop3A_623 = arith.addf %parallel_loop3A_619, %parallel_loop3A_622 : vector<16xf32>
      %parallel_loop3A_624 = arith.constant 0 : i32
      %parallel_loop3A_625 = arith.index_cast %parallel_loop3A_624 : i32 to index
      %parallel_loop3A_626 = arith.index_cast %parallel_loop3A_517 : i32 to index
      %parallel_loop3A_627 = tpu.vector_load %arg19[%parallel_loop3A_625, %parallel_loop3A_626] {strides = array<i32>} : memref<2x128xf32, #tpu.memory_space<vmem>>, vector<16xf32>,
      tpu.vector_store %arg19[%parallel_loop3A_625, %parallel_loop3A_626], %parallel_loop3A_623 {strides = array<i32>} : memref<2x128xf32, #tpu.memory_space<vmem>>, vector<16xf32>,
      %parallel_loop3A_628 = arith.constant 0.000000e+00 : f32
      %parallel_loop3A_629 = vector.broadcast %parallel_loop3A_628 : f32 to vector<16xf32>
      %parallel_loop3A_630 = arith.cmpf oeq, %parallel_loop3A_614, %parallel_loop3A_629 : vector<16xf32>
      %parallel_loop3A_631 = arith.extui %parallel_loop3A_630 : vector<16xi1> to vector<16xi32>
      %parallel_loop3A_632 = arith.constant 0 : i32
      %parallel_loop3A_633 = arith.index_cast %parallel_loop3A_632 : i32 to index
      %parallel_loop3A_634 = arith.index_cast %parallel_loop3A_517 : i32 to index
      %parallel_loop3A_635 = tpu.vector_load %arg20[%parallel_loop3A_633, %parallel_loop3A_634] {strides = array<i32>} : memref<2x128xi32, #tpu.memory_space<vmem>>, vector<16xi32>,
      tpu.vector_store %arg20[%parallel_loop3A_633, %parallel_loop3A_634], %parallel_loop3A_631 {strides = array<i32>} : memref<2x128xi32, #tpu.memory_space<vmem>>, vector<16xi32>,
    } {sc.loop_unroll_factor = 1 : i64, sc.parallel_access}
    %add3A_245 = arith.constant 0 : i32
    %add3A_246 = arith.addi %mul3A_2, %add3A_245 : i32
    %dma_start3A_247 = arith.constant 0 : i32
    %dma_start3A_248 = arith.constant 0 : i32
    %dma_start3A_249 = tpu.memref_slice %arg19[%dma_start3A_247, %dma_start3A_248] : memref<2x128xf32, #tpu.memory_space<vmem>> -> memref<1x128xf32, #tpu.memory_space<vmem>>
    %dma_start3A_250 = tpu.memref_squeeze %dma_start3A_249 : memref<1x128xf32, #tpu.memory_space<vmem>> -> memref<128xf32, #tpu.memory_space<vmem>>
    %dma_start3A_251 = tpu.memref_slice %arg8[%add3A_246] : memref<16384xf32, #tpu.memory_space<hbm>> -> memref<128xf32, #tpu.memory_space<hbm>>
    %dma_start3A_252 = tpu.memref_slice %arg8[%add3A_246] : memref<16384xf32, #tpu.memory_space<hbm>> -> memref<128xf32, #tpu.memory_space<hbm>>
    %dma_start3A_253 = arith.constant 0 : i32
    %dma_start3A_254 = tpu.memref_slice %arg19[%dma_start3A_247, %dma_start3A_253] : memref<2x128xf32, #tpu.memory_space<vmem>> -> memref<1x128xf32, #tpu.memory_space<vmem>>
    %dma_start3A_255 = tpu.memref_squeeze %dma_start3A_254 : memref<1x128xf32, #tpu.memory_space<vmem>> -> memref<128xf32, #tpu.memory_space<vmem>>
    tpu.enqueue_dma source(%dma_start3A_255 : memref<128xf32, #tpu.memory_space<vmem>>) target(%dma_start3A_252 : memref<128xf32, #tpu.memory_space<hbm>>) target_semaphore(%arg25 : memref<!tpu.dma_semaphore, #tpu.memory_space<semaphore_mem>>)
    %dma_start3A_256 = arith.constant 0 : i32
    %dma_start3A_257 = arith.constant 0 : i32
    %dma_start3A_258 = tpu.memref_slice %arg20[%dma_start3A_256, %dma_start3A_257] : memref<2x128xi32, #tpu.memory_space<vmem>> -> memref<1x128xi32, #tpu.memory_space<vmem>>
    %dma_start3A_259 = tpu.memref_squeeze %dma_start3A_258 : memref<1x128xi32, #tpu.memory_space<vmem>> -> memref<128xi32, #tpu.memory_space<vmem>>
    %dma_start3A_260 = tpu.memref_slice %arg9[%add3A_246] : memref<16384xi32, #tpu.memory_space<hbm>> -> memref<128xi32, #tpu.memory_space<hbm>>
    %dma_start3A_261 = tpu.memref_slice %arg9[%add3A_246] : memref<16384xi32, #tpu.memory_space<hbm>> -> memref<128xi32, #tpu.memory_space<hbm>>
    %dma_start3A_262 = arith.constant 0 : i32
    %dma_start3A_263 = tpu.memref_slice %arg20[%dma_start3A_256, %dma_start3A_262] : memref<2x128xi32, #tpu.memory_space<vmem>> -> memref<1x128xi32, #tpu.memory_space<vmem>>
    %dma_start3A_264 = tpu.memref_squeeze %dma_start3A_263 : memref<1x128xi32, #tpu.memory_space<vmem>> -> memref<128xi32, #tpu.memory_space<vmem>>
    tpu.enqueue_dma source(%dma_start3A_264 : memref<128xi32, #tpu.memory_space<vmem>>) target(%dma_start3A_261 : memref<128xi32, #tpu.memory_space<hbm>>) target_semaphore(%arg25 : memref<!tpu.dma_semaphore, #tpu.memory_space<semaphore_mem>>)
    %dma_start3A_265 = arith.constant 0 : i32
    %dma_start3A_266 = arith.constant 0 : i32
    %dma_start3A_267 = arith.constant 0 : i32
    %dma_start3A_268 = tpu.memref_slice %arg15[%dma_start3A_265, %dma_start3A_266, %dma_start3A_267] : memref<2x128x128xf32, #tpu.memory_space<vmem>> -> memref<1x128x128xf32, #tpu.memory_space<vmem>>
    %dma_start3A_269 = tpu.memref_squeeze %dma_start3A_268 : memref<1x128x128xf32, #tpu.memory_space<vmem>> -> memref<128x128xf32, #tpu.memory_space<vmem>>
    %dma_start3A_270 = arith.constant 256 : i32
    %dma_start3A_271 = tpu.memref_slice %arg13[%dma_start3A_270] : memref<512xi32, #tpu.memory_space<vmem>> -> memref<128xi32, #tpu.memory_space<vmem>>
    %dma_start3A_272 = arith.constant 0 : i32
    %dma_start3A_273 = arith.constant 0 : i32
    %dma_start3A_274 = tpu.memref_slice %arg2[%dma_start3A_272, %dma_start3A_273] : memref<1000000x128xf32, #tpu.memory_space<hbm>> -> memref<1000000x128xf32, #tpu.memory_space<hbm>>
    tpu.enqueue_indirect_dma source(%dma_start3A_274 : memref<1000000x128xf32, #tpu.memory_space<hbm>>) target(%dma_start3A_269 : memref<128x128xf32, #tpu.memory_space<vmem>>) offsets(%dma_start3A_271 : memref<128xi32, #tpu.memory_space<vmem>>) semaphore(%arg21 : memref<!tpu.dma_semaphore, #tpu.memory_space<semaphore_mem>>)
    %dma_start3A_275 = arith.constant 0 : i32
    %dma_start3A_276 = arith.constant 0 : i32
    %dma_start3A_277 = arith.constant 0 : i32
    %dma_start3A_278 = tpu.memref_slice %arg16[%dma_start3A_275, %dma_start3A_276, %dma_start3A_277] : memref<2x128x128xf32, #tpu.memory_space<vmem>> -> memref<1x128x128xf32, #tpu.memory_space<vmem>>
    %dma_start3A_279 = tpu.memref_squeeze %dma_start3A_278 : memref<1x128x128xf32, #tpu.memory_space<vmem>> -> memref<128x128xf32, #tpu.memory_space<vmem>>
    %dma_start3A_280 = arith.constant 256 : i32
    %dma_start3A_281 = tpu.memref_slice %arg14[%dma_start3A_280] : memref<512xi32, #tpu.memory_space<vmem>> -> memref<128xi32, #tpu.memory_space<vmem>>
    %dma_start3A_282 = arith.constant 0 : i32
    %dma_start3A_283 = arith.constant 0 : i32
    %dma_start3A_284 = tpu.memref_slice %arg2[%dma_start3A_282, %dma_start3A_283] : memref<1000000x128xf32, #tpu.memory_space<hbm>> -> memref<1000000x128xf32, #tpu.memory_space<hbm>>
    tpu.enqueue_indirect_dma source(%dma_start3A_284 : memref<1000000x128xf32, #tpu.memory_space<hbm>>) target(%dma_start3A_279 : memref<128x128xf32, #tpu.memory_space<vmem>>) offsets(%dma_start3A_281 : memref<128xi32, #tpu.memory_space<vmem>>) semaphore(%arg22 : memref<!tpu.dma_semaphore, #tpu.memory_space<semaphore_mem>>)
    %dma_wait3A_285 = arith.constant 1 : i32
    %dma_wait3A_286 = arith.constant 0 : i32
    %dma_wait3A_287 = arith.constant 0 : i32
    %dma_wait3A_288 = tpu.memref_slice %arg15[%dma_wait3A_285, %dma_wait3A_286, %dma_wait3A_287] : memref<2x128x128xf32, #tpu.memory_space<vmem>> -> memref<1x128x128xf32, #tpu.memory_space<vmem>>
    %dma_wait3A_289 = tpu.memref_squeeze %dma_wait3A_288 : memref<1x128x128xf32, #tpu.memory_space<vmem>> -> memref<128x128xf32, #tpu.memory_space<vmem>>
    %dma_wait3A_290 = arith.constant 128 : i32
    %dma_wait3A_291 = tpu.memref_slice %arg13[%dma_wait3A_290] : memref<512xi32, #tpu.memory_space<vmem>> -> memref<128xi32, #tpu.memory_space<vmem>>
    %dma_wait3A_292 = arith.constant 0 : i32
    %dma_wait3A_293 = arith.constant 0 : i32
    %dma_wait3A_294 = tpu.memref_slice %arg2[%dma_wait3A_292, %dma_wait3A_293] : memref<1000000x128xf32, #tpu.memory_space<hbm>> -> memref<1000000x128xf32, #tpu.memory_space<hbm>>
    tpu.wait_indirect_dma semaphore(%arg23 : memref<!tpu.dma_semaphore, #tpu.memory_space<semaphore_mem>>) src(%dma_wait3A_294 : memref<1000000x128xf32, #tpu.memory_space<hbm>>) dst(%dma_wait3A_289 : memref<128x128xf32, #tpu.memory_space<vmem>>)
    %dma_wait3A_295 = arith.constant 1 : i32
    %dma_wait3A_296 = arith.constant 0 : i32
    %dma_wait3A_297 = arith.constant 0 : i32
    %dma_wait3A_298 = tpu.memref_slice %arg16[%dma_wait3A_295, %dma_wait3A_296, %dma_wait3A_297] : memref<2x128x128xf32, #tpu.memory_space<vmem>> -> memref<1x128x128xf32, #tpu.memory_space<vmem>>
    %dma_wait3A_299 = tpu.memref_squeeze %dma_wait3A_298 : memref<1x128x128xf32, #tpu.memory_space<vmem>> -> memref<128x128xf32, #tpu.memory_space<vmem>>
    %dma_wait3A_300 = arith.constant 128 : i32
    %dma_wait3A_301 = tpu.memref_slice %arg14[%dma_wait3A_300] : memref<512xi32, #tpu.memory_space<vmem>> -> memref<128xi32, #tpu.memory_space<vmem>>
    %dma_wait3A_302 = arith.constant 0 : i32
    %dma_wait3A_303 = arith.constant 0 : i32
    %dma_wait3A_304 = tpu.memref_slice %arg2[%dma_wait3A_302, %dma_wait3A_303] : memref<1000000x128xf32, #tpu.memory_space<hbm>> -> memref<1000000x128xf32, #tpu.memory_space<hbm>>
    tpu.wait_indirect_dma semaphore(%arg24 : memref<!tpu.dma_semaphore, #tpu.memory_space<semaphore_mem>>) src(%dma_wait3A_304 : memref<1000000x128xf32, #tpu.memory_space<hbm>>) dst(%dma_wait3A_299 : memref<128x128xf32, #tpu.memory_space<vmem>>)
    %parallel_loop3A_305 = arith.constant 0 : i32
    %parallel_loop3A_306 = arith.constant 128 : i32
    %parallel_loop3A_307 = arith.constant 1 : i32
    scf.for %parallel_loop3A_515 = %parallel_loop3A_305 to %parallel_loop3A_306 step %parallel_loop3A_307  : i32 {
      %parallel_loop3A_516 = arith.constant 1 : i32
      %parallel_loop3A_517 = arith.index_cast %parallel_loop3A_516 : i32 to index
      %parallel_loop3A_518 = arith.index_cast %parallel_loop3A_515 : i32 to index
      %parallel_loop3A_519 = arith.constant 0 : index
      %parallel_loop3A_520 = tpu.vector_load %arg15[%parallel_loop3A_517, %parallel_loop3A_518, %parallel_loop3A_519] {strides = array<i32>} : memref<2x128x128xf32, #tpu.memory_space<vmem>>, vector<16xf32>,
      %parallel_loop3A_521 = arith.constant 1 : i32
      %parallel_loop3A_522 = arith.index_cast %parallel_loop3A_521 : i32 to index
      %parallel_loop3A_523 = arith.index_cast %parallel_loop3A_515 : i32 to index
      %parallel_loop3A_524 = arith.constant 0 : index
      %parallel_loop3A_525 = tpu.vector_load %arg16[%parallel_loop3A_522, %parallel_loop3A_523, %parallel_loop3A_524] {strides = array<i32>} : memref<2x128x128xf32, #tpu.memory_space<vmem>>, vector<16xf32>,
      %parallel_loop3A_526 = arith.subf %parallel_loop3A_520, %parallel_loop3A_525 : vector<16xf32>
      %parallel_loop3A_527 = arith.subf %parallel_loop3A_526, %add3A_49 : vector<16xf32>
      %parallel_loop3A_528 = math.absf %parallel_loop3A_527 : vector<16xf32>
      %parallel_loop3A_529 = arith.subf %parallel_loop3A_528, %add3A_59 : vector<16xf32>
      %parallel_loop3A_530 = arith.maximumf %parallel_loop3A_529, %broadcast_in_dim3A_41 : vector<16xf32>
      %parallel_loop3A_531 = arith.addf %broadcast_in_dim3A_41, %parallel_loop3A_530 : vector<16xf32>
      %parallel_loop3A_532 = arith.addf %broadcast_in_dim3A_41, %parallel_loop3A_528 : vector<16xf32>
      %parallel_loop3A_533 = arith.constant 1 : i32
      %parallel_loop3A_534 = arith.index_cast %parallel_loop3A_533 : i32 to index
      %parallel_loop3A_535 = arith.index_cast %parallel_loop3A_515 : i32 to index
      %parallel_loop3A_536 = arith.constant 16 : index
      %parallel_loop3A_537 = tpu.vector_load %arg15[%parallel_loop3A_534, %parallel_loop3A_535, %parallel_loop3A_536] {strides = array<i32>} : memref<2x128x128xf32, #tpu.memory_space<vmem>>, vector<16xf32>,
      %parallel_loop3A_538 = arith.constant 1 : i32
      %parallel_loop3A_539 = arith.index_cast %parallel_loop3A_538 : i32 to index
      %parallel_loop3A_540 = arith.index_cast %parallel_loop3A_515 : i32 to index
      %parallel_loop3A_541 = arith.constant 16 : index
      %parallel_loop3A_542 = tpu.vector_load %arg16[%parallel_loop3A_539, %parallel_loop3A_540, %parallel_loop3A_541] {strides = array<i32>} : memref<2x128x128xf32, #tpu.memory_space<vmem>>, vector<16xf32>,
      %parallel_loop3A_543 = arith.subf %parallel_loop3A_537, %parallel_loop3A_542 : vector<16xf32>
      %parallel_loop3A_544 = arith.subf %parallel_loop3A_543, %add3A_68 : vector<16xf32>
      %parallel_loop3A_545 = math.absf %parallel_loop3A_544 : vector<16xf32>
      %parallel_loop3A_546 = arith.subf %parallel_loop3A_545, %add3A_79 : vector<16xf32>
      %parallel_loop3A_547 = arith.maximumf %parallel_loop3A_546, %broadcast_in_dim3A_41 : vector<16xf32>
      %parallel_loop3A_548 = arith.addf %parallel_loop3A_531, %parallel_loop3A_547 : vector<16xf32>
      %parallel_loop3A_549 = arith.addf %parallel_loop3A_532, %parallel_loop3A_545 : vector<16xf32>
      %parallel_loop3A_550 = arith.constant 1 : i32
      %parallel_loop3A_551 = arith.index_cast %parallel_loop3A_550 : i32 to index
      %parallel_loop3A_552 = arith.index_cast %parallel_loop3A_515 : i32 to index
      %parallel_loop3A_553 = arith.constant 32 : index
      %parallel_loop3A_554 = tpu.vector_load %arg15[%parallel_loop3A_551, %parallel_loop3A_552, %parallel_loop3A_553] {strides = array<i32>} : memref<2x128x128xf32, #tpu.memory_space<vmem>>, vector<16xf32>,
      %parallel_loop3A_555 = arith.constant 1 : i32
      %parallel_loop3A_556 = arith.index_cast %parallel_loop3A_555 : i32 to index
      %parallel_loop3A_557 = arith.index_cast %parallel_loop3A_515 : i32 to index
      %parallel_loop3A_558 = arith.constant 32 : index
      %parallel_loop3A_559 = tpu.vector_load %arg16[%parallel_loop3A_556, %parallel_loop3A_557, %parallel_loop3A_558] {strides = array<i32>} : memref<2x128x128xf32, #tpu.memory_space<vmem>>, vector<16xf32>,
      %parallel_loop3A_560 = arith.subf %parallel_loop3A_554, %parallel_loop3A_559 : vector<16xf32>
      %parallel_loop3A_561 = arith.subf %parallel_loop3A_560, %add3A_88 : vector<16xf32>
      %parallel_loop3A_562 = math.absf %parallel_loop3A_561 : vector<16xf32>
      %parallel_loop3A_563 = arith.subf %parallel_loop3A_562, %add3A_99 : vector<16xf32>
      %parallel_loop3A_564 = arith.maximumf %parallel_loop3A_563, %broadcast_in_dim3A_41 : vector<16xf32>
      %parallel_loop3A_565 = arith.addf %parallel_loop3A_548, %parallel_loop3A_564 : vector<16xf32>
      %parallel_loop3A_566 = arith.addf %parallel_loop3A_549, %parallel_loop3A_562 : vector<16xf32>
      %parallel_loop3A_567 = arith.constant 1 : i32
      %parallel_loop3A_568 = arith.index_cast %parallel_loop3A_567 : i32 to index
      %parallel_loop3A_569 = arith.index_cast %parallel_loop3A_515 : i32 to index
      %parallel_loop3A_570 = arith.constant 48 : index
      %parallel_loop3A_571 = tpu.vector_load %arg15[%parallel_loop3A_568, %parallel_loop3A_569, %parallel_loop3A_570] {strides = array<i32>} : memref<2x128x128xf32, #tpu.memory_space<vmem>>, vector<16xf32>,
      %parallel_loop3A_572 = arith.constant 1 : i32
      %parallel_loop3A_573 = arith.index_cast %parallel_loop3A_572 : i32 to index
      %parallel_loop3A_574 = arith.index_cast %parallel_loop3A_515 : i32 to index
      %parallel_loop3A_575 = arith.constant 48 : index
      %parallel_loop3A_576 = tpu.vector_load %arg16[%parallel_loop3A_573, %parallel_loop3A_574, %parallel_loop3A_575] {strides = array<i32>} : memref<2x128x128xf32, #tpu.memory_space<vmem>>, vector<16xf32>,
      %parallel_loop3A_577 = arith.subf %parallel_loop3A_571, %parallel_loop3A_576 : vector<16xf32>
      %parallel_loop3A_578 = arith.subf %parallel_loop3A_577, %add3A_108 : vector<16xf32>
      %parallel_loop3A_579 = math.absf %parallel_loop3A_578 : vector<16xf32>
      %parallel_loop3A_580 = arith.subf %parallel_loop3A_579, %add3A_119 : vector<16xf32>
      %parallel_loop3A_581 = arith.maximumf %parallel_loop3A_580, %broadcast_in_dim3A_41 : vector<16xf32>
      %parallel_loop3A_582 = arith.addf %parallel_loop3A_565, %parallel_loop3A_581 : vector<16xf32>
      %parallel_loop3A_583 = arith.addf %parallel_loop3A_566, %parallel_loop3A_579 : vector<16xf32>
      %parallel_loop3A_584 = arith.constant 1 : i32
      %parallel_loop3A_585 = arith.index_cast %parallel_loop3A_584 : i32 to index
      %parallel_loop3A_586 = arith.index_cast %parallel_loop3A_515 : i32 to index
      %parallel_loop3A_587 = arith.constant 64 : index
      %parallel_loop3A_588 = tpu.vector_load %arg15[%parallel_loop3A_585, %parallel_loop3A_586, %parallel_loop3A_587] {strides = array<i32>} : memref<2x128x128xf32, #tpu.memory_space<vmem>>, vector<16xf32>,
      %parallel_loop3A_589 = arith.constant 1 : i32
      %parallel_loop3A_590 = arith.index_cast %parallel_loop3A_589 : i32 to index
      %parallel_loop3A_591 = arith.index_cast %parallel_loop3A_515 : i32 to index
      %parallel_loop3A_592 = arith.constant 64 : index
      %parallel_loop3A_593 = tpu.vector_load %arg16[%parallel_loop3A_590, %parallel_loop3A_591, %parallel_loop3A_592] {strides = array<i32>} : memref<2x128x128xf32, #tpu.memory_space<vmem>>, vector<16xf32>,
      %parallel_loop3A_594 = arith.subf %parallel_loop3A_588, %parallel_loop3A_593 : vector<16xf32>
      %parallel_loop3A_595 = arith.subf %parallel_loop3A_594, %add3A_128 : vector<16xf32>
      %parallel_loop3A_596 = math.absf %parallel_loop3A_595 : vector<16xf32>
      %parallel_loop3A_597 = arith.subf %parallel_loop3A_596, %add3A_139 : vector<16xf32>
      %parallel_loop3A_598 = arith.maximumf %parallel_loop3A_597, %broadcast_in_dim3A_41 : vector<16xf32>
      %parallel_loop3A_599 = arith.addf %parallel_loop3A_582, %parallel_loop3A_598 : vector<16xf32>
      %parallel_loop3A_600 = arith.addf %parallel_loop3A_583, %parallel_loop3A_596 : vector<16xf32>
      %parallel_loop3A_601 = arith.constant 1 : i32
      %parallel_loop3A_602 = arith.index_cast %parallel_loop3A_601 : i32 to index
      %parallel_loop3A_603 = arith.index_cast %parallel_loop3A_515 : i32 to index
      %parallel_loop3A_604 = arith.constant 80 : index
      %parallel_loop3A_605 = tpu.vector_load %arg15[%parallel_loop3A_602, %parallel_loop3A_603, %parallel_loop3A_604] {strides = array<i32>} : memref<2x128x128xf32, #tpu.memory_space<vmem>>, vector<16xf32>,
      %parallel_loop3A_606 = arith.constant 1 : i32
      %parallel_loop3A_607 = arith.index_cast %parallel_loop3A_606 : i32 to index
      %parallel_loop3A_608 = arith.index_cast %parallel_loop3A_515 : i32 to index
      %parallel_loop3A_609 = arith.constant 80 : index
      %parallel_loop3A_610 = tpu.vector_load %arg16[%parallel_loop3A_607, %parallel_loop3A_608, %parallel_loop3A_609] {strides = array<i32>} : memref<2x128x128xf32, #tpu.memory_space<vmem>>, vector<16xf32>,
      %parallel_loop3A_611 = arith.subf %parallel_loop3A_605, %parallel_loop3A_610 : vector<16xf32>
      %parallel_loop3A_612 = arith.subf %parallel_loop3A_611, %add3A_148 : vector<16xf32>
      %parallel_loop3A_613 = math.absf %parallel_loop3A_612 : vector<16xf32>
      %parallel_loop3A_614 = arith.subf %parallel_loop3A_613, %add3A_159 : vector<16xf32>
      %parallel_loop3A_615 = arith.maximumf %parallel_loop3A_614, %broadcast_in_dim3A_41 : vector<16xf32>
      %parallel_loop3A_616 = arith.addf %parallel_loop3A_599, %parallel_loop3A_615 : vector<16xf32>
      %parallel_loop3A_617 = arith.addf %parallel_loop3A_600, %parallel_loop3A_613 : vector<16xf32>
      %parallel_loop3A_618 = arith.constant 1 : i32
      %parallel_loop3A_619 = arith.index_cast %parallel_loop3A_618 : i32 to index
      %parallel_loop3A_620 = arith.index_cast %parallel_loop3A_515 : i32 to index
      %parallel_loop3A_621 = arith.constant 96 : index
      %parallel_loop3A_622 = tpu.vector_load %arg15[%parallel_loop3A_619, %parallel_loop3A_620, %parallel_loop3A_621] {strides = array<i32>} : memref<2x128x128xf32, #tpu.memory_space<vmem>>, vector<16xf32>,
      %parallel_loop3A_623 = arith.constant 1 : i32
      %parallel_loop3A_624 = arith.index_cast %parallel_loop3A_623 : i32 to index
      %parallel_loop3A_625 = arith.index_cast %parallel_loop3A_515 : i32 to index
      %parallel_loop3A_626 = arith.constant 96 : index
      %parallel_loop3A_627 = tpu.vector_load %arg16[%parallel_loop3A_624, %parallel_loop3A_625, %parallel_loop3A_626] {strides = array<i32>} : memref<2x128x128xf32, #tpu.memory_space<vmem>>, vector<16xf32>,
      %parallel_loop3A_628 = arith.subf %parallel_loop3A_622, %parallel_loop3A_627 : vector<16xf32>
      %parallel_loop3A_629 = arith.subf %parallel_loop3A_628, %add3A_168 : vector<16xf32>
      %parallel_loop3A_630 = math.absf %parallel_loop3A_629 : vector<16xf32>
      %parallel_loop3A_631 = arith.subf %parallel_loop3A_630, %add3A_179 : vector<16xf32>
      %parallel_loop3A_632 = arith.maximumf %parallel_loop3A_631, %broadcast_in_dim3A_41 : vector<16xf32>
      %parallel_loop3A_633 = arith.addf %parallel_loop3A_616, %parallel_loop3A_632 : vector<16xf32>
      %parallel_loop3A_634 = arith.addf %parallel_loop3A_617, %parallel_loop3A_630 : vector<16xf32>
      %parallel_loop3A_635 = arith.constant 1 : i32
      %parallel_loop3A_636 = arith.index_cast %parallel_loop3A_635 : i32 to index
      %parallel_loop3A_637 = arith.index_cast %parallel_loop3A_515 : i32 to index
      %parallel_loop3A_638 = arith.constant 112 : index
      %parallel_loop3A_639 = tpu.vector_load %arg15[%parallel_loop3A_636, %parallel_loop3A_637, %parallel_loop3A_638] {strides = array<i32>} : memref<2x128x128xf32, #tpu.memory_space<vmem>>, vector<16xf32>,
      %parallel_loop3A_640 = arith.constant 1 : i32
      %parallel_loop3A_641 = arith.index_cast %parallel_loop3A_640 : i32 to index
      %parallel_loop3A_642 = arith.index_cast %parallel_loop3A_515 : i32 to index
      %parallel_loop3A_643 = arith.constant 112 : index
      %parallel_loop3A_644 = tpu.vector_load %arg16[%parallel_loop3A_641, %parallel_loop3A_642, %parallel_loop3A_643] {strides = array<i32>} : memref<2x128x128xf32, #tpu.memory_space<vmem>>, vector<16xf32>,
      %parallel_loop3A_645 = arith.subf %parallel_loop3A_639, %parallel_loop3A_644 : vector<16xf32>
      %parallel_loop3A_646 = arith.subf %parallel_loop3A_645, %add3A_188 : vector<16xf32>
      %parallel_loop3A_647 = math.absf %parallel_loop3A_646 : vector<16xf32>
      %parallel_loop3A_648 = arith.subf %parallel_loop3A_647, %add3A_199 : vector<16xf32>
      %parallel_loop3A_649 = arith.maximumf %parallel_loop3A_648, %broadcast_in_dim3A_41 : vector<16xf32>
      %parallel_loop3A_650 = arith.addf %parallel_loop3A_633, %parallel_loop3A_649 : vector<16xf32>
      %parallel_loop3A_651 = arith.addf %parallel_loop3A_634, %parallel_loop3A_647 : vector<16xf32>
      %parallel_loop3A_652 = arith.index_cast %parallel_loop3A_515 : i32 to index
      %parallel_loop3A_653 = arith.constant 0 : index
      %parallel_loop3A_654 = tpu.vector_load %arg17[%parallel_loop3A_652, %parallel_loop3A_653] {strides = array<i32>} : memref<128x16xf32, #tpu.memory_space<vmem>>, vector<16xf32>,
      tpu.vector_store %arg17[%parallel_loop3A_652, %parallel_loop3A_653], %parallel_loop3A_650 {strides = array<i32>} : memref<128x16xf32, #tpu.memory_space<vmem>>, vector<16xf32>,
      %parallel_loop3A_655 = arith.index_cast %parallel_loop3A_515 : i32 to index
      %parallel_loop3A_656 = arith.constant 0 : index
      %parallel_loop3A_657 = tpu.vector_load %arg18[%parallel_loop3A_655, %parallel_loop3A_656] {strides = array<i32>} : memref<128x16xf32, #tpu.memory_space<vmem>>, vector<16xf32>,
      tpu.vector_store %arg18[%parallel_loop3A_655, %parallel_loop3A_656], %parallel_loop3A_651 {strides = array<i32>} : memref<128x16xf32, #tpu.memory_space<vmem>>, vector<16xf32>,
    } {sc.loop_unroll_factor = 1 : i64, sc.parallel_access}
    %parallel_loop3A_308 = arith.constant 0 : i32
    %parallel_loop3A_309 = arith.constant 8 : i32
    %parallel_loop3A_310 = arith.constant 1 : i32
    scf.for %parallel_loop3A_515 = %parallel_loop3A_308 to %parallel_loop3A_309 step %parallel_loop3A_310  : i32 {
      %parallel_loop3A_516 = arith.constant 16 : i32
      %parallel_loop3A_517 = arith.muli %parallel_loop3A_515, %parallel_loop3A_516 : i32
      %parallel_loop3A_518 = tpu.iota {dimensions = array<i32: 0>} : vector<16xi32>
      %parallel_loop3A_519 = vector.broadcast %parallel_loop3A_517 : i32 to vector<16xi32>
      %parallel_loop3A_520 = arith.addi %parallel_loop3A_519, %parallel_loop3A_518 : vector<16xi32>
      %parallel_loop3A_521 = arith.constant 0 : i32
      %parallel_loop3A_522 = vector.broadcast %parallel_loop3A_521 : i32 to vector<16xi32>
      %parallel_loop3A_523 = tpu.vector_load_idx %arg17[%parallel_loop3A_520, %parallel_loop3A_522] : memref<128x16xf32, #tpu.memory_space<vmem>>[vector<16xi32>, vector<16xi32>], vector<16xf32>,
      %parallel_loop3A_524 = arith.addf %broadcast_in_dim3A_41, %parallel_loop3A_523 : vector<16xf32>
      %parallel_loop3A_525 = tpu.vector_load_idx %arg18[%parallel_loop3A_520, %parallel_loop3A_522] : memref<128x16xf32, #tpu.memory_space<vmem>>[vector<16xi32>, vector<16xi32>], vector<16xf32>,
      %parallel_loop3A_526 = arith.addf %broadcast_in_dim3A_41, %parallel_loop3A_525 : vector<16xf32>
      %parallel_loop3A_527 = arith.constant 1 : i32
      %parallel_loop3A_528 = vector.broadcast %parallel_loop3A_527 : i32 to vector<16xi32>
      %parallel_loop3A_529 = tpu.vector_load_idx %arg17[%parallel_loop3A_520, %parallel_loop3A_528] : memref<128x16xf32, #tpu.memory_space<vmem>>[vector<16xi32>, vector<16xi32>], vector<16xf32>,
      %parallel_loop3A_530 = arith.addf %parallel_loop3A_524, %parallel_loop3A_529 : vector<16xf32>
      %parallel_loop3A_531 = tpu.vector_load_idx %arg18[%parallel_loop3A_520, %parallel_loop3A_528] : memref<128x16xf32, #tpu.memory_space<vmem>>[vector<16xi32>, vector<16xi32>], vector<16xf32>,
      %parallel_loop3A_532 = arith.addf %parallel_loop3A_526, %parallel_loop3A_531 : vector<16xf32>
      %parallel_loop3A_533 = arith.constant 2 : i32
      %parallel_loop3A_534 = vector.broadcast %parallel_loop3A_533 : i32 to vector<16xi32>
      %parallel_loop3A_535 = tpu.vector_load_idx %arg17[%parallel_loop3A_520, %parallel_loop3A_534] : memref<128x16xf32, #tpu.memory_space<vmem>>[vector<16xi32>, vector<16xi32>], vector<16xf32>,
      %parallel_loop3A_536 = arith.addf %parallel_loop3A_530, %parallel_loop3A_535 : vector<16xf32>
      %parallel_loop3A_537 = tpu.vector_load_idx %arg18[%parallel_loop3A_520, %parallel_loop3A_534] : memref<128x16xf32, #tpu.memory_space<vmem>>[vector<16xi32>, vector<16xi32>], vector<16xf32>,
      %parallel_loop3A_538 = arith.addf %parallel_loop3A_532, %parallel_loop3A_537 : vector<16xf32>
      %parallel_loop3A_539 = arith.constant 3 : i32
      %parallel_loop3A_540 = vector.broadcast %parallel_loop3A_539 : i32 to vector<16xi32>
      %parallel_loop3A_541 = tpu.vector_load_idx %arg17[%parallel_loop3A_520, %parallel_loop3A_540] : memref<128x16xf32, #tpu.memory_space<vmem>>[vector<16xi32>, vector<16xi32>], vector<16xf32>,
      %parallel_loop3A_542 = arith.addf %parallel_loop3A_536, %parallel_loop3A_541 : vector<16xf32>
      %parallel_loop3A_543 = tpu.vector_load_idx %arg18[%parallel_loop3A_520, %parallel_loop3A_540] : memref<128x16xf32, #tpu.memory_space<vmem>>[vector<16xi32>, vector<16xi32>], vector<16xf32>,
      %parallel_loop3A_544 = arith.addf %parallel_loop3A_538, %parallel_loop3A_543 : vector<16xf32>
      %parallel_loop3A_545 = arith.constant 4 : i32
      %parallel_loop3A_546 = vector.broadcast %parallel_loop3A_545 : i32 to vector<16xi32>
      %parallel_loop3A_547 = tpu.vector_load_idx %arg17[%parallel_loop3A_520, %parallel_loop3A_546] : memref<128x16xf32, #tpu.memory_space<vmem>>[vector<16xi32>, vector<16xi32>], vector<16xf32>,
      %parallel_loop3A_548 = arith.addf %parallel_loop3A_542, %parallel_loop3A_547 : vector<16xf32>
      %parallel_loop3A_549 = tpu.vector_load_idx %arg18[%parallel_loop3A_520, %parallel_loop3A_546] : memref<128x16xf32, #tpu.memory_space<vmem>>[vector<16xi32>, vector<16xi32>], vector<16xf32>,
      %parallel_loop3A_550 = arith.addf %parallel_loop3A_544, %parallel_loop3A_549 : vector<16xf32>
      %parallel_loop3A_551 = arith.constant 5 : i32
      %parallel_loop3A_552 = vector.broadcast %parallel_loop3A_551 : i32 to vector<16xi32>
      %parallel_loop3A_553 = tpu.vector_load_idx %arg17[%parallel_loop3A_520, %parallel_loop3A_552] : memref<128x16xf32, #tpu.memory_space<vmem>>[vector<16xi32>, vector<16xi32>], vector<16xf32>,
      %parallel_loop3A_554 = arith.addf %parallel_loop3A_548, %parallel_loop3A_553 : vector<16xf32>
      %parallel_loop3A_555 = tpu.vector_load_idx %arg18[%parallel_loop3A_520, %parallel_loop3A_552] : memref<128x16xf32, #tpu.memory_space<vmem>>[vector<16xi32>, vector<16xi32>], vector<16xf32>,
      %parallel_loop3A_556 = arith.addf %parallel_loop3A_550, %parallel_loop3A_555 : vector<16xf32>
      %parallel_loop3A_557 = arith.constant 6 : i32
      %parallel_loop3A_558 = vector.broadcast %parallel_loop3A_557 : i32 to vector<16xi32>
      %parallel_loop3A_559 = tpu.vector_load_idx %arg17[%parallel_loop3A_520, %parallel_loop3A_558] : memref<128x16xf32, #tpu.memory_space<vmem>>[vector<16xi32>, vector<16xi32>], vector<16xf32>,
      %parallel_loop3A_560 = arith.addf %parallel_loop3A_554, %parallel_loop3A_559 : vector<16xf32>
      %parallel_loop3A_561 = tpu.vector_load_idx %arg18[%parallel_loop3A_520, %parallel_loop3A_558] : memref<128x16xf32, #tpu.memory_space<vmem>>[vector<16xi32>, vector<16xi32>], vector<16xf32>,
      %parallel_loop3A_562 = arith.addf %parallel_loop3A_556, %parallel_loop3A_561 : vector<16xf32>
      %parallel_loop3A_563 = arith.constant 7 : i32
      %parallel_loop3A_564 = vector.broadcast %parallel_loop3A_563 : i32 to vector<16xi32>
      %parallel_loop3A_565 = tpu.vector_load_idx %arg17[%parallel_loop3A_520, %parallel_loop3A_564] : memref<128x16xf32, #tpu.memory_space<vmem>>[vector<16xi32>, vector<16xi32>], vector<16xf32>,
      %parallel_loop3A_566 = arith.addf %parallel_loop3A_560, %parallel_loop3A_565 : vector<16xf32>
      %parallel_loop3A_567 = tpu.vector_load_idx %arg18[%parallel_loop3A_520, %parallel_loop3A_564] : memref<128x16xf32, #tpu.memory_space<vmem>>[vector<16xi32>, vector<16xi32>], vector<16xf32>,
      %parallel_loop3A_568 = arith.addf %parallel_loop3A_562, %parallel_loop3A_567 : vector<16xf32>
      %parallel_loop3A_569 = arith.constant 8 : i32
      %parallel_loop3A_570 = vector.broadcast %parallel_loop3A_569 : i32 to vector<16xi32>
      %parallel_loop3A_571 = tpu.vector_load_idx %arg17[%parallel_loop3A_520, %parallel_loop3A_570] : memref<128x16xf32, #tpu.memory_space<vmem>>[vector<16xi32>, vector<16xi32>], vector<16xf32>,
      %parallel_loop3A_572 = arith.addf %parallel_loop3A_566, %parallel_loop3A_571 : vector<16xf32>
      %parallel_loop3A_573 = tpu.vector_load_idx %arg18[%parallel_loop3A_520, %parallel_loop3A_570] : memref<128x16xf32, #tpu.memory_space<vmem>>[vector<16xi32>, vector<16xi32>], vector<16xf32>,
      %parallel_loop3A_574 = arith.addf %parallel_loop3A_568, %parallel_loop3A_573 : vector<16xf32>
      %parallel_loop3A_575 = arith.constant 9 : i32
      %parallel_loop3A_576 = vector.broadcast %parallel_loop3A_575 : i32 to vector<16xi32>
      %parallel_loop3A_577 = tpu.vector_load_idx %arg17[%parallel_loop3A_520, %parallel_loop3A_576] : memref<128x16xf32, #tpu.memory_space<vmem>>[vector<16xi32>, vector<16xi32>], vector<16xf32>,
      %parallel_loop3A_578 = arith.addf %parallel_loop3A_572, %parallel_loop3A_577 : vector<16xf32>
      %parallel_loop3A_579 = tpu.vector_load_idx %arg18[%parallel_loop3A_520, %parallel_loop3A_576] : memref<128x16xf32, #tpu.memory_space<vmem>>[vector<16xi32>, vector<16xi32>], vector<16xf32>,
      %parallel_loop3A_580 = arith.addf %parallel_loop3A_574, %parallel_loop3A_579 : vector<16xf32>
      %parallel_loop3A_581 = arith.constant 10 : i32
      %parallel_loop3A_582 = vector.broadcast %parallel_loop3A_581 : i32 to vector<16xi32>
      %parallel_loop3A_583 = tpu.vector_load_idx %arg17[%parallel_loop3A_520, %parallel_loop3A_582] : memref<128x16xf32, #tpu.memory_space<vmem>>[vector<16xi32>, vector<16xi32>], vector<16xf32>,
      %parallel_loop3A_584 = arith.addf %parallel_loop3A_578, %parallel_loop3A_583 : vector<16xf32>
      %parallel_loop3A_585 = tpu.vector_load_idx %arg18[%parallel_loop3A_520, %parallel_loop3A_582] : memref<128x16xf32, #tpu.memory_space<vmem>>[vector<16xi32>, vector<16xi32>], vector<16xf32>,
      %parallel_loop3A_586 = arith.addf %parallel_loop3A_580, %parallel_loop3A_585 : vector<16xf32>
      %parallel_loop3A_587 = arith.constant 11 : i32
      %parallel_loop3A_588 = vector.broadcast %parallel_loop3A_587 : i32 to vector<16xi32>
      %parallel_loop3A_589 = tpu.vector_load_idx %arg17[%parallel_loop3A_520, %parallel_loop3A_588] : memref<128x16xf32, #tpu.memory_space<vmem>>[vector<16xi32>, vector<16xi32>], vector<16xf32>,
      %parallel_loop3A_590 = arith.addf %parallel_loop3A_584, %parallel_loop3A_589 : vector<16xf32>
      %parallel_loop3A_591 = tpu.vector_load_idx %arg18[%parallel_loop3A_520, %parallel_loop3A_588] : memref<128x16xf32, #tpu.memory_space<vmem>>[vector<16xi32>, vector<16xi32>], vector<16xf32>,
      %parallel_loop3A_592 = arith.addf %parallel_loop3A_586, %parallel_loop3A_591 : vector<16xf32>
      %parallel_loop3A_593 = arith.constant 12 : i32
      %parallel_loop3A_594 = vector.broadcast %parallel_loop3A_593 : i32 to vector<16xi32>
      %parallel_loop3A_595 = tpu.vector_load_idx %arg17[%parallel_loop3A_520, %parallel_loop3A_594] : memref<128x16xf32, #tpu.memory_space<vmem>>[vector<16xi32>, vector<16xi32>], vector<16xf32>,
      %parallel_loop3A_596 = arith.addf %parallel_loop3A_590, %parallel_loop3A_595 : vector<16xf32>
      %parallel_loop3A_597 = tpu.vector_load_idx %arg18[%parallel_loop3A_520, %parallel_loop3A_594] : memref<128x16xf32, #tpu.memory_space<vmem>>[vector<16xi32>, vector<16xi32>], vector<16xf32>,
      %parallel_loop3A_598 = arith.addf %parallel_loop3A_592, %parallel_loop3A_597 : vector<16xf32>
      %parallel_loop3A_599 = arith.constant 13 : i32
      %parallel_loop3A_600 = vector.broadcast %parallel_loop3A_599 : i32 to vector<16xi32>
      %parallel_loop3A_601 = tpu.vector_load_idx %arg17[%parallel_loop3A_520, %parallel_loop3A_600] : memref<128x16xf32, #tpu.memory_space<vmem>>[vector<16xi32>, vector<16xi32>], vector<16xf32>,
      %parallel_loop3A_602 = arith.addf %parallel_loop3A_596, %parallel_loop3A_601 : vector<16xf32>
      %parallel_loop3A_603 = tpu.vector_load_idx %arg18[%parallel_loop3A_520, %parallel_loop3A_600] : memref<128x16xf32, #tpu.memory_space<vmem>>[vector<16xi32>, vector<16xi32>], vector<16xf32>,
      %parallel_loop3A_604 = arith.addf %parallel_loop3A_598, %parallel_loop3A_603 : vector<16xf32>
      %parallel_loop3A_605 = arith.constant 14 : i32
      %parallel_loop3A_606 = vector.broadcast %parallel_loop3A_605 : i32 to vector<16xi32>
      %parallel_loop3A_607 = tpu.vector_load_idx %arg17[%parallel_loop3A_520, %parallel_loop3A_606] : memref<128x16xf32, #tpu.memory_space<vmem>>[vector<16xi32>, vector<16xi32>], vector<16xf32>,
      %parallel_loop3A_608 = arith.addf %parallel_loop3A_602, %parallel_loop3A_607 : vector<16xf32>
      %parallel_loop3A_609 = tpu.vector_load_idx %arg18[%parallel_loop3A_520, %parallel_loop3A_606] : memref<128x16xf32, #tpu.memory_space<vmem>>[vector<16xi32>, vector<16xi32>], vector<16xf32>,
      %parallel_loop3A_610 = arith.addf %parallel_loop3A_604, %parallel_loop3A_609 : vector<16xf32>
      %parallel_loop3A_611 = arith.constant 15 : i32
      %parallel_loop3A_612 = vector.broadcast %parallel_loop3A_611 : i32 to vector<16xi32>
      %parallel_loop3A_613 = tpu.vector_load_idx %arg17[%parallel_loop3A_520, %parallel_loop3A_612] : memref<128x16xf32, #tpu.memory_space<vmem>>[vector<16xi32>, vector<16xi32>], vector<16xf32>,
      %parallel_loop3A_614 = arith.addf %parallel_loop3A_608, %parallel_loop3A_613 : vector<16xf32>
      %parallel_loop3A_615 = tpu.vector_load_idx %arg18[%parallel_loop3A_520, %parallel_loop3A_612] : memref<128x16xf32, #tpu.memory_space<vmem>>[vector<16xi32>, vector<16xi32>], vector<16xf32>,
      %parallel_loop3A_616 = arith.addf %parallel_loop3A_610, %parallel_loop3A_615 : vector<16xf32>
      %parallel_loop3A_617 = arith.constant 9.800000e-01 : f32
      %parallel_loop3A_618 = vector.broadcast %parallel_loop3A_617 : f32 to vector<16xf32>
      %parallel_loop3A_619 = arith.mulf %parallel_loop3A_618, %parallel_loop3A_614 : vector<16xf32>
      %parallel_loop3A_620 = arith.constant 2.000000e-02 : f32
      %parallel_loop3A_621 = vector.broadcast %parallel_loop3A_620 : f32 to vector<16xf32>
      %parallel_loop3A_622 = arith.mulf %parallel_loop3A_621, %parallel_loop3A_616 : vector<16xf32>
      %parallel_loop3A_623 = arith.addf %parallel_loop3A_619, %parallel_loop3A_622 : vector<16xf32>
      %parallel_loop3A_624 = arith.constant 1 : i32
      %parallel_loop3A_625 = arith.index_cast %parallel_loop3A_624 : i32 to index
      %parallel_loop3A_626 = arith.index_cast %parallel_loop3A_517 : i32 to index
      %parallel_loop3A_627 = tpu.vector_load %arg19[%parallel_loop3A_625, %parallel_loop3A_626] {strides = array<i32>} : memref<2x128xf32, #tpu.memory_space<vmem>>, vector<16xf32>,
      tpu.vector_store %arg19[%parallel_loop3A_625, %parallel_loop3A_626], %parallel_loop3A_623 {strides = array<i32>} : memref<2x128xf32, #tpu.memory_space<vmem>>, vector<16xf32>,
      %parallel_loop3A_628 = arith.constant 0.000000e+00 : f32
      %parallel_loop3A_629 = vector.broadcast %parallel_loop3A_628 : f32 to vector<16xf32>
      %parallel_loop3A_630 = arith.cmpf oeq, %parallel_loop3A_614, %parallel_loop3A_629 : vector<16xf32>
      %parallel_loop3A_631 = arith.extui %parallel_loop3A_630 : vector<16xi1> to vector<16xi32>
      %parallel_loop3A_632 = arith.constant 1 : i32
      %parallel_loop3A_633 = arith.index_cast %parallel_loop3A_632 : i32 to index
      %parallel_loop3A_634 = arith.index_cast %parallel_loop3A_517 : i32 to index
      %parallel_loop3A_635 = tpu.vector_load %arg20[%parallel_loop3A_633, %parallel_loop3A_634] {strides = array<i32>} : memref<2x128xi32, #tpu.memory_space<vmem>>, vector<16xi32>,
      tpu.vector_store %arg20[%parallel_loop3A_633, %parallel_loop3A_634], %parallel_loop3A_631 {strides = array<i32>} : memref<2x128xi32, #tpu.memory_space<vmem>>, vector<16xi32>,
    } {sc.loop_unroll_factor = 1 : i64, sc.parallel_access}
    %add3A_311 = arith.constant 128 : i32
    %add3A_312 = arith.addi %mul3A_2, %add3A_311 : i32
    %dma_start3A_313 = arith.constant 1 : i32
    %dma_start3A_314 = arith.constant 0 : i32
    %dma_start3A_315 = tpu.memref_slice %arg19[%dma_start3A_313, %dma_start3A_314] : memref<2x128xf32, #tpu.memory_space<vmem>> -> memref<1x128xf32, #tpu.memory_space<vmem>>
    %dma_start3A_316 = tpu.memref_squeeze %dma_start3A_315 : memref<1x128xf32, #tpu.memory_space<vmem>> -> memref<128xf32, #tpu.memory_space<vmem>>
    %dma_start3A_317 = tpu.memref_slice %arg8[%add3A_312] : memref<16384xf32, #tpu.memory_space<hbm>> -> memref<128xf32, #tpu.memory_space<hbm>>
    %dma_start3A_318 = tpu.memref_slice %arg8[%add3A_312] : memref<16384xf32, #tpu.memory_space<hbm>> -> memref<128xf32, #tpu.memory_space<hbm>>
    %dma_start3A_319 = arith.constant 0 : i32
    %dma_start3A_320 = tpu.memref_slice %arg19[%dma_start3A_313, %dma_start3A_319] : memref<2x128xf32, #tpu.memory_space<vmem>> -> memref<1x128xf32, #tpu.memory_space<vmem>>
    %dma_start3A_321 = tpu.memref_squeeze %dma_start3A_320 : memref<1x128xf32, #tpu.memory_space<vmem>> -> memref<128xf32, #tpu.memory_space<vmem>>
    tpu.enqueue_dma source(%dma_start3A_321 : memref<128xf32, #tpu.memory_space<vmem>>) target(%dma_start3A_318 : memref<128xf32, #tpu.memory_space<hbm>>) target_semaphore(%arg25 : memref<!tpu.dma_semaphore, #tpu.memory_space<semaphore_mem>>)
    %dma_start3A_322 = arith.constant 1 : i32
    %dma_start3A_323 = arith.constant 0 : i32
    %dma_start3A_324 = tpu.memref_slice %arg20[%dma_start3A_322, %dma_start3A_323] : memref<2x128xi32, #tpu.memory_space<vmem>> -> memref<1x128xi32, #tpu.memory_space<vmem>>
    %dma_start3A_325 = tpu.memref_squeeze %dma_start3A_324 : memref<1x128xi32, #tpu.memory_space<vmem>> -> memref<128xi32, #tpu.memory_space<vmem>>
    %dma_start3A_326 = tpu.memref_slice %arg9[%add3A_312] : memref<16384xi32, #tpu.memory_space<hbm>> -> memref<128xi32, #tpu.memory_space<hbm>>
    %dma_start3A_327 = tpu.memref_slice %arg9[%add3A_312] : memref<16384xi32, #tpu.memory_space<hbm>> -> memref<128xi32, #tpu.memory_space<hbm>>
    %dma_start3A_328 = arith.constant 0 : i32
    %dma_start3A_329 = tpu.memref_slice %arg20[%dma_start3A_322, %dma_start3A_328] : memref<2x128xi32, #tpu.memory_space<vmem>> -> memref<1x128xi32, #tpu.memory_space<vmem>>
    %dma_start3A_330 = tpu.memref_squeeze %dma_start3A_329 : memref<1x128xi32, #tpu.memory_space<vmem>> -> memref<128xi32, #tpu.memory_space<vmem>>
    tpu.enqueue_dma source(%dma_start3A_330 : memref<128xi32, #tpu.memory_space<vmem>>) target(%dma_start3A_327 : memref<128xi32, #tpu.memory_space<hbm>>) target_semaphore(%arg25 : memref<!tpu.dma_semaphore, #tpu.memory_space<semaphore_mem>>)
    %dma_start3A_331 = arith.constant 1 : i32
    %dma_start3A_332 = arith.constant 0 : i32
    %dma_start3A_333 = arith.constant 0 : i32
    %dma_start3A_334 = tpu.memref_slice %arg15[%dma_start3A_331, %dma_start3A_332, %dma_start3A_333] : memref<2x128x128xf32, #tpu.memory_space<vmem>> -> memref<1x128x128xf32, #tpu.memory_space<vmem>>
    %dma_start3A_335 = tpu.memref_squeeze %dma_start3A_334 : memref<1x128x128xf32, #tpu.memory_space<vmem>> -> memref<128x128xf32, #tpu.memory_space<vmem>>
    %dma_start3A_336 = arith.constant 384 : i32
    %dma_start3A_337 = tpu.memref_slice %arg13[%dma_start3A_336] : memref<512xi32, #tpu.memory_space<vmem>> -> memref<128xi32, #tpu.memory_space<vmem>>
    %dma_start3A_338 = arith.constant 0 : i32
    %dma_start3A_339 = arith.constant 0 : i32
    %dma_start3A_340 = tpu.memref_slice %arg2[%dma_start3A_338, %dma_start3A_339] : memref<1000000x128xf32, #tpu.memory_space<hbm>> -> memref<1000000x128xf32, #tpu.memory_space<hbm>>
    tpu.enqueue_indirect_dma source(%dma_start3A_340 : memref<1000000x128xf32, #tpu.memory_space<hbm>>) target(%dma_start3A_335 : memref<128x128xf32, #tpu.memory_space<vmem>>) offsets(%dma_start3A_337 : memref<128xi32, #tpu.memory_space<vmem>>) semaphore(%arg23 : memref<!tpu.dma_semaphore, #tpu.memory_space<semaphore_mem>>)
    %dma_start3A_341 = arith.constant 1 : i32
    %dma_start3A_342 = arith.constant 0 : i32
    %dma_start3A_343 = arith.constant 0 : i32
    %dma_start3A_344 = tpu.memref_slice %arg16[%dma_start3A_341, %dma_start3A_342, %dma_start3A_343] : memref<2x128x128xf32, #tpu.memory_space<vmem>> -> memref<1x128x128xf32, #tpu.memory_space<vmem>>
    %dma_start3A_345 = tpu.memref_squeeze %dma_start3A_344 : memref<1x128x128xf32, #tpu.memory_space<vmem>> -> memref<128x128xf32, #tpu.memory_space<vmem>>
    %dma_start3A_346 = arith.constant 384 : i32
    %dma_start3A_347 = tpu.memref_slice %arg14[%dma_start3A_346] : memref<512xi32, #tpu.memory_space<vmem>> -> memref<128xi32, #tpu.memory_space<vmem>>
    %dma_start3A_348 = arith.constant 0 : i32
    %dma_start3A_349 = arith.constant 0 : i32
    %dma_start3A_350 = tpu.memref_slice %arg2[%dma_start3A_348, %dma_start3A_349] : memref<1000000x128xf32, #tpu.memory_space<hbm>> -> memref<1000000x128xf32, #tpu.memory_space<hbm>>
    tpu.enqueue_indirect_dma source(%dma_start3A_350 : memref<1000000x128xf32, #tpu.memory_space<hbm>>) target(%dma_start3A_345 : memref<128x128xf32, #tpu.memory_space<vmem>>) offsets(%dma_start3A_347 : memref<128xi32, #tpu.memory_space<vmem>>) semaphore(%arg24 : memref<!tpu.dma_semaphore, #tpu.memory_space<semaphore_mem>>)
    %dma_wait3A_351 = arith.constant 0 : i32
    %dma_wait3A_352 = arith.constant 0 : i32
    %dma_wait3A_353 = arith.constant 0 : i32
    %dma_wait3A_354 = tpu.memref_slice %arg15[%dma_wait3A_351, %dma_wait3A_352, %dma_wait3A_353] : memref<2x128x128xf32, #tpu.memory_space<vmem>> -> memref<1x128x128xf32, #tpu.memory_space<vmem>>
    %dma_wait3A_355 = tpu.memref_squeeze %dma_wait3A_354 : memref<1x128x128xf32, #tpu.memory_space<vmem>> -> memref<128x128xf32, #tpu.memory_space<vmem>>
    %dma_wait3A_356 = arith.constant 256 : i32
    %dma_wait3A_357 = tpu.memref_slice %arg13[%dma_wait3A_356] : memref<512xi32, #tpu.memory_space<vmem>> -> memref<128xi32, #tpu.memory_space<vmem>>
    %dma_wait3A_358 = arith.constant 0 : i32
    %dma_wait3A_359 = arith.constant 0 : i32
    %dma_wait3A_360 = tpu.memref_slice %arg2[%dma_wait3A_358, %dma_wait3A_359] : memref<1000000x128xf32, #tpu.memory_space<hbm>> -> memref<1000000x128xf32, #tpu.memory_space<hbm>>
    tpu.wait_indirect_dma semaphore(%arg21 : memref<!tpu.dma_semaphore, #tpu.memory_space<semaphore_mem>>) src(%dma_wait3A_360 : memref<1000000x128xf32, #tpu.memory_space<hbm>>) dst(%dma_wait3A_355 : memref<128x128xf32, #tpu.memory_space<vmem>>)
    %dma_wait3A_361 = arith.constant 0 : i32
    %dma_wait3A_362 = arith.constant 0 : i32
    %dma_wait3A_363 = arith.constant 0 : i32
    %dma_wait3A_364 = tpu.memref_slice %arg16[%dma_wait3A_361, %dma_wait3A_362, %dma_wait3A_363] : memref<2x128x128xf32, #tpu.memory_space<vmem>> -> memref<1x128x128xf32, #tpu.memory_space<vmem>>
    %dma_wait3A_365 = tpu.memref_squeeze %dma_wait3A_364 : memref<1x128x128xf32, #tpu.memory_space<vmem>> -> memref<128x128xf32, #tpu.memory_space<vmem>>
    %dma_wait3A_366 = arith.constant 256 : i32
    %dma_wait3A_367 = tpu.memref_slice %arg14[%dma_wait3A_366] : memref<512xi32, #tpu.memory_space<vmem>> -> memref<128xi32, #tpu.memory_space<vmem>>
    %dma_wait3A_368 = arith.constant 0 : i32
    %dma_wait3A_369 = arith.constant 0 : i32
    %dma_wait3A_370 = tpu.memref_slice %arg2[%dma_wait3A_368, %dma_wait3A_369] : memref<1000000x128xf32, #tpu.memory_space<hbm>> -> memref<1000000x128xf32, #tpu.memory_space<hbm>>
    tpu.wait_indirect_dma semaphore(%arg22 : memref<!tpu.dma_semaphore, #tpu.memory_space<semaphore_mem>>) src(%dma_wait3A_370 : memref<1000000x128xf32, #tpu.memory_space<hbm>>) dst(%dma_wait3A_365 : memref<128x128xf32, #tpu.memory_space<vmem>>)
    %dma_wait3A_371 = arith.constant 0 : i32
    %dma_wait3A_372 = arith.constant 0 : i32
    %dma_wait3A_373 = tpu.memref_slice %arg19[%dma_wait3A_371, %dma_wait3A_372] : memref<2x128xf32, #tpu.memory_space<vmem>> -> memref<1x128xf32, #tpu.memory_space<vmem>>
    %dma_wait3A_374 = tpu.memref_squeeze %dma_wait3A_373 : memref<1x128xf32, #tpu.memory_space<vmem>> -> memref<128xf32, #tpu.memory_space<vmem>>
    %dma_wait3A_375 = tpu.memref_slice %arg8[%add3A_246] : memref<16384xf32, #tpu.memory_space<hbm>> -> memref<128xf32, #tpu.memory_space<hbm>>
    %dma_wait3A_376 = tpu.memref_slice %arg8[%add3A_246] : memref<16384xf32, #tpu.memory_space<hbm>> -> memref<128xf32, #tpu.memory_space<hbm>>
    %dma_wait3A_377 = arith.constant 0 : i32
    %dma_wait3A_378 = tpu.memref_slice %arg19[%dma_wait3A_371, %dma_wait3A_377] : memref<2x128xf32, #tpu.memory_space<vmem>> -> memref<1x128xf32, #tpu.memory_space<vmem>>
    %dma_wait3A_379 = tpu.memref_squeeze %dma_wait3A_378 : memref<1x128xf32, #tpu.memory_space<vmem>> -> memref<128xf32, #tpu.memory_space<vmem>>
    tpu.wait_dma2 semaphore(%arg25 : memref<!tpu.dma_semaphore, #tpu.memory_space<semaphore_mem>>) src(%dma_wait3A_379 : memref<128xf32, #tpu.memory_space<vmem>>) dst(%dma_wait3A_376 : memref<128xf32, #tpu.memory_space<hbm>>)
    %dma_wait3A_380 = arith.constant 0 : i32
    %dma_wait3A_381 = arith.constant 0 : i32
    %dma_wait3A_382 = tpu.memref_slice %arg20[%dma_wait3A_380, %dma_wait3A_381] : memref<2x128xi32, #tpu.memory_space<vmem>> -> memref<1x128xi32, #tpu.memory_space<vmem>>
    %dma_wait3A_383 = tpu.memref_squeeze %dma_wait3A_382 : memref<1x128xi32, #tpu.memory_space<vmem>> -> memref<128xi32, #tpu.memory_space<vmem>>
    %dma_wait3A_384 = tpu.memref_slice %arg9[%add3A_246] : memref<16384xi32, #tpu.memory_space<hbm>> -> memref<128xi32, #tpu.memory_space<hbm>>
    %dma_wait3A_385 = tpu.memref_slice %arg9[%add3A_246] : memref<16384xi32, #tpu.memory_space<hbm>> -> memref<128xi32, #tpu.memory_space<hbm>>
    %dma_wait3A_386 = arith.constant 0 : i32
    %dma_wait3A_387 = tpu.memref_slice %arg20[%dma_wait3A_380, %dma_wait3A_386] : memref<2x128xi32, #tpu.memory_space<vmem>> -> memref<1x128xi32, #tpu.memory_space<vmem>>
    %dma_wait3A_388 = tpu.memref_squeeze %dma_wait3A_387 : memref<1x128xi32, #tpu.memory_space<vmem>> -> memref<128xi32, #tpu.memory_space<vmem>>
    tpu.wait_dma2 semaphore(%arg25 : memref<!tpu.dma_semaphore, #tpu.memory_space<semaphore_mem>>) src(%dma_wait3A_388 : memref<128xi32, #tpu.memory_space<vmem>>) dst(%dma_wait3A_385 : memref<128xi32, #tpu.memory_space<hbm>>)
    %parallel_loop3A_389 = arith.constant 0 : i32
    %parallel_loop3A_390 = arith.constant 128 : i32
    %parallel_loop3A_391 = arith.constant 1 : i32
    scf.for %parallel_loop3A_515 = %parallel_loop3A_389 to %parallel_loop3A_390 step %parallel_loop3A_391  : i32 {
      %parallel_loop3A_516 = arith.constant 0 : i32
      %parallel_loop3A_517 = arith.index_cast %parallel_loop3A_516 : i32 to index
      %parallel_loop3A_518 = arith.index_cast %parallel_loop3A_515 : i32 to index
      %parallel_loop3A_519 = arith.constant 0 : index
      %parallel_loop3A_520 = tpu.vector_load %arg15[%parallel_loop3A_517, %parallel_loop3A_518, %parallel_loop3A_519] {strides = array<i32>} : memref<2x128x128xf32, #tpu.memory_space<vmem>>, vector<16xf32>,
      %parallel_loop3A_521 = arith.constant 0 : i32
      %parallel_loop3A_522 = arith.index_cast %parallel_loop3A_521 : i32 to index
      %parallel_loop3A_523 = arith.index_cast %parallel_loop3A_515 : i32 to index
      %parallel_loop3A_524 = arith.constant 0 : index
      %parallel_loop3A_525 = tpu.vector_load %arg16[%parallel_loop3A_522, %parallel_loop3A_523, %parallel_loop3A_524] {strides = array<i32>} : memref<2x128x128xf32, #tpu.memory_space<vmem>>, vector<16xf32>,
      %parallel_loop3A_526 = arith.subf %parallel_loop3A_520, %parallel_loop3A_525 : vector<16xf32>
      %parallel_loop3A_527 = arith.subf %parallel_loop3A_526, %add3A_49 : vector<16xf32>
      %parallel_loop3A_528 = math.absf %parallel_loop3A_527 : vector<16xf32>
      %parallel_loop3A_529 = arith.subf %parallel_loop3A_528, %add3A_59 : vector<16xf32>
      %parallel_loop3A_530 = arith.maximumf %parallel_loop3A_529, %broadcast_in_dim3A_41 : vector<16xf32>
      %parallel_loop3A_531 = arith.addf %broadcast_in_dim3A_41, %parallel_loop3A_530 : vector<16xf32>
      %parallel_loop3A_532 = arith.addf %broadcast_in_dim3A_41, %parallel_loop3A_528 : vector<16xf32>
      %parallel_loop3A_533 = arith.constant 0 : i32
      %parallel_loop3A_534 = arith.index_cast %parallel_loop3A_533 : i32 to index
      %parallel_loop3A_535 = arith.index_cast %parallel_loop3A_515 : i32 to index
      %parallel_loop3A_536 = arith.constant 16 : index
      %parallel_loop3A_537 = tpu.vector_load %arg15[%parallel_loop3A_534, %parallel_loop3A_535, %parallel_loop3A_536] {strides = array<i32>} : memref<2x128x128xf32, #tpu.memory_space<vmem>>, vector<16xf32>,
      %parallel_loop3A_538 = arith.constant 0 : i32
      %parallel_loop3A_539 = arith.index_cast %parallel_loop3A_538 : i32 to index
      %parallel_loop3A_540 = arith.index_cast %parallel_loop3A_515 : i32 to index
      %parallel_loop3A_541 = arith.constant 16 : index
      %parallel_loop3A_542 = tpu.vector_load %arg16[%parallel_loop3A_539, %parallel_loop3A_540, %parallel_loop3A_541] {strides = array<i32>} : memref<2x128x128xf32, #tpu.memory_space<vmem>>, vector<16xf32>,
      %parallel_loop3A_543 = arith.subf %parallel_loop3A_537, %parallel_loop3A_542 : vector<16xf32>
      %parallel_loop3A_544 = arith.subf %parallel_loop3A_543, %add3A_68 : vector<16xf32>
      %parallel_loop3A_545 = math.absf %parallel_loop3A_544 : vector<16xf32>
      %parallel_loop3A_546 = arith.subf %parallel_loop3A_545, %add3A_79 : vector<16xf32>
      %parallel_loop3A_547 = arith.maximumf %parallel_loop3A_546, %broadcast_in_dim3A_41 : vector<16xf32>
      %parallel_loop3A_548 = arith.addf %parallel_loop3A_531, %parallel_loop3A_547 : vector<16xf32>
      %parallel_loop3A_549 = arith.addf %parallel_loop3A_532, %parallel_loop3A_545 : vector<16xf32>
      %parallel_loop3A_550 = arith.constant 0 : i32
      %parallel_loop3A_551 = arith.index_cast %parallel_loop3A_550 : i32 to index
      %parallel_loop3A_552 = arith.index_cast %parallel_loop3A_515 : i32 to index
      %parallel_loop3A_553 = arith.constant 32 : index
      %parallel_loop3A_554 = tpu.vector_load %arg15[%parallel_loop3A_551, %parallel_loop3A_552, %parallel_loop3A_553] {strides = array<i32>} : memref<2x128x128xf32, #tpu.memory_space<vmem>>, vector<16xf32>,
      %parallel_loop3A_555 = arith.constant 0 : i32
      %parallel_loop3A_556 = arith.index_cast %parallel_loop3A_555 : i32 to index
      %parallel_loop3A_557 = arith.index_cast %parallel_loop3A_515 : i32 to index
      %parallel_loop3A_558 = arith.constant 32 : index
      %parallel_loop3A_559 = tpu.vector_load %arg16[%parallel_loop3A_556, %parallel_loop3A_557, %parallel_loop3A_558] {strides = array<i32>} : memref<2x128x128xf32, #tpu.memory_space<vmem>>, vector<16xf32>,
      %parallel_loop3A_560 = arith.subf %parallel_loop3A_554, %parallel_loop3A_559 : vector<16xf32>
      %parallel_loop3A_561 = arith.subf %parallel_loop3A_560, %add3A_88 : vector<16xf32>
      %parallel_loop3A_562 = math.absf %parallel_loop3A_561 : vector<16xf32>
      %parallel_loop3A_563 = arith.subf %parallel_loop3A_562, %add3A_99 : vector<16xf32>
      %parallel_loop3A_564 = arith.maximumf %parallel_loop3A_563, %broadcast_in_dim3A_41 : vector<16xf32>
      %parallel_loop3A_565 = arith.addf %parallel_loop3A_548, %parallel_loop3A_564 : vector<16xf32>
      %parallel_loop3A_566 = arith.addf %parallel_loop3A_549, %parallel_loop3A_562 : vector<16xf32>
      %parallel_loop3A_567 = arith.constant 0 : i32
      %parallel_loop3A_568 = arith.index_cast %parallel_loop3A_567 : i32 to index
      %parallel_loop3A_569 = arith.index_cast %parallel_loop3A_515 : i32 to index
      %parallel_loop3A_570 = arith.constant 48 : index
      %parallel_loop3A_571 = tpu.vector_load %arg15[%parallel_loop3A_568, %parallel_loop3A_569, %parallel_loop3A_570] {strides = array<i32>} : memref<2x128x128xf32, #tpu.memory_space<vmem>>, vector<16xf32>,
      %parallel_loop3A_572 = arith.constant 0 : i32
      %parallel_loop3A_573 = arith.index_cast %parallel_loop3A_572 : i32 to index
      %parallel_loop3A_574 = arith.index_cast %parallel_loop3A_515 : i32 to index
      %parallel_loop3A_575 = arith.constant 48 : index
      %parallel_loop3A_576 = tpu.vector_load %arg16[%parallel_loop3A_573, %parallel_loop3A_574, %parallel_loop3A_575] {strides = array<i32>} : memref<2x128x128xf32, #tpu.memory_space<vmem>>, vector<16xf32>,
      %parallel_loop3A_577 = arith.subf %parallel_loop3A_571, %parallel_loop3A_576 : vector<16xf32>
      %parallel_loop3A_578 = arith.subf %parallel_loop3A_577, %add3A_108 : vector<16xf32>
      %parallel_loop3A_579 = math.absf %parallel_loop3A_578 : vector<16xf32>
      %parallel_loop3A_580 = arith.subf %parallel_loop3A_579, %add3A_119 : vector<16xf32>
      %parallel_loop3A_581 = arith.maximumf %parallel_loop3A_580, %broadcast_in_dim3A_41 : vector<16xf32>
      %parallel_loop3A_582 = arith.addf %parallel_loop3A_565, %parallel_loop3A_581 : vector<16xf32>
      %parallel_loop3A_583 = arith.addf %parallel_loop3A_566, %parallel_loop3A_579 : vector<16xf32>
      %parallel_loop3A_584 = arith.constant 0 : i32
      %parallel_loop3A_585 = arith.index_cast %parallel_loop3A_584 : i32 to index
      %parallel_loop3A_586 = arith.index_cast %parallel_loop3A_515 : i32 to index
      %parallel_loop3A_587 = arith.constant 64 : index
      %parallel_loop3A_588 = tpu.vector_load %arg15[%parallel_loop3A_585, %parallel_loop3A_586, %parallel_loop3A_587] {strides = array<i32>} : memref<2x128x128xf32, #tpu.memory_space<vmem>>, vector<16xf32>,
      %parallel_loop3A_589 = arith.constant 0 : i32
      %parallel_loop3A_590 = arith.index_cast %parallel_loop3A_589 : i32 to index
      %parallel_loop3A_591 = arith.index_cast %parallel_loop3A_515 : i32 to index
      %parallel_loop3A_592 = arith.constant 64 : index
      %parallel_loop3A_593 = tpu.vector_load %arg16[%parallel_loop3A_590, %parallel_loop3A_591, %parallel_loop3A_592] {strides = array<i32>} : memref<2x128x128xf32, #tpu.memory_space<vmem>>, vector<16xf32>,
      %parallel_loop3A_594 = arith.subf %parallel_loop3A_588, %parallel_loop3A_593 : vector<16xf32>
      %parallel_loop3A_595 = arith.subf %parallel_loop3A_594, %add3A_128 : vector<16xf32>
      %parallel_loop3A_596 = math.absf %parallel_loop3A_595 : vector<16xf32>
      %parallel_loop3A_597 = arith.subf %parallel_loop3A_596, %add3A_139 : vector<16xf32>
      %parallel_loop3A_598 = arith.maximumf %parallel_loop3A_597, %broadcast_in_dim3A_41 : vector<16xf32>
      %parallel_loop3A_599 = arith.addf %parallel_loop3A_582, %parallel_loop3A_598 : vector<16xf32>
      %parallel_loop3A_600 = arith.addf %parallel_loop3A_583, %parallel_loop3A_596 : vector<16xf32>
      %parallel_loop3A_601 = arith.constant 0 : i32
      %parallel_loop3A_602 = arith.index_cast %parallel_loop3A_601 : i32 to index
      %parallel_loop3A_603 = arith.index_cast %parallel_loop3A_515 : i32 to index
      %parallel_loop3A_604 = arith.constant 80 : index
      %parallel_loop3A_605 = tpu.vector_load %arg15[%parallel_loop3A_602, %parallel_loop3A_603, %parallel_loop3A_604] {strides = array<i32>} : memref<2x128x128xf32, #tpu.memory_space<vmem>>, vector<16xf32>,
      %parallel_loop3A_606 = arith.constant 0 : i32
      %parallel_loop3A_607 = arith.index_cast %parallel_loop3A_606 : i32 to index
      %parallel_loop3A_608 = arith.index_cast %parallel_loop3A_515 : i32 to index
      %parallel_loop3A_609 = arith.constant 80 : index
      %parallel_loop3A_610 = tpu.vector_load %arg16[%parallel_loop3A_607, %parallel_loop3A_608, %parallel_loop3A_609] {strides = array<i32>} : memref<2x128x128xf32, #tpu.memory_space<vmem>>, vector<16xf32>,
      %parallel_loop3A_611 = arith.subf %parallel_loop3A_605, %parallel_loop3A_610 : vector<16xf32>
      %parallel_loop3A_612 = arith.subf %parallel_loop3A_611, %add3A_148 : vector<16xf32>
      %parallel_loop3A_613 = math.absf %parallel_loop3A_612 : vector<16xf32>
      %parallel_loop3A_614 = arith.subf %parallel_loop3A_613, %add3A_159 : vector<16xf32>
      %parallel_loop3A_615 = arith.maximumf %parallel_loop3A_614, %broadcast_in_dim3A_41 : vector<16xf32>
      %parallel_loop3A_616 = arith.addf %parallel_loop3A_599, %parallel_loop3A_615 : vector<16xf32>
      %parallel_loop3A_617 = arith.addf %parallel_loop3A_600, %parallel_loop3A_613 : vector<16xf32>
      %parallel_loop3A_618 = arith.constant 0 : i32
      %parallel_loop3A_619 = arith.index_cast %parallel_loop3A_618 : i32 to index
      %parallel_loop3A_620 = arith.index_cast %parallel_loop3A_515 : i32 to index
      %parallel_loop3A_621 = arith.constant 96 : index
      %parallel_loop3A_622 = tpu.vector_load %arg15[%parallel_loop3A_619, %parallel_loop3A_620, %parallel_loop3A_621] {strides = array<i32>} : memref<2x128x128xf32, #tpu.memory_space<vmem>>, vector<16xf32>,
      %parallel_loop3A_623 = arith.constant 0 : i32
      %parallel_loop3A_624 = arith.index_cast %parallel_loop3A_623 : i32 to index
      %parallel_loop3A_625 = arith.index_cast %parallel_loop3A_515 : i32 to index
      %parallel_loop3A_626 = arith.constant 96 : index
      %parallel_loop3A_627 = tpu.vector_load %arg16[%parallel_loop3A_624, %parallel_loop3A_625, %parallel_loop3A_626] {strides = array<i32>} : memref<2x128x128xf32, #tpu.memory_space<vmem>>, vector<16xf32>,
      %parallel_loop3A_628 = arith.subf %parallel_loop3A_622, %parallel_loop3A_627 : vector<16xf32>
      %parallel_loop3A_629 = arith.subf %parallel_loop3A_628, %add3A_168 : vector<16xf32>
      %parallel_loop3A_630 = math.absf %parallel_loop3A_629 : vector<16xf32>
      %parallel_loop3A_631 = arith.subf %parallel_loop3A_630, %add3A_179 : vector<16xf32>
      %parallel_loop3A_632 = arith.maximumf %parallel_loop3A_631, %broadcast_in_dim3A_41 : vector<16xf32>
      %parallel_loop3A_633 = arith.addf %parallel_loop3A_616, %parallel_loop3A_632 : vector<16xf32>
      %parallel_loop3A_634 = arith.addf %parallel_loop3A_617, %parallel_loop3A_630 : vector<16xf32>
      %parallel_loop3A_635 = arith.constant 0 : i32
      %parallel_loop3A_636 = arith.index_cast %parallel_loop3A_635 : i32 to index
      %parallel_loop3A_637 = arith.index_cast %parallel_loop3A_515 : i32 to index
      %parallel_loop3A_638 = arith.constant 112 : index
      %parallel_loop3A_639 = tpu.vector_load %arg15[%parallel_loop3A_636, %parallel_loop3A_637, %parallel_loop3A_638] {strides = array<i32>} : memref<2x128x128xf32, #tpu.memory_space<vmem>>, vector<16xf32>,
      %parallel_loop3A_640 = arith.constant 0 : i32
      %parallel_loop3A_641 = arith.index_cast %parallel_loop3A_640 : i32 to index
      %parallel_loop3A_642 = arith.index_cast %parallel_loop3A_515 : i32 to index
      %parallel_loop3A_643 = arith.constant 112 : index
      %parallel_loop3A_644 = tpu.vector_load %arg16[%parallel_loop3A_641, %parallel_loop3A_642, %parallel_loop3A_643] {strides = array<i32>} : memref<2x128x128xf32, #tpu.memory_space<vmem>>, vector<16xf32>,
      %parallel_loop3A_645 = arith.subf %parallel_loop3A_639, %parallel_loop3A_644 : vector<16xf32>
      %parallel_loop3A_646 = arith.subf %parallel_loop3A_645, %add3A_188 : vector<16xf32>
      %parallel_loop3A_647 = math.absf %parallel_loop3A_646 : vector<16xf32>
      %parallel_loop3A_648 = arith.subf %parallel_loop3A_647, %add3A_199 : vector<16xf32>
      %parallel_loop3A_649 = arith.maximumf %parallel_loop3A_648, %broadcast_in_dim3A_41 : vector<16xf32>
      %parallel_loop3A_650 = arith.addf %parallel_loop3A_633, %parallel_loop3A_649 : vector<16xf32>
      %parallel_loop3A_651 = arith.addf %parallel_loop3A_634, %parallel_loop3A_647 : vector<16xf32>
      %parallel_loop3A_652 = arith.index_cast %parallel_loop3A_515 : i32 to index
      %parallel_loop3A_653 = arith.constant 0 : index
      %parallel_loop3A_654 = tpu.vector_load %arg17[%parallel_loop3A_652, %parallel_loop3A_653] {strides = array<i32>} : memref<128x16xf32, #tpu.memory_space<vmem>>, vector<16xf32>,
      tpu.vector_store %arg17[%parallel_loop3A_652, %parallel_loop3A_653], %parallel_loop3A_650 {strides = array<i32>} : memref<128x16xf32, #tpu.memory_space<vmem>>, vector<16xf32>,
      %parallel_loop3A_655 = arith.index_cast %parallel_loop3A_515 : i32 to index
      %parallel_loop3A_656 = arith.constant 0 : index
      %parallel_loop3A_657 = tpu.vector_load %arg18[%parallel_loop3A_655, %parallel_loop3A_656] {strides = array<i32>} : memref<128x16xf32, #tpu.memory_space<vmem>>, vector<16xf32>,
      tpu.vector_store %arg18[%parallel_loop3A_655, %parallel_loop3A_656], %parallel_loop3A_651 {strides = array<i32>} : memref<128x16xf32, #tpu.memory_space<vmem>>, vector<16xf32>,
    } {sc.loop_unroll_factor = 1 : i64, sc.parallel_access}
    %parallel_loop3A_392 = arith.constant 0 : i32
    %parallel_loop3A_393 = arith.constant 8 : i32
    %parallel_loop3A_394 = arith.constant 1 : i32
    scf.for %parallel_loop3A_515 = %parallel_loop3A_392 to %parallel_loop3A_393 step %parallel_loop3A_394  : i32 {
      %parallel_loop3A_516 = arith.constant 16 : i32
      %parallel_loop3A_517 = arith.muli %parallel_loop3A_515, %parallel_loop3A_516 : i32
      %parallel_loop3A_518 = tpu.iota {dimensions = array<i32: 0>} : vector<16xi32>
      %parallel_loop3A_519 = vector.broadcast %parallel_loop3A_517 : i32 to vector<16xi32>
      %parallel_loop3A_520 = arith.addi %parallel_loop3A_519, %parallel_loop3A_518 : vector<16xi32>
      %parallel_loop3A_521 = arith.constant 0 : i32
      %parallel_loop3A_522 = vector.broadcast %parallel_loop3A_521 : i32 to vector<16xi32>
      %parallel_loop3A_523 = tpu.vector_load_idx %arg17[%parallel_loop3A_520, %parallel_loop3A_522] : memref<128x16xf32, #tpu.memory_space<vmem>>[vector<16xi32>, vector<16xi32>], vector<16xf32>,
      %parallel_loop3A_524 = arith.addf %broadcast_in_dim3A_41, %parallel_loop3A_523 : vector<16xf32>
      %parallel_loop3A_525 = tpu.vector_load_idx %arg18[%parallel_loop3A_520, %parallel_loop3A_522] : memref<128x16xf32, #tpu.memory_space<vmem>>[vector<16xi32>, vector<16xi32>], vector<16xf32>,
      %parallel_loop3A_526 = arith.addf %broadcast_in_dim3A_41, %parallel_loop3A_525 : vector<16xf32>
      %parallel_loop3A_527 = arith.constant 1 : i32
      %parallel_loop3A_528 = vector.broadcast %parallel_loop3A_527 : i32 to vector<16xi32>
      %parallel_loop3A_529 = tpu.vector_load_idx %arg17[%parallel_loop3A_520, %parallel_loop3A_528] : memref<128x16xf32, #tpu.memory_space<vmem>>[vector<16xi32>, vector<16xi32>], vector<16xf32>,
      %parallel_loop3A_530 = arith.addf %parallel_loop3A_524, %parallel_loop3A_529 : vector<16xf32>
      %parallel_loop3A_531 = tpu.vector_load_idx %arg18[%parallel_loop3A_520, %parallel_loop3A_528] : memref<128x16xf32, #tpu.memory_space<vmem>>[vector<16xi32>, vector<16xi32>], vector<16xf32>,
      %parallel_loop3A_532 = arith.addf %parallel_loop3A_526, %parallel_loop3A_531 : vector<16xf32>
      %parallel_loop3A_533 = arith.constant 2 : i32
      %parallel_loop3A_534 = vector.broadcast %parallel_loop3A_533 : i32 to vector<16xi32>
      %parallel_loop3A_535 = tpu.vector_load_idx %arg17[%parallel_loop3A_520, %parallel_loop3A_534] : memref<128x16xf32, #tpu.memory_space<vmem>>[vector<16xi32>, vector<16xi32>], vector<16xf32>,
      %parallel_loop3A_536 = arith.addf %parallel_loop3A_530, %parallel_loop3A_535 : vector<16xf32>
      %parallel_loop3A_537 = tpu.vector_load_idx %arg18[%parallel_loop3A_520, %parallel_loop3A_534] : memref<128x16xf32, #tpu.memory_space<vmem>>[vector<16xi32>, vector<16xi32>], vector<16xf32>,
      %parallel_loop3A_538 = arith.addf %parallel_loop3A_532, %parallel_loop3A_537 : vector<16xf32>
      %parallel_loop3A_539 = arith.constant 3 : i32
      %parallel_loop3A_540 = vector.broadcast %parallel_loop3A_539 : i32 to vector<16xi32>
      %parallel_loop3A_541 = tpu.vector_load_idx %arg17[%parallel_loop3A_520, %parallel_loop3A_540] : memref<128x16xf32, #tpu.memory_space<vmem>>[vector<16xi32>, vector<16xi32>], vector<16xf32>,
      %parallel_loop3A_542 = arith.addf %parallel_loop3A_536, %parallel_loop3A_541 : vector<16xf32>
      %parallel_loop3A_543 = tpu.vector_load_idx %arg18[%parallel_loop3A_520, %parallel_loop3A_540] : memref<128x16xf32, #tpu.memory_space<vmem>>[vector<16xi32>, vector<16xi32>], vector<16xf32>,
      %parallel_loop3A_544 = arith.addf %parallel_loop3A_538, %parallel_loop3A_543 : vector<16xf32>
      %parallel_loop3A_545 = arith.constant 4 : i32
      %parallel_loop3A_546 = vector.broadcast %parallel_loop3A_545 : i32 to vector<16xi32>
      %parallel_loop3A_547 = tpu.vector_load_idx %arg17[%parallel_loop3A_520, %parallel_loop3A_546] : memref<128x16xf32, #tpu.memory_space<vmem>>[vector<16xi32>, vector<16xi32>], vector<16xf32>,
      %parallel_loop3A_548 = arith.addf %parallel_loop3A_542, %parallel_loop3A_547 : vector<16xf32>
      %parallel_loop3A_549 = tpu.vector_load_idx %arg18[%parallel_loop3A_520, %parallel_loop3A_546] : memref<128x16xf32, #tpu.memory_space<vmem>>[vector<16xi32>, vector<16xi32>], vector<16xf32>,
      %parallel_loop3A_550 = arith.addf %parallel_loop3A_544, %parallel_loop3A_549 : vector<16xf32>
      %parallel_loop3A_551 = arith.constant 5 : i32
      %parallel_loop3A_552 = vector.broadcast %parallel_loop3A_551 : i32 to vector<16xi32>
      %parallel_loop3A_553 = tpu.vector_load_idx %arg17[%parallel_loop3A_520, %parallel_loop3A_552] : memref<128x16xf32, #tpu.memory_space<vmem>>[vector<16xi32>, vector<16xi32>], vector<16xf32>,
      %parallel_loop3A_554 = arith.addf %parallel_loop3A_548, %parallel_loop3A_553 : vector<16xf32>
      %parallel_loop3A_555 = tpu.vector_load_idx %arg18[%parallel_loop3A_520, %parallel_loop3A_552] : memref<128x16xf32, #tpu.memory_space<vmem>>[vector<16xi32>, vector<16xi32>], vector<16xf32>,
      %parallel_loop3A_556 = arith.addf %parallel_loop3A_550, %parallel_loop3A_555 : vector<16xf32>
      %parallel_loop3A_557 = arith.constant 6 : i32
      %parallel_loop3A_558 = vector.broadcast %parallel_loop3A_557 : i32 to vector<16xi32>
      %parallel_loop3A_559 = tpu.vector_load_idx %arg17[%parallel_loop3A_520, %parallel_loop3A_558] : memref<128x16xf32, #tpu.memory_space<vmem>>[vector<16xi32>, vector<16xi32>], vector<16xf32>,
      %parallel_loop3A_560 = arith.addf %parallel_loop3A_554, %parallel_loop3A_559 : vector<16xf32>
      %parallel_loop3A_561 = tpu.vector_load_idx %arg18[%parallel_loop3A_520, %parallel_loop3A_558] : memref<128x16xf32, #tpu.memory_space<vmem>>[vector<16xi32>, vector<16xi32>], vector<16xf32>,
      %parallel_loop3A_562 = arith.addf %parallel_loop3A_556, %parallel_loop3A_561 : vector<16xf32>
      %parallel_loop3A_563 = arith.constant 7 : i32
      %parallel_loop3A_564 = vector.broadcast %parallel_loop3A_563 : i32 to vector<16xi32>
      %parallel_loop3A_565 = tpu.vector_load_idx %arg17[%parallel_loop3A_520, %parallel_loop3A_564] : memref<128x16xf32, #tpu.memory_space<vmem>>[vector<16xi32>, vector<16xi32>], vector<16xf32>,
      %parallel_loop3A_566 = arith.addf %parallel_loop3A_560, %parallel_loop3A_565 : vector<16xf32>
      %parallel_loop3A_567 = tpu.vector_load_idx %arg18[%parallel_loop3A_520, %parallel_loop3A_564] : memref<128x16xf32, #tpu.memory_space<vmem>>[vector<16xi32>, vector<16xi32>], vector<16xf32>,
      %parallel_loop3A_568 = arith.addf %parallel_loop3A_562, %parallel_loop3A_567 : vector<16xf32>
      %parallel_loop3A_569 = arith.constant 8 : i32
      %parallel_loop3A_570 = vector.broadcast %parallel_loop3A_569 : i32 to vector<16xi32>
      %parallel_loop3A_571 = tpu.vector_load_idx %arg17[%parallel_loop3A_520, %parallel_loop3A_570] : memref<128x16xf32, #tpu.memory_space<vmem>>[vector<16xi32>, vector<16xi32>], vector<16xf32>,
      %parallel_loop3A_572 = arith.addf %parallel_loop3A_566, %parallel_loop3A_571 : vector<16xf32>
      %parallel_loop3A_573 = tpu.vector_load_idx %arg18[%parallel_loop3A_520, %parallel_loop3A_570] : memref<128x16xf32, #tpu.memory_space<vmem>>[vector<16xi32>, vector<16xi32>], vector<16xf32>,
      %parallel_loop3A_574 = arith.addf %parallel_loop3A_568, %parallel_loop3A_573 : vector<16xf32>
      %parallel_loop3A_575 = arith.constant 9 : i32
      %parallel_loop3A_576 = vector.broadcast %parallel_loop3A_575 : i32 to vector<16xi32>
      %parallel_loop3A_577 = tpu.vector_load_idx %arg17[%parallel_loop3A_520, %parallel_loop3A_576] : memref<128x16xf32, #tpu.memory_space<vmem>>[vector<16xi32>, vector<16xi32>], vector<16xf32>,
      %parallel_loop3A_578 = arith.addf %parallel_loop3A_572, %parallel_loop3A_577 : vector<16xf32>
      %parallel_loop3A_579 = tpu.vector_load_idx %arg18[%parallel_loop3A_520, %parallel_loop3A_576] : memref<128x16xf32, #tpu.memory_space<vmem>>[vector<16xi32>, vector<16xi32>], vector<16xf32>,
      %parallel_loop3A_580 = arith.addf %parallel_loop3A_574, %parallel_loop3A_579 : vector<16xf32>
      %parallel_loop3A_581 = arith.constant 10 : i32
      %parallel_loop3A_582 = vector.broadcast %parallel_loop3A_581 : i32 to vector<16xi32>
      %parallel_loop3A_583 = tpu.vector_load_idx %arg17[%parallel_loop3A_520, %parallel_loop3A_582] : memref<128x16xf32, #tpu.memory_space<vmem>>[vector<16xi32>, vector<16xi32>], vector<16xf32>,
      %parallel_loop3A_584 = arith.addf %parallel_loop3A_578, %parallel_loop3A_583 : vector<16xf32>
      %parallel_loop3A_585 = tpu.vector_load_idx %arg18[%parallel_loop3A_520, %parallel_loop3A_582] : memref<128x16xf32, #tpu.memory_space<vmem>>[vector<16xi32>, vector<16xi32>], vector<16xf32>,
      %parallel_loop3A_586 = arith.addf %parallel_loop3A_580, %parallel_loop3A_585 : vector<16xf32>
      %parallel_loop3A_587 = arith.constant 11 : i32
      %parallel_loop3A_588 = vector.broadcast %parallel_loop3A_587 : i32 to vector<16xi32>
      %parallel_loop3A_589 = tpu.vector_load_idx %arg17[%parallel_loop3A_520, %parallel_loop3A_588] : memref<128x16xf32, #tpu.memory_space<vmem>>[vector<16xi32>, vector<16xi32>], vector<16xf32>,
      %parallel_loop3A_590 = arith.addf %parallel_loop3A_584, %parallel_loop3A_589 : vector<16xf32>
      %parallel_loop3A_591 = tpu.vector_load_idx %arg18[%parallel_loop3A_520, %parallel_loop3A_588] : memref<128x16xf32, #tpu.memory_space<vmem>>[vector<16xi32>, vector<16xi32>], vector<16xf32>,
      %parallel_loop3A_592 = arith.addf %parallel_loop3A_586, %parallel_loop3A_591 : vector<16xf32>
      %parallel_loop3A_593 = arith.constant 12 : i32
      %parallel_loop3A_594 = vector.broadcast %parallel_loop3A_593 : i32 to vector<16xi32>
      %parallel_loop3A_595 = tpu.vector_load_idx %arg17[%parallel_loop3A_520, %parallel_loop3A_594] : memref<128x16xf32, #tpu.memory_space<vmem>>[vector<16xi32>, vector<16xi32>], vector<16xf32>,
      %parallel_loop3A_596 = arith.addf %parallel_loop3A_590, %parallel_loop3A_595 : vector<16xf32>
      %parallel_loop3A_597 = tpu.vector_load_idx %arg18[%parallel_loop3A_520, %parallel_loop3A_594] : memref<128x16xf32, #tpu.memory_space<vmem>>[vector<16xi32>, vector<16xi32>], vector<16xf32>,
      %parallel_loop3A_598 = arith.addf %parallel_loop3A_592, %parallel_loop3A_597 : vector<16xf32>
      %parallel_loop3A_599 = arith.constant 13 : i32
      %parallel_loop3A_600 = vector.broadcast %parallel_loop3A_599 : i32 to vector<16xi32>
      %parallel_loop3A_601 = tpu.vector_load_idx %arg17[%parallel_loop3A_520, %parallel_loop3A_600] : memref<128x16xf32, #tpu.memory_space<vmem>>[vector<16xi32>, vector<16xi32>], vector<16xf32>,
      %parallel_loop3A_602 = arith.addf %parallel_loop3A_596, %parallel_loop3A_601 : vector<16xf32>
      %parallel_loop3A_603 = tpu.vector_load_idx %arg18[%parallel_loop3A_520, %parallel_loop3A_600] : memref<128x16xf32, #tpu.memory_space<vmem>>[vector<16xi32>, vector<16xi32>], vector<16xf32>,
      %parallel_loop3A_604 = arith.addf %parallel_loop3A_598, %parallel_loop3A_603 : vector<16xf32>
      %parallel_loop3A_605 = arith.constant 14 : i32
      %parallel_loop3A_606 = vector.broadcast %parallel_loop3A_605 : i32 to vector<16xi32>
      %parallel_loop3A_607 = tpu.vector_load_idx %arg17[%parallel_loop3A_520, %parallel_loop3A_606] : memref<128x16xf32, #tpu.memory_space<vmem>>[vector<16xi32>, vector<16xi32>], vector<16xf32>,
      %parallel_loop3A_608 = arith.addf %parallel_loop3A_602, %parallel_loop3A_607 : vector<16xf32>
      %parallel_loop3A_609 = tpu.vector_load_idx %arg18[%parallel_loop3A_520, %parallel_loop3A_606] : memref<128x16xf32, #tpu.memory_space<vmem>>[vector<16xi32>, vector<16xi32>], vector<16xf32>,
      %parallel_loop3A_610 = arith.addf %parallel_loop3A_604, %parallel_loop3A_609 : vector<16xf32>
      %parallel_loop3A_611 = arith.constant 15 : i32
      %parallel_loop3A_612 = vector.broadcast %parallel_loop3A_611 : i32 to vector<16xi32>
      %parallel_loop3A_613 = tpu.vector_load_idx %arg17[%parallel_loop3A_520, %parallel_loop3A_612] : memref<128x16xf32, #tpu.memory_space<vmem>>[vector<16xi32>, vector<16xi32>], vector<16xf32>,
      %parallel_loop3A_614 = arith.addf %parallel_loop3A_608, %parallel_loop3A_613 : vector<16xf32>
      %parallel_loop3A_615 = tpu.vector_load_idx %arg18[%parallel_loop3A_520, %parallel_loop3A_612] : memref<128x16xf32, #tpu.memory_space<vmem>>[vector<16xi32>, vector<16xi32>], vector<16xf32>,
      %parallel_loop3A_616 = arith.addf %parallel_loop3A_610, %parallel_loop3A_615 : vector<16xf32>
      %parallel_loop3A_617 = arith.constant 9.800000e-01 : f32
      %parallel_loop3A_618 = vector.broadcast %parallel_loop3A_617 : f32 to vector<16xf32>
      %parallel_loop3A_619 = arith.mulf %parallel_loop3A_618, %parallel_loop3A_614 : vector<16xf32>
      %parallel_loop3A_620 = arith.constant 2.000000e-02 : f32
      %parallel_loop3A_621 = vector.broadcast %parallel_loop3A_620 : f32 to vector<16xf32>
      %parallel_loop3A_622 = arith.mulf %parallel_loop3A_621, %parallel_loop3A_616 : vector<16xf32>
      %parallel_loop3A_623 = arith.addf %parallel_loop3A_619, %parallel_loop3A_622 : vector<16xf32>
      %parallel_loop3A_624 = arith.constant 0 : i32
      %parallel_loop3A_625 = arith.index_cast %parallel_loop3A_624 : i32 to index
      %parallel_loop3A_626 = arith.index_cast %parallel_loop3A_517 : i32 to index
      %parallel_loop3A_627 = tpu.vector_load %arg19[%parallel_loop3A_625, %parallel_loop3A_626] {strides = array<i32>} : memref<2x128xf32, #tpu.memory_space<vmem>>, vector<16xf32>,
      tpu.vector_store %arg19[%parallel_loop3A_625, %parallel_loop3A_626], %parallel_loop3A_623 {strides = array<i32>} : memref<2x128xf32, #tpu.memory_space<vmem>>, vector<16xf32>,
      %parallel_loop3A_628 = arith.constant 0.000000e+00 : f32
      %parallel_loop3A_629 = vector.broadcast %parallel_loop3A_628 : f32 to vector<16xf32>
      %parallel_loop3A_630 = arith.cmpf oeq, %parallel_loop3A_614, %parallel_loop3A_629 : vector<16xf32>
      %parallel_loop3A_631 = arith.extui %parallel_loop3A_630 : vector<16xi1> to vector<16xi32>
      %parallel_loop3A_632 = arith.constant 0 : i32
      %parallel_loop3A_633 = arith.index_cast %parallel_loop3A_632 : i32 to index
      %parallel_loop3A_634 = arith.index_cast %parallel_loop3A_517 : i32 to index
      %parallel_loop3A_635 = tpu.vector_load %arg20[%parallel_loop3A_633, %parallel_loop3A_634] {strides = array<i32>} : memref<2x128xi32, #tpu.memory_space<vmem>>, vector<16xi32>,
      tpu.vector_store %arg20[%parallel_loop3A_633, %parallel_loop3A_634], %parallel_loop3A_631 {strides = array<i32>} : memref<2x128xi32, #tpu.memory_space<vmem>>, vector<16xi32>,
    } {sc.loop_unroll_factor = 1 : i64, sc.parallel_access}
    %add3A_395 = arith.constant 256 : i32
    %add3A_396 = arith.addi %mul3A_2, %add3A_395 : i32
    %dma_start3A_397 = arith.constant 0 : i32
    %dma_start3A_398 = arith.constant 0 : i32
    %dma_start3A_399 = tpu.memref_slice %arg19[%dma_start3A_397, %dma_start3A_398] : memref<2x128xf32, #tpu.memory_space<vmem>> -> memref<1x128xf32, #tpu.memory_space<vmem>>
    %dma_start3A_400 = tpu.memref_squeeze %dma_start3A_399 : memref<1x128xf32, #tpu.memory_space<vmem>> -> memref<128xf32, #tpu.memory_space<vmem>>
    %dma_start3A_401 = tpu.memref_slice %arg8[%add3A_396] : memref<16384xf32, #tpu.memory_space<hbm>> -> memref<128xf32, #tpu.memory_space<hbm>>
    %dma_start3A_402 = tpu.memref_slice %arg8[%add3A_396] : memref<16384xf32, #tpu.memory_space<hbm>> -> memref<128xf32, #tpu.memory_space<hbm>>
    %dma_start3A_403 = arith.constant 0 : i32
    %dma_start3A_404 = tpu.memref_slice %arg19[%dma_start3A_397, %dma_start3A_403] : memref<2x128xf32, #tpu.memory_space<vmem>> -> memref<1x128xf32, #tpu.memory_space<vmem>>
    %dma_start3A_405 = tpu.memref_squeeze %dma_start3A_404 : memref<1x128xf32, #tpu.memory_space<vmem>> -> memref<128xf32, #tpu.memory_space<vmem>>
    tpu.enqueue_dma source(%dma_start3A_405 : memref<128xf32, #tpu.memory_space<vmem>>) target(%dma_start3A_402 : memref<128xf32, #tpu.memory_space<hbm>>) target_semaphore(%arg25 : memref<!tpu.dma_semaphore, #tpu.memory_space<semaphore_mem>>)
    %dma_start3A_406 = arith.constant 0 : i32
    %dma_start3A_407 = arith.constant 0 : i32
    %dma_start3A_408 = tpu.memref_slice %arg20[%dma_start3A_406, %dma_start3A_407] : memref<2x128xi32, #tpu.memory_space<vmem>> -> memref<1x128xi32, #tpu.memory_space<vmem>>
    %dma_start3A_409 = tpu.memref_squeeze %dma_start3A_408 : memref<1x128xi32, #tpu.memory_space<vmem>> -> memref<128xi32, #tpu.memory_space<vmem>>
    %dma_start3A_410 = tpu.memref_slice %arg9[%add3A_396] : memref<16384xi32, #tpu.memory_space<hbm>> -> memref<128xi32, #tpu.memory_space<hbm>>
    %dma_start3A_411 = tpu.memref_slice %arg9[%add3A_396] : memref<16384xi32, #tpu.memory_space<hbm>> -> memref<128xi32, #tpu.memory_space<hbm>>
    %dma_start3A_412 = arith.constant 0 : i32
    %dma_start3A_413 = tpu.memref_slice %arg20[%dma_start3A_406, %dma_start3A_412] : memref<2x128xi32, #tpu.memory_space<vmem>> -> memref<1x128xi32, #tpu.memory_space<vmem>>
    %dma_start3A_414 = tpu.memref_squeeze %dma_start3A_413 : memref<1x128xi32, #tpu.memory_space<vmem>> -> memref<128xi32, #tpu.memory_space<vmem>>
    tpu.enqueue_dma source(%dma_start3A_414 : memref<128xi32, #tpu.memory_space<vmem>>) target(%dma_start3A_411 : memref<128xi32, #tpu.memory_space<hbm>>) target_semaphore(%arg25 : memref<!tpu.dma_semaphore, #tpu.memory_space<semaphore_mem>>)
    %dma_wait3A_415 = arith.constant 1 : i32
    %dma_wait3A_416 = arith.constant 0 : i32
    %dma_wait3A_417 = arith.constant 0 : i32
    %dma_wait3A_418 = tpu.memref_slice %arg15[%dma_wait3A_415, %dma_wait3A_416, %dma_wait3A_417] : memref<2x128x128xf32, #tpu.memory_space<vmem>> -> memref<1x128x128xf32, #tpu.memory_space<vmem>>
    %dma_wait3A_419 = tpu.memref_squeeze %dma_wait3A_418 : memref<1x128x128xf32, #tpu.memory_space<vmem>> -> memref<128x128xf32, #tpu.memory_space<vmem>>
    %dma_wait3A_420 = arith.constant 384 : i32
    %dma_wait3A_421 = tpu.memref_slice %arg13[%dma_wait3A_420] : memref<512xi32, #tpu.memory_space<vmem>> -> memref<128xi32, #tpu.memory_space<vmem>>
    %dma_wait3A_422 = arith.constant 0 : i32
    %dma_wait3A_423 = arith.constant 0 : i32
    %dma_wait3A_424 = tpu.memref_slice %arg2[%dma_wait3A_422, %dma_wait3A_423] : memref<1000000x128xf32, #tpu.memory_space<hbm>> -> memref<1000000x128xf32, #tpu.memory_space<hbm>>
    tpu.wait_indirect_dma semaphore(%arg23 : memref<!tpu.dma_semaphore, #tpu.memory_space<semaphore_mem>>) src(%dma_wait3A_424 : memref<1000000x128xf32, #tpu.memory_space<hbm>>) dst(%dma_wait3A_419 : memref<128x128xf32, #tpu.memory_space<vmem>>)
    %dma_wait3A_425 = arith.constant 1 : i32
    %dma_wait3A_426 = arith.constant 0 : i32
    %dma_wait3A_427 = arith.constant 0 : i32
    %dma_wait3A_428 = tpu.memref_slice %arg16[%dma_wait3A_425, %dma_wait3A_426, %dma_wait3A_427] : memref<2x128x128xf32, #tpu.memory_space<vmem>> -> memref<1x128x128xf32, #tpu.memory_space<vmem>>
    %dma_wait3A_429 = tpu.memref_squeeze %dma_wait3A_428 : memref<1x128x128xf32, #tpu.memory_space<vmem>> -> memref<128x128xf32, #tpu.memory_space<vmem>>
    %dma_wait3A_430 = arith.constant 384 : i32
    %dma_wait3A_431 = tpu.memref_slice %arg14[%dma_wait3A_430] : memref<512xi32, #tpu.memory_space<vmem>> -> memref<128xi32, #tpu.memory_space<vmem>>
    %dma_wait3A_432 = arith.constant 0 : i32
    %dma_wait3A_433 = arith.constant 0 : i32
    %dma_wait3A_434 = tpu.memref_slice %arg2[%dma_wait3A_432, %dma_wait3A_433] : memref<1000000x128xf32, #tpu.memory_space<hbm>> -> memref<1000000x128xf32, #tpu.memory_space<hbm>>
    tpu.wait_indirect_dma semaphore(%arg24 : memref<!tpu.dma_semaphore, #tpu.memory_space<semaphore_mem>>) src(%dma_wait3A_434 : memref<1000000x128xf32, #tpu.memory_space<hbm>>) dst(%dma_wait3A_429 : memref<128x128xf32, #tpu.memory_space<vmem>>)
    %dma_wait3A_435 = arith.constant 1 : i32
    %dma_wait3A_436 = arith.constant 0 : i32
    %dma_wait3A_437 = tpu.memref_slice %arg19[%dma_wait3A_435, %dma_wait3A_436] : memref<2x128xf32, #tpu.memory_space<vmem>> -> memref<1x128xf32, #tpu.memory_space<vmem>>
    %dma_wait3A_438 = tpu.memref_squeeze %dma_wait3A_437 : memref<1x128xf32, #tpu.memory_space<vmem>> -> memref<128xf32, #tpu.memory_space<vmem>>
    %dma_wait3A_439 = tpu.memref_slice %arg8[%add3A_312] : memref<16384xf32, #tpu.memory_space<hbm>> -> memref<128xf32, #tpu.memory_space<hbm>>
    %dma_wait3A_440 = tpu.memref_slice %arg8[%add3A_312] : memref<16384xf32, #tpu.memory_space<hbm>> -> memref<128xf32, #tpu.memory_space<hbm>>
    %dma_wait3A_441 = arith.constant 0 : i32
    %dma_wait3A_442 = tpu.memref_slice %arg19[%dma_wait3A_435, %dma_wait3A_441] : memref<2x128xf32, #tpu.memory_space<vmem>> -> memref<1x128xf32, #tpu.memory_space<vmem>>
    %dma_wait3A_443 = tpu.memref_squeeze %dma_wait3A_442 : memref<1x128xf32, #tpu.memory_space<vmem>> -> memref<128xf32, #tpu.memory_space<vmem>>
    tpu.wait_dma2 semaphore(%arg25 : memref<!tpu.dma_semaphore, #tpu.memory_space<semaphore_mem>>) src(%dma_wait3A_443 : memref<128xf32, #tpu.memory_space<vmem>>) dst(%dma_wait3A_440 : memref<128xf32, #tpu.memory_space<hbm>>)
    %dma_wait3A_444 = arith.constant 1 : i32
    %dma_wait3A_445 = arith.constant 0 : i32
    %dma_wait3A_446 = tpu.memref_slice %arg20[%dma_wait3A_444, %dma_wait3A_445] : memref<2x128xi32, #tpu.memory_space<vmem>> -> memref<1x128xi32, #tpu.memory_space<vmem>>
    %dma_wait3A_447 = tpu.memref_squeeze %dma_wait3A_446 : memref<1x128xi32, #tpu.memory_space<vmem>> -> memref<128xi32, #tpu.memory_space<vmem>>
    %dma_wait3A_448 = tpu.memref_slice %arg9[%add3A_312] : memref<16384xi32, #tpu.memory_space<hbm>> -> memref<128xi32, #tpu.memory_space<hbm>>
    %dma_wait3A_449 = tpu.memref_slice %arg9[%add3A_312] : memref<16384xi32, #tpu.memory_space<hbm>> -> memref<128xi32, #tpu.memory_space<hbm>>
    %dma_wait3A_450 = arith.constant 0 : i32
    %dma_wait3A_451 = tpu.memref_slice %arg20[%dma_wait3A_444, %dma_wait3A_450] : memref<2x128xi32, #tpu.memory_space<vmem>> -> memref<1x128xi32, #tpu.memory_space<vmem>>
    %dma_wait3A_452 = tpu.memref_squeeze %dma_wait3A_451 : memref<1x128xi32, #tpu.memory_space<vmem>> -> memref<128xi32, #tpu.memory_space<vmem>>
    tpu.wait_dma2 semaphore(%arg25 : memref<!tpu.dma_semaphore, #tpu.memory_space<semaphore_mem>>) src(%dma_wait3A_452 : memref<128xi32, #tpu.memory_space<vmem>>) dst(%dma_wait3A_449 : memref<128xi32, #tpu.memory_space<hbm>>)
    %parallel_loop3A_453 = arith.constant 0 : i32
    %parallel_loop3A_454 = arith.constant 128 : i32
    %parallel_loop3A_455 = arith.constant 1 : i32
    scf.for %parallel_loop3A_515 = %parallel_loop3A_453 to %parallel_loop3A_454 step %parallel_loop3A_455  : i32 {
      %parallel_loop3A_516 = arith.constant 1 : i32
      %parallel_loop3A_517 = arith.index_cast %parallel_loop3A_516 : i32 to index
      %parallel_loop3A_518 = arith.index_cast %parallel_loop3A_515 : i32 to index
      %parallel_loop3A_519 = arith.constant 0 : index
      %parallel_loop3A_520 = tpu.vector_load %arg15[%parallel_loop3A_517, %parallel_loop3A_518, %parallel_loop3A_519] {strides = array<i32>} : memref<2x128x128xf32, #tpu.memory_space<vmem>>, vector<16xf32>,
      %parallel_loop3A_521 = arith.constant 1 : i32
      %parallel_loop3A_522 = arith.index_cast %parallel_loop3A_521 : i32 to index
      %parallel_loop3A_523 = arith.index_cast %parallel_loop3A_515 : i32 to index
      %parallel_loop3A_524 = arith.constant 0 : index
      %parallel_loop3A_525 = tpu.vector_load %arg16[%parallel_loop3A_522, %parallel_loop3A_523, %parallel_loop3A_524] {strides = array<i32>} : memref<2x128x128xf32, #tpu.memory_space<vmem>>, vector<16xf32>,
      %parallel_loop3A_526 = arith.subf %parallel_loop3A_520, %parallel_loop3A_525 : vector<16xf32>
      %parallel_loop3A_527 = arith.subf %parallel_loop3A_526, %add3A_49 : vector<16xf32>
      %parallel_loop3A_528 = math.absf %parallel_loop3A_527 : vector<16xf32>
      %parallel_loop3A_529 = arith.subf %parallel_loop3A_528, %add3A_59 : vector<16xf32>
      %parallel_loop3A_530 = arith.maximumf %parallel_loop3A_529, %broadcast_in_dim3A_41 : vector<16xf32>
      %parallel_loop3A_531 = arith.addf %broadcast_in_dim3A_41, %parallel_loop3A_530 : vector<16xf32>
      %parallel_loop3A_532 = arith.addf %broadcast_in_dim3A_41, %parallel_loop3A_528 : vector<16xf32>
      %parallel_loop3A_533 = arith.constant 1 : i32
      %parallel_loop3A_534 = arith.index_cast %parallel_loop3A_533 : i32 to index
      %parallel_loop3A_535 = arith.index_cast %parallel_loop3A_515 : i32 to index
      %parallel_loop3A_536 = arith.constant 16 : index
      %parallel_loop3A_537 = tpu.vector_load %arg15[%parallel_loop3A_534, %parallel_loop3A_535, %parallel_loop3A_536] {strides = array<i32>} : memref<2x128x128xf32, #tpu.memory_space<vmem>>, vector<16xf32>,
      %parallel_loop3A_538 = arith.constant 1 : i32
      %parallel_loop3A_539 = arith.index_cast %parallel_loop3A_538 : i32 to index
      %parallel_loop3A_540 = arith.index_cast %parallel_loop3A_515 : i32 to index
      %parallel_loop3A_541 = arith.constant 16 : index
      %parallel_loop3A_542 = tpu.vector_load %arg16[%parallel_loop3A_539, %parallel_loop3A_540, %parallel_loop3A_541] {strides = array<i32>} : memref<2x128x128xf32, #tpu.memory_space<vmem>>, vector<16xf32>,
      %parallel_loop3A_543 = arith.subf %parallel_loop3A_537, %parallel_loop3A_542 : vector<16xf32>
      %parallel_loop3A_544 = arith.subf %parallel_loop3A_543, %add3A_68 : vector<16xf32>
      %parallel_loop3A_545 = math.absf %parallel_loop3A_544 : vector<16xf32>
      %parallel_loop3A_546 = arith.subf %parallel_loop3A_545, %add3A_79 : vector<16xf32>
      %parallel_loop3A_547 = arith.maximumf %parallel_loop3A_546, %broadcast_in_dim3A_41 : vector<16xf32>
      %parallel_loop3A_548 = arith.addf %parallel_loop3A_531, %parallel_loop3A_547 : vector<16xf32>
      %parallel_loop3A_549 = arith.addf %parallel_loop3A_532, %parallel_loop3A_545 : vector<16xf32>
      %parallel_loop3A_550 = arith.constant 1 : i32
      %parallel_loop3A_551 = arith.index_cast %parallel_loop3A_550 : i32 to index
      %parallel_loop3A_552 = arith.index_cast %parallel_loop3A_515 : i32 to index
      %parallel_loop3A_553 = arith.constant 32 : index
      %parallel_loop3A_554 = tpu.vector_load %arg15[%parallel_loop3A_551, %parallel_loop3A_552, %parallel_loop3A_553] {strides = array<i32>} : memref<2x128x128xf32, #tpu.memory_space<vmem>>, vector<16xf32>,
      %parallel_loop3A_555 = arith.constant 1 : i32
      %parallel_loop3A_556 = arith.index_cast %parallel_loop3A_555 : i32 to index
      %parallel_loop3A_557 = arith.index_cast %parallel_loop3A_515 : i32 to index
      %parallel_loop3A_558 = arith.constant 32 : index
      %parallel_loop3A_559 = tpu.vector_load %arg16[%parallel_loop3A_556, %parallel_loop3A_557, %parallel_loop3A_558] {strides = array<i32>} : memref<2x128x128xf32, #tpu.memory_space<vmem>>, vector<16xf32>,
      %parallel_loop3A_560 = arith.subf %parallel_loop3A_554, %parallel_loop3A_559 : vector<16xf32>
      %parallel_loop3A_561 = arith.subf %parallel_loop3A_560, %add3A_88 : vector<16xf32>
      %parallel_loop3A_562 = math.absf %parallel_loop3A_561 : vector<16xf32>
      %parallel_loop3A_563 = arith.subf %parallel_loop3A_562, %add3A_99 : vector<16xf32>
      %parallel_loop3A_564 = arith.maximumf %parallel_loop3A_563, %broadcast_in_dim3A_41 : vector<16xf32>
      %parallel_loop3A_565 = arith.addf %parallel_loop3A_548, %parallel_loop3A_564 : vector<16xf32>
      %parallel_loop3A_566 = arith.addf %parallel_loop3A_549, %parallel_loop3A_562 : vector<16xf32>
      %parallel_loop3A_567 = arith.constant 1 : i32
      %parallel_loop3A_568 = arith.index_cast %parallel_loop3A_567 : i32 to index
      %parallel_loop3A_569 = arith.index_cast %parallel_loop3A_515 : i32 to index
      %parallel_loop3A_570 = arith.constant 48 : index
      %parallel_loop3A_571 = tpu.vector_load %arg15[%parallel_loop3A_568, %parallel_loop3A_569, %parallel_loop3A_570] {strides = array<i32>} : memref<2x128x128xf32, #tpu.memory_space<vmem>>, vector<16xf32>,
      %parallel_loop3A_572 = arith.constant 1 : i32
      %parallel_loop3A_573 = arith.index_cast %parallel_loop3A_572 : i32 to index
      %parallel_loop3A_574 = arith.index_cast %parallel_loop3A_515 : i32 to index
      %parallel_loop3A_575 = arith.constant 48 : index
      %parallel_loop3A_576 = tpu.vector_load %arg16[%parallel_loop3A_573, %parallel_loop3A_574, %parallel_loop3A_575] {strides = array<i32>} : memref<2x128x128xf32, #tpu.memory_space<vmem>>, vector<16xf32>,
      %parallel_loop3A_577 = arith.subf %parallel_loop3A_571, %parallel_loop3A_576 : vector<16xf32>
      %parallel_loop3A_578 = arith.subf %parallel_loop3A_577, %add3A_108 : vector<16xf32>
      %parallel_loop3A_579 = math.absf %parallel_loop3A_578 : vector<16xf32>
      %parallel_loop3A_580 = arith.subf %parallel_loop3A_579, %add3A_119 : vector<16xf32>
      %parallel_loop3A_581 = arith.maximumf %parallel_loop3A_580, %broadcast_in_dim3A_41 : vector<16xf32>
      %parallel_loop3A_582 = arith.addf %parallel_loop3A_565, %parallel_loop3A_581 : vector<16xf32>
      %parallel_loop3A_583 = arith.addf %parallel_loop3A_566, %parallel_loop3A_579 : vector<16xf32>
      %parallel_loop3A_584 = arith.constant 1 : i32
      %parallel_loop3A_585 = arith.index_cast %parallel_loop3A_584 : i32 to index
      %parallel_loop3A_586 = arith.index_cast %parallel_loop3A_515 : i32 to index
      %parallel_loop3A_587 = arith.constant 64 : index
      %parallel_loop3A_588 = tpu.vector_load %arg15[%parallel_loop3A_585, %parallel_loop3A_586, %parallel_loop3A_587] {strides = array<i32>} : memref<2x128x128xf32, #tpu.memory_space<vmem>>, vector<16xf32>,
      %parallel_loop3A_589 = arith.constant 1 : i32
      %parallel_loop3A_590 = arith.index_cast %parallel_loop3A_589 : i32 to index
      %parallel_loop3A_591 = arith.index_cast %parallel_loop3A_515 : i32 to index
      %parallel_loop3A_592 = arith.constant 64 : index
      %parallel_loop3A_593 = tpu.vector_load %arg16[%parallel_loop3A_590, %parallel_loop3A_591, %parallel_loop3A_592] {strides = array<i32>} : memref<2x128x128xf32, #tpu.memory_space<vmem>>, vector<16xf32>,
      %parallel_loop3A_594 = arith.subf %parallel_loop3A_588, %parallel_loop3A_593 : vector<16xf32>
      %parallel_loop3A_595 = arith.subf %parallel_loop3A_594, %add3A_128 : vector<16xf32>
      %parallel_loop3A_596 = math.absf %parallel_loop3A_595 : vector<16xf32>
      %parallel_loop3A_597 = arith.subf %parallel_loop3A_596, %add3A_139 : vector<16xf32>
      %parallel_loop3A_598 = arith.maximumf %parallel_loop3A_597, %broadcast_in_dim3A_41 : vector<16xf32>
      %parallel_loop3A_599 = arith.addf %parallel_loop3A_582, %parallel_loop3A_598 : vector<16xf32>
      %parallel_loop3A_600 = arith.addf %parallel_loop3A_583, %parallel_loop3A_596 : vector<16xf32>
      %parallel_loop3A_601 = arith.constant 1 : i32
      %parallel_loop3A_602 = arith.index_cast %parallel_loop3A_601 : i32 to index
      %parallel_loop3A_603 = arith.index_cast %parallel_loop3A_515 : i32 to index
      %parallel_loop3A_604 = arith.constant 80 : index
      %parallel_loop3A_605 = tpu.vector_load %arg15[%parallel_loop3A_602, %parallel_loop3A_603, %parallel_loop3A_604] {strides = array<i32>} : memref<2x128x128xf32, #tpu.memory_space<vmem>>, vector<16xf32>,
      %parallel_loop3A_606 = arith.constant 1 : i32
      %parallel_loop3A_607 = arith.index_cast %parallel_loop3A_606 : i32 to index
      %parallel_loop3A_608 = arith.index_cast %parallel_loop3A_515 : i32 to index
      %parallel_loop3A_609 = arith.constant 80 : index
      %parallel_loop3A_610 = tpu.vector_load %arg16[%parallel_loop3A_607, %parallel_loop3A_608, %parallel_loop3A_609] {strides = array<i32>} : memref<2x128x128xf32, #tpu.memory_space<vmem>>, vector<16xf32>,
      %parallel_loop3A_611 = arith.subf %parallel_loop3A_605, %parallel_loop3A_610 : vector<16xf32>
      %parallel_loop3A_612 = arith.subf %parallel_loop3A_611, %add3A_148 : vector<16xf32>
      %parallel_loop3A_613 = math.absf %parallel_loop3A_612 : vector<16xf32>
      %parallel_loop3A_614 = arith.subf %parallel_loop3A_613, %add3A_159 : vector<16xf32>
      %parallel_loop3A_615 = arith.maximumf %parallel_loop3A_614, %broadcast_in_dim3A_41 : vector<16xf32>
      %parallel_loop3A_616 = arith.addf %parallel_loop3A_599, %parallel_loop3A_615 : vector<16xf32>
      %parallel_loop3A_617 = arith.addf %parallel_loop3A_600, %parallel_loop3A_613 : vector<16xf32>
      %parallel_loop3A_618 = arith.constant 1 : i32
      %parallel_loop3A_619 = arith.index_cast %parallel_loop3A_618 : i32 to index
      %parallel_loop3A_620 = arith.index_cast %parallel_loop3A_515 : i32 to index
      %parallel_loop3A_621 = arith.constant 96 : index
      %parallel_loop3A_622 = tpu.vector_load %arg15[%parallel_loop3A_619, %parallel_loop3A_620, %parallel_loop3A_621] {strides = array<i32>} : memref<2x128x128xf32, #tpu.memory_space<vmem>>, vector<16xf32>,
      %parallel_loop3A_623 = arith.constant 1 : i32
      %parallel_loop3A_624 = arith.index_cast %parallel_loop3A_623 : i32 to index
      %parallel_loop3A_625 = arith.index_cast %parallel_loop3A_515 : i32 to index
      %parallel_loop3A_626 = arith.constant 96 : index
      %parallel_loop3A_627 = tpu.vector_load %arg16[%parallel_loop3A_624, %parallel_loop3A_625, %parallel_loop3A_626] {strides = array<i32>} : memref<2x128x128xf32, #tpu.memory_space<vmem>>, vector<16xf32>,
      %parallel_loop3A_628 = arith.subf %parallel_loop3A_622, %parallel_loop3A_627 : vector<16xf32>
      %parallel_loop3A_629 = arith.subf %parallel_loop3A_628, %add3A_168 : vector<16xf32>
      %parallel_loop3A_630 = math.absf %parallel_loop3A_629 : vector<16xf32>
      %parallel_loop3A_631 = arith.subf %parallel_loop3A_630, %add3A_179 : vector<16xf32>
      %parallel_loop3A_632 = arith.maximumf %parallel_loop3A_631, %broadcast_in_dim3A_41 : vector<16xf32>
      %parallel_loop3A_633 = arith.addf %parallel_loop3A_616, %parallel_loop3A_632 : vector<16xf32>
      %parallel_loop3A_634 = arith.addf %parallel_loop3A_617, %parallel_loop3A_630 : vector<16xf32>
      %parallel_loop3A_635 = arith.constant 1 : i32
      %parallel_loop3A_636 = arith.index_cast %parallel_loop3A_635 : i32 to index
      %parallel_loop3A_637 = arith.index_cast %parallel_loop3A_515 : i32 to index
      %parallel_loop3A_638 = arith.constant 112 : index
      %parallel_loop3A_639 = tpu.vector_load %arg15[%parallel_loop3A_636, %parallel_loop3A_637, %parallel_loop3A_638] {strides = array<i32>} : memref<2x128x128xf32, #tpu.memory_space<vmem>>, vector<16xf32>,
      %parallel_loop3A_640 = arith.constant 1 : i32
      %parallel_loop3A_641 = arith.index_cast %parallel_loop3A_640 : i32 to index
      %parallel_loop3A_642 = arith.index_cast %parallel_loop3A_515 : i32 to index
      %parallel_loop3A_643 = arith.constant 112 : index
      %parallel_loop3A_644 = tpu.vector_load %arg16[%parallel_loop3A_641, %parallel_loop3A_642, %parallel_loop3A_643] {strides = array<i32>} : memref<2x128x128xf32, #tpu.memory_space<vmem>>, vector<16xf32>,
      %parallel_loop3A_645 = arith.subf %parallel_loop3A_639, %parallel_loop3A_644 : vector<16xf32>
      %parallel_loop3A_646 = arith.subf %parallel_loop3A_645, %add3A_188 : vector<16xf32>
      %parallel_loop3A_647 = math.absf %parallel_loop3A_646 : vector<16xf32>
      %parallel_loop3A_648 = arith.subf %parallel_loop3A_647, %add3A_199 : vector<16xf32>
      %parallel_loop3A_649 = arith.maximumf %parallel_loop3A_648, %broadcast_in_dim3A_41 : vector<16xf32>
      %parallel_loop3A_650 = arith.addf %parallel_loop3A_633, %parallel_loop3A_649 : vector<16xf32>
      %parallel_loop3A_651 = arith.addf %parallel_loop3A_634, %parallel_loop3A_647 : vector<16xf32>
      %parallel_loop3A_652 = arith.index_cast %parallel_loop3A_515 : i32 to index
      %parallel_loop3A_653 = arith.constant 0 : index
      %parallel_loop3A_654 = tpu.vector_load %arg17[%parallel_loop3A_652, %parallel_loop3A_653] {strides = array<i32>} : memref<128x16xf32, #tpu.memory_space<vmem>>, vector<16xf32>,
      tpu.vector_store %arg17[%parallel_loop3A_652, %parallel_loop3A_653], %parallel_loop3A_650 {strides = array<i32>} : memref<128x16xf32, #tpu.memory_space<vmem>>, vector<16xf32>,
      %parallel_loop3A_655 = arith.index_cast %parallel_loop3A_515 : i32 to index
      %parallel_loop3A_656 = arith.constant 0 : index
      %parallel_loop3A_657 = tpu.vector_load %arg18[%parallel_loop3A_655, %parallel_loop3A_656] {strides = array<i32>} : memref<128x16xf32, #tpu.memory_space<vmem>>, vector<16xf32>,
      tpu.vector_store %arg18[%parallel_loop3A_655, %parallel_loop3A_656], %parallel_loop3A_651 {strides = array<i32>} : memref<128x16xf32, #tpu.memory_space<vmem>>, vector<16xf32>,
    } {sc.loop_unroll_factor = 1 : i64, sc.parallel_access}
    %parallel_loop3A_456 = arith.constant 0 : i32
    %parallel_loop3A_457 = arith.constant 8 : i32
    %parallel_loop3A_458 = arith.constant 1 : i32
    scf.for %parallel_loop3A_515 = %parallel_loop3A_456 to %parallel_loop3A_457 step %parallel_loop3A_458  : i32 {
      %parallel_loop3A_516 = arith.constant 16 : i32
      %parallel_loop3A_517 = arith.muli %parallel_loop3A_515, %parallel_loop3A_516 : i32
      %parallel_loop3A_518 = tpu.iota {dimensions = array<i32: 0>} : vector<16xi32>
      %parallel_loop3A_519 = vector.broadcast %parallel_loop3A_517 : i32 to vector<16xi32>
      %parallel_loop3A_520 = arith.addi %parallel_loop3A_519, %parallel_loop3A_518 : vector<16xi32>
      %parallel_loop3A_521 = arith.constant 0 : i32
      %parallel_loop3A_522 = vector.broadcast %parallel_loop3A_521 : i32 to vector<16xi32>
      %parallel_loop3A_523 = tpu.vector_load_idx %arg17[%parallel_loop3A_520, %parallel_loop3A_522] : memref<128x16xf32, #tpu.memory_space<vmem>>[vector<16xi32>, vector<16xi32>], vector<16xf32>,
      %parallel_loop3A_524 = arith.addf %broadcast_in_dim3A_41, %parallel_loop3A_523 : vector<16xf32>
      %parallel_loop3A_525 = tpu.vector_load_idx %arg18[%parallel_loop3A_520, %parallel_loop3A_522] : memref<128x16xf32, #tpu.memory_space<vmem>>[vector<16xi32>, vector<16xi32>], vector<16xf32>,
      %parallel_loop3A_526 = arith.addf %broadcast_in_dim3A_41, %parallel_loop3A_525 : vector<16xf32>
      %parallel_loop3A_527 = arith.constant 1 : i32
      %parallel_loop3A_528 = vector.broadcast %parallel_loop3A_527 : i32 to vector<16xi32>
      %parallel_loop3A_529 = tpu.vector_load_idx %arg17[%parallel_loop3A_520, %parallel_loop3A_528] : memref<128x16xf32, #tpu.memory_space<vmem>>[vector<16xi32>, vector<16xi32>], vector<16xf32>,
      %parallel_loop3A_530 = arith.addf %parallel_loop3A_524, %parallel_loop3A_529 : vector<16xf32>
      %parallel_loop3A_531 = tpu.vector_load_idx %arg18[%parallel_loop3A_520, %parallel_loop3A_528] : memref<128x16xf32, #tpu.memory_space<vmem>>[vector<16xi32>, vector<16xi32>], vector<16xf32>,
      %parallel_loop3A_532 = arith.addf %parallel_loop3A_526, %parallel_loop3A_531 : vector<16xf32>
      %parallel_loop3A_533 = arith.constant 2 : i32
      %parallel_loop3A_534 = vector.broadcast %parallel_loop3A_533 : i32 to vector<16xi32>
      %parallel_loop3A_535 = tpu.vector_load_idx %arg17[%parallel_loop3A_520, %parallel_loop3A_534] : memref<128x16xf32, #tpu.memory_space<vmem>>[vector<16xi32>, vector<16xi32>], vector<16xf32>,
      %parallel_loop3A_536 = arith.addf %parallel_loop3A_530, %parallel_loop3A_535 : vector<16xf32>
      %parallel_loop3A_537 = tpu.vector_load_idx %arg18[%parallel_loop3A_520, %parallel_loop3A_534] : memref<128x16xf32, #tpu.memory_space<vmem>>[vector<16xi32>, vector<16xi32>], vector<16xf32>,
      %parallel_loop3A_538 = arith.addf %parallel_loop3A_532, %parallel_loop3A_537 : vector<16xf32>
      %parallel_loop3A_539 = arith.constant 3 : i32
      %parallel_loop3A_540 = vector.broadcast %parallel_loop3A_539 : i32 to vector<16xi32>
      %parallel_loop3A_541 = tpu.vector_load_idx %arg17[%parallel_loop3A_520, %parallel_loop3A_540] : memref<128x16xf32, #tpu.memory_space<vmem>>[vector<16xi32>, vector<16xi32>], vector<16xf32>,
      %parallel_loop3A_542 = arith.addf %parallel_loop3A_536, %parallel_loop3A_541 : vector<16xf32>
      %parallel_loop3A_543 = tpu.vector_load_idx %arg18[%parallel_loop3A_520, %parallel_loop3A_540] : memref<128x16xf32, #tpu.memory_space<vmem>>[vector<16xi32>, vector<16xi32>], vector<16xf32>,
      %parallel_loop3A_544 = arith.addf %parallel_loop3A_538, %parallel_loop3A_543 : vector<16xf32>
      %parallel_loop3A_545 = arith.constant 4 : i32
      %parallel_loop3A_546 = vector.broadcast %parallel_loop3A_545 : i32 to vector<16xi32>
      %parallel_loop3A_547 = tpu.vector_load_idx %arg17[%parallel_loop3A_520, %parallel_loop3A_546] : memref<128x16xf32, #tpu.memory_space<vmem>>[vector<16xi32>, vector<16xi32>], vector<16xf32>,
      %parallel_loop3A_548 = arith.addf %parallel_loop3A_542, %parallel_loop3A_547 : vector<16xf32>
      %parallel_loop3A_549 = tpu.vector_load_idx %arg18[%parallel_loop3A_520, %parallel_loop3A_546] : memref<128x16xf32, #tpu.memory_space<vmem>>[vector<16xi32>, vector<16xi32>], vector<16xf32>,
      %parallel_loop3A_550 = arith.addf %parallel_loop3A_544, %parallel_loop3A_549 : vector<16xf32>
      %parallel_loop3A_551 = arith.constant 5 : i32
      %parallel_loop3A_552 = vector.broadcast %parallel_loop3A_551 : i32 to vector<16xi32>
      %parallel_loop3A_553 = tpu.vector_load_idx %arg17[%parallel_loop3A_520, %parallel_loop3A_552] : memref<128x16xf32, #tpu.memory_space<vmem>>[vector<16xi32>, vector<16xi32>], vector<16xf32>,
      %parallel_loop3A_554 = arith.addf %parallel_loop3A_548, %parallel_loop3A_553 : vector<16xf32>
      %parallel_loop3A_555 = tpu.vector_load_idx %arg18[%parallel_loop3A_520, %parallel_loop3A_552] : memref<128x16xf32, #tpu.memory_space<vmem>>[vector<16xi32>, vector<16xi32>], vector<16xf32>,
      %parallel_loop3A_556 = arith.addf %parallel_loop3A_550, %parallel_loop3A_555 : vector<16xf32>
      %parallel_loop3A_557 = arith.constant 6 : i32
      %parallel_loop3A_558 = vector.broadcast %parallel_loop3A_557 : i32 to vector<16xi32>
      %parallel_loop3A_559 = tpu.vector_load_idx %arg17[%parallel_loop3A_520, %parallel_loop3A_558] : memref<128x16xf32, #tpu.memory_space<vmem>>[vector<16xi32>, vector<16xi32>], vector<16xf32>,
      %parallel_loop3A_560 = arith.addf %parallel_loop3A_554, %parallel_loop3A_559 : vector<16xf32>
      %parallel_loop3A_561 = tpu.vector_load_idx %arg18[%parallel_loop3A_520, %parallel_loop3A_558] : memref<128x16xf32, #tpu.memory_space<vmem>>[vector<16xi32>, vector<16xi32>], vector<16xf32>,
      %parallel_loop3A_562 = arith.addf %parallel_loop3A_556, %parallel_loop3A_561 : vector<16xf32>
      %parallel_loop3A_563 = arith.constant 7 : i32
      %parallel_loop3A_564 = vector.broadcast %parallel_loop3A_563 : i32 to vector<16xi32>
      %parallel_loop3A_565 = tpu.vector_load_idx %arg17[%parallel_loop3A_520, %parallel_loop3A_564] : memref<128x16xf32, #tpu.memory_space<vmem>>[vector<16xi32>, vector<16xi32>], vector<16xf32>,
      %parallel_loop3A_566 = arith.addf %parallel_loop3A_560, %parallel_loop3A_565 : vector<16xf32>
      %parallel_loop3A_567 = tpu.vector_load_idx %arg18[%parallel_loop3A_520, %parallel_loop3A_564] : memref<128x16xf32, #tpu.memory_space<vmem>>[vector<16xi32>, vector<16xi32>], vector<16xf32>,
      %parallel_loop3A_568 = arith.addf %parallel_loop3A_562, %parallel_loop3A_567 : vector<16xf32>
      %parallel_loop3A_569 = arith.constant 8 : i32
      %parallel_loop3A_570 = vector.broadcast %parallel_loop3A_569 : i32 to vector<16xi32>
      %parallel_loop3A_571 = tpu.vector_load_idx %arg17[%parallel_loop3A_520, %parallel_loop3A_570] : memref<128x16xf32, #tpu.memory_space<vmem>>[vector<16xi32>, vector<16xi32>], vector<16xf32>,
      %parallel_loop3A_572 = arith.addf %parallel_loop3A_566, %parallel_loop3A_571 : vector<16xf32>
      %parallel_loop3A_573 = tpu.vector_load_idx %arg18[%parallel_loop3A_520, %parallel_loop3A_570] : memref<128x16xf32, #tpu.memory_space<vmem>>[vector<16xi32>, vector<16xi32>], vector<16xf32>,
      %parallel_loop3A_574 = arith.addf %parallel_loop3A_568, %parallel_loop3A_573 : vector<16xf32>
      %parallel_loop3A_575 = arith.constant 9 : i32
      %parallel_loop3A_576 = vector.broadcast %parallel_loop3A_575 : i32 to vector<16xi32>
      %parallel_loop3A_577 = tpu.vector_load_idx %arg17[%parallel_loop3A_520, %parallel_loop3A_576] : memref<128x16xf32, #tpu.memory_space<vmem>>[vector<16xi32>, vector<16xi32>], vector<16xf32>,
      %parallel_loop3A_578 = arith.addf %parallel_loop3A_572, %parallel_loop3A_577 : vector<16xf32>
      %parallel_loop3A_579 = tpu.vector_load_idx %arg18[%parallel_loop3A_520, %parallel_loop3A_576] : memref<128x16xf32, #tpu.memory_space<vmem>>[vector<16xi32>, vector<16xi32>], vector<16xf32>,
      %parallel_loop3A_580 = arith.addf %parallel_loop3A_574, %parallel_loop3A_579 : vector<16xf32>
      %parallel_loop3A_581 = arith.constant 10 : i32
      %parallel_loop3A_582 = vector.broadcast %parallel_loop3A_581 : i32 to vector<16xi32>
      %parallel_loop3A_583 = tpu.vector_load_idx %arg17[%parallel_loop3A_520, %parallel_loop3A_582] : memref<128x16xf32, #tpu.memory_space<vmem>>[vector<16xi32>, vector<16xi32>], vector<16xf32>,
      %parallel_loop3A_584 = arith.addf %parallel_loop3A_578, %parallel_loop3A_583 : vector<16xf32>
      %parallel_loop3A_585 = tpu.vector_load_idx %arg18[%parallel_loop3A_520, %parallel_loop3A_582] : memref<128x16xf32, #tpu.memory_space<vmem>>[vector<16xi32>, vector<16xi32>], vector<16xf32>,
      %parallel_loop3A_586 = arith.addf %parallel_loop3A_580, %parallel_loop3A_585 : vector<16xf32>
      %parallel_loop3A_587 = arith.constant 11 : i32
      %parallel_loop3A_588 = vector.broadcast %parallel_loop3A_587 : i32 to vector<16xi32>
      %parallel_loop3A_589 = tpu.vector_load_idx %arg17[%parallel_loop3A_520, %parallel_loop3A_588] : memref<128x16xf32, #tpu.memory_space<vmem>>[vector<16xi32>, vector<16xi32>], vector<16xf32>,
      %parallel_loop3A_590 = arith.addf %parallel_loop3A_584, %parallel_loop3A_589 : vector<16xf32>
      %parallel_loop3A_591 = tpu.vector_load_idx %arg18[%parallel_loop3A_520, %parallel_loop3A_588] : memref<128x16xf32, #tpu.memory_space<vmem>>[vector<16xi32>, vector<16xi32>], vector<16xf32>,
      %parallel_loop3A_592 = arith.addf %parallel_loop3A_586, %parallel_loop3A_591 : vector<16xf32>
      %parallel_loop3A_593 = arith.constant 12 : i32
      %parallel_loop3A_594 = vector.broadcast %parallel_loop3A_593 : i32 to vector<16xi32>
      %parallel_loop3A_595 = tpu.vector_load_idx %arg17[%parallel_loop3A_520, %parallel_loop3A_594] : memref<128x16xf32, #tpu.memory_space<vmem>>[vector<16xi32>, vector<16xi32>], vector<16xf32>,
      %parallel_loop3A_596 = arith.addf %parallel_loop3A_590, %parallel_loop3A_595 : vector<16xf32>
      %parallel_loop3A_597 = tpu.vector_load_idx %arg18[%parallel_loop3A_520, %parallel_loop3A_594] : memref<128x16xf32, #tpu.memory_space<vmem>>[vector<16xi32>, vector<16xi32>], vector<16xf32>,
      %parallel_loop3A_598 = arith.addf %parallel_loop3A_592, %parallel_loop3A_597 : vector<16xf32>
      %parallel_loop3A_599 = arith.constant 13 : i32
      %parallel_loop3A_600 = vector.broadcast %parallel_loop3A_599 : i32 to vector<16xi32>
      %parallel_loop3A_601 = tpu.vector_load_idx %arg17[%parallel_loop3A_520, %parallel_loop3A_600] : memref<128x16xf32, #tpu.memory_space<vmem>>[vector<16xi32>, vector<16xi32>], vector<16xf32>,
      %parallel_loop3A_602 = arith.addf %parallel_loop3A_596, %parallel_loop3A_601 : vector<16xf32>
      %parallel_loop3A_603 = tpu.vector_load_idx %arg18[%parallel_loop3A_520, %parallel_loop3A_600] : memref<128x16xf32, #tpu.memory_space<vmem>>[vector<16xi32>, vector<16xi32>], vector<16xf32>,
      %parallel_loop3A_604 = arith.addf %parallel_loop3A_598, %parallel_loop3A_603 : vector<16xf32>
      %parallel_loop3A_605 = arith.constant 14 : i32
      %parallel_loop3A_606 = vector.broadcast %parallel_loop3A_605 : i32 to vector<16xi32>
      %parallel_loop3A_607 = tpu.vector_load_idx %arg17[%parallel_loop3A_520, %parallel_loop3A_606] : memref<128x16xf32, #tpu.memory_space<vmem>>[vector<16xi32>, vector<16xi32>], vector<16xf32>,
      %parallel_loop3A_608 = arith.addf %parallel_loop3A_602, %parallel_loop3A_607 : vector<16xf32>
      %parallel_loop3A_609 = tpu.vector_load_idx %arg18[%parallel_loop3A_520, %parallel_loop3A_606] : memref<128x16xf32, #tpu.memory_space<vmem>>[vector<16xi32>, vector<16xi32>], vector<16xf32>,
      %parallel_loop3A_610 = arith.addf %parallel_loop3A_604, %parallel_loop3A_609 : vector<16xf32>
      %parallel_loop3A_611 = arith.constant 15 : i32
      %parallel_loop3A_612 = vector.broadcast %parallel_loop3A_611 : i32 to vector<16xi32>
      %parallel_loop3A_613 = tpu.vector_load_idx %arg17[%parallel_loop3A_520, %parallel_loop3A_612] : memref<128x16xf32, #tpu.memory_space<vmem>>[vector<16xi32>, vector<16xi32>], vector<16xf32>,
      %parallel_loop3A_614 = arith.addf %parallel_loop3A_608, %parallel_loop3A_613 : vector<16xf32>
      %parallel_loop3A_615 = tpu.vector_load_idx %arg18[%parallel_loop3A_520, %parallel_loop3A_612] : memref<128x16xf32, #tpu.memory_space<vmem>>[vector<16xi32>, vector<16xi32>], vector<16xf32>,
      %parallel_loop3A_616 = arith.addf %parallel_loop3A_610, %parallel_loop3A_615 : vector<16xf32>
      %parallel_loop3A_617 = arith.constant 9.800000e-01 : f32
      %parallel_loop3A_618 = vector.broadcast %parallel_loop3A_617 : f32 to vector<16xf32>
      %parallel_loop3A_619 = arith.mulf %parallel_loop3A_618, %parallel_loop3A_614 : vector<16xf32>
      %parallel_loop3A_620 = arith.constant 2.000000e-02 : f32
      %parallel_loop3A_621 = vector.broadcast %parallel_loop3A_620 : f32 to vector<16xf32>
      %parallel_loop3A_622 = arith.mulf %parallel_loop3A_621, %parallel_loop3A_616 : vector<16xf32>
      %parallel_loop3A_623 = arith.addf %parallel_loop3A_619, %parallel_loop3A_622 : vector<16xf32>
      %parallel_loop3A_624 = arith.constant 1 : i32
      %parallel_loop3A_625 = arith.index_cast %parallel_loop3A_624 : i32 to index
      %parallel_loop3A_626 = arith.index_cast %parallel_loop3A_517 : i32 to index
      %parallel_loop3A_627 = tpu.vector_load %arg19[%parallel_loop3A_625, %parallel_loop3A_626] {strides = array<i32>} : memref<2x128xf32, #tpu.memory_space<vmem>>, vector<16xf32>,
      tpu.vector_store %arg19[%parallel_loop3A_625, %parallel_loop3A_626], %parallel_loop3A_623 {strides = array<i32>} : memref<2x128xf32, #tpu.memory_space<vmem>>, vector<16xf32>,
      %parallel_loop3A_628 = arith.constant 0.000000e+00 : f32
      %parallel_loop3A_629 = vector.broadcast %parallel_loop3A_628 : f32 to vector<16xf32>
      %parallel_loop3A_630 = arith.cmpf oeq, %parallel_loop3A_614, %parallel_loop3A_629 : vector<16xf32>
      %parallel_loop3A_631 = arith.extui %parallel_loop3A_630 : vector<16xi1> to vector<16xi32>
      %parallel_loop3A_632 = arith.constant 1 : i32
      %parallel_loop3A_633 = arith.index_cast %parallel_loop3A_632 : i32 to index
      %parallel_loop3A_634 = arith.index_cast %parallel_loop3A_517 : i32 to index
      %parallel_loop3A_635 = tpu.vector_load %arg20[%parallel_loop3A_633, %parallel_loop3A_634] {strides = array<i32>} : memref<2x128xi32, #tpu.memory_space<vmem>>, vector<16xi32>,
      tpu.vector_store %arg20[%parallel_loop3A_633, %parallel_loop3A_634], %parallel_loop3A_631 {strides = array<i32>} : memref<2x128xi32, #tpu.memory_space<vmem>>, vector<16xi32>,
    } {sc.loop_unroll_factor = 1 : i64, sc.parallel_access}
    %add3A_459 = arith.constant 384 : i32
    %add3A_460 = arith.addi %mul3A_2, %add3A_459 : i32
    %dma_start3A_461 = arith.constant 1 : i32
    %dma_start3A_462 = arith.constant 0 : i32
    %dma_start3A_463 = tpu.memref_slice %arg19[%dma_start3A_461, %dma_start3A_462] : memref<2x128xf32, #tpu.memory_space<vmem>> -> memref<1x128xf32, #tpu.memory_space<vmem>>
    %dma_start3A_464 = tpu.memref_squeeze %dma_start3A_463 : memref<1x128xf32, #tpu.memory_space<vmem>> -> memref<128xf32, #tpu.memory_space<vmem>>
    %dma_start3A_465 = tpu.memref_slice %arg8[%add3A_460] : memref<16384xf32, #tpu.memory_space<hbm>> -> memref<128xf32, #tpu.memory_space<hbm>>
    %dma_start3A_466 = tpu.memref_slice %arg8[%add3A_460] : memref<16384xf32, #tpu.memory_space<hbm>> -> memref<128xf32, #tpu.memory_space<hbm>>
    %dma_start3A_467 = arith.constant 0 : i32
    %dma_start3A_468 = tpu.memref_slice %arg19[%dma_start3A_461, %dma_start3A_467] : memref<2x128xf32, #tpu.memory_space<vmem>> -> memref<1x128xf32, #tpu.memory_space<vmem>>
    %dma_start3A_469 = tpu.memref_squeeze %dma_start3A_468 : memref<1x128xf32, #tpu.memory_space<vmem>> -> memref<128xf32, #tpu.memory_space<vmem>>
    tpu.enqueue_dma source(%dma_start3A_469 : memref<128xf32, #tpu.memory_space<vmem>>) target(%dma_start3A_466 : memref<128xf32, #tpu.memory_space<hbm>>) target_semaphore(%arg25 : memref<!tpu.dma_semaphore, #tpu.memory_space<semaphore_mem>>)
    %dma_start3A_470 = arith.constant 1 : i32
    %dma_start3A_471 = arith.constant 0 : i32
    %dma_start3A_472 = tpu.memref_slice %arg20[%dma_start3A_470, %dma_start3A_471] : memref<2x128xi32, #tpu.memory_space<vmem>> -> memref<1x128xi32, #tpu.memory_space<vmem>>
    %dma_start3A_473 = tpu.memref_squeeze %dma_start3A_472 : memref<1x128xi32, #tpu.memory_space<vmem>> -> memref<128xi32, #tpu.memory_space<vmem>>
    %dma_start3A_474 = tpu.memref_slice %arg9[%add3A_460] : memref<16384xi32, #tpu.memory_space<hbm>> -> memref<128xi32, #tpu.memory_space<hbm>>
    %dma_start3A_475 = tpu.memref_slice %arg9[%add3A_460] : memref<16384xi32, #tpu.memory_space<hbm>> -> memref<128xi32, #tpu.memory_space<hbm>>
    %dma_start3A_476 = arith.constant 0 : i32
    %dma_start3A_477 = tpu.memref_slice %arg20[%dma_start3A_470, %dma_start3A_476] : memref<2x128xi32, #tpu.memory_space<vmem>> -> memref<1x128xi32, #tpu.memory_space<vmem>>
    %dma_start3A_478 = tpu.memref_squeeze %dma_start3A_477 : memref<1x128xi32, #tpu.memory_space<vmem>> -> memref<128xi32, #tpu.memory_space<vmem>>
    tpu.enqueue_dma source(%dma_start3A_478 : memref<128xi32, #tpu.memory_space<vmem>>) target(%dma_start3A_475 : memref<128xi32, #tpu.memory_space<hbm>>) target_semaphore(%arg25 : memref<!tpu.dma_semaphore, #tpu.memory_space<semaphore_mem>>)
    %dma_wait3A_479 = arith.constant 0 : i32
    %dma_wait3A_480 = arith.constant 0 : i32
    %dma_wait3A_481 = tpu.memref_slice %arg19[%dma_wait3A_479, %dma_wait3A_480] : memref<2x128xf32, #tpu.memory_space<vmem>> -> memref<1x128xf32, #tpu.memory_space<vmem>>
    %dma_wait3A_482 = tpu.memref_squeeze %dma_wait3A_481 : memref<1x128xf32, #tpu.memory_space<vmem>> -> memref<128xf32, #tpu.memory_space<vmem>>
    %dma_wait3A_483 = tpu.memref_slice %arg8[%add3A_396] : memref<16384xf32, #tpu.memory_space<hbm>> -> memref<128xf32, #tpu.memory_space<hbm>>
    %dma_wait3A_484 = tpu.memref_slice %arg8[%add3A_396] : memref<16384xf32, #tpu.memory_space<hbm>> -> memref<128xf32, #tpu.memory_space<hbm>>
    %dma_wait3A_485 = arith.constant 0 : i32
    %dma_wait3A_486 = tpu.memref_slice %arg19[%dma_wait3A_479, %dma_wait3A_485] : memref<2x128xf32, #tpu.memory_space<vmem>> -> memref<1x128xf32, #tpu.memory_space<vmem>>
    %dma_wait3A_487 = tpu.memref_squeeze %dma_wait3A_486 : memref<1x128xf32, #tpu.memory_space<vmem>> -> memref<128xf32, #tpu.memory_space<vmem>>
    tpu.wait_dma2 semaphore(%arg25 : memref<!tpu.dma_semaphore, #tpu.memory_space<semaphore_mem>>) src(%dma_wait3A_487 : memref<128xf32, #tpu.memory_space<vmem>>) dst(%dma_wait3A_484 : memref<128xf32, #tpu.memory_space<hbm>>)
    %dma_wait3A_488 = arith.constant 0 : i32
    %dma_wait3A_489 = arith.constant 0 : i32
    %dma_wait3A_490 = tpu.memref_slice %arg20[%dma_wait3A_488, %dma_wait3A_489] : memref<2x128xi32, #tpu.memory_space<vmem>> -> memref<1x128xi32, #tpu.memory_space<vmem>>
    %dma_wait3A_491 = tpu.memref_squeeze %dma_wait3A_490 : memref<1x128xi32, #tpu.memory_space<vmem>> -> memref<128xi32, #tpu.memory_space<vmem>>
    %dma_wait3A_492 = tpu.memref_slice %arg9[%add3A_396] : memref<16384xi32, #tpu.memory_space<hbm>> -> memref<128xi32, #tpu.memory_space<hbm>>
    %dma_wait3A_493 = tpu.memref_slice %arg9[%add3A_396] : memref<16384xi32, #tpu.memory_space<hbm>> -> memref<128xi32, #tpu.memory_space<hbm>>
    %dma_wait3A_494 = arith.constant 0 : i32
    %dma_wait3A_495 = tpu.memref_slice %arg20[%dma_wait3A_488, %dma_wait3A_494] : memref<2x128xi32, #tpu.memory_space<vmem>> -> memref<1x128xi32, #tpu.memory_space<vmem>>
    %dma_wait3A_496 = tpu.memref_squeeze %dma_wait3A_495 : memref<1x128xi32, #tpu.memory_space<vmem>> -> memref<128xi32, #tpu.memory_space<vmem>>
    tpu.wait_dma2 semaphore(%arg25 : memref<!tpu.dma_semaphore, #tpu.memory_space<semaphore_mem>>) src(%dma_wait3A_496 : memref<128xi32, #tpu.memory_space<vmem>>) dst(%dma_wait3A_493 : memref<128xi32, #tpu.memory_space<hbm>>)
    %dma_wait3A_497 = arith.constant 1 : i32
    %dma_wait3A_498 = arith.constant 0 : i32
    %dma_wait3A_499 = tpu.memref_slice %arg19[%dma_wait3A_497, %dma_wait3A_498] : memref<2x128xf32, #tpu.memory_space<vmem>> -> memref<1x128xf32, #tpu.memory_space<vmem>>
    %dma_wait3A_500 = tpu.memref_squeeze %dma_wait3A_499 : memref<1x128xf32, #tpu.memory_space<vmem>> -> memref<128xf32, #tpu.memory_space<vmem>>
    %dma_wait3A_501 = tpu.memref_slice %arg8[%add3A_460] : memref<16384xf32, #tpu.memory_space<hbm>> -> memref<128xf32, #tpu.memory_space<hbm>>
    %dma_wait3A_502 = tpu.memref_slice %arg8[%add3A_460] : memref<16384xf32, #tpu.memory_space<hbm>> -> memref<128xf32, #tpu.memory_space<hbm>>
    %dma_wait3A_503 = arith.constant 0 : i32
    %dma_wait3A_504 = tpu.memref_slice %arg19[%dma_wait3A_497, %dma_wait3A_503] : memref<2x128xf32, #tpu.memory_space<vmem>> -> memref<1x128xf32, #tpu.memory_space<vmem>>
    %dma_wait3A_505 = tpu.memref_squeeze %dma_wait3A_504 : memref<1x128xf32, #tpu.memory_space<vmem>> -> memref<128xf32, #tpu.memory_space<vmem>>
    tpu.wait_dma2 semaphore(%arg25 : memref<!tpu.dma_semaphore, #tpu.memory_space<semaphore_mem>>) src(%dma_wait3A_505 : memref<128xf32, #tpu.memory_space<vmem>>) dst(%dma_wait3A_502 : memref<128xf32, #tpu.memory_space<hbm>>)
    %dma_wait3A_506 = arith.constant 1 : i32
    %dma_wait3A_507 = arith.constant 0 : i32
    %dma_wait3A_508 = tpu.memref_slice %arg20[%dma_wait3A_506, %dma_wait3A_507] : memref<2x128xi32, #tpu.memory_space<vmem>> -> memref<1x128xi32, #tpu.memory_space<vmem>>
    %dma_wait3A_509 = tpu.memref_squeeze %dma_wait3A_508 : memref<1x128xi32, #tpu.memory_space<vmem>> -> memref<128xi32, #tpu.memory_space<vmem>>
    %dma_wait3A_510 = tpu.memref_slice %arg9[%add3A_460] : memref<16384xi32, #tpu.memory_space<hbm>> -> memref<128xi32, #tpu.memory_space<hbm>>
    %dma_wait3A_511 = tpu.memref_slice %arg9[%add3A_460] : memref<16384xi32, #tpu.memory_space<hbm>> -> memref<128xi32, #tpu.memory_space<hbm>>
    %dma_wait3A_512 = arith.constant 0 : i32
    %dma_wait3A_513 = tpu.memref_slice %arg20[%dma_wait3A_506, %dma_wait3A_512] : memref<2x128xi32, #tpu.memory_space<vmem>> -> memref<1x128xi32, #tpu.memory_space<vmem>>
    %dma_wait3A_514 = tpu.memref_squeeze %dma_wait3A_513 : memref<1x128xi32, #tpu.memory_space<vmem>> -> memref<128xi32, #tpu.memory_space<vmem>>
    tpu.wait_dma2 semaphore(%arg25 : memref<!tpu.dma_semaphore, #tpu.memory_space<semaphore_mem>>) src(%dma_wait3A_514 : memref<128xi32, #tpu.memory_space<vmem>>) dst(%dma_wait3A_511 : memref<128xi32, #tpu.memory_space<hbm>>)
    return
  }
}

</mosaic_0001>

<sc_bundles>
// kernel: _run.3.cloned.1.call-start
scs
__scs_entry_jumppad:
0x0: {  	(pc) =	sbr.rel $0x88, $3  }
0x1: {  	(tag) =	ssettag $0x0;
	lr =	simm.s32 $0x1  }
0x2: {  	[smem:$0x3F9B] =	sst lr;
	_ =	strace $0xD0000000  }
0x3: {  	_ = 	snop  }
0x4: {  	_ = 	snop  }
0x5: {  	_ = 	snop  }
0x6: {  	_ = 	snop  }
0x7: {  	_ = 	snop  }
__scs_overlays_trampoline_lowered:
0x8: {  	[smem:$0x3FAA] =	sst s0  }
0x9: {  	[smem:$0x3FAB] =	sst s1  }
0xa: {  	[smem:$0x3FAC] =	sst s2  }
0xb: {  	[smem:$0x3FAD] =	sst s3  }
0xc: {  	[smem:$0x3FAE] =	sst s4  }
0xd: {  	[smem:$0x3FAF] =	sst s5  }
0xe: {  	[smem:$0x3FB0] =	sst s6  }
0xf: {  	[smem:$0x3FB1] =	sst s7  }
0x10: {  	[smem:$0x3FB2] =	sst s8  }
0x11: {  	[smem:$0x3FB3] =	sst s9;
	s0 =	simm.s32 @!p0 $0x0  }
0x12: {  	s1 =	sld [smem:$0x3F99];
	s0 =	simm.s32 @p0 $0x1  }
0x13: {  	[smem:$0x3FB4] =	sst s0;
	s0 =	simm.s32 @!p1 $0x0  }
0x14: {  	s2 =	sld [smem:$0x3F98];
	s0 =	simm.s32 @p1 $0x1  }
0x15: {  	[smem:$0x3FB5] =	sst s0;
	s0 =	simm.s32 @!p2 $0x0  }
0x16: {  	s3 =	sld [smem:$0x3FDB];
	s0 =	simm.s32 @p2 $0x1  }
0x17: {  	s4 =	simm.s32 $0x1BF5;
	[smem:$0x3FB7] =	sst s0  }
0x18: {  	s0 =	sld [smem:$0x3F9A];
	_ =	swait.ge [sflag:s4], $0x0  }
0x19: {  	s7 =	sld [smem:$0x3F9B]  }
0x1a: {  	s8 =	sadd.s32 $0xFFFFE003, lr  }
0x1b: {  	s9 =	sadd.s32 $0xFFFFFEF7, lr;
	s5 =	simm.s32 $0xFFFFFFFF;
	p2 =	slt.u32 s8, $0xFFFFF086  }
0x1c: {  	p1 =	slt.u32 s9, $0xF7A;
	s5 =	simm.s32 @!p2 $0x0  }
0x1d: {  	s5 =	simm.s32 @p1 $0x1;
	p0 =	seq.s32 s7, s2  }
0x1e: {  	s7 =	smul.u32 @!p0 $0xF7A, s2;
	p2 =	seq.s32 @!p0 s5, $0x0  }
0x1f: {  	s9 =	smul.u32 $0xF7A, s1;
	s8 =	simm.s32 @!p0 $0x1BF5;
	p2 =	por !p2, p0  }
0x20: {  	[sflag:s8] =	ssyncset.s32 @!p0 $0xFFFFF086;
	s6 =	sadd.s32 @!p0 s3, s7;
	s7 =	simm.s32 @!p0 $0x108  }
0x21: {  	s3 =	sadd.s32 s3, s9;
	s6 =	sadd.s32 @!p0 $0x88, s6;
	s7 =	simm.s32 @p2 $0x1082  }
0x22: {  	[simem:s7], [sflag:s8] =	dma.local @!p0 [hbm:s6], $0xF7A  }
0x23: {  	s9 =	sor.u32 $0xD0000000, s2;
	s6 =	simm.s32 $0x108;
	_ =	swait.ge @!p0 [sflag:s8], $0x0  }
0x24: {  	s3 =	sadd.s32 $0x88, s3;
	s6 =	simm.s32 @!p1 $0x1082;
	[sflag:s4] =	ssyncset.s32 $0xFFFFF086  }
0x25: {  	[simem:s6], [sflag:s4] =	dma.local [hbm:s3], $0xF7A  }
0x26: {  	[smem:$0x3F9B] =	sst s1;
	(tag) =	ssettag s2;
	_ =	strace s9  }
0x27: {  	s1 =	sld [smem:$0x3FAB]  }
0x28: {  	s2 =	sld [smem:$0x3FAC]  }
0x29: {  	s4 =	sld [smem:$0x3FAE]  }
0x2a: {  	p0 =	seq.s32 s5, $0x0;
	s5 =	sld [smem:$0x3FAF]  }
0x2b: {  	s6 =	sld [smem:$0x3FB0]  }
0x2c: {  	s7 =	sld [smem:$0x3FB1]  }
0x2d: {  	s3 =	simm.s32 $0x108;
	s8 =	sld [smem:$0x3FB2]  }
0x2e: {  	s3 =	simm.s32 @!p0 $0x1082;
	s9 =	sld [smem:$0x3FB3]  }
0x2f: {  	lr =	sadd.s32 s0, s3;
	s0 =	sld [smem:$0x3FAA]  }
0x30: {  	s3 =	sld [smem:$0x3FAD]  }
0x31: {  	[smem:$0x3FB6] =	sst s10  }
0x32: {  	s10 =	sld [smem:$0x3FB4];
	_ =	sdelay $0x3  }
0x33: {  	p0 =	seq.s32 s10, $0x1;
	s10 =	sld [smem:$0x3FB6];
	_ =	sdelay $0x3  }
0x34: {  	[smem:$0x3FB6] =	sst s10  }
0x35: {  	s10 =	sld [smem:$0x3FB5];
	_ =	sdelay $0x3  }
0x36: {  	p1 =	seq.s32 s10, $0x1;
	s10 =	sld [smem:$0x3FB6];
	_ =	sdelay $0x3  }
0x37: {  	[smem:$0x3FB6] =	sst s10  }
0x38: {  	s10 =	sld [smem:$0x3FB7]  }
0x39: {  	_ = 	snop;
	(pc) =	sbr.ind lr, $3  }
0x3a: {  	_ = 	snop  }
0x3b: {  	_ = 	snop  }
0x3c: {  	p2 =	seq.s32 s10, $0x1;
	s10 =	sld [smem:$0x3FB6]  }
0x3d: {  	_ =	shalt  }
0x3e: {  	_ =	shalt  }
0x3f: {  	_ =	shalt  }
0x40: {  	_ =	shalt  }
0x41: {  	_ =	shalt  }
0x42: {  	_ =	shalt  }
0x43: {  	_ =	shalt  }
0x44: {  	_ =	shalt  }
0x45: {  	_ =	shalt  }
0x46: {  	_ =	shalt  }
0x47: {  	_ =	shalt  }
0x48: {  	_ =	shalt  }
0x49: {  	_ =	shalt  }
0x4a: {  	_ =	shalt  }
0x4b: {  	_ =	shalt  }
0x4c: {  	_ =	shalt  }
0x4d: {  	_ =	shalt  }
0x4e: {  	_ =	shalt  }
0x4f: {  	_ =	shalt  }
0x50: {  	_ =	shalt  }
0x51: {  	_ =	shalt  }
0x52: {  	_ =	shalt  }
0x53: {  	_ =	shalt  }
0x54: {  	_ =	shalt  }
0x55: {  	_ =	shalt  }
0x56: {  	_ =	shalt  }
0x57: {  	_ =	shalt  }
0x58: {  	_ =	shalt  }
0x59: {  	_ =	shalt  }
0x5a: {  	_ =	shalt  }
0x5b: {  	_ =	shalt  }
0x5c: {  	_ =	shalt  }
0x5d: {  	_ =	shalt  }
0x5e: {  	_ =	shalt  }
0x5f: {  	_ =	shalt  }
0x60: {  	_ =	shalt  }
0x61: {  	_ =	shalt  }
0x62: {  	_ =	shalt  }
0x63: {  	_ =	shalt  }
0x64: {  	_ =	shalt  }
0x65: {  	_ =	shalt  }
0x66: {  	_ =	shalt  }
0x67: {  	_ =	shalt  }
0x68: {  	_ =	shalt  }
0x69: {  	_ =	shalt  }
0x6a: {  	_ =	shalt  }
0x6b: {  	_ =	shalt  }
0x6c: {  	_ =	shalt  }
0x6d: {  	_ =	shalt  }
0x6e: {  	_ =	shalt  }
0x6f: {  	_ =	shalt  }
0x70: {  	_ =	shalt  }
0x71: {  	_ =	shalt  }
0x72: {  	_ =	shalt  }
0x73: {  	_ =	shalt  }
0x74: {  	_ =	shalt  }
0x75: {  	_ =	shalt  }
0x76: {  	_ =	shalt  }
0x77: {  	_ =	shalt  }
0x78: {  	_ =	shalt  }
0x79: {  	_ =	shalt  }
0x7a: {  	_ =	shalt  }
0x7b: {  	_ =	shalt  }
0x7c: {  	_ =	shalt  }
0x7d: {  	_ =	shalt  }
0x7e: {  	_ =	shalt  }
0x7f: {  	_ =	shalt  }
0x80: {  	_ =	shalt  }
0x81: {  	_ =	shalt  }
0x82: {  	_ =	shalt  }
0x83: {  	_ =	shalt  }
0x84: {  	_ =	shalt  }
0x85: {  	_ =	shalt  }
0x86: {  	_ =	shalt  }
0x87: {  	_ =	shalt  }
.Lfunc_end0:
.L_simem_size_0:
called_computation_lowered:
.L_overlay_start_0:
0x88: {  	s2 =	sld [smem:$0x3FD9]  }
0x89: {  	s3 =	sld [smem:$0x3FFE];
	_ =	sdelay $0x1  }
0x8a: {  	s1 =	srdreg.scid  }
0x8b: {  	s0 =	sand.u32 $0x1, s1  }
0x8c: {  	s15 =	sshll.u32 s0, $0xA;
	s2 =	sadd.s32 s3, s2  }
0x8d: {  	s2 =	sadd.s32 s2, s15  }
0x8e: {  	[smem:$0x3FC2] =	sst s2  }
0x8f: {  	_ = 	snop  }
0x90: {  	s2 =	sld [smem:$0x3FC9]  }
0x91: {  	s16 =	sld [smem:$0x3FC8]  }
0x92: {  	s4 =	sld [smem:$0x3FC7]  }
0x93: {  	s5 =	sld [smem:$0x3FD0]  }
0x94: {  	s6 =	sld [smem:$0x3FC6]  }
0x95: {  	s7 =	sld [smem:$0x3FC5]  }
0x96: {  	s9 =	simm.s32 $0xA;
	s10 =	simm.s32 $0x10;
	s8 =	sld [smem:$0x3FC4]  }
0x97: {  	[smem:s10], [sflag:s9] =	dma.local [hbm:s5], $0x1  }
0x98: {  	_ =	swait.eq [sflag:s9], $0x1  }
0x99: {  	[sflag:s9] =	ssyncset.done $0x0  }
0x9a: {  	s17 =	sld [smem:$0x10];
	[sflag:s9] =	ssyncadd.s32 $0xFFFFFFFF  }
0x9b: {  	s18 =	sld [smem:$0x11];
	(tm) =	ssettm $0x1  }
0x9c: {  	s19 =	sld [smem:$0x3FFB];
	_ =	sdelay $0x3  }
0x9d: {  	_ =	strace s19  }
0x9e: {  	s10 =	sld [smem:$0x3FFC];
	_ =	sdelay $0x3  }
0x9f: {  	_ =	strace s10  }
0xa0: {  	s10 =	sld [smem:$0x3FFD];
	_ =	sdelay $0x3  }
0xa1: {  	_ =	strace s10  }
0xa2: {  	_ =	strace $0x8FFFFFFF  }
0xa3: {  	s20 =	sld [smem:$0x3FDB];
	_ =	sdelay $0x1  }
0xa4: {  	s11 =	simm.s32 $_scs_section_size  }
0xa5: {  	s12 =	simm.s32 $_size__tile_overlayer_lowered;
	s13 =	simm.s32 $_tile_overlayer_lowered  }
0xa6: {  	s23 =	simm.s32 $0x1BFF;
	s22 =	sshll.u32 s13, $0x1;
	s10 =	sadd.s32 s11, s20  }
0xa7: {  	s14 =	simm.s32 $0x0;
	s21 =	sshll.u32 s12, $0x1;
	s12 =	sadd.s32 s22, s10  }
0xa8: {  	[timem:s14], [sflag:s23] =	dma.local [hbm:s12], s21  }
0xa9: {  	_ =	swait.ge [sflag:s23], s21  }
0xaa: {  	s11 =	ssub.s32 $0x0, s21;
	[sflag:s23] =	ssyncset.done $0x0  }
0xab: {  	[sflag:s23] =	ssyncadd.s32 s11;
	_ =	sdelay $0x1  }
0xac: {  	s24 =	simm.s32 $0x1B8B  }
0xad: {  	_ =	swait.ge [sflag:s24], $0x1  }
0xae: {  	[sflag:s24] =	ssyncset.done $0x0  }
0xaf: {  	s25 =	simm.s32 $0x1B8E;
	[sflag:s24] =	ssyncadd.s32 $0xFFFFFFFF  }
0xb0: {  	s26 =	simm.s32 $execute0_lowered;
	[smem:$0x3FD2] =	sst s25  }
0xb1: {  	s11 =	sshll.u32 s26, $0x1;
	_ =	strace $0x80000046;
	[dreg:$0x1] =	wrdreg $0xFFFFFFFF  }
0xb2: {  	s28 =	simm.s32 $_size_execute0_lowered;
	s10 =	sadd.s32 s10, s11;
	[dreg:$0x0] =	wrdreg $0x0  }
0xb3: {  	s11 =	sshll.u32 s28, $0x1;
	[dreg:$0x2] =	wrdreg s10  }
0xb4: {  	[dreg:$0x3] =	wrdreg s11  }
0xb5: {  	[dreg:$0x4] =	wrdreg $0xC0  }
0xb6: {  	_ =	task [dreg:s14], $0x5FFFF  }
0xb7: {  	[dreg:$0x1] =	wrdreg $0xFFFFFFFF  }
0xb8: {  	[dreg:$0x0] =	wrdreg $0x60  }
0xb9: {  	[dreg:$0x2] =	wrdreg s2  }
0xba: {  	[dreg:$0x3] =	wrdreg s16  }
0xbb: {  	[dreg:$0x4] =	wrdreg s4  }
0xbc: {  	[dreg:$0x5] =	wrdreg s6  }
0xbd: {  	[dreg:$0x6] =	wrdreg s7  }
0xbe: {  	[dreg:$0x7] =	wrdreg s8  }
0xbf: {  	[dreg:$0x8] =	wrdreg s17  }
0xc0: {  	[dreg:$0x9] =	wrdreg s18  }
0xc1: {  	[dreg:$0xa] =	wrdreg $0x9  }
0xc2: {  	_ =	task.clear_ibuf [dreg:s14], $0xBFFFF;
	_ =	strace $0x90000046  }
0xc3: {  	s29 =	simm.s32 $0x9;
	_ =	strace $0x80000048  }
0xc4: {  	_ =	swait.ge [sflag:s29], $0x1  }
0xc5: {  	[sflag:s29] =	ssyncadd.s32 $0xFFFFFFFF  }
0xc6: {  	_ =	strace $0x90000048  }
0xc7: {  	_ =	sfence  }
0xc8: {  	s30 =	sld [smem:$0x0];
	_ =	sdelay $0x2  }
0xc9: {  	s31 =	sshll.u32 s1, $0xD;
	s1 =	sshrl.u32 s1, $0x2  }
0xca: {  	s3 =	sand.u32 $0x4000, s31;
	s1 =	sadd.s32 s1, s30  }
0xcb: {  	s0 =	sor.u32 s3, s0;
	s1 =	sshll.u32 s1, $0x11  }
0xcc: {  	s0 =	sor.u32 s1, s0  }
0xcd: {  	s0 =	sadd.s32 $0x8F2B, s0  }
0xce: {  	[sflag:s0] =	ssyncadd.remote.s32 $0x1  }
0xcf: {  	_ =	sfence.sel $0xFFFF  }
0xd0: {  	[dreg:$0x0] =	wrdreg $0xFFFFFFFF;
	(pc) =	sbr.abs _section_cstart, $3  }
0xd1: {  	[dreg:$0x1] =	wrdreg $0xFFFFFFFF  }
0xd2: {  	_ =	task.clear_ibuf [dreg:s14], $0x2FFFF;
	_ =	strace $0x9FFFFFFF  }
0xd3: {  	(tm) =	ssettm $0x7FFFFFFF  }
tec
execute0_lowered:
.L_overlay_start_1:
0x0: {  	(tag) =	ssettag $0x1  }
0x1: {  	s0 =	rddreg [dreg:$0x0]  }
0x2: {  	s1 =	rddreg [dreg:$0x3]  }
0x3: {  	s2 =	rddreg [dreg:$0x4]  }
0x4: {  	s3 =	rddreg [dreg:$0x6]  }
0x5: {  	s4 =	rddreg [dreg:$0x7]  }
0x6: {  	s6 =	simm.s32 $0x0;
	s5 =	srdreg.scid;
	s8 =	stileid.u32  }
0x7: {  	s20 =	simm.s32 $0x1;
	s21 =	simm.s32 $0x2;
	s22 =	simm.s32 $0x80  }
0x8: {  	s28 =	simm.s32 $0x3;
	s29 =	simm.s32 $0x4;
	s30 =	simm.s32 $0x18700  }
0x9: {  	s18 =	simm.s32 $0x5;
	s19 =	simm.s32 $0x0;
	s5 =	sand.u32 $0x1, s5  }
0xa: {  	s8 =	sshll.u32 s8, $0x7;
	s7 =	ssub.s32 $0x2, s5;
	s5 =	sshll.u32 s5, $0x6  }
0xb: {  	[smem:$0x7FF] =	sst s6;
	s9 =	sshrl.u32 s7, $0x1;
	s5 =	sor.u32 s5, s8  }
0xc: {  	_ =	strace $0x80000047;
	s17 =	ssub.s32 s7, s9;
	s7 =	sadd.s32 s1, s5  }
0xd: {  	s8 =	sadd.s32 s2, s5;
	s9 =	sadd.s32 s3, s5;
	s10 =	sadd.s32 s4, s5  }
0xe: {  	s25 =	sor.u32 $0x10, s5;
	s26 =	sor.u32 $0x20, s5;
	s31 =	sor.u32 $0x30, s5  }
0xf: {  	s1 =	simm.s32 $0x10680;
	s2 =	simm.s32 $0x18800;
	s11 =	sadd.s32 s3, s25  }
0x10: {  	s12 =	sadd.s32 s4, s25;
	s13 =	sadd.s32 s3, s26;
	s14 =	sadd.s32 s4, s26  }
0x11: {  	v0 =	vlaneseq.u32;
	s15 =	sadd.s32 s3, s31;
	s16 =	sadd.s32 s4, s31;
	s17 =	smax.u32 s17, $0x1  }
0x12: {  	v1 =	vimm.s32 $0x0;
	v0 =	vmul.u32 $0x80, v0;
	s26 =	simm.s32 $0x680;
	s25 =	simm.s32 $0x6;
	s3 =	simm.s32 $0x14680  }
.LBB2_1:
0x13: {  	s4 =	simm.s32 $0x280  }
0x14: {  	[tilespmem:s4], [sflag:$0x1] =	stream.linear.gather [hbm4b:s7+s6], $0x200, $0x38;
	[tilespmem:$0x18880] =	vst v63  }
0x15: {  	s5 =	simm.s32 $0x480  }
0x16: {  	[tilespmem:s5], [sflag:$0x2] =	stream.linear.gather [hbm4b:s8+s6], $0x200, $0x38;
	[tilespmem:$0x18880] =	vst v63  }
0x17: {  	_ =	swait.ge [sflag:s20], $0x200  }
0x18: {  	[sflag:s20] =	ssyncset.done $0x0  }
0x19: {  	[sflag:s20] =	ssyncadd.s32 $0xFFFFFE00  }
0x1a: {  	_ =	swait.ge [sflag:s21], $0x200  }
0x1b: {  	[sflag:s21] =	ssyncset.done $0x0  }
0x1c: {  	[sflag:s21] =	ssyncadd.s32 $0xFFFFFE00  }
0x1d: {  	[tilespmem:s26], [sflag:$0x1] =	stream.indirect.gather [hbm4b:s0+s22], $0x80, s4, s22, $0xb8;
	[tilespmem:$0x18880] =	vst v63  }
0x1e: {  	s23 =	simm.s32 $0x8680  }
0x1f: {  	[tilespmem:s23], [sflag:$0x2] =	stream.indirect.gather [hbm4b:s0+s22], $0x80, s5, s22, $0xb8;
	[tilespmem:$0x18880] =	vst v63  }
0x20: {  	s24 =	rddreg [dreg:$0x5]  }
0x21: {  	[tilespmem:s6], [sflag:$0x6] =	stream.linear.gather [hbm4b:s24+s6], $0x80, $0x38;
	[tilespmem:$0x18880] =	vst v63  }
0x22: {  	_ =	swait.ge [sflag:s25], $0x80  }
0x23: {  	[sflag:s25] =	ssyncset.done $0x0  }
0x24: {  	[sflag:s25] =	ssyncadd.s32 $0xFFFFFF80  }
0x25: {  	s5 =	rddreg [dreg:$0x1]  }
0x26: {  	[tilespmem:s22], [sflag:$0x3] =	stream.indirect.gather [hbm4b:s5+s21], $0x80, s6, s21, $0xb8;
	[tilespmem:$0x18880] =	vst v63  }
0x27: {  	s24 =	simm.s32 $0x180;
	s23 =	rddreg [dreg:$0x2]  }
0x28: {  	[tilespmem:s24], [sflag:$0x4] =	stream.indirect.gather [hbm4b:s23+s21], $0x80, s6, s21, $0xb8;
	[tilespmem:$0x18880] =	vst v63  }
0x29: {  	_ =	swait.ge [sflag:s28], $0x100  }
0x2a: {  	[sflag:s28] =	ssyncset.done $0x0  }
0x2b: {  	[sflag:s28] =	ssyncadd.s32 $0xFFFFFF00  }
0x2c: {  	_ =	swait.ge [sflag:s29], $0x100  }
0x2d: {  	[sflag:s29] =	ssyncset.done $0x0  }
0x2e: {  	[sflag:s29] =	ssyncadd.s32 $0xFFFFFF00  }
0x2f: {  	v2 =	vld [tilespmem:$0x80]  }
0x30: {  	v3 =	vld [tilespmem:$0x100]  }
0x31: {  	v4 =	vld [tilespmem:$0x180]  }
0x32: {  	v5 =	vld [tilespmem:$0x200]  }
0x33: {  	v6 =	vld [tilespmem:$0x90]  }
0x34: {  	v7 =	vld [tilespmem:$0x110]  }
0x35: {  	v9 =	vld [tilespmem:$0x190]  }
0x36: {  	v11 =	vld [tilespmem:$0x210]  }
0x37: {  	v12 =	vld [tilespmem:$0xA0]  }
0x38: {  	v13 =	vld [tilespmem:$0x120]  }
0x39: {  	v14 =	vld [tilespmem:$0x1A0]  }
0x3a: {  	v15 =	vld [tilespmem:$0x220]  }
0x3b: {  	v16 =	vld [tilespmem:$0xB0]  }
0x3c: {  	v17 =	vld [tilespmem:$0x130]  }
0x3d: {  	v18 =	vld [tilespmem:$0x1B0]  }
0x3e: {  	v19 =	vld [tilespmem:$0x230]  }
0x3f: {  	v20 =	vld [tilespmem:$0xC0]  }
0x40: {  	v21 =	vld [tilespmem:$0x140]  }
0x41: {  	v22 =	vld [tilespmem:$0x1C0]  }
0x42: {  	v23 =	vld [tilespmem:$0x240]  }
0x43: {  	v24 =	vld [tilespmem:$0xD0]  }
0x44: {  	v25 =	vld [tilespmem:$0x150]  }
0x45: {  	v26 =	vld [tilespmem:$0x1D0]  }
0x46: {  	v27 =	vld [tilespmem:$0x250]  }
0x47: {  	v28 =	vld [tilespmem:$0xE0]  }
0x48: {  	v29 =	vld [tilespmem:$0x160]  }
0x49: {  	v30 =	vld [tilespmem:$0x1E0]  }
0x4a: {  	v31 =	vld [tilespmem:$0x260]  }
0x4b: {  	v32 =	vld [tilespmem:$0xF0]  }
0x4c: {  	v33 =	vld [tilespmem:$0x170]  }
0x4d: {  	s23 =	simm.s32 $0x300;
	s24 =	simm.s32 $0x4680;
	v34 =	vld [tilespmem:$0x1F0]  }
0x4e: {  	v35 =	vld [tilespmem:$0x270];
	[tilespmem:s24], [sflag:$0x3] =	stream.indirect.gather [hbm4b:s0+s22], $0x80, s23, s22, $0xb8  }
0x4f: {  	s23 =	simm.s32 $0x500;
	s24 =	simm.s32 $0xC680  }
0x50: {  	[tilespmem:s24], [sflag:$0x4] =	stream.indirect.gather [hbm4b:s0+s22], $0x80, s23, s22, $0xb8;
	[tilespmem:$0x18880] =	vst v63  }
0x51: {  	_ =	swait.ge [sflag:s20], $0x4000  }
0x52: {  	[sflag:s20] =	ssyncset.done $0x0  }
0x53: {  	[sflag:s20] =	ssyncadd.s32 $0xFFFFC000  }
0x54: {  	_ =	swait.ge [sflag:s21], $0x4000  }
0x55: {  	[sflag:s21] =	ssyncset.done $0x0  }
0x56: {  	s23 =	simm.s32 $0x0;
	[sflag:s21] =	ssyncadd.s32 $0xFFFFC000  }
0x57: {  	v36 =	vld [tilespmem:s23+$0x86F0]  }
0x58: {  	v37 =	vld [tilespmem:s23+$0x6F0]  }
0x59: {  	v38 =	vld [tilespmem:s23+$0x86E0]  }
0x5a: {  	v39 =	vld [tilespmem:s23+$0x86B0]  }
0x5b: {  	v40 =	vld [tilespmem:s23+$0x6D0]  }
0x5c: {  	v41 =	vld [tilespmem:s23+$0x86A0]  }
0x5d: {  	v10 =	vadd.f32 v3, v2;
	v2 =	vmax.f32 v4, $0.0e+00;
	v3 =	vmax.f32 v5, $0.0e+00;
	v42 =	vld [tilespmem:s23+$0x8690]  }
0x5e: {  	v8 =	vadd.f32 v3, v2;
	v2 =	vmax.f32 v9, $0.0e+00;
	v3 =	vmax.f32 v11, $0.0e+00;
	v43 =	vld [tilespmem:s23+$0x6E0]  }
0x5f: {  	v4 =	vmax.f32 v15, $0.0e+00;
	v3 =	vadd.f32 v3, v2;
	v2 =	vmax.f32 v14, $0.0e+00;
	v44 =	vld [tilespmem:s23+$0x86C0]  }
0x60: {  	v11 =	vadd.f32 v4, v2;
	v2 =	vmax.f32 v18, $0.0e+00;
	v18 =	vld [tilespmem:s23+$0x6A0]  }
0x61: {  	v4 =	vmax.f32 v19, $0.0e+00;
	v19 =	vld [tilespmem:s23+$0x6C0]  }
0x62: {  	v7 =	vadd.f32 v7, v6;
	v15 =	vadd.f32 v21, v20;
	v20 =	vld [tilespmem:s23+$0x8680]  }
0x63: {  	v13 =	vadd.f32 v13, v12;
	v12 =	vadd.f32 v17, v16;
	v21 =	vld [tilespmem:s23+$0x680]  }
0x64: {  	v16 =	vadd.f32 v29, v28;
	v6 =	vadd.f32 v4, v2;
	v2 =	vmax.f32 v22, $0.0e+00;
	v22 =	vld [tilespmem:s23+$0x6B0]  }
0x65: {  	v5 =	vmax.f32 v31, $0.0e+00;
	v9 =	vadd.f32 v25, v24;
	v4 =	vmax.f32 v23, $0.0e+00;
	v23 =	vld [tilespmem:s23+$0x690]  }
0x66: {  	s24 =	simm.s32 $0x80;
	v24 =	vld [tilespmem:s23+$0x86D0];
	v14 =	vadd.f32 v4, v2;
	v2 =	vmax.f32 v26, $0.0e+00;
	v4 =	vmax.f32 v27, $0.0e+00  }
0x67: {  	v17 =	vadd.f32 v33, v32;
	v31 =	vld [tilespmem:s24+$0x8690];
	v2 =	vadd.f32 v4, v2;
	v4 =	vmax.f32 v30, $0.0e+00  }
0x68: {  	v25 =	vmax.f32 v35, $0.0e+00;
	v60 =	vld [tilespmem:s24+$0x690];
	v4 =	vadd.f32 v5, v4;
	v5 =	vmax.f32 v34, $0.0e+00  }
0x69: {  	v5 =	vadd.f32 v25, v5;
	v26 =	vsub.f32 v37, v36  }
0x6a: {  	v20 =	vsub.f32 v21, v20;
	v25 =	vsub.f32 v43, v38  }
0x6b: {  	v18 =	vsub.f32 v18, v41;
	v19 =	vsub.f32 v19, v44  }
0x6c: {  	v59 =	vld [tilespmem:s24+$0x6A0];
	v22 =	vsub.f32 v22, v39;
	v23 =	vsub.f32 v23, v42  }
0x6d: {  	v30 =	vld [tilespmem:s24+$0x86A0];
	v24 =	vsub.f32 v40, v24;
	v31 =	vsub.f32 v60, v31  }
0x6e: {  	v52 =	vld [tilespmem:s24+$0x86C0];
	v28 =	vsub.f32 v26, v17;
	v20 =	vsub.f32 v20, v10  }
0x6f: {  	v54 =	vld [tilespmem:s24+$0x6C0];
	v25 =	vsub.f32 v25, v16;
	v18 =	vsub.f32 v18, v13  }
0x70: {  	v51 =	vld [tilespmem:s24+$0x6E0];
	v19 =	vsub.f32 v19, v15;
	v22 =	vsub.f32 v22, v12  }
0x71: {  	v27 =	vld [tilespmem:s24+$0x86F0];
	v23 =	vsub.f32 v23, v7;
	v24 =	vsub.f32 v24, v9  }
0x72: {  	v21 =	vld [tilespmem:s24+$0x6F0];
	v30 =	vsub.f32 v59, v30;
	v31 =	vsub.f32 v31, v7;
	v20 =	vand.u32 $0x7FFFFFFF, v20  }
0x73: {  	v26 =	vld [tilespmem:s24+$0x86E0];
	v18 =	vand.u32 $0x7FFFFFFF, v18;
	v19 =	vand.u32 $0x7FFFFFFF, v19;
	v22 =	vand.u32 $0x7FFFFFFF, v22  }
0x74: {  	v29 =	vld [tilespmem:s24+$0x86B0];
	v61 =	vand.u32 $0x7FFFFFFF, v25;
	v25 =	vsub.f32 v54, v52;
	v50 =	vsub.f32 v20, v8  }
0x75: {  	v55 =	vld [tilespmem:s24+$0x8680];
	v23 =	vand.u32 $0x7FFFFFFF, v23;
	v53 =	vsub.f32 v18, v11;
	v56 =	vsub.f32 v19, v14  }
0x76: {  	s31 =	simm.s32 $0x100;
	v58 =	vld [tilespmem:s24+$0x680];
	v57 =	vsub.f32 v22, v6;
	v20 =	vadd.f32 v23, v20  }
0x77: {  	v24 =	vand.u32 $0x7FFFFFFF, v24;
	v52 =	vld [tilespmem:s31+$0x86E0];
	v21 =	vsub.f32 v21, v27;
	v23 =	vsub.f32 v23, v3  }
0x78: {  	v27 =	vld [tilespmem:s24+$0x6B0];
	v49 =	vsub.f32 v24, v2;
	v26 =	vsub.f32 v51, v26  }
0x79: {  	v54 =	vld [tilespmem:s31+$0x6E0];
	v32 =	vmax.f32 v50, $0.0e+00;
	v20 =	vadd.f32 v18, v20;
	v23 =	vmax.f32 v23, $0.0e+00  }
0x7a: {  	v18 =	vsub.f32 v21, v17;
	v23 =	vadd.f32 v23, v32  }
0x7b: {  	v45 =	vld [tilespmem:s31+$0x6A0];
	v21 =	vsub.f32 v26, v16;
	v26 =	vsub.f32 v58, v55  }
0x7c: {  	v35 =	vmax.f32 v53, $0.0e+00;
	v53 =	vld [tilespmem:s31+$0x86A0];
	v20 =	vadd.f32 v22, v20;
	v55 =	vsub.f32 v61, v4  }
0x7d: {  	v62 =	vld [tilespmem:s24+$0x86D0];
	v46 =	vand.u32 $0x7FFFFFFF, v28;
	v27 =	vsub.f32 v27, v29;
	v23 =	vadd.f32 v35, v23  }
0x7e: {  	v48 =	vmax.f32 v56, $0.0e+00;
	v29 =	vld [tilespmem:s24+$0x6D0];
	v35 =	vsub.f32 v54, v52;
	v26 =	vsub.f32 v26, v10  }
0x7f: {  	v22 =	vmax.f32 v57, $0.0e+00;
	v19 =	vadd.f32 v19, v20;
	v20 =	vsub.f32 v30, v13  }
0x80: {  	v27 =	vsub.f32 v27, v12;
	v58 =	vadd.f32 v22, v23;
	v22 =	vand.u32 $0x7FFFFFFF, v31  }
0x81: {  	v50 =	vld [tilespmem:s31+$0x6F0];
	v34 =	vsub.f32 v45, v53;
	v51 =	vand.u32 $0x7FFFFFFF, v20;
	v20 =	vsub.f32 v25, v15  }
0x82: {  	v30 =	vld [tilespmem:s31+$0x86F0];
	v63 =	vand.u32 $0x7FFFFFFF, v26;
	v19 =	vadd.f32 v24, v19;
	v60 =	vsub.f32 v22, v3  }
0x83: {  	v56 =	vld [tilespmem:s31+$0x86C0];
	v26 =	vsub.f32 v63, v8;
	v57 =	vand.u32 $0x7FFFFFFF, v27;
	v27 =	vsub.f32 v29, v62  }
0x84: {  	v36 =	vmax.f32 v49, $0.0e+00;
	v31 =	vld [tilespmem:s31+$0x6C0];
	v29 =	vsub.f32 v57, v6;
	v23 =	vadd.f32 v61, v19  }
0x85: {  	v47 =	vld [tilespmem:s31+$0x8680];
	v19 =	vadd.f32 v22, v63;
	v22 =	vand.u32 $0x7FFFFFFF, v21;
	v21 =	vsub.f32 v35, v16  }
0x86: {  	v37 =	vld [tilespmem:s31+$0x6B0];
	v63 =	vadd.f32 v48, v58;
	v24 =	vmax.f32 v26, $0.0e+00;
	v26 =	vsub.f32 v51, v11  }
0x87: {  	v25 =	vand.u32 $0x7FFFFFFF, v20;
	v61 =	vld [tilespmem:s31+$0x680];
	v59 =	vsub.f32 v27, v9;
	v27 =	vsub.f32 v50, v30  }
0x88: {  	v28 =	vld [tilespmem:s31+$0x86B0];
	v33 =	vmax.f32 v60, $0.0e+00;
	v38 =	vadd.f32 v51, v19;
	v62 =	vadd.f32 v46, v23  }
0x89: {  	v35 =	vld [tilespmem:s31+$0x690];
	v30 =	vmax.f32 v55, $0.0e+00;
	v46 =	vsub.f32 v46, v5;
	v31 =	vsub.f32 v31, v56  }
0x8a: {  	v39 =	vadd.f32 v36, v63;
	v19 =	vsub.f32 v27, v17;
	v27 =	vmax.f32 v29, $0.0e+00;
	v29 =	vld [tilespmem:s31+$0x8690]  }
0x8b: {  	v20 =	vmax.f32 v26, $0.0e+00;
	v26 =	vsub.f32 v25, v14;
	v38 =	vadd.f32 v57, v38  }
0x8c: {  	s5 =	simm.s32 $0x600;
	v23 =	vld [tilespmem:s31+$0x6D0];
	v32 =	vand.u32 $0x7FFFFFFF, v59;
	[tilespmem:s23+$0x14680] =	vst v62;
	v36 =	vmax.f32 v46, $0.0e+00;
	v40 =	vsub.f32 v61, v47  }
.LBB2_2:
0x8d: {  	s4 =	sshra.s32 s5, $0x2;
	p0 =	sne.s32 s5, $0xFE00;
	s5 =	sadd.s32 $0x200, s5;
	v37 =	vsub.f32 v37, v28;
	v41 =	vld [tilespmem:s31+$0x86D0];
	v33 =	vadd.f32 v33, v24  }
0x8e: {  	v42 =	vld [tilespmem:s4+$0x86F0];
	v24 =	vsub.f32 v40, v10;
	v40 =	vmax.f32 v26, $0.0e+00;
	v26 =	vadd.f32 v30, v39  }
0x8f: {  	v25 =	vadd.f32 v25, v38;
	v29 =	vsub.f32 v35, v29;
	v30 =	vld [tilespmem:s4+$0x6F0]  }
0x90: {  	v35 =	vld [tilespmem:s4+$0x86E0];
	v38 =	vand.u32 $0x7FFFFFFF, v24;
	v24 =	vsub.f32 v34, v13;
	v34 =	vsub.f32 v32, v2  }
0x91: {  	v26 =	vadd.f32 v36, v26;
	v28 =	vld [tilespmem:s4+$0x86B0];
	v39 =	vsub.f32 v38, v8  }
0x92: {  	v31 =	vsub.f32 v31, v15;
	v32 =	vadd.f32 v32, v25;
	v36 =	vld [tilespmem:s4+$0x6D0];
	v43 =	vand.u32 $0x7FFFFFFF, v24  }
0x93: {  	v44 =	vld [tilespmem:s4+$0x86A0];
	v24 =	vmax.f32 v39, $0.0e+00;
	v39 =	vsub.f32 v29, v7;
	v45 =	vsub.f32 v43, v11;
	[tilespmem:s23+$0x10680] =	vst v26;
	s23 =	smov.u32 s24;
	s24 =	smov.u32 s31;
	s31 =	smov.u32 s4  }
0x94: {  	v37 =	vsub.f32 v37, v12;
	v25 =	vand.u32 $0x7FFFFFFF, v31;
	v31 =	vadd.f32 v20, v33;
	v29 =	vld [tilespmem:s31+$0x8690]  }
0x95: {  	v26 =	vsub.f32 v25, v14;
	v33 =	vld [tilespmem:s31+$0x6E0];
	v20 =	vmax.f32 v45, $0.0e+00;
	v45 =	vsub.f32 v22, v4  }
0x96: {  	v47 =	vand.u32 $0x7FFFFFFF, v37;
	v37 =	vsub.f32 v23, v41;
	v41 =	vadd.f32 v27, v31;
	v46 =	vld [tilespmem:s31+$0x86C0]  }
0x97: {  	v31 =	vsub.f32 v47, v6;
	v32 =	vadd.f32 v22, v32;
	v27 =	vand.u32 $0x7FFFFFFF, v39;
	v48 =	vld [tilespmem:s31+$0x6A0];
	v23 =	vmovc v36  }
0x98: {  	v39 =	vsub.f32 v37, v9;
	v22 =	vadd.f32 v27, v38;
	v38 =	vand.u32 $0x7FFFFFFF, v18;
	v18 =	vmovc v19;
	v36 =	vld [tilespmem:s31+$0x6C0]  }
0x99: {  	v19 =	vsub.f32 v30, v42;
	v27 =	vsub.f32 v27, v3;
	v30 =	vmax.f32 v45, $0.0e+00;
	v49 =	vld [tilespmem:s31+$0x8680]  }
0x9a: {  	v43 =	vadd.f32 v43, v22;
	v22 =	vand.u32 $0x7FFFFFFF, v21;
	v42 =	vld [tilespmem:s31+$0x680];
	v45 =	vsub.f32 v33, v35  }
.Ltmp0:
0x9b: {  	v32 =	vadd.f32 v38, v32;
	v19 =	vsub.f32 v19, v17;
	v33 =	vmax.f32 v27, $0.0e+00;
	v37 =	vld [tilespmem:s31+$0x6B0];
	(pc) =	sbr.rel @p0 .LBB2_2-.Ltmp0, $4  }
0x9c: {  	v27 =	vmax.f32 v31, $0.0e+00;
	v35 =	vld [tilespmem:s31+$0x690];
	v21 =	vsub.f32 v45, v16;
	v45 =	vsub.f32 v38, v5  }
0x9d: {  	v31 =	vsub.f32 v36, v46;
	v36 =	vadd.f32 v40, v41;
	v41 =	vmax.f32 v34, $0.0e+00;
	[tilespmem:s23+$0x14680] =	vst v32  }
0x9e: {  	v38 =	vadd.f32 v47, v43;
	v34 =	vsub.f32 v48, v44;
	v32 =	vand.u32 $0x7FFFFFFF, v39  }
0x9f: {  	v40 =	vsub.f32 v42, v49;
	v39 =	vadd.f32 v41, v36;
	v36 =	vmax.f32 v45, $0.0e+00  }
0xa0: {  	v28 =	vsub.f32 v37, v28;
	v24 =	vadd.f32 v33, v24  }
0xa1: {  	v25 =	vadd.f32 v25, v38;
	v34 =	vsub.f32 v34, v13  }
0xa2: {  	v51 =	vsub.f32 v32, v2;
	v31 =	vsub.f32 v31, v15  }
0xa3: {  	v55 =	vsub.f32 v22, v4;
	v48 =	vsub.f32 v40, v10  }
0xa4: {  	v26 =	vmax.f32 v26, $0.0e+00;
	v30 =	vadd.f32 v30, v39;
	v29 =	vsub.f32 v35, v29  }
0xa5: {  	v50 =	vld [tilespmem:s31+$0x86D0];
	v34 =	vand.u32 $0x7FFFFFFF, v34;
	v25 =	vadd.f32 v32, v25;
	v28 =	vsub.f32 v28, v12  }
0xa6: {  	v31 =	vand.u32 $0x7FFFFFFF, v31;
	v20 =	vadd.f32 v20, v24;
	v30 =	vadd.f32 v36, v30  }
0xa7: {  	v33 =	vand.u32 $0x7FFFFFFF, v48;
	v29 =	vsub.f32 v29, v7;
	v53 =	vsub.f32 v34, v11  }
0xa8: {  	v18 =	vand.u32 $0x7FFFFFFF, v18;
	v24 =	vsub.f32 v31, v14;
	v52 =	vsub.f32 v33, v8  }
0xa9: {  	v20 =	vadd.f32 v27, v20;
	v22 =	vadd.f32 v22, v25;
	v29 =	vand.u32 $0x7FFFFFFF, v29  }
0xaa: {  	v28 =	vand.u32 $0x7FFFFFFF, v28;
	v23 =	vsub.f32 v23, v50;
	v27 =	vsub.f32 v29, v3  }
0xab: {  	v21 =	vand.u32 $0x7FFFFFFF, v21;
	v56 =	vsub.f32 v28, v6;
	v29 =	vadd.f32 v29, v33  }
0xac: {  	v54 =	vmax.f32 v52, $0.0e+00;
	v22 =	vadd.f32 v18, v22;
	v25 =	vmax.f32 v27, $0.0e+00  }
0xad: {  	v19 =	vand.u32 $0x7FFFFFFF, v19;
	v27 =	vadd.f32 v34, v29;
	v25 =	vadd.f32 v25, v54  }
0xae: {  	s4 =	simm.s32 $0x0;
	v32 =	vmax.f32 v53, $0.0e+00;
	v18 =	vsub.f32 v18, v5;
	v23 =	vsub.f32 v23, v9  }
0xaf: {  	v49 =	vmov s4;
	v27 =	vadd.f32 v28, v27;
	v25 =	vadd.f32 v32, v25  }
0xb0: {  	v20 =	vadd.f32 v26, v20;
	v26 =	vmax.f32 v51, $0.0e+00;
	v57 =	vmax.f32 v56, $0.0e+00  }
0xb1: {  	v23 =	vand.u32 $0x7FFFFFFF, v23;
	v27 =	vadd.f32 v31, v27;
	v25 =	vadd.f32 v57, v25  }
0xb2: {  	v24 =	vmax.f32 v24, $0.0e+00;
	v20 =	vadd.f32 v26, v20;
	v26 =	vsub.f32 v23, v2  }
0xb3: {  	v29 =	vmax.f32 v55, $0.0e+00;
	v23 =	vadd.f32 v23, v27;
	v24 =	vadd.f32 v24, v25  }
0xb4: {  	v20 =	vadd.f32 v29, v20;
	v26 =	vmax.f32 v26, $0.0e+00;
	v25 =	vsub.f32 v21, v4  }
0xb5: {  	v18 =	vmax.f32 v18, $0.0e+00;
	v21 =	vadd.f32 v21, v23;
	v23 =	vadd.f32 v26, v24  }
0xb6: {  	v24 =	vmax.f32 v25, $0.0e+00;
	v25 =	vsub.f32 v19, v5;
	v26 =	vshll.u32 v49, $0x7  }
0xb7: {  	[tilespmem:s23+$0x10680] =	vst v30;
	v18 =	vadd.f32 v18, v20;
	v20 =	vadd.f32 v24, v23;
	v23 =	vor.u32 v0, v26  }
0xb8: {  	[tilespmem:s24+$0x14680] =	vst v22;
	v19 =	vadd.f32 v19, v21;
	v21 =	vmax.f32 v25, $0.0e+00  }
0xb9: {  	[tilespmem:s24+$0x10680] =	vst v18;
	v22 =	vor.u32 $0x3, v23;
	v18 =	vadd.f32 v21, v20  }
0xba: {  	[tilespmem:s31+$0x14680] =	vst v19  }
0xbb: {  	v25 =	vor.u32 $0x4, v23;
	[tilespmem:s31+$0x10680] =	vst v18  }
0xbc: {  	v19 =	vld.idx.msk [tilespmem:v23+s1+$0x0], $0xffff  }
0xbd: {  	v27 =	vor.u32 $0x5, v23;
	v21 =	vld.idx.msk [tilespmem:v23+s3+$0x0], $0xffff  }
0xbe: {  	v28 =	vld.idx.msk [tilespmem:v22+s1+$0x0], $0xffff  }
0xbf: {  	v29 =	vor.u32 $0x6, v23;
	v22 =	vld.idx.msk [tilespmem:v22+s3+$0x0], $0xffff  }
0xc0: {  	v30 =	vld.idx.msk [tilespmem:v25+s1+$0x0], $0xffff  }
0xc1: {  	v31 =	vor.u32 $0x7, v23;
	v25 =	vld.idx.msk [tilespmem:v25+s3+$0x0], $0xffff  }
0xc2: {  	v58 =	vld.idx.msk [tilespmem:v27+s1+$0x0], $0xffff  }
0xc3: {  	v59 =	vor.u32 $0x8, v23;
	v27 =	vld.idx.msk [tilespmem:v27+s3+$0x0], $0xffff  }
0xc4: {  	v60 =	vld.idx.msk [tilespmem:v29+s1+$0x0], $0xffff  }
0xc5: {  	v61 =	vor.u32 $0x9, v23;
	v29 =	vld.idx.msk [tilespmem:v29+s3+$0x0], $0xffff  }
0xc6: {  	v62 =	vld.idx.msk [tilespmem:v31+s1+$0x0], $0xffff  }
0xc7: {  	v20 =	vor.u32 $0x1, v23;
	v31 =	vld.idx.msk [tilespmem:v31+s3+$0x0], $0xffff  }
0xc8: {  	v45 =	vld.idx.msk [tilespmem:v59+s1+$0x0], $0xffff  }
0xc9: {  	v18 =	vor.u32 $0x2, v23;
	v33 =	vld.idx.msk [tilespmem:v59+s3+$0x0], $0xffff  }
0xca: {  	v47 =	vld.idx.msk [tilespmem:v61+s1+$0x0], $0xffff  }
0xcb: {  	v63 =	vor.u32 $0xA, v23;
	v35 =	vld.idx.msk [tilespmem:v61+s3+$0x0], $0xffff  }
0xcc: {  	v24 =	vld.idx.msk [tilespmem:v20+s1+$0x0], $0xffff  }
0xcd: {  	v48 =	vor.u32 $0xE, v23;
	v20 =	vld.idx.msk [tilespmem:v20+s3+$0x0], $0xffff  }
0xce: {  	v46 =	vor.u32 $0xB, v23;
	v26 =	vld.idx.msk [tilespmem:v18+s1+$0x0], $0xffff  }
0xcf: {  	v18 =	vld.idx.msk [tilespmem:v18+s3+$0x0], $0xffff  }
0xd0: {  	v41 =	vor.u32 $0xC, v23;
	v42 =	vld.idx.msk [tilespmem:v63+s1+$0x0], $0xffff;
	v19 =	vadd.f32 $0.0e+00, v19;
	v21 =	vadd.f32 $0.0e+00, v21  }
0xd1: {  	v37 =	vld.idx.msk [tilespmem:v63+s3+$0x0], $0xffff  }
0xd2: {  	v43 =	vor.u32 $0xD, v23;
	v39 =	vld.idx.msk [tilespmem:v48+s3+$0x0], $0xffff;
	v19 =	vadd.f32 v24, v19;
	v20 =	vadd.f32 v20, v21  }
0xd3: {  	v21 =	vld.idx.msk [tilespmem:v46+s1+$0x0], $0xffff  }
0xd4: {  	s24 =	simm.s32 $0x10;
	v24 =	vld.idx.msk [tilespmem:v46+s3+$0x0], $0xffff;
	v19 =	vadd.f32 v26, v19;
	v18 =	vadd.f32 v18, v20  }
0xd5: {  	v23 =	vor.u32 $0xF, v23;
	v20 =	vld.idx.msk [tilespmem:v41+s1+$0x0], $0xffff;
	v26 =	vmov s24  }
0xd6: {  	v41 =	vld.idx.msk [tilespmem:v41+s3+$0x0], $0xffff;
	v19 =	vadd.f32 v28, v19;
	v18 =	vadd.f32 v22, v18;
	v22 =	vshll.u32 v26, $0x7  }
0xd7: {  	v26 =	vld.idx.msk [tilespmem:v43+s1+$0x0], $0xffff;
	v22 =	vor.u32 v0, v22  }
0xd8: {  	v28 =	vld.idx.msk [tilespmem:v43+s3+$0x0], $0xffff;
	v19 =	vadd.f32 v30, v19;
	v18 =	vadd.f32 v25, v18  }
0xd9: {  	v25 =	vld.idx.msk [tilespmem:v48+s1+$0x0], $0xffff;
	v49 =	vor.u32 $0x2, v22  }
0xda: {  	v30 =	vor.u32 $0x1, v22;
	v19 =	vadd.f32 v58, v19;
	v18 =	vadd.f32 v27, v18;
	v27 =	vld.idx.msk [tilespmem:v23+s1+$0x0], $0xffff  }
0xdb: {  	v23 =	vld.idx.msk [tilespmem:v23+s3+$0x0], $0xffff  }
0xdc: {  	v19 =	vadd.f32 v60, v19;
	v18 =	vadd.f32 v29, v18;
	v29 =	vld.idx.msk [tilespmem:v22+s1+$0x0], $0xffff  }
0xdd: {  	v51 =	vor.u32 $0x3, v22;
	v50 =	vld.idx.msk [tilespmem:v22+s3+$0x0], $0xffff  }
0xde: {  	v53 =	vld.idx.msk [tilespmem:v49+s1+$0x0], $0xffff;
	v19 =	vadd.f32 v62, v19;
	v18 =	vadd.f32 v31, v18  }
0xdf: {  	v52 =	vor.u32 $0x4, v22;
	v31 =	vld.idx.msk [tilespmem:v30+s1+$0x0], $0xffff  }
0xe0: {  	v54 =	vor.u32 $0x5, v22;
	v30 =	vld.idx.msk [tilespmem:v30+s3+$0x0], $0xffff;
	v19 =	vadd.f32 v45, v19;
	v18 =	vadd.f32 v33, v18  }
0xe1: {  	v32 =	vld.idx.msk [tilespmem:v49+s3+$0x0], $0xffff  }
0xe2: {  	v56 =	vor.u32 $0x6, v22;
	v55 =	vld.idx.msk [tilespmem:v51+s1+$0x0], $0xffff;
	v19 =	vadd.f32 v47, v19;
	v18 =	vadd.f32 v35, v18  }
0xe3: {  	v43 =	vld.idx.msk [tilespmem:v51+s3+$0x0], $0xffff;
	v29 =	vadd.f32 $0.0e+00, v29;
	v34 =	vadd.f32 $0.0e+00, v50  }
0xe4: {  	v57 =	vld.idx.msk [tilespmem:v52+s1+$0x0], $0xffff;
	v19 =	vadd.f32 v42, v19;
	v18 =	vadd.f32 v37, v18  }
0xe5: {  	v58 =	vor.u32 $0x7, v22;
	v59 =	vld.idx.msk [tilespmem:v54+s3+$0x0], $0xffff;
	v29 =	vadd.f32 v31, v29;
	v30 =	vadd.f32 v30, v34  }
0xe6: {  	v31 =	vld.idx.msk [tilespmem:v52+s3+$0x0], $0xffff;
	v19 =	vadd.f32 v21, v19;
	v18 =	vadd.f32 v24, v18  }
0xe7: {  	v60 =	vld.idx.msk [tilespmem:v56+s3+$0x0], $0xffff;
	v30 =	vadd.f32 v32, v30;
	v24 =	vadd.f32 v53, v29;
	v29 =	vor.u32 $0x8, v22  }
0xe8: {  	v21 =	vld.idx.msk [tilespmem:v54+s1+$0x0], $0xffff;
	v19 =	vadd.f32 v20, v19;
	v18 =	vadd.f32 v41, v18  }
0xe9: {  	v61 =	vor.u32 $0x9, v22;
	v30 =	vadd.f32 v43, v30;
	v20 =	vld.idx.msk [tilespmem:v56+s1+$0x0], $0xffff;
	v24 =	vadd.f32 v55, v24  }
0xea: {  	v19 =	vadd.f32 v26, v19;
	v18 =	vadd.f32 v28, v18;
	v26 =	vld.idx.msk [tilespmem:v58+s1+$0x0], $0xffff  }
0xeb: {  	v24 =	vadd.f32 v57, v24;
	v28 =	vadd.f32 v31, v30;
	v30 =	vld.idx.msk [tilespmem:v58+s3+$0x0], $0xffff;
	v31 =	vor.u32 $0xA, v22  }
0xec: {  	v19 =	vadd.f32 v25, v19;
	v18 =	vadd.f32 v39, v18;
	v25 =	vld.idx.msk [tilespmem:v29+s1+$0x0], $0xffff  }
0xed: {  	v21 =	vadd.f32 v21, v24;
	v24 =	vadd.f32 v59, v28;
	v28 =	vld.idx.msk [tilespmem:v29+s3+$0x0], $0xffff;
	v29 =	vor.u32 $0xB, v22  }
0xee: {  	v27 =	vadd.f32 v27, v19;
	v18 =	vadd.f32 v23, v18;
	v23 =	vld.idx.msk [tilespmem:v61+s1+$0x0], $0xffff  }
0xef: {  	v62 =	vor.u32 $0xC, v22;
	v19 =	vadd.f32 v20, v21;
	v20 =	vadd.f32 v60, v24;
	v24 =	vld.idx.msk [tilespmem:v61+s3+$0x0], $0xffff  }
0xf0: {  	v63 =	vld.idx.msk [tilespmem:v31+s1+$0x0], $0xffff;
	v21 =	vmul.f32 $9.800000190e-01, v27;
	v18 =	vmul.f32 $1.999999960e-02, v18  }
0xf1: {  	v26 =	vadd.f32 v26, v19;
	v20 =	vadd.f32 v30, v20;
	v30 =	vld.idx.msk [tilespmem:v31+s3+$0x0], $0xffff;
	v31 =	vor.u32 $0xD, v22  }
0xf2: {  	vm0 =	veq.f32 v27, $0.0e+00;
	v19 =	vld.idx.msk [tilespmem:v29+s1+$0x0], $0xffff;
	v18 =	vadd.f32 v18, v21  }
0xf3: {  	s23 =	simm.s32 $0x18680;
	s31 =	simm.s32 $0x20;
	v25 =	vadd.f32 v25, v26;
	v26 =	vadd.f32 v28, v20;
	v21 =	vld.idx.msk [tilespmem:v29+s3+$0x0], $0xffff;
	v28 =	vor.u32 $0xE, v22  }
0xf4: {  	s24 =	simm.s32 $0x18780;
	v27 =	vsel vm0, $0x1, v1;
	v20 =	vld.idx.msk [tilespmem:v62+s1+$0x0], $0xffff;
	[tilespmem:s23+$0x0] =	vst v18;
	v18 =	vmov s31  }
0xf5: {  	v25 =	vadd.f32 v23, v25;
	v24 =	vadd.f32 v24, v26;
	v23 =	vld.idx.msk [tilespmem:v62+s3+$0x0], $0xffff;
	[tilespmem:s24+$0x0] =	vst v27;
	v27 =	vor.u32 $0xF, v22  }
0xf6: {  	v18 =	vshll.u32 v18, $0x7;
	v22 =	vld.idx.msk [tilespmem:v31+s1+$0x0], $0xffff  }
0xf7: {  	s5 =	simm.s32 $0x30;
	v18 =	vor.u32 v0, v18;
	v25 =	vadd.f32 v63, v25;
	v26 =	vadd.f32 v30, v24;
	v24 =	vld.idx.msk [tilespmem:v31+s3+$0x0], $0xffff  }
.LBB2_4:
0xf8: {  	p0 =	sne.s32 s5, $0x70;
	v29 =	vld.idx.msk [tilespmem:v28+s1+$0x0], $0xffff  }
0xf9: {  	v30 =	vor.u32 $0x1, v18;
	v19 =	vadd.f32 v19, v25;
	v21 =	vadd.f32 v21, v26;
	v25 =	vld.idx.msk [tilespmem:v28+s3+$0x0], $0xffff  }
0xfa: {  	v26 =	vld.idx.msk [tilespmem:v27+s1+$0x0], $0xffff  }
0xfb: {  	v28 =	vor.u32 $0x2, v18;
	v19 =	vadd.f32 v20, v19;
	v20 =	vadd.f32 v23, v21;
	v21 =	vld.idx.msk [tilespmem:v27+s3+$0x0], $0xffff  }
0xfc: {  	v23 =	vld.idx.msk [tilespmem:v18+s1+$0x0], $0xffff  }
0xfd: {  	v31 =	vor.u32 $0x3, v18;
	v27 =	vld.idx.msk [tilespmem:v18+s3+$0x0], $0xffff;
	v19 =	vadd.f32 v22, v19;
	v20 =	vadd.f32 v24, v20  }
0xfe: {  	v22 =	vld.idx.msk [tilespmem:v30+s1+$0x0], $0xffff  }
0xff: {  	v24 =	vld.idx.msk [tilespmem:v30+s3+$0x0], $0xffff;
	v30 =	vor.u32 $0x4, v18;
	v19 =	vadd.f32 v29, v19;
	v20 =	vadd.f32 v25, v20  }
0x100: {  	v25 =	vld.idx.msk [tilespmem:v28+s1+$0x0], $0xffff  }
0x101: {  	v29 =	vor.u32 $0x5, v18;
	v28 =	vld.idx.msk [tilespmem:v28+s3+$0x0], $0xffff;
	v19 =	vadd.f32 v26, v19;
	v20 =	vadd.f32 v21, v20  }
0x102: {  	v21 =	vadd.f32 $0.0e+00, v23;
	v26 =	vor.u32 $0x6, v18;
	v23 =	vld.idx.msk [tilespmem:v31+s1+$0x0], $0xffff  }
0x103: {  	v27 =	vadd.f32 $0.0e+00, v27;
	v31 =	vld.idx.msk [tilespmem:v31+s3+$0x0], $0xffff;
	v32 =	vmul.f32 $9.800000190e-01, v19;
	v20 =	vmul.f32 $1.999999960e-02, v20  }
0x104: {  	v21 =	vadd.f32 v22, v21;
	v22 =	vld.idx.msk [tilespmem:v30+s1+$0x0], $0xffff  }
0x105: {  	v24 =	vadd.f32 v24, v27;
	v27 =	vld.idx.msk [tilespmem:v30+s3+$0x0], $0xffff;
	v30 =	vor.u32 $0x7, v18;
	v20 =	vadd.f32 v20, v32  }
0x106: {  	v33 =	vor.u32 $0x8, v18;
	s23 =	sadd.s32 $0x10, s23;
	vm0 =	veq.f32 v19, $0.0e+00;
	v32 =	vld.idx.msk [tilespmem:v29+s1+$0x0], $0xffff  }
0x107: {  	s24 =	sadd.s32 $0x10, s24;
	v19 =	vadd.f32 v25, v21;
	v21 =	vadd.f32 v28, v24;
	v24 =	vld.idx.msk [tilespmem:v29+s3+$0x0], $0xffff;
	[tilespmem:s23+$0x0] =	vst v20;
	v20 =	vsel vm0, $0x1, v1  }
0x108: {  	v25 =	vld.idx.msk [tilespmem:v26+s1+$0x0], $0xffff;
	[tilespmem:s24+$0x0] =	vst v20  }
0x109: {  	v19 =	vadd.f32 v23, v19;
	v23 =	vor.u32 $0x9, v18;
	v20 =	vadd.f32 v31, v21;
	v21 =	vld.idx.msk [tilespmem:v26+s3+$0x0], $0xffff  }
0x10a: {  	v26 =	vld.idx.msk [tilespmem:v30+s1+$0x0], $0xffff  }
0x10b: {  	v19 =	vadd.f32 v22, v19;
	v20 =	vadd.f32 v27, v20;
	v27 =	vor.u32 $0xA, v18;
	v22 =	vld.idx.msk [tilespmem:v30+s3+$0x0], $0xffff  }
0x10c: {  	v28 =	vld.idx.msk [tilespmem:v33+s1+$0x0], $0xffff  }
0x10d: {  	v29 =	vor.u32 $0xB, v18;
	v19 =	vadd.f32 v32, v19;
	v20 =	vadd.f32 v24, v20;
	v24 =	vld.idx.msk [tilespmem:v33+s3+$0x0], $0xffff  }
0x10e: {  	v30 =	vld.idx.msk [tilespmem:v23+s1+$0x0], $0xffff  }
0x10f: {  	v19 =	vadd.f32 v25, v19;
	v25 =	vor.u32 $0xC, v18;
	v20 =	vadd.f32 v21, v20;
	v23 =	vld.idx.msk [tilespmem:v23+s3+$0x0], $0xffff  }
0x110: {  	v31 =	vld.idx.msk [tilespmem:v27+s1+$0x0], $0xffff  }
0x111: {  	v32 =	vor.u32 $0xD, v18;
	v21 =	vadd.f32 v26, v19;
	v20 =	vadd.f32 v22, v20;
	v26 =	vld.idx.msk [tilespmem:v27+s3+$0x0], $0xffff  }
0x112: {  	v19 =	vld.idx.msk [tilespmem:v29+s1+$0x0], $0xffff  }
.Ltmp1:
0x113: {  	v22 =	vadd.f32 v28, v21;
	v28 =	vor.u32 $0xE, v18;
	v24 =	vadd.f32 v24, v20;
	v21 =	vld.idx.msk [tilespmem:v29+s3+$0x0], $0xffff;
	(pc) =	sbr.rel @p0 .LBB2_4-.Ltmp1, $4  }
0x114: {  	v29 =	vmov s5;
	v20 =	vld.idx.msk [tilespmem:v25+s1+$0x0], $0xffff  }
0x115: {  	v27 =	vor.u32 $0xF, v18;
	v30 =	vadd.f32 v30, v22;
	v24 =	vadd.f32 v23, v24;
	v23 =	vld.idx.msk [tilespmem:v25+s3+$0x0], $0xffff  }
0x116: {  	v18 =	vshll.u32 v29, $0x7;
	v22 =	vld.idx.msk [tilespmem:v32+s1+$0x0], $0xffff  }
0x117: {  	s5 =	sadd.s32 $0x10, s5;
	v18 =	vor.u32 v0, v18;
	v25 =	vadd.f32 v31, v30;
	v26 =	vadd.f32 v26, v24;
	v24 =	vld.idx.msk [tilespmem:v32+s3+$0x0], $0xffff  }
0x118: {  	_ =	sdelay $0x3  }
0x119: {  	v29 =	vld.idx.msk [tilespmem:v28+s1+$0x0], $0xffff  }
0x11a: {  	v30 =	vor.u32 $0x1, v18;
	v28 =	vld.idx.msk [tilespmem:v28+s3+$0x0], $0xffff  }
0x11b: {  	v31 =	vld.idx.msk [tilespmem:v27+s1+$0x0], $0xffff  }
0x11c: {  	v32 =	vor.u32 $0x2, v18;
	v27 =	vld.idx.msk [tilespmem:v27+s3+$0x0], $0xffff  }
0x11d: {  	v33 =	vld.idx.msk [tilespmem:v18+s1+$0x0], $0xffff  }
0x11e: {  	v34 =	vld.idx.msk [tilespmem:v18+s3+$0x0], $0xffff;
	v35 =	vor.u32 $0x3, v18  }
0x11f: {  	v36 =	vld.idx.msk [tilespmem:v30+s1+$0x0], $0xffff  }
0x120: {  	v37 =	vor.u32 $0x4, v18;
	v30 =	vld.idx.msk [tilespmem:v30+s3+$0x0], $0xffff  }
0x121: {  	v38 =	vld.idx.msk [tilespmem:v32+s1+$0x0], $0xffff  }
0x122: {  	v39 =	vor.u32 $0x5, v18;
	v32 =	vld.idx.msk [tilespmem:v32+s3+$0x0], $0xffff  }
0x123: {  	v33 =	vadd.f32 $0.0e+00, v33;
	v40 =	vld.idx.msk [tilespmem:v35+s1+$0x0], $0xffff;
	v34 =	vadd.f32 $0.0e+00, v34  }
0x124: {  	v41 =	vor.u32 $0x6, v18;
	v35 =	vld.idx.msk [tilespmem:v35+s3+$0x0], $0xffff  }
0x125: {  	v51 =	vld.idx.msk [tilespmem:v37+s1+$0x0], $0xffff;
	v33 =	vadd.f32 v36, v33;
	v30 =	vadd.f32 v30, v34  }
0x126: {  	v53 =	vor.u32 $0x7, v18;
	v52 =	vld.idx.msk [tilespmem:v37+s3+$0x0], $0xffff  }
0x127: {  	v42 =	vld.idx.msk [tilespmem:v39+s1+$0x0], $0xffff;
	v33 =	vadd.f32 v38, v33;
	v30 =	vadd.f32 v32, v30  }
0x128: {  	v54 =	vor.u32 $0x8, v18;
	v55 =	vld.idx.msk [tilespmem:v39+s3+$0x0], $0xffff  }
0x129: {  	v56 =	vld.idx.msk [tilespmem:v41+s1+$0x0], $0xffff;
	v33 =	vadd.f32 v40, v33;
	v30 =	vadd.f32 v35, v30  }
0x12a: {  	v58 =	vor.u32 $0x9, v18;
	v57 =	vld.idx.msk [tilespmem:v41+s3+$0x0], $0xffff  }
0x12b: {  	v59 =	vld.idx.msk [tilespmem:v53+s1+$0x0], $0xffff;
	v33 =	vadd.f32 v51, v33;
	v30 =	vadd.f32 v52, v30  }
0x12c: {  	v61 =	vor.u32 $0xA, v18;
	v60 =	vld.idx.msk [tilespmem:v53+s3+$0x0], $0xffff  }
0x12d: {  	v62 =	vld.idx.msk [tilespmem:v54+s1+$0x0], $0xffff;
	v33 =	vadd.f32 v42, v33;
	v30 =	vadd.f32 v55, v30  }
0x12e: {  	v63 =	vor.u32 $0xB, v18;
	v32 =	vld.idx.msk [tilespmem:v54+s3+$0x0], $0xffff  }
0x12f: {  	v45 =	vld.idx.msk [tilespmem:v58+s1+$0x0], $0xffff;
	v33 =	vadd.f32 v56, v33;
	v30 =	vadd.f32 v57, v30  }
0x130: {  	v47 =	vor.u32 $0xC, v18;
	v46 =	vld.idx.msk [tilespmem:v58+s3+$0x0], $0xffff  }
0x131: {  	v48 =	vld.idx.msk [tilespmem:v61+s1+$0x0], $0xffff;
	v33 =	vadd.f32 v59, v33;
	v30 =	vadd.f32 v60, v30  }
0x132: {  	v50 =	vor.u32 $0xD, v18;
	v49 =	vld.idx.msk [tilespmem:v61+s3+$0x0], $0xffff  }
0x133: {  	v51 =	vld.idx.msk [tilespmem:v63+s1+$0x0], $0xffff;
	v33 =	vadd.f32 v62, v33;
	v30 =	vadd.f32 v32, v30  }
0x134: {  	v19 =	vadd.f32 v19, v25;
	v53 =	vor.u32 $0xE, v18;
	v52 =	vld.idx.msk [tilespmem:v63+s3+$0x0], $0xffff  }
0x135: {  	v25 =	vld.idx.msk [tilespmem:v47+s3+$0x0], $0xffff;
	v33 =	vadd.f32 v45, v33;
	v30 =	vadd.f32 v46, v30  }
0x136: {  	v21 =	vadd.f32 v21, v26;
	v18 =	vor.u32 $0xF, v18;
	v54 =	vld.idx.msk [tilespmem:v47+s1+$0x0], $0xffff  }
0x137: {  	v26 =	vld.idx.msk [tilespmem:v50+s1+$0x0], $0xffff;
	v33 =	vadd.f32 v48, v33;
	v30 =	vadd.f32 v49, v30  }
0x138: {  	v19 =	vadd.f32 v20, v19;
	v20 =	vadd.f32 v23, v21;
	v21 =	vld.idx.msk [tilespmem:v50+s3+$0x0], $0xffff  }
0x139: {  	v23 =	vld.idx.msk [tilespmem:v53+s1+$0x0], $0xffff;
	v33 =	vadd.f32 v51, v33;
	v30 =	vadd.f32 v52, v30  }
0x13a: {  	v19 =	vadd.f32 v22, v19;
	v20 =	vadd.f32 v24, v20;
	v22 =	vld.idx.msk [tilespmem:v53+s3+$0x0], $0xffff  }
0x13b: {  	v24 =	vld.idx.msk [tilespmem:v18+s1+$0x0], $0xffff;
	v55 =	vadd.f32 v54, v33;
	v25 =	vadd.f32 v25, v30  }
0x13c: {  	v19 =	vadd.f32 v29, v19;
	v20 =	vadd.f32 v28, v20;
	v18 =	vld.idx.msk [tilespmem:v18+s3+$0x0], $0xffff  }
0x13d: {  	v26 =	vadd.f32 v26, v55;
	v21 =	vadd.f32 v21, v25  }
0x13e: {  	v19 =	vadd.f32 v31, v19;
	v20 =	vadd.f32 v27, v20  }
0x13f: {  	v23 =	vadd.f32 v23, v26;
	v21 =	vadd.f32 v22, v21  }
0x140: {  	v20 =	vmul.f32 $1.999999960e-02, v20  }
0x141: {  	v22 =	vmul.f32 $9.800000190e-01, v19;
	v23 =	vadd.f32 v24, v23;
	v18 =	vadd.f32 v18, v21;
	_ =	sdelay $0x1  }
0x142: {  	v20 =	vadd.f32 v20, v22;
	v21 =	vmul.f32 $9.800000190e-01, v23;
	v18 =	vmul.f32 $1.999999960e-02, v18  }
0x143: {  	s4 =	sadd.s32 $0x10, s23;
	vm0 =	veq.f32 v19, $0.0e+00  }
0x144: {  	s5 =	sadd.s32 $0x10, s24;
	v19 =	vsel vm0, $0x1, v1;
	[tilespmem:s4+$0x0] =	vst v20;
	v18 =	vadd.f32 v18, v21  }
0x145: {  	vm15 =	veq.f32 v23, $0.0e+00;
	s4 =	sadd.s32 $0x10, s4;
	[tilespmem:s5+$0x0] =	vst v19  }
0x146: {  	s24 =	sadd.s32 $0x10, s5;
	[tilespmem:s4+$0x0] =	vst v18;
	v18 =	vsel vm15, $0x1, v1  }
0x147: {  	s23 =	simm.s32 $0x0;
	s5 =	simm.s32 $0x18680;
	[tilespmem:s24+$0x0] =	vst v18  }
0x148: {  	[hbm4b:s9+s23] =	stream.linear.scatter [tilespmem:s5], [sflag:$0x5], $0x80, $0x38;
	[tilespmem:$0x18880] =	vst v63  }
0x149: {  	s24 =	simm.s32 $0x18780  }
0x14a: {  	[hbm4b:s10+s23] =	stream.linear.scatter [tilespmem:s24], [sflag:$0x5], $0x80, $0x38;
	[tilespmem:$0x18880] =	vst v63  }
0x14b: {  	s5 =	simm.s32 $0x380  }
0x14c: {  	[tilespmem:s26], [sflag:$0x1] =	stream.indirect.gather [hbm4b:s0+s22], $0x80, s5, s22, $0xb8;
	[tilespmem:$0x18880] =	vst v63  }
0x14d: {  	s24 =	simm.s32 $0x8680;
	s26 =	simm.s32 $0x580  }
0x14e: {  	[tilespmem:s24], [sflag:$0x2] =	stream.indirect.gather [hbm4b:s0+s22], $0x80, s26, s22, $0xb8;
	[tilespmem:$0x18880] =	vst v63  }
0x14f: {  	_ =	swait.ge [sflag:s28], $0x4000  }
0x150: {  	[sflag:s28] =	ssyncset.done $0x0  }
0x151: {  	[sflag:s28] =	ssyncadd.s32 $0xFFFFC000  }
0x152: {  	_ =	swait.ge [sflag:s29], $0x4000  }
0x153: {  	[sflag:s29] =	ssyncset.done $0x0  }
0x154: {  	s24 =	simm.s32 $0x0;
	[sflag:s29] =	ssyncadd.s32 $0xFFFFC000  }
0x155: {  	v18 =	vld [tilespmem:s24+$0xC6F0]  }
0x156: {  	v19 =	vld [tilespmem:s24+$0x46F0]  }
0x157: {  	v20 =	vld [tilespmem:s24+$0xC6E0]  }
0x158: {  	v21 =	vld [tilespmem:s24+$0xC6B0]  }
0x159: {  	v22 =	vld [tilespmem:s24+$0x46D0]  }
0x15a: {  	v23 =	vld [tilespmem:s24+$0xC6A0]  }
0x15b: {  	v24 =	vld [tilespmem:s24+$0xC690]  }
0x15c: {  	v25 =	vld [tilespmem:s24+$0x46E0]  }
0x15d: {  	v26 =	vld [tilespmem:s24+$0xC6C0]  }
0x15e: {  	v27 =	vld [tilespmem:s24+$0x46A0]  }
0x15f: {  	v28 =	vld [tilespmem:s24+$0x46C0]  }
0x160: {  	v29 =	vld [tilespmem:s24+$0xC680]  }
0x161: {  	v30 =	vld [tilespmem:s24+$0x4680]  }
0x162: {  	v31 =	vld [tilespmem:s24+$0x46B0]  }
0x163: {  	v56 =	vld [tilespmem:s24+$0x4690]  }
0x164: {  	s31 =	simm.s32 $0x80;
	v57 =	vld [tilespmem:s24+$0xC6D0]  }
0x165: {  	v62 =	vld [tilespmem:s31+$0xC680]  }
0x166: {  	v45 =	vld [tilespmem:s31+$0x4680]  }
0x167: {  	v18 =	vsub.f32 v19, v18;
	v29 =	vsub.f32 v30, v29  }
0x168: {  	v20 =	vsub.f32 v25, v20;
	v23 =	vsub.f32 v27, v23  }
0x169: {  	v26 =	vsub.f32 v28, v26;
	v21 =	vsub.f32 v31, v21  }
0x16a: {  	v58 =	vld [tilespmem:s31+$0x46E0];
	v24 =	vsub.f32 v56, v24;
	v22 =	vsub.f32 v22, v57  }
0x16b: {  	v46 =	vld [tilespmem:s31+$0x46A0];
	v33 =	vsub.f32 v45, v62;
	v34 =	vsub.f32 v18, v17  }
0x16c: {  	v47 =	vld [tilespmem:s31+$0x46B0];
	v25 =	vsub.f32 v29, v10;
	v20 =	vsub.f32 v20, v16  }
0x16d: {  	v19 =	vld [tilespmem:s31+$0xC6F0];
	v23 =	vsub.f32 v23, v13;
	v26 =	vsub.f32 v26, v15  }
0x16e: {  	v30 =	vld [tilespmem:s31+$0x46F0];
	v21 =	vsub.f32 v21, v12;
	v24 =	vsub.f32 v24, v7  }
0x16f: {  	v28 =	vld [tilespmem:s31+$0xC6A0];
	v22 =	vsub.f32 v22, v9;
	v48 =	vsub.f32 v33, v10  }
0x170: {  	v27 =	vld [tilespmem:s31+$0xC6B0];
	v25 =	vand.u32 $0x7FFFFFFF, v25;
	v23 =	vand.u32 $0x7FFFFFFF, v23;
	v26 =	vand.u32 $0x7FFFFFFF, v26  }
0x171: {  	v18 =	vld [tilespmem:s31+$0xC6E0];
	v21 =	vand.u32 $0x7FFFFFFF, v21;
	v31 =	vsub.f32 v25, v8;
	v60 =	vsub.f32 v23, v11  }
0x172: {  	v24 =	vand.u32 $0x7FFFFFFF, v24;
	v63 =	vsub.f32 v26, v14;
	v44 =	vsub.f32 v21, v6  }
0x173: {  	v59 =	vld [tilespmem:s31+$0xC6C0];
	v22 =	vand.u32 $0x7FFFFFFF, v22;
	v25 =	vadd.f32 v24, v25;
	v19 =	vsub.f32 v30, v19  }
0x174: {  	v61 =	vld [tilespmem:s31+$0x46C0];
	v32 =	vand.u32 $0x7FFFFFFF, v48;
	v24 =	vsub.f32 v24, v3;
	v28 =	vsub.f32 v46, v28  }
0x175: {  	v34 =	vand.u32 $0x7FFFFFFF, v34;
	v27 =	vsub.f32 v47, v27;
	v51 =	vsub.f32 v22, v2  }
0x176: {  	v49 =	vld [tilespmem:s31+$0x46D0];
	v30 =	vsub.f32 v58, v18;
	v31 =	vmax.f32 v31, $0.0e+00;
	v23 =	vadd.f32 v23, v25  }
0x177: {  	v29 =	vld [tilespmem:s31+$0xC690];
	v18 =	vsub.f32 v19, v17;
	v24 =	vmax.f32 v24, $0.0e+00;
	v27 =	vsub.f32 v27, v12  }
0x178: {  	s5 =	simm.s32 $0x100;
	v25 =	vld [tilespmem:s31+$0x4690];
	v36 =	vmax.f32 v60, $0.0e+00;
	v31 =	vadd.f32 v24, v31;
	v24 =	vsub.f32 v28, v13  }
0x179: {  	v52 =	vld [tilespmem:s5+$0x46F0];
	v19 =	vsub.f32 v30, v16;
	v30 =	vand.u32 $0x7FFFFFFF, v20;
	v20 =	vsub.f32 v61, v59  }
0x17a: {  	v47 =	vld [tilespmem:s5+$0xC680];
	v50 =	vmax.f32 v63, $0.0e+00;
	v21 =	vadd.f32 v21, v23;
	v61 =	vsub.f32 v34, v5  }
0x17b: {  	v63 =	vmax.f32 v51, $0.0e+00;
	v59 =	vld [tilespmem:s5+$0x4680];
	v31 =	vadd.f32 v36, v31;
	v57 =	vsub.f32 v30, v4  }
0x17c: {  	v43 =	vld [tilespmem:s5+$0xC6C0];
	v23 =	vmax.f32 v44, $0.0e+00;
	v21 =	vadd.f32 v26, v21;
	v26 =	vsub.f32 v32, v8  }
0x17d: {  	v44 =	vand.u32 $0x7FFFFFFF, v27;
	v20 =	vsub.f32 v20, v15;
	v25 =	vsub.f32 v25, v29;
	v29 =	vld [tilespmem:s31+$0xC6D0]  }
0x17e: {  	v56 =	vld [tilespmem:s5+$0x46E0];
	v53 =	vand.u32 $0x7FFFFFFF, v24;
	v45 =	vadd.f32 v23, v31;
	v21 =	vadd.f32 v22, v21  }
0x17f: {  	v28 =	vld [tilespmem:s5+$0xC6F0];
	v24 =	vmax.f32 v26, $0.0e+00;
	v26 =	vsub.f32 v53, v11;
	v54 =	vsub.f32 v25, v7  }
0x180: {  	v31 =	vld [tilespmem:s5+$0x46C0];
	v25 =	vand.u32 $0x7FFFFFFF, v20;
	v62 =	vadd.f32 v50, v45;
	v40 =	vsub.f32 v59, v47  }
0x181: {  	v22 =	vld [tilespmem:s5+$0xC6E0];
	v20 =	vmax.f32 v26, $0.0e+00;
	v26 =	vsub.f32 v25, v14;
	v21 =	vadd.f32 v30, v21  }
0x182: {  	v55 =	vld [tilespmem:s5+$0xC6A0];
	v23 =	vand.u32 $0x7FFFFFFF, v54;
	v39 =	vadd.f32 v63, v62;
	v27 =	vsub.f32 v49, v29  }
0x183: {  	v46 =	vld [tilespmem:s5+$0x46A0];
	v29 =	vsub.f32 v44, v6;
	v32 =	vadd.f32 v23, v32  }
0x184: {  	v37 =	vld [tilespmem:s5+$0x46B0];
	v23 =	vsub.f32 v23, v3;
	v60 =	vadd.f32 v34, v21  }
0x185: {  	v30 =	vmax.f32 v57, $0.0e+00;
	v58 =	vsub.f32 v27, v9;
	v27 =	vsub.f32 v52, v28;
	v28 =	vld [tilespmem:s5+$0xC6B0]  }
0x186: {  	v35 =	vld [tilespmem:s5+$0x4690];
	v31 =	vsub.f32 v31, v43;
	v36 =	vsub.f32 v56, v22;
	v22 =	vand.u32 $0x7FFFFFFF, v19  }
0x187: {  	v32 =	vadd.f32 v53, v32;
	v19 =	vsub.f32 v27, v17;
	v27 =	vmax.f32 v29, $0.0e+00;
	v29 =	vld [tilespmem:s5+$0xC690]  }
0x188: {  	v34 =	vsub.f32 v46, v55;
	v33 =	vmax.f32 v23, $0.0e+00;
	v21 =	vsub.f32 v36, v16  }
0x189: {  	s4 =	simm.s32 $0x600;
	v23 =	vld [tilespmem:s5+$0x46D0];
	[tilespmem:s24+$0x14680] =	vst v60;
	v36 =	vmax.f32 v61, $0.0e+00;
	v38 =	vadd.f32 v44, v32;
	v32 =	vand.u32 $0x7FFFFFFF, v58  }
.LBB2_6:
0x18a: {  	s26 =	sshra.s32 s4, $0x2;
	p0 =	sne.s32 s4, $0xFE00;
	s4 =	sadd.s32 $0x200, s4;
	v37 =	vsub.f32 v37, v28;
	v41 =	vld [tilespmem:s5+$0xC6D0];
	v33 =	vadd.f32 v33, v24  }
0x18b: {  	v42 =	vld [tilespmem:s26+$0xC6F0];
	v24 =	vsub.f32 v40, v10;
	v40 =	vmax.f32 v26, $0.0e+00;
	v26 =	vadd.f32 v30, v39  }
0x18c: {  	v25 =	vadd.f32 v25, v38;
	v29 =	vsub.f32 v35, v29;
	v30 =	vld [tilespmem:s26+$0x46F0]  }
0x18d: {  	v35 =	vld [tilespmem:s26+$0xC6E0];
	v38 =	vand.u32 $0x7FFFFFFF, v24;
	v24 =	vsub.f32 v34, v13;
	v34 =	vsub.f32 v32, v2  }
0x18e: {  	v26 =	vadd.f32 v36, v26;
	v28 =	vld [tilespmem:s26+$0xC6B0];
	v39 =	vsub.f32 v38, v8  }
0x18f: {  	v31 =	vsub.f32 v31, v15;
	v32 =	vadd.f32 v32, v25;
	v36 =	vld [tilespmem:s26+$0x46D0];
	v43 =	vand.u32 $0x7FFFFFFF, v24  }
0x190: {  	v44 =	vld [tilespmem:s26+$0xC6A0];
	v24 =	vmax.f32 v39, $0.0e+00;
	v39 =	vsub.f32 v29, v7;
	v45 =	vsub.f32 v43, v11;
	[tilespmem:s24+$0x10680] =	vst v26;
	s24 =	smov.u32 s31;
	s31 =	smov.u32 s5;
	s5 =	smov.u32 s26  }
0x191: {  	v37 =	vsub.f32 v37, v12;
	v25 =	vand.u32 $0x7FFFFFFF, v31;
	v31 =	vadd.f32 v20, v33;
	v29 =	vld [tilespmem:s5+$0xC690]  }
0x192: {  	v26 =	vsub.f32 v25, v14;
	v33 =	vld [tilespmem:s5+$0x46E0];
	v20 =	vmax.f32 v45, $0.0e+00;
	v45 =	vsub.f32 v22, v4  }
0x193: {  	v47 =	vand.u32 $0x7FFFFFFF, v37;
	v37 =	vsub.f32 v23, v41;
	v41 =	vadd.f32 v27, v31;
	v46 =	vld [tilespmem:s5+$0xC6C0]  }
0x194: {  	v31 =	vsub.f32 v47, v6;
	v32 =	vadd.f32 v22, v32;
	v27 =	vand.u32 $0x7FFFFFFF, v39;
	v48 =	vld [tilespmem:s5+$0x46A0];
	v23 =	vmovc v36  }
0x195: {  	v39 =	vsub.f32 v37, v9;
	v22 =	vadd.f32 v27, v38;
	v38 =	vand.u32 $0x7FFFFFFF, v18;
	v18 =	vmovc v19;
	v36 =	vld [tilespmem:s5+$0x46C0]  }
0x196: {  	v19 =	vsub.f32 v30, v42;
	v27 =	vsub.f32 v27, v3;
	v30 =	vmax.f32 v45, $0.0e+00;
	v49 =	vld [tilespmem:s5+$0xC680]  }
0x197: {  	v43 =	vadd.f32 v43, v22;
	v22 =	vand.u32 $0x7FFFFFFF, v21;
	v42 =	vld [tilespmem:s5+$0x4680];
	v45 =	vsub.f32 v33, v35  }
.Ltmp2:
0x198: {  	v32 =	vadd.f32 v38, v32;
	v19 =	vsub.f32 v19, v17;
	v33 =	vmax.f32 v27, $0.0e+00;
	v37 =	vld [tilespmem:s5+$0x46B0];
	(pc) =	sbr.rel @p0 .LBB2_6-.Ltmp2, $4  }
0x199: {  	v27 =	vmax.f32 v31, $0.0e+00;
	v35 =	vld [tilespmem:s5+$0x4690];
	v21 =	vsub.f32 v45, v16;
	v45 =	vsub.f32 v38, v5  }
0x19a: {  	v31 =	vsub.f32 v36, v46;
	v36 =	vadd.f32 v40, v41;
	v41 =	vmax.f32 v34, $0.0e+00;
	[tilespmem:s24+$0x14680] =	vst v32  }
0x19b: {  	v38 =	vadd.f32 v47, v43;
	v34 =	vsub.f32 v48, v44;
	v32 =	vand.u32 $0x7FFFFFFF, v39  }
0x19c: {  	v40 =	vsub.f32 v42, v49;
	v39 =	vadd.f32 v41, v36;
	v36 =	vmax.f32 v45, $0.0e+00  }
0x19d: {  	v28 =	vsub.f32 v37, v28;
	v24 =	vadd.f32 v33, v24  }
0x19e: {  	v25 =	vadd.f32 v25, v38;
	v34 =	vsub.f32 v34, v13  }
0x19f: {  	v51 =	vsub.f32 v32, v2;
	v31 =	vsub.f32 v31, v15  }
0x1a0: {  	v56 =	vsub.f32 v22, v4;
	v50 =	vsub.f32 v40, v10  }
0x1a1: {  	v26 =	vmax.f32 v26, $0.0e+00;
	v30 =	vadd.f32 v30, v39;
	v29 =	vsub.f32 v35, v29  }
0x1a2: {  	v34 =	vand.u32 $0x7FFFFFFF, v34;
	v25 =	vadd.f32 v32, v25;
	v28 =	vsub.f32 v28, v12  }
0x1a3: {  	v52 =	vld [tilespmem:s5+$0xC6D0];
	v31 =	vand.u32 $0x7FFFFFFF, v31;
	v20 =	vadd.f32 v20, v24;
	v30 =	vadd.f32 v36, v30  }
0x1a4: {  	v33 =	vand.u32 $0x7FFFFFFF, v50;
	v29 =	vsub.f32 v29, v7;
	v54 =	vsub.f32 v34, v11  }
0x1a5: {  	v18 =	vand.u32 $0x7FFFFFFF, v18;
	v55 =	vsub.f32 v31, v14;
	v53 =	vsub.f32 v33, v8  }
0x1a6: {  	v20 =	vadd.f32 v27, v20;
	v22 =	vadd.f32 v22, v25;
	v27 =	vand.u32 $0x7FFFFFFF, v29  }
0x1a7: {  	v28 =	vand.u32 $0x7FFFFFFF, v28;
	v29 =	vadd.f32 v27, v33;
	v27 =	vsub.f32 v27, v3  }
0x1a8: {  	v23 =	vsub.f32 v23, v52;
	v57 =	vsub.f32 v28, v6;
	v24 =	vmax.f32 v53, $0.0e+00  }
0x1a9: {  	v22 =	vadd.f32 v18, v22;
	v25 =	vadd.f32 v34, v29;
	v27 =	vmax.f32 v27, $0.0e+00  }
0x1aa: {  	v21 =	vand.u32 $0x7FFFFFFF, v21;
	v20 =	vadd.f32 v26, v20;
	v24 =	vadd.f32 v27, v24  }
0x1ab: {  	v32 =	vmax.f32 v54, $0.0e+00;
	v18 =	vsub.f32 v18, v5;
	v25 =	vadd.f32 v28, v25  }
0x1ac: {  	v19 =	vand.u32 $0x7FFFFFFF, v19;
	v23 =	vsub.f32 v23, v9;
	v24 =	vadd.f32 v32, v24  }
0x1ad: {  	v26 =	vmax.f32 v51, $0.0e+00;
	v27 =	vmax.f32 v57, $0.0e+00;
	v25 =	vadd.f32 v31, v25  }
0x1ae: {  	v20 =	vadd.f32 v26, v20;
	v23 =	vand.u32 $0x7FFFFFFF, v23;
	v24 =	vadd.f32 v27, v24  }
0x1af: {  	v26 =	vmax.f32 v55, $0.0e+00;
	v27 =	vsub.f32 v23, v2;
	v23 =	vadd.f32 v23, v25  }
0x1b0: {  	v29 =	vmax.f32 v56, $0.0e+00;
	v18 =	vmax.f32 v18, $0.0e+00;
	v24 =	vadd.f32 v26, v24  }
0x1b1: {  	v25 =	vsub.f32 v21, v4;
	v21 =	vadd.f32 v21, v23;
	v23 =	vmax.f32 v27, $0.0e+00  }
0x1b2: {  	v20 =	vadd.f32 v29, v20;
	v23 =	vadd.f32 v23, v24;
	v24 =	vmov s23  }
0x1b3: {  	v26 =	vsub.f32 v19, v5;
	v25 =	vmax.f32 v25, $0.0e+00;
	v24 =	vshll.u32 v24, $0x7  }
0x1b4: {  	[tilespmem:s24+$0x10680] =	vst v30;
	v18 =	vadd.f32 v18, v20;
	v20 =	vadd.f32 v25, v23;
	v23 =	vor.u32 v0, v24  }
0x1b5: {  	[tilespmem:s31+$0x14680] =	vst v22;
	v19 =	vadd.f32 v19, v21;
	v21 =	vmax.f32 v26, $0.0e+00  }
0x1b6: {  	[tilespmem:s31+$0x10680] =	vst v18;
	v22 =	vor.u32 $0x3, v23;
	v18 =	vadd.f32 v21, v20  }
0x1b7: {  	[tilespmem:s5+$0x14680] =	vst v19  }
0x1b8: {  	v25 =	vor.u32 $0x4, v23;
	[tilespmem:s5+$0x10680] =	vst v18  }
0x1b9: {  	v19 =	vld.idx.msk [tilespmem:v23+s1+$0x0], $0xffff  }
0x1ba: {  	v27 =	vor.u32 $0x5, v23;
	v21 =	vld.idx.msk [tilespmem:v23+s3+$0x0], $0xffff  }
0x1bb: {  	v28 =	vld.idx.msk [tilespmem:v22+s1+$0x0], $0xffff  }
0x1bc: {  	v29 =	vor.u32 $0x6, v23;
	v22 =	vld.idx.msk [tilespmem:v22+s3+$0x0], $0xffff  }
0x1bd: {  	v30 =	vld.idx.msk [tilespmem:v25+s1+$0x0], $0xffff  }
0x1be: {  	v31 =	vor.u32 $0x7, v23;
	v25 =	vld.idx.msk [tilespmem:v25+s3+$0x0], $0xffff  }
0x1bf: {  	v58 =	vld.idx.msk [tilespmem:v27+s1+$0x0], $0xffff  }
0x1c0: {  	v59 =	vor.u32 $0x8, v23;
	v27 =	vld.idx.msk [tilespmem:v27+s3+$0x0], $0xffff  }
0x1c1: {  	v60 =	vld.idx.msk [tilespmem:v29+s1+$0x0], $0xffff  }
0x1c2: {  	v61 =	vor.u32 $0x9, v23;
	v29 =	vld.idx.msk [tilespmem:v29+s3+$0x0], $0xffff  }
0x1c3: {  	v62 =	vld.idx.msk [tilespmem:v31+s1+$0x0], $0xffff  }
0x1c4: {  	v20 =	vor.u32 $0x1, v23;
	v31 =	vld.idx.msk [tilespmem:v31+s3+$0x0], $0xffff  }
0x1c5: {  	v45 =	vld.idx.msk [tilespmem:v59+s1+$0x0], $0xffff  }
0x1c6: {  	v18 =	vor.u32 $0x2, v23;
	v33 =	vld.idx.msk [tilespmem:v59+s3+$0x0], $0xffff  }
0x1c7: {  	v47 =	vld.idx.msk [tilespmem:v61+s1+$0x0], $0xffff  }
0x1c8: {  	v63 =	vor.u32 $0xA, v23;
	v35 =	vld.idx.msk [tilespmem:v61+s3+$0x0], $0xffff  }
0x1c9: {  	v24 =	vld.idx.msk [tilespmem:v20+s1+$0x0], $0xffff  }
0x1ca: {  	v48 =	vor.u32 $0xE, v23;
	v20 =	vld.idx.msk [tilespmem:v20+s3+$0x0], $0xffff  }
0x1cb: {  	v46 =	vor.u32 $0xB, v23;
	v26 =	vld.idx.msk [tilespmem:v18+s1+$0x0], $0xffff  }
0x1cc: {  	v18 =	vld.idx.msk [tilespmem:v18+s3+$0x0], $0xffff  }
0x1cd: {  	v41 =	vor.u32 $0xC, v23;
	v42 =	vld.idx.msk [tilespmem:v63+s1+$0x0], $0xffff;
	v19 =	vadd.f32 $0.0e+00, v19;
	v21 =	vadd.f32 $0.0e+00, v21  }
0x1ce: {  	v37 =	vld.idx.msk [tilespmem:v63+s3+$0x0], $0xffff  }
0x1cf: {  	v43 =	vor.u32 $0xD, v23;
	v39 =	vld.idx.msk [tilespmem:v48+s3+$0x0], $0xffff;
	v19 =	vadd.f32 v24, v19;
	v20 =	vadd.f32 v20, v21  }
0x1d0: {  	v21 =	vld.idx.msk [tilespmem:v46+s1+$0x0], $0xffff  }
0x1d1: {  	s4 =	simm.s32 $0x10;
	v24 =	vld.idx.msk [tilespmem:v46+s3+$0x0], $0xffff;
	v19 =	vadd.f32 v26, v19;
	v18 =	vadd.f32 v18, v20  }
0x1d2: {  	v23 =	vor.u32 $0xF, v23;
	v20 =	vld.idx.msk [tilespmem:v41+s1+$0x0], $0xffff;
	v26 =	vmov s4  }
0x1d3: {  	v41 =	vld.idx.msk [tilespmem:v41+s3+$0x0], $0xffff;
	v19 =	vadd.f32 v28, v19;
	v18 =	vadd.f32 v22, v18;
	v22 =	vshll.u32 v26, $0x7  }
0x1d4: {  	v26 =	vld.idx.msk [tilespmem:v43+s1+$0x0], $0xffff;
	v22 =	vor.u32 v0, v22  }
0x1d5: {  	v28 =	vld.idx.msk [tilespmem:v43+s3+$0x0], $0xffff;
	v19 =	vadd.f32 v30, v19;
	v18 =	vadd.f32 v25, v18  }
0x1d6: {  	v25 =	vld.idx.msk [tilespmem:v48+s1+$0x0], $0xffff;
	v49 =	vor.u32 $0x2, v22  }
0x1d7: {  	v30 =	vor.u32 $0x1, v22;
	v19 =	vadd.f32 v58, v19;
	v18 =	vadd.f32 v27, v18;
	v27 =	vld.idx.msk [tilespmem:v23+s1+$0x0], $0xffff  }
0x1d8: {  	v23 =	vld.idx.msk [tilespmem:v23+s3+$0x0], $0xffff  }
0x1d9: {  	v19 =	vadd.f32 v60, v19;
	v18 =	vadd.f32 v29, v18;
	v29 =	vld.idx.msk [tilespmem:v22+s1+$0x0], $0xffff  }
0x1da: {  	v51 =	vor.u32 $0x3, v22;
	v50 =	vld.idx.msk [tilespmem:v22+s3+$0x0], $0xffff  }
0x1db: {  	v53 =	vld.idx.msk [tilespmem:v49+s1+$0x0], $0xffff;
	v19 =	vadd.f32 v62, v19;
	v18 =	vadd.f32 v31, v18  }
0x1dc: {  	v52 =	vor.u32 $0x4, v22;
	v31 =	vld.idx.msk [tilespmem:v30+s1+$0x0], $0xffff  }
0x1dd: {  	v54 =	vor.u32 $0x5, v22;
	v30 =	vld.idx.msk [tilespmem:v30+s3+$0x0], $0xffff;
	v19 =	vadd.f32 v45, v19;
	v18 =	vadd.f32 v33, v18  }
0x1de: {  	v32 =	vld.idx.msk [tilespmem:v49+s3+$0x0], $0xffff  }
0x1df: {  	v56 =	vor.u32 $0x6, v22;
	v55 =	vld.idx.msk [tilespmem:v51+s1+$0x0], $0xffff;
	v19 =	vadd.f32 v47, v19;
	v18 =	vadd.f32 v35, v18  }
0x1e0: {  	v43 =	vld.idx.msk [tilespmem:v51+s3+$0x0], $0xffff;
	v29 =	vadd.f32 $0.0e+00, v29;
	v34 =	vadd.f32 $0.0e+00, v50  }
0x1e1: {  	v57 =	vld.idx.msk [tilespmem:v52+s1+$0x0], $0xffff;
	v19 =	vadd.f32 v42, v19;
	v18 =	vadd.f32 v37, v18  }
0x1e2: {  	v58 =	vor.u32 $0x7, v22;
	v59 =	vld.idx.msk [tilespmem:v54+s3+$0x0], $0xffff;
	v29 =	vadd.f32 v31, v29;
	v30 =	vadd.f32 v30, v34  }
0x1e3: {  	v31 =	vld.idx.msk [tilespmem:v52+s3+$0x0], $0xffff;
	v19 =	vadd.f32 v21, v19;
	v18 =	vadd.f32 v24, v18  }
0x1e4: {  	v60 =	vld.idx.msk [tilespmem:v56+s3+$0x0], $0xffff;
	v30 =	vadd.f32 v32, v30;
	v24 =	vadd.f32 v53, v29;
	v29 =	vor.u32 $0x8, v22  }
0x1e5: {  	v21 =	vld.idx.msk [tilespmem:v54+s1+$0x0], $0xffff;
	v19 =	vadd.f32 v20, v19;
	v18 =	vadd.f32 v41, v18  }
0x1e6: {  	v61 =	vor.u32 $0x9, v22;
	v30 =	vadd.f32 v43, v30;
	v20 =	vld.idx.msk [tilespmem:v56+s1+$0x0], $0xffff;
	v24 =	vadd.f32 v55, v24  }
0x1e7: {  	v19 =	vadd.f32 v26, v19;
	v18 =	vadd.f32 v28, v18;
	v26 =	vld.idx.msk [tilespmem:v58+s1+$0x0], $0xffff  }
0x1e8: {  	v24 =	vadd.f32 v57, v24;
	v28 =	vadd.f32 v31, v30;
	v30 =	vld.idx.msk [tilespmem:v58+s3+$0x0], $0xffff;
	v31 =	vor.u32 $0xA, v22  }
0x1e9: {  	v19 =	vadd.f32 v25, v19;
	v18 =	vadd.f32 v39, v18;
	v25 =	vld.idx.msk [tilespmem:v29+s1+$0x0], $0xffff  }
0x1ea: {  	v21 =	vadd.f32 v21, v24;
	v24 =	vadd.f32 v59, v28;
	v28 =	vld.idx.msk [tilespmem:v29+s3+$0x0], $0xffff;
	v29 =	vor.u32 $0xB, v22  }
0x1eb: {  	v27 =	vadd.f32 v27, v19;
	v18 =	vadd.f32 v23, v18;
	v23 =	vld.idx.msk [tilespmem:v61+s1+$0x0], $0xffff  }
0x1ec: {  	v62 =	vor.u32 $0xC, v22;
	v19 =	vadd.f32 v20, v21;
	v20 =	vadd.f32 v60, v24;
	v24 =	vld.idx.msk [tilespmem:v61+s3+$0x0], $0xffff  }
0x1ed: {  	v63 =	vld.idx.msk [tilespmem:v31+s1+$0x0], $0xffff;
	v21 =	vmul.f32 $9.800000190e-01, v27;
	v18 =	vmul.f32 $1.999999960e-02, v18  }
0x1ee: {  	v26 =	vadd.f32 v26, v19;
	v20 =	vadd.f32 v30, v20;
	v30 =	vld.idx.msk [tilespmem:v31+s3+$0x0], $0xffff;
	v31 =	vor.u32 $0xD, v22  }
0x1ef: {  	vm0 =	veq.f32 v27, $0.0e+00;
	v19 =	vld.idx.msk [tilespmem:v29+s1+$0x0], $0xffff;
	v18 =	vadd.f32 v18, v21  }
0x1f0: {  	s31 =	simm.s32 $0x20;
	s23 =	simm.s32 $0x18700;
	v25 =	vadd.f32 v25, v26;
	v26 =	vadd.f32 v28, v20;
	v21 =	vld.idx.msk [tilespmem:v29+s3+$0x0], $0xffff;
	v28 =	vor.u32 $0xE, v22  }
0x1f1: {  	s24 =	simm.s32 $0x18800;
	v27 =	vsel vm0, $0x1, v1;
	v20 =	vld.idx.msk [tilespmem:v62+s1+$0x0], $0xffff;
	[tilespmem:s23+$0x0] =	vst v18;
	v18 =	vmov s31  }
0x1f2: {  	v25 =	vadd.f32 v23, v25;
	v24 =	vadd.f32 v24, v26;
	v23 =	vld.idx.msk [tilespmem:v62+s3+$0x0], $0xffff;
	[tilespmem:s24+$0x0] =	vst v27;
	v27 =	vor.u32 $0xF, v22  }
0x1f3: {  	v18 =	vshll.u32 v18, $0x7;
	v22 =	vld.idx.msk [tilespmem:v31+s1+$0x0], $0xffff  }
0x1f4: {  	s5 =	simm.s32 $0x30;
	v18 =	vor.u32 v0, v18;
	v25 =	vadd.f32 v63, v25;
	v26 =	vadd.f32 v30, v24;
	v24 =	vld.idx.msk [tilespmem:v31+s3+$0x0], $0xffff  }
.LBB2_8:
0x1f5: {  	p0 =	sne.s32 s5, $0x70;
	v29 =	vld.idx.msk [tilespmem:v28+s1+$0x0], $0xffff  }
0x1f6: {  	v30 =	vor.u32 $0x1, v18;
	v19 =	vadd.f32 v19, v25;
	v21 =	vadd.f32 v21, v26;
	v25 =	vld.idx.msk [tilespmem:v28+s3+$0x0], $0xffff  }
0x1f7: {  	v26 =	vld.idx.msk [tilespmem:v27+s1+$0x0], $0xffff  }
0x1f8: {  	v28 =	vor.u32 $0x2, v18;
	v19 =	vadd.f32 v20, v19;
	v20 =	vadd.f32 v23, v21;
	v21 =	vld.idx.msk [tilespmem:v27+s3+$0x0], $0xffff  }
0x1f9: {  	v23 =	vld.idx.msk [tilespmem:v18+s1+$0x0], $0xffff  }
0x1fa: {  	v31 =	vor.u32 $0x3, v18;
	v27 =	vld.idx.msk [tilespmem:v18+s3+$0x0], $0xffff;
	v19 =	vadd.f32 v22, v19;
	v20 =	vadd.f32 v24, v20  }
0x1fb: {  	v22 =	vld.idx.msk [tilespmem:v30+s1+$0x0], $0xffff  }
0x1fc: {  	v24 =	vld.idx.msk [tilespmem:v30+s3+$0x0], $0xffff;
	v30 =	vor.u32 $0x4, v18;
	v19 =	vadd.f32 v29, v19;
	v20 =	vadd.f32 v25, v20  }
0x1fd: {  	v25 =	vld.idx.msk [tilespmem:v28+s1+$0x0], $0xffff  }
0x1fe: {  	v29 =	vor.u32 $0x5, v18;
	v28 =	vld.idx.msk [tilespmem:v28+s3+$0x0], $0xffff;
	v19 =	vadd.f32 v26, v19;
	v20 =	vadd.f32 v21, v20  }
0x1ff: {  	v21 =	vadd.f32 $0.0e+00, v23;
	v26 =	vor.u32 $0x6, v18;
	v23 =	vld.idx.msk [tilespmem:v31+s1+$0x0], $0xffff  }
0x200: {  	v27 =	vadd.f32 $0.0e+00, v27;
	v31 =	vld.idx.msk [tilespmem:v31+s3+$0x0], $0xffff;
	v32 =	vmul.f32 $9.800000190e-01, v19;
	v20 =	vmul.f32 $1.999999960e-02, v20  }
0x201: {  	v21 =	vadd.f32 v22, v21;
	v22 =	vld.idx.msk [tilespmem:v30+s1+$0x0], $0xffff  }
0x202: {  	v24 =	vadd.f32 v24, v27;
	v27 =	vld.idx.msk [tilespmem:v30+s3+$0x0], $0xffff;
	v30 =	vor.u32 $0x7, v18;
	v20 =	vadd.f32 v20, v32  }
0x203: {  	v33 =	vor.u32 $0x8, v18;
	s23 =	sadd.s32 $0x10, s23;
	vm0 =	veq.f32 v19, $0.0e+00;
	v32 =	vld.idx.msk [tilespmem:v29+s1+$0x0], $0xffff  }
0x204: {  	s24 =	sadd.s32 $0x10, s24;
	v19 =	vadd.f32 v25, v21;
	v21 =	vadd.f32 v28, v24;
	v24 =	vld.idx.msk [tilespmem:v29+s3+$0x0], $0xffff;
	[tilespmem:s23+$0x0] =	vst v20;
	v20 =	vsel vm0, $0x1, v1  }
0x205: {  	v25 =	vld.idx.msk [tilespmem:v26+s1+$0x0], $0xffff;
	[tilespmem:s24+$0x0] =	vst v20  }
0x206: {  	v19 =	vadd.f32 v23, v19;
	v23 =	vor.u32 $0x9, v18;
	v20 =	vadd.f32 v31, v21;
	v21 =	vld.idx.msk [tilespmem:v26+s3+$0x0], $0xffff  }
0x207: {  	v26 =	vld.idx.msk [tilespmem:v30+s1+$0x0], $0xffff  }
0x208: {  	v19 =	vadd.f32 v22, v19;
	v20 =	vadd.f32 v27, v20;
	v27 =	vor.u32 $0xA, v18;
	v22 =	vld.idx.msk [tilespmem:v30+s3+$0x0], $0xffff  }
0x209: {  	v28 =	vld.idx.msk [tilespmem:v33+s1+$0x0], $0xffff  }
0x20a: {  	v29 =	vor.u32 $0xB, v18;
	v19 =	vadd.f32 v32, v19;
	v20 =	vadd.f32 v24, v20;
	v24 =	vld.idx.msk [tilespmem:v33+s3+$0x0], $0xffff  }
0x20b: {  	v30 =	vld.idx.msk [tilespmem:v23+s1+$0x0], $0xffff  }
0x20c: {  	v19 =	vadd.f32 v25, v19;
	v25 =	vor.u32 $0xC, v18;
	v20 =	vadd.f32 v21, v20;
	v23 =	vld.idx.msk [tilespmem:v23+s3+$0x0], $0xffff  }
0x20d: {  	v31 =	vld.idx.msk [tilespmem:v27+s1+$0x0], $0xffff  }
0x20e: {  	v32 =	vor.u32 $0xD, v18;
	v21 =	vadd.f32 v26, v19;
	v20 =	vadd.f32 v22, v20;
	v26 =	vld.idx.msk [tilespmem:v27+s3+$0x0], $0xffff  }
0x20f: {  	v19 =	vld.idx.msk [tilespmem:v29+s1+$0x0], $0xffff  }
.Ltmp3:
0x210: {  	v22 =	vadd.f32 v28, v21;
	v28 =	vor.u32 $0xE, v18;
	v24 =	vadd.f32 v24, v20;
	v21 =	vld.idx.msk [tilespmem:v29+s3+$0x0], $0xffff;
	(pc) =	sbr.rel @p0 .LBB2_8-.Ltmp3, $4  }
0x211: {  	v29 =	vmov s5;
	v20 =	vld.idx.msk [tilespmem:v25+s1+$0x0], $0xffff  }
0x212: {  	v27 =	vor.u32 $0xF, v18;
	v30 =	vadd.f32 v30, v22;
	v24 =	vadd.f32 v23, v24;
	v23 =	vld.idx.msk [tilespmem:v25+s3+$0x0], $0xffff  }
0x213: {  	v18 =	vshll.u32 v29, $0x7;
	v22 =	vld.idx.msk [tilespmem:v32+s1+$0x0], $0xffff  }
0x214: {  	s5 =	sadd.s32 $0x10, s5;
	v18 =	vor.u32 v0, v18;
	v25 =	vadd.f32 v31, v30;
	v26 =	vadd.f32 v26, v24;
	v24 =	vld.idx.msk [tilespmem:v32+s3+$0x0], $0xffff  }
0x215: {  	_ =	sdelay $0x3  }
0x216: {  	v29 =	vld.idx.msk [tilespmem:v28+s1+$0x0], $0xffff  }
0x217: {  	v30 =	vor.u32 $0x1, v18;
	v28 =	vld.idx.msk [tilespmem:v28+s3+$0x0], $0xffff  }
0x218: {  	v31 =	vld.idx.msk [tilespmem:v27+s1+$0x0], $0xffff  }
0x219: {  	v32 =	vor.u32 $0x2, v18;
	v27 =	vld.idx.msk [tilespmem:v27+s3+$0x0], $0xffff  }
0x21a: {  	v33 =	vld.idx.msk [tilespmem:v18+s1+$0x0], $0xffff  }
0x21b: {  	v34 =	vld.idx.msk [tilespmem:v18+s3+$0x0], $0xffff;
	v35 =	vor.u32 $0x3, v18  }
0x21c: {  	v36 =	vld.idx.msk [tilespmem:v30+s1+$0x0], $0xffff  }
0x21d: {  	v37 =	vor.u32 $0x4, v18;
	v30 =	vld.idx.msk [tilespmem:v30+s3+$0x0], $0xffff  }
0x21e: {  	v38 =	vld.idx.msk [tilespmem:v32+s1+$0x0], $0xffff  }
0x21f: {  	v39 =	vor.u32 $0x5, v18;
	v32 =	vld.idx.msk [tilespmem:v32+s3+$0x0], $0xffff  }
0x220: {  	v33 =	vadd.f32 $0.0e+00, v33;
	v40 =	vld.idx.msk [tilespmem:v35+s1+$0x0], $0xffff;
	v34 =	vadd.f32 $0.0e+00, v34  }
0x221: {  	v41 =	vor.u32 $0x6, v18;
	v35 =	vld.idx.msk [tilespmem:v35+s3+$0x0], $0xffff  }
0x222: {  	v51 =	vld.idx.msk [tilespmem:v37+s1+$0x0], $0xffff;
	v33 =	vadd.f32 v36, v33;
	v30 =	vadd.f32 v30, v34  }
0x223: {  	v53 =	vor.u32 $0x7, v18;
	v52 =	vld.idx.msk [tilespmem:v37+s3+$0x0], $0xffff  }
0x224: {  	v42 =	vld.idx.msk [tilespmem:v39+s1+$0x0], $0xffff;
	v33 =	vadd.f32 v38, v33;
	v30 =	vadd.f32 v32, v30  }
0x225: {  	v54 =	vor.u32 $0x8, v18;
	v55 =	vld.idx.msk [tilespmem:v39+s3+$0x0], $0xffff  }
0x226: {  	v56 =	vld.idx.msk [tilespmem:v41+s1+$0x0], $0xffff;
	v33 =	vadd.f32 v40, v33;
	v30 =	vadd.f32 v35, v30  }
0x227: {  	v58 =	vor.u32 $0x9, v18;
	v57 =	vld.idx.msk [tilespmem:v41+s3+$0x0], $0xffff  }
0x228: {  	v59 =	vld.idx.msk [tilespmem:v53+s1+$0x0], $0xffff;
	v33 =	vadd.f32 v51, v33;
	v30 =	vadd.f32 v52, v30  }
0x229: {  	v61 =	vor.u32 $0xA, v18;
	v60 =	vld.idx.msk [tilespmem:v53+s3+$0x0], $0xffff  }
0x22a: {  	v62 =	vld.idx.msk [tilespmem:v54+s1+$0x0], $0xffff;
	v33 =	vadd.f32 v42, v33;
	v30 =	vadd.f32 v55, v30  }
0x22b: {  	v63 =	vor.u32 $0xB, v18;
	v32 =	vld.idx.msk [tilespmem:v54+s3+$0x0], $0xffff  }
0x22c: {  	v45 =	vld.idx.msk [tilespmem:v58+s1+$0x0], $0xffff;
	v33 =	vadd.f32 v56, v33;
	v30 =	vadd.f32 v57, v30  }
0x22d: {  	v47 =	vor.u32 $0xC, v18;
	v46 =	vld.idx.msk [tilespmem:v58+s3+$0x0], $0xffff  }
0x22e: {  	v48 =	vld.idx.msk [tilespmem:v61+s1+$0x0], $0xffff;
	v33 =	vadd.f32 v59, v33;
	v30 =	vadd.f32 v60, v30  }
0x22f: {  	v50 =	vor.u32 $0xD, v18;
	v49 =	vld.idx.msk [tilespmem:v61+s3+$0x0], $0xffff  }
0x230: {  	v51 =	vld.idx.msk [tilespmem:v63+s1+$0x0], $0xffff;
	v33 =	vadd.f32 v62, v33;
	v30 =	vadd.f32 v32, v30  }
0x231: {  	v19 =	vadd.f32 v19, v25;
	v53 =	vor.u32 $0xE, v18;
	v52 =	vld.idx.msk [tilespmem:v63+s3+$0x0], $0xffff  }
0x232: {  	v25 =	vld.idx.msk [tilespmem:v47+s3+$0x0], $0xffff;
	v33 =	vadd.f32 v45, v33;
	v30 =	vadd.f32 v46, v30  }
0x233: {  	v21 =	vadd.f32 v21, v26;
	v18 =	vor.u32 $0xF, v18;
	v54 =	vld.idx.msk [tilespmem:v47+s1+$0x0], $0xffff  }
0x234: {  	v26 =	vld.idx.msk [tilespmem:v50+s1+$0x0], $0xffff;
	v33 =	vadd.f32 v48, v33;
	v30 =	vadd.f32 v49, v30  }
0x235: {  	v19 =	vadd.f32 v20, v19;
	v20 =	vadd.f32 v23, v21;
	v21 =	vld.idx.msk [tilespmem:v50+s3+$0x0], $0xffff  }
0x236: {  	v23 =	vld.idx.msk [tilespmem:v53+s1+$0x0], $0xffff;
	v33 =	vadd.f32 v51, v33;
	v30 =	vadd.f32 v52, v30  }
0x237: {  	v19 =	vadd.f32 v22, v19;
	v20 =	vadd.f32 v24, v20;
	v22 =	vld.idx.msk [tilespmem:v53+s3+$0x0], $0xffff  }
0x238: {  	v24 =	vld.idx.msk [tilespmem:v18+s1+$0x0], $0xffff;
	v55 =	vadd.f32 v54, v33;
	v25 =	vadd.f32 v25, v30  }
0x239: {  	v19 =	vadd.f32 v29, v19;
	v20 =	vadd.f32 v28, v20;
	v18 =	vld.idx.msk [tilespmem:v18+s3+$0x0], $0xffff  }
0x23a: {  	v26 =	vadd.f32 v26, v55;
	v21 =	vadd.f32 v21, v25  }
0x23b: {  	v19 =	vadd.f32 v31, v19;
	v20 =	vadd.f32 v27, v20  }
0x23c: {  	v23 =	vadd.f32 v23, v26;
	v21 =	vadd.f32 v22, v21  }
0x23d: {  	v20 =	vmul.f32 $1.999999960e-02, v20  }
0x23e: {  	v22 =	vmul.f32 $9.800000190e-01, v19;
	v23 =	vadd.f32 v24, v23;
	v18 =	vadd.f32 v18, v21;
	_ =	sdelay $0x1  }
0x23f: {  	v20 =	vadd.f32 v20, v22;
	v21 =	vmul.f32 $9.800000190e-01, v23;
	v18 =	vmul.f32 $1.999999960e-02, v18  }
0x240: {  	s4 =	sadd.s32 $0x10, s23;
	vm0 =	veq.f32 v19, $0.0e+00  }
0x241: {  	s5 =	sadd.s32 $0x10, s24;
	v19 =	vsel vm0, $0x1, v1;
	[tilespmem:s4+$0x0] =	vst v20;
	v18 =	vadd.f32 v18, v21  }
0x242: {  	vm15 =	veq.f32 v23, $0.0e+00;
	s4 =	sadd.s32 $0x10, s4;
	[tilespmem:s5+$0x0] =	vst v19  }
0x243: {  	s23 =	sadd.s32 $0x10, s5;
	[tilespmem:s4+$0x0] =	vst v18;
	v18 =	vsel vm15, $0x1, v1  }
0x244: {  	[tilespmem:s23+$0x0] =	vst v18;
	s23 =	simm.s32 $0x0  }
0x245: {  	[hbm4b:s11+s23] =	stream.linear.scatter [tilespmem:s30], [sflag:$0x5], $0x80, $0x38;
	[tilespmem:$0x18880] =	vst v63  }
0x246: {  	_ = 	snop  }
0x247: {  	[hbm4b:s12+s23] =	stream.linear.scatter [tilespmem:s2], [sflag:$0x5], $0x80, $0x38;
	[tilespmem:$0x18880] =	vst v63  }
0x248: {  	s24 =	simm.s32 $0x4680;
	s26 =	simm.s32 $0x400  }
0x249: {  	[tilespmem:s24], [sflag:$0x3] =	stream.indirect.gather [hbm4b:s0+s22], $0x80, s26, s22, $0xb8;
	[tilespmem:$0x18880] =	vst v63  }
0x24a: {  	s24 =	simm.s32 $0xC680;
	s26 =	simm.s32 $0x600  }
0x24b: {  	[tilespmem:s24], [sflag:$0x4] =	stream.indirect.gather [hbm4b:s0+s22], $0x80, s26, s22, $0xb8;
	[tilespmem:$0x18880] =	vst v63  }
0x24c: {  	_ =	swait.ge [sflag:s20], $0x4000  }
0x24d: {  	[sflag:s20] =	ssyncset.done $0x0  }
0x24e: {  	[sflag:s20] =	ssyncadd.s32 $0xFFFFC000  }
0x24f: {  	_ =	swait.ge [sflag:s21], $0x4000  }
0x250: {  	[sflag:s21] =	ssyncset.done $0x0  }
0x251: {  	[sflag:s21] =	ssyncadd.s32 $0xFFFFC000  }
0x252: {  	_ =	swait.ge [sflag:s18], $0x80  }
0x253: {  	[sflag:s18] =	ssyncset.done $0x0  }
0x254: {  	[sflag:s18] =	ssyncadd.s32 $0xFFFFFF80  }
0x255: {  	_ =	swait.ge [sflag:s18], $0x80  }
0x256: {  	[sflag:s18] =	ssyncset.done $0x0  }
0x257: {  	s24 =	simm.s32 $0x0;
	[sflag:s18] =	ssyncadd.s32 $0xFFFFFF80  }
0x258: {  	v18 =	vld [tilespmem:s24+$0x86F0]  }
0x259: {  	v19 =	vld [tilespmem:s24+$0x6F0]  }
0x25a: {  	v20 =	vld [tilespmem:s24+$0x86E0]  }
0x25b: {  	v21 =	vld [tilespmem:s24+$0x86B0]  }
0x25c: {  	v22 =	vld [tilespmem:s24+$0x6D0]  }
0x25d: {  	v23 =	vld [tilespmem:s24+$0x86A0]  }
0x25e: {  	v24 =	vld [tilespmem:s24+$0x8690]  }
0x25f: {  	v25 =	vld [tilespmem:s24+$0x6E0]  }
0x260: {  	v26 =	vld [tilespmem:s24+$0x86C0]  }
0x261: {  	v27 =	vld [tilespmem:s24+$0x6A0]  }
0x262: {  	v28 =	vld [tilespmem:s24+$0x6C0]  }
0x263: {  	v29 =	vld [tilespmem:s24+$0x8680]  }
0x264: {  	v30 =	vld [tilespmem:s24+$0x680]  }
0x265: {  	v31 =	vld [tilespmem:s24+$0x6B0]  }
0x266: {  	v56 =	vld [tilespmem:s24+$0x690]  }
0x267: {  	s31 =	simm.s32 $0x80;
	v57 =	vld [tilespmem:s24+$0x86D0]  }
0x268: {  	v62 =	vld [tilespmem:s31+$0x8680]  }
0x269: {  	v45 =	vld [tilespmem:s31+$0x680]  }
0x26a: {  	v18 =	vsub.f32 v19, v18;
	v29 =	vsub.f32 v30, v29  }
0x26b: {  	v20 =	vsub.f32 v25, v20;
	v23 =	vsub.f32 v27, v23  }
0x26c: {  	v26 =	vsub.f32 v28, v26;
	v21 =	vsub.f32 v31, v21  }
0x26d: {  	v58 =	vld [tilespmem:s31+$0x6E0];
	v24 =	vsub.f32 v56, v24;
	v22 =	vsub.f32 v22, v57  }
0x26e: {  	v46 =	vld [tilespmem:s31+$0x6A0];
	v33 =	vsub.f32 v45, v62;
	v34 =	vsub.f32 v18, v17  }
0x26f: {  	v47 =	vld [tilespmem:s31+$0x6B0];
	v25 =	vsub.f32 v29, v10;
	v20 =	vsub.f32 v20, v16  }
0x270: {  	v19 =	vld [tilespmem:s31+$0x86F0];
	v23 =	vsub.f32 v23, v13;
	v26 =	vsub.f32 v26, v15  }
0x271: {  	v30 =	vld [tilespmem:s31+$0x6F0];
	v21 =	vsub.f32 v21, v12;
	v24 =	vsub.f32 v24, v7  }
0x272: {  	v28 =	vld [tilespmem:s31+$0x86A0];
	v22 =	vsub.f32 v22, v9;
	v48 =	vsub.f32 v33, v10  }
0x273: {  	v27 =	vld [tilespmem:s31+$0x86B0];
	v25 =	vand.u32 $0x7FFFFFFF, v25;
	v23 =	vand.u32 $0x7FFFFFFF, v23;
	v26 =	vand.u32 $0x7FFFFFFF, v26  }
0x274: {  	v18 =	vld [tilespmem:s31+$0x86E0];
	v21 =	vand.u32 $0x7FFFFFFF, v21;
	v31 =	vsub.f32 v25, v8;
	v60 =	vsub.f32 v23, v11  }
0x275: {  	v24 =	vand.u32 $0x7FFFFFFF, v24;
	v63 =	vsub.f32 v26, v14;
	v44 =	vsub.f32 v21, v6  }
0x276: {  	v59 =	vld [tilespmem:s31+$0x86C0];
	v22 =	vand.u32 $0x7FFFFFFF, v22;
	v25 =	vadd.f32 v24, v25;
	v19 =	vsub.f32 v30, v19  }
0x277: {  	v61 =	vld [tilespmem:s31+$0x6C0];
	v32 =	vand.u32 $0x7FFFFFFF, v48;
	v24 =	vsub.f32 v24, v3;
	v28 =	vsub.f32 v46, v28  }
0x278: {  	v34 =	vand.u32 $0x7FFFFFFF, v34;
	v27 =	vsub.f32 v47, v27;
	v51 =	vsub.f32 v22, v2  }
0x279: {  	v49 =	vld [tilespmem:s31+$0x6D0];
	v30 =	vsub.f32 v58, v18;
	v31 =	vmax.f32 v31, $0.0e+00;
	v23 =	vadd.f32 v23, v25  }
0x27a: {  	v29 =	vld [tilespmem:s31+$0x8690];
	v18 =	vsub.f32 v19, v17;
	v24 =	vmax.f32 v24, $0.0e+00;
	v27 =	vsub.f32 v27, v12  }
0x27b: {  	s5 =	simm.s32 $0x100;
	v25 =	vld [tilespmem:s31+$0x690];
	v36 =	vmax.f32 v60, $0.0e+00;
	v31 =	vadd.f32 v24, v31;
	v24 =	vsub.f32 v28, v13  }
0x27c: {  	v52 =	vld [tilespmem:s5+$0x6F0];
	v19 =	vsub.f32 v30, v16;
	v30 =	vand.u32 $0x7FFFFFFF, v20;
	v20 =	vsub.f32 v61, v59  }
0x27d: {  	v47 =	vld [tilespmem:s5+$0x8680];
	v50 =	vmax.f32 v63, $0.0e+00;
	v21 =	vadd.f32 v21, v23;
	v61 =	vsub.f32 v34, v5  }
0x27e: {  	v63 =	vmax.f32 v51, $0.0e+00;
	v59 =	vld [tilespmem:s5+$0x680];
	v31 =	vadd.f32 v36, v31;
	v57 =	vsub.f32 v30, v4  }
0x27f: {  	v43 =	vld [tilespmem:s5+$0x86C0];
	v23 =	vmax.f32 v44, $0.0e+00;
	v21 =	vadd.f32 v26, v21;
	v26 =	vsub.f32 v32, v8  }
0x280: {  	v44 =	vand.u32 $0x7FFFFFFF, v27;
	v20 =	vsub.f32 v20, v15;
	v25 =	vsub.f32 v25, v29;
	v29 =	vld [tilespmem:s31+$0x86D0]  }
0x281: {  	v56 =	vld [tilespmem:s5+$0x6E0];
	v53 =	vand.u32 $0x7FFFFFFF, v24;
	v45 =	vadd.f32 v23, v31;
	v21 =	vadd.f32 v22, v21  }
0x282: {  	v28 =	vld [tilespmem:s5+$0x86F0];
	v24 =	vmax.f32 v26, $0.0e+00;
	v26 =	vsub.f32 v53, v11;
	v54 =	vsub.f32 v25, v7  }
0x283: {  	v31 =	vld [tilespmem:s5+$0x6C0];
	v25 =	vand.u32 $0x7FFFFFFF, v20;
	v62 =	vadd.f32 v50, v45;
	v40 =	vsub.f32 v59, v47  }
0x284: {  	v22 =	vld [tilespmem:s5+$0x86E0];
	v20 =	vmax.f32 v26, $0.0e+00;
	v26 =	vsub.f32 v25, v14;
	v21 =	vadd.f32 v30, v21  }
0x285: {  	v55 =	vld [tilespmem:s5+$0x86A0];
	v23 =	vand.u32 $0x7FFFFFFF, v54;
	v39 =	vadd.f32 v63, v62;
	v27 =	vsub.f32 v49, v29  }
0x286: {  	v46 =	vld [tilespmem:s5+$0x6A0];
	v29 =	vsub.f32 v44, v6;
	v32 =	vadd.f32 v23, v32  }
0x287: {  	v37 =	vld [tilespmem:s5+$0x6B0];
	v23 =	vsub.f32 v23, v3;
	v60 =	vadd.f32 v34, v21  }
0x288: {  	v30 =	vmax.f32 v57, $0.0e+00;
	v58 =	vsub.f32 v27, v9;
	v27 =	vsub.f32 v52, v28;
	v28 =	vld [tilespmem:s5+$0x86B0]  }
0x289: {  	v35 =	vld [tilespmem:s5+$0x690];
	v31 =	vsub.f32 v31, v43;
	v36 =	vsub.f32 v56, v22;
	v22 =	vand.u32 $0x7FFFFFFF, v19  }
0x28a: {  	v32 =	vadd.f32 v53, v32;
	v19 =	vsub.f32 v27, v17;
	v27 =	vmax.f32 v29, $0.0e+00;
	v29 =	vld [tilespmem:s5+$0x8690]  }
0x28b: {  	v34 =	vsub.f32 v46, v55;
	v33 =	vmax.f32 v23, $0.0e+00;
	v21 =	vsub.f32 v36, v16  }
0x28c: {  	s4 =	simm.s32 $0x600;
	v23 =	vld [tilespmem:s5+$0x6D0];
	[tilespmem:s24+$0x14680] =	vst v60;
	v36 =	vmax.f32 v61, $0.0e+00;
	v38 =	vadd.f32 v44, v32;
	v32 =	vand.u32 $0x7FFFFFFF, v58  }
.LBB2_10:
0x28d: {  	s26 =	sshra.s32 s4, $0x2;
	p0 =	sne.s32 s4, $0xFE00;
	s4 =	sadd.s32 $0x200, s4;
	v37 =	vsub.f32 v37, v28;
	v41 =	vld [tilespmem:s5+$0x86D0];
	v33 =	vadd.f32 v33, v24  }
0x28e: {  	v42 =	vld [tilespmem:s26+$0x86F0];
	v24 =	vsub.f32 v40, v10;
	v40 =	vmax.f32 v26, $0.0e+00;
	v26 =	vadd.f32 v30, v39  }
0x28f: {  	v25 =	vadd.f32 v25, v38;
	v29 =	vsub.f32 v35, v29;
	v30 =	vld [tilespmem:s26+$0x6F0]  }
0x290: {  	v35 =	vld [tilespmem:s26+$0x86E0];
	v38 =	vand.u32 $0x7FFFFFFF, v24;
	v24 =	vsub.f32 v34, v13;
	v34 =	vsub.f32 v32, v2  }
0x291: {  	v26 =	vadd.f32 v36, v26;
	v28 =	vld [tilespmem:s26+$0x86B0];
	v39 =	vsub.f32 v38, v8  }
0x292: {  	v31 =	vsub.f32 v31, v15;
	v32 =	vadd.f32 v32, v25;
	v36 =	vld [tilespmem:s26+$0x6D0];
	v43 =	vand.u32 $0x7FFFFFFF, v24  }
0x293: {  	v44 =	vld [tilespmem:s26+$0x86A0];
	v24 =	vmax.f32 v39, $0.0e+00;
	v39 =	vsub.f32 v29, v7;
	v45 =	vsub.f32 v43, v11;
	[tilespmem:s24+$0x10680] =	vst v26;
	s24 =	smov.u32 s31;
	s31 =	smov.u32 s5;
	s5 =	smov.u32 s26  }
0x294: {  	v37 =	vsub.f32 v37, v12;
	v25 =	vand.u32 $0x7FFFFFFF, v31;
	v31 =	vadd.f32 v20, v33;
	v29 =	vld [tilespmem:s5+$0x8690]  }
0x295: {  	v26 =	vsub.f32 v25, v14;
	v33 =	vld [tilespmem:s5+$0x6E0];
	v20 =	vmax.f32 v45, $0.0e+00;
	v45 =	vsub.f32 v22, v4  }
0x296: {  	v47 =	vand.u32 $0x7FFFFFFF, v37;
	v37 =	vsub.f32 v23, v41;
	v41 =	vadd.f32 v27, v31;
	v46 =	vld [tilespmem:s5+$0x86C0]  }
0x297: {  	v31 =	vsub.f32 v47, v6;
	v32 =	vadd.f32 v22, v32;
	v27 =	vand.u32 $0x7FFFFFFF, v39;
	v48 =	vld [tilespmem:s5+$0x6A0];
	v23 =	vmovc v36  }
0x298: {  	v39 =	vsub.f32 v37, v9;
	v22 =	vadd.f32 v27, v38;
	v38 =	vand.u32 $0x7FFFFFFF, v18;
	v18 =	vmovc v19;
	v36 =	vld [tilespmem:s5+$0x6C0]  }
0x299: {  	v19 =	vsub.f32 v30, v42;
	v27 =	vsub.f32 v27, v3;
	v30 =	vmax.f32 v45, $0.0e+00;
	v49 =	vld [tilespmem:s5+$0x8680]  }
0x29a: {  	v43 =	vadd.f32 v43, v22;
	v22 =	vand.u32 $0x7FFFFFFF, v21;
	v42 =	vld [tilespmem:s5+$0x680];
	v45 =	vsub.f32 v33, v35  }
.Ltmp4:
0x29b: {  	v32 =	vadd.f32 v38, v32;
	v19 =	vsub.f32 v19, v17;
	v33 =	vmax.f32 v27, $0.0e+00;
	v37 =	vld [tilespmem:s5+$0x6B0];
	(pc) =	sbr.rel @p0 .LBB2_10-.Ltmp4, $4  }
0x29c: {  	v27 =	vmax.f32 v31, $0.0e+00;
	v35 =	vld [tilespmem:s5+$0x690];
	v21 =	vsub.f32 v45, v16;
	v45 =	vsub.f32 v38, v5  }
0x29d: {  	v31 =	vsub.f32 v36, v46;
	v36 =	vadd.f32 v40, v41;
	v41 =	vmax.f32 v34, $0.0e+00;
	[tilespmem:s24+$0x14680] =	vst v32  }
0x29e: {  	v38 =	vadd.f32 v47, v43;
	v34 =	vsub.f32 v48, v44;
	v32 =	vand.u32 $0x7FFFFFFF, v39  }
0x29f: {  	v40 =	vsub.f32 v42, v49;
	v39 =	vadd.f32 v41, v36;
	v36 =	vmax.f32 v45, $0.0e+00  }
0x2a0: {  	v28 =	vsub.f32 v37, v28;
	v24 =	vadd.f32 v33, v24  }
0x2a1: {  	v25 =	vadd.f32 v25, v38;
	v34 =	vsub.f32 v34, v13  }
0x2a2: {  	v51 =	vsub.f32 v32, v2;
	v31 =	vsub.f32 v31, v15  }
0x2a3: {  	v56 =	vsub.f32 v22, v4;
	v50 =	vsub.f32 v40, v10  }
0x2a4: {  	v26 =	vmax.f32 v26, $0.0e+00;
	v30 =	vadd.f32 v30, v39;
	v29 =	vsub.f32 v35, v29  }
0x2a5: {  	v34 =	vand.u32 $0x7FFFFFFF, v34;
	v25 =	vadd.f32 v32, v25;
	v28 =	vsub.f32 v28, v12  }
0x2a6: {  	v52 =	vld [tilespmem:s5+$0x86D0];
	v31 =	vand.u32 $0x7FFFFFFF, v31;
	v20 =	vadd.f32 v20, v24;
	v30 =	vadd.f32 v36, v30  }
0x2a7: {  	v33 =	vand.u32 $0x7FFFFFFF, v50;
	v29 =	vsub.f32 v29, v7;
	v54 =	vsub.f32 v34, v11  }
0x2a8: {  	v18 =	vand.u32 $0x7FFFFFFF, v18;
	v55 =	vsub.f32 v31, v14;
	v53 =	vsub.f32 v33, v8  }
0x2a9: {  	v20 =	vadd.f32 v27, v20;
	v22 =	vadd.f32 v22, v25;
	v27 =	vand.u32 $0x7FFFFFFF, v29  }
0x2aa: {  	v28 =	vand.u32 $0x7FFFFFFF, v28;
	v29 =	vadd.f32 v27, v33;
	v27 =	vsub.f32 v27, v3  }
0x2ab: {  	v23 =	vsub.f32 v23, v52;
	v57 =	vsub.f32 v28, v6;
	v24 =	vmax.f32 v53, $0.0e+00  }
0x2ac: {  	v22 =	vadd.f32 v18, v22;
	v25 =	vadd.f32 v34, v29;
	v27 =	vmax.f32 v27, $0.0e+00  }
0x2ad: {  	v21 =	vand.u32 $0x7FFFFFFF, v21;
	v20 =	vadd.f32 v26, v20;
	v24 =	vadd.f32 v27, v24  }
0x2ae: {  	v32 =	vmax.f32 v54, $0.0e+00;
	v18 =	vsub.f32 v18, v5;
	v25 =	vadd.f32 v28, v25  }
0x2af: {  	v19 =	vand.u32 $0x7FFFFFFF, v19;
	v23 =	vsub.f32 v23, v9;
	v24 =	vadd.f32 v32, v24  }
0x2b0: {  	v26 =	vmax.f32 v51, $0.0e+00;
	v27 =	vmax.f32 v57, $0.0e+00;
	v25 =	vadd.f32 v31, v25  }
0x2b1: {  	v20 =	vadd.f32 v26, v20;
	v23 =	vand.u32 $0x7FFFFFFF, v23;
	v24 =	vadd.f32 v27, v24  }
0x2b2: {  	v26 =	vmax.f32 v55, $0.0e+00;
	v27 =	vsub.f32 v23, v2;
	v23 =	vadd.f32 v23, v25  }
0x2b3: {  	v29 =	vmax.f32 v56, $0.0e+00;
	v18 =	vmax.f32 v18, $0.0e+00;
	v24 =	vadd.f32 v26, v24  }
0x2b4: {  	v25 =	vsub.f32 v21, v4;
	v21 =	vadd.f32 v21, v23;
	v23 =	vmax.f32 v27, $0.0e+00  }
0x2b5: {  	v20 =	vadd.f32 v29, v20;
	v23 =	vadd.f32 v23, v24;
	v24 =	vmov s23  }
0x2b6: {  	v26 =	vsub.f32 v19, v5;
	v25 =	vmax.f32 v25, $0.0e+00;
	v24 =	vshll.u32 v24, $0x7  }
0x2b7: {  	[tilespmem:s24+$0x10680] =	vst v30;
	v18 =	vadd.f32 v18, v20;
	v20 =	vadd.f32 v25, v23;
	v23 =	vor.u32 v0, v24  }
0x2b8: {  	[tilespmem:s31+$0x14680] =	vst v22;
	v19 =	vadd.f32 v19, v21;
	v21 =	vmax.f32 v26, $0.0e+00  }
0x2b9: {  	[tilespmem:s31+$0x10680] =	vst v18;
	v22 =	vor.u32 $0x3, v23;
	v18 =	vadd.f32 v21, v20  }
0x2ba: {  	[tilespmem:s5+$0x14680] =	vst v19  }
0x2bb: {  	v25 =	vor.u32 $0x4, v23;
	[tilespmem:s5+$0x10680] =	vst v18  }
0x2bc: {  	v19 =	vld.idx.msk [tilespmem:v23+s1+$0x0], $0xffff  }
0x2bd: {  	v27 =	vor.u32 $0x5, v23;
	v21 =	vld.idx.msk [tilespmem:v23+s3+$0x0], $0xffff  }
0x2be: {  	v28 =	vld.idx.msk [tilespmem:v22+s1+$0x0], $0xffff  }
0x2bf: {  	v29 =	vor.u32 $0x6, v23;
	v22 =	vld.idx.msk [tilespmem:v22+s3+$0x0], $0xffff  }
0x2c0: {  	v30 =	vld.idx.msk [tilespmem:v25+s1+$0x0], $0xffff  }
0x2c1: {  	v31 =	vor.u32 $0x7, v23;
	v25 =	vld.idx.msk [tilespmem:v25+s3+$0x0], $0xffff  }
0x2c2: {  	v58 =	vld.idx.msk [tilespmem:v27+s1+$0x0], $0xffff  }
0x2c3: {  	v59 =	vor.u32 $0x8, v23;
	v27 =	vld.idx.msk [tilespmem:v27+s3+$0x0], $0xffff  }
0x2c4: {  	v60 =	vld.idx.msk [tilespmem:v29+s1+$0x0], $0xffff  }
0x2c5: {  	v61 =	vor.u32 $0x9, v23;
	v29 =	vld.idx.msk [tilespmem:v29+s3+$0x0], $0xffff  }
0x2c6: {  	v62 =	vld.idx.msk [tilespmem:v31+s1+$0x0], $0xffff  }
0x2c7: {  	v20 =	vor.u32 $0x1, v23;
	v31 =	vld.idx.msk [tilespmem:v31+s3+$0x0], $0xffff  }
0x2c8: {  	v45 =	vld.idx.msk [tilespmem:v59+s1+$0x0], $0xffff  }
0x2c9: {  	v18 =	vor.u32 $0x2, v23;
	v33 =	vld.idx.msk [tilespmem:v59+s3+$0x0], $0xffff  }
0x2ca: {  	v47 =	vld.idx.msk [tilespmem:v61+s1+$0x0], $0xffff  }
0x2cb: {  	v63 =	vor.u32 $0xA, v23;
	v35 =	vld.idx.msk [tilespmem:v61+s3+$0x0], $0xffff  }
0x2cc: {  	v24 =	vld.idx.msk [tilespmem:v20+s1+$0x0], $0xffff  }
0x2cd: {  	v48 =	vor.u32 $0xE, v23;
	v20 =	vld.idx.msk [tilespmem:v20+s3+$0x0], $0xffff  }
0x2ce: {  	v46 =	vor.u32 $0xB, v23;
	v26 =	vld.idx.msk [tilespmem:v18+s1+$0x0], $0xffff  }
0x2cf: {  	v18 =	vld.idx.msk [tilespmem:v18+s3+$0x0], $0xffff  }
0x2d0: {  	v41 =	vor.u32 $0xC, v23;
	v42 =	vld.idx.msk [tilespmem:v63+s1+$0x0], $0xffff;
	v19 =	vadd.f32 $0.0e+00, v19;
	v21 =	vadd.f32 $0.0e+00, v21  }
0x2d1: {  	v37 =	vld.idx.msk [tilespmem:v63+s3+$0x0], $0xffff  }
0x2d2: {  	v43 =	vor.u32 $0xD, v23;
	v39 =	vld.idx.msk [tilespmem:v48+s3+$0x0], $0xffff;
	v19 =	vadd.f32 v24, v19;
	v20 =	vadd.f32 v20, v21  }
0x2d3: {  	v21 =	vld.idx.msk [tilespmem:v46+s1+$0x0], $0xffff  }
0x2d4: {  	s4 =	simm.s32 $0x10;
	v24 =	vld.idx.msk [tilespmem:v46+s3+$0x0], $0xffff;
	v19 =	vadd.f32 v26, v19;
	v18 =	vadd.f32 v18, v20  }
0x2d5: {  	v23 =	vor.u32 $0xF, v23;
	v20 =	vld.idx.msk [tilespmem:v41+s1+$0x0], $0xffff;
	v26 =	vmov s4  }
0x2d6: {  	v41 =	vld.idx.msk [tilespmem:v41+s3+$0x0], $0xffff;
	v19 =	vadd.f32 v28, v19;
	v18 =	vadd.f32 v22, v18;
	v22 =	vshll.u32 v26, $0x7  }
0x2d7: {  	v26 =	vld.idx.msk [tilespmem:v43+s1+$0x0], $0xffff;
	v22 =	vor.u32 v0, v22  }
0x2d8: {  	v28 =	vld.idx.msk [tilespmem:v43+s3+$0x0], $0xffff;
	v19 =	vadd.f32 v30, v19;
	v18 =	vadd.f32 v25, v18  }
0x2d9: {  	v25 =	vld.idx.msk [tilespmem:v48+s1+$0x0], $0xffff;
	v49 =	vor.u32 $0x2, v22  }
0x2da: {  	v30 =	vor.u32 $0x1, v22;
	v19 =	vadd.f32 v58, v19;
	v18 =	vadd.f32 v27, v18;
	v27 =	vld.idx.msk [tilespmem:v23+s1+$0x0], $0xffff  }
0x2db: {  	v23 =	vld.idx.msk [tilespmem:v23+s3+$0x0], $0xffff  }
0x2dc: {  	v19 =	vadd.f32 v60, v19;
	v18 =	vadd.f32 v29, v18;
	v29 =	vld.idx.msk [tilespmem:v22+s1+$0x0], $0xffff  }
0x2dd: {  	v51 =	vor.u32 $0x3, v22;
	v50 =	vld.idx.msk [tilespmem:v22+s3+$0x0], $0xffff  }
0x2de: {  	v53 =	vld.idx.msk [tilespmem:v49+s1+$0x0], $0xffff;
	v19 =	vadd.f32 v62, v19;
	v18 =	vadd.f32 v31, v18  }
0x2df: {  	v52 =	vor.u32 $0x4, v22;
	v31 =	vld.idx.msk [tilespmem:v30+s1+$0x0], $0xffff  }
0x2e0: {  	v54 =	vor.u32 $0x5, v22;
	v30 =	vld.idx.msk [tilespmem:v30+s3+$0x0], $0xffff;
	v19 =	vadd.f32 v45, v19;
	v18 =	vadd.f32 v33, v18  }
0x2e1: {  	v32 =	vld.idx.msk [tilespmem:v49+s3+$0x0], $0xffff  }
0x2e2: {  	v56 =	vor.u32 $0x6, v22;
	v55 =	vld.idx.msk [tilespmem:v51+s1+$0x0], $0xffff;
	v19 =	vadd.f32 v47, v19;
	v18 =	vadd.f32 v35, v18  }
0x2e3: {  	v43 =	vld.idx.msk [tilespmem:v51+s3+$0x0], $0xffff;
	v29 =	vadd.f32 $0.0e+00, v29;
	v34 =	vadd.f32 $0.0e+00, v50  }
0x2e4: {  	v57 =	vld.idx.msk [tilespmem:v52+s1+$0x0], $0xffff;
	v19 =	vadd.f32 v42, v19;
	v18 =	vadd.f32 v37, v18  }
0x2e5: {  	v58 =	vor.u32 $0x7, v22;
	v59 =	vld.idx.msk [tilespmem:v54+s3+$0x0], $0xffff;
	v29 =	vadd.f32 v31, v29;
	v30 =	vadd.f32 v30, v34  }
0x2e6: {  	v31 =	vld.idx.msk [tilespmem:v52+s3+$0x0], $0xffff;
	v19 =	vadd.f32 v21, v19;
	v18 =	vadd.f32 v24, v18  }
0x2e7: {  	v60 =	vld.idx.msk [tilespmem:v56+s3+$0x0], $0xffff;
	v30 =	vadd.f32 v32, v30;
	v24 =	vadd.f32 v53, v29;
	v29 =	vor.u32 $0x8, v22  }
0x2e8: {  	v21 =	vld.idx.msk [tilespmem:v54+s1+$0x0], $0xffff;
	v19 =	vadd.f32 v20, v19;
	v18 =	vadd.f32 v41, v18  }
0x2e9: {  	v61 =	vor.u32 $0x9, v22;
	v30 =	vadd.f32 v43, v30;
	v20 =	vld.idx.msk [tilespmem:v56+s1+$0x0], $0xffff;
	v24 =	vadd.f32 v55, v24  }
0x2ea: {  	v19 =	vadd.f32 v26, v19;
	v18 =	vadd.f32 v28, v18;
	v26 =	vld.idx.msk [tilespmem:v58+s1+$0x0], $0xffff  }
0x2eb: {  	v24 =	vadd.f32 v57, v24;
	v28 =	vadd.f32 v31, v30;
	v30 =	vld.idx.msk [tilespmem:v58+s3+$0x0], $0xffff;
	v31 =	vor.u32 $0xA, v22  }
0x2ec: {  	v19 =	vadd.f32 v25, v19;
	v18 =	vadd.f32 v39, v18;
	v25 =	vld.idx.msk [tilespmem:v29+s1+$0x0], $0xffff  }
0x2ed: {  	v21 =	vadd.f32 v21, v24;
	v24 =	vadd.f32 v59, v28;
	v28 =	vld.idx.msk [tilespmem:v29+s3+$0x0], $0xffff;
	v29 =	vor.u32 $0xB, v22  }
0x2ee: {  	v27 =	vadd.f32 v27, v19;
	v18 =	vadd.f32 v23, v18;
	v23 =	vld.idx.msk [tilespmem:v61+s1+$0x0], $0xffff  }
0x2ef: {  	v62 =	vor.u32 $0xC, v22;
	v19 =	vadd.f32 v20, v21;
	v20 =	vadd.f32 v60, v24;
	v24 =	vld.idx.msk [tilespmem:v61+s3+$0x0], $0xffff  }
0x2f0: {  	v63 =	vld.idx.msk [tilespmem:v31+s1+$0x0], $0xffff;
	v21 =	vmul.f32 $9.800000190e-01, v27;
	v18 =	vmul.f32 $1.999999960e-02, v18  }
0x2f1: {  	v26 =	vadd.f32 v26, v19;
	v20 =	vadd.f32 v30, v20;
	v30 =	vld.idx.msk [tilespmem:v31+s3+$0x0], $0xffff;
	v31 =	vor.u32 $0xD, v22  }
0x2f2: {  	vm0 =	veq.f32 v27, $0.0e+00;
	v19 =	vld.idx.msk [tilespmem:v29+s1+$0x0], $0xffff;
	v18 =	vadd.f32 v18, v21  }
0x2f3: {  	s31 =	simm.s32 $0x20;
	s23 =	simm.s32 $0x18680;
	v25 =	vadd.f32 v25, v26;
	v26 =	vadd.f32 v28, v20;
	v21 =	vld.idx.msk [tilespmem:v29+s3+$0x0], $0xffff;
	v28 =	vor.u32 $0xE, v22  }
0x2f4: {  	s24 =	simm.s32 $0x18780;
	v27 =	vsel vm0, $0x1, v1;
	v20 =	vld.idx.msk [tilespmem:v62+s1+$0x0], $0xffff;
	[tilespmem:s23+$0x0] =	vst v18;
	v18 =	vmov s31  }
0x2f5: {  	v25 =	vadd.f32 v23, v25;
	v24 =	vadd.f32 v24, v26;
	v23 =	vld.idx.msk [tilespmem:v62+s3+$0x0], $0xffff;
	[tilespmem:s24+$0x0] =	vst v27;
	v27 =	vor.u32 $0xF, v22  }
0x2f6: {  	v18 =	vshll.u32 v18, $0x7;
	v22 =	vld.idx.msk [tilespmem:v31+s1+$0x0], $0xffff  }
0x2f7: {  	s5 =	simm.s32 $0x30;
	v18 =	vor.u32 v0, v18;
	v25 =	vadd.f32 v63, v25;
	v26 =	vadd.f32 v30, v24;
	v24 =	vld.idx.msk [tilespmem:v31+s3+$0x0], $0xffff  }
.LBB2_12:
0x2f8: {  	p0 =	sne.s32 s5, $0x70;
	v29 =	vld.idx.msk [tilespmem:v28+s1+$0x0], $0xffff  }
0x2f9: {  	v30 =	vor.u32 $0x1, v18;
	v19 =	vadd.f32 v19, v25;
	v21 =	vadd.f32 v21, v26;
	v25 =	vld.idx.msk [tilespmem:v28+s3+$0x0], $0xffff  }
0x2fa: {  	v26 =	vld.idx.msk [tilespmem:v27+s1+$0x0], $0xffff  }
0x2fb: {  	v28 =	vor.u32 $0x2, v18;
	v19 =	vadd.f32 v20, v19;
	v20 =	vadd.f32 v23, v21;
	v21 =	vld.idx.msk [tilespmem:v27+s3+$0x0], $0xffff  }
0x2fc: {  	v23 =	vld.idx.msk [tilespmem:v18+s1+$0x0], $0xffff  }
0x2fd: {  	v31 =	vor.u32 $0x3, v18;
	v27 =	vld.idx.msk [tilespmem:v18+s3+$0x0], $0xffff;
	v19 =	vadd.f32 v22, v19;
	v20 =	vadd.f32 v24, v20  }
0x2fe: {  	v22 =	vld.idx.msk [tilespmem:v30+s1+$0x0], $0xffff  }
0x2ff: {  	v24 =	vld.idx.msk [tilespmem:v30+s3+$0x0], $0xffff;
	v30 =	vor.u32 $0x4, v18;
	v19 =	vadd.f32 v29, v19;
	v20 =	vadd.f32 v25, v20  }
0x300: {  	v25 =	vld.idx.msk [tilespmem:v28+s1+$0x0], $0xffff  }
0x301: {  	v29 =	vor.u32 $0x5, v18;
	v28 =	vld.idx.msk [tilespmem:v28+s3+$0x0], $0xffff;
	v19 =	vadd.f32 v26, v19;
	v20 =	vadd.f32 v21, v20  }
0x302: {  	v21 =	vadd.f32 $0.0e+00, v23;
	v26 =	vor.u32 $0x6, v18;
	v23 =	vld.idx.msk [tilespmem:v31+s1+$0x0], $0xffff  }
0x303: {  	v27 =	vadd.f32 $0.0e+00, v27;
	v31 =	vld.idx.msk [tilespmem:v31+s3+$0x0], $0xffff;
	v32 =	vmul.f32 $9.800000190e-01, v19;
	v20 =	vmul.f32 $1.999999960e-02, v20  }
0x304: {  	v21 =	vadd.f32 v22, v21;
	v22 =	vld.idx.msk [tilespmem:v30+s1+$0x0], $0xffff  }
0x305: {  	v24 =	vadd.f32 v24, v27;
	v27 =	vld.idx.msk [tilespmem:v30+s3+$0x0], $0xffff;
	v30 =	vor.u32 $0x7, v18;
	v20 =	vadd.f32 v20, v32  }
0x306: {  	v33 =	vor.u32 $0x8, v18;
	s23 =	sadd.s32 $0x10, s23;
	vm0 =	veq.f32 v19, $0.0e+00;
	v32 =	vld.idx.msk [tilespmem:v29+s1+$0x0], $0xffff  }
0x307: {  	s24 =	sadd.s32 $0x10, s24;
	v19 =	vadd.f32 v25, v21;
	v21 =	vadd.f32 v28, v24;
	v24 =	vld.idx.msk [tilespmem:v29+s3+$0x0], $0xffff;
	[tilespmem:s23+$0x0] =	vst v20;
	v20 =	vsel vm0, $0x1, v1  }
0x308: {  	v25 =	vld.idx.msk [tilespmem:v26+s1+$0x0], $0xffff;
	[tilespmem:s24+$0x0] =	vst v20  }
0x309: {  	v19 =	vadd.f32 v23, v19;
	v23 =	vor.u32 $0x9, v18;
	v20 =	vadd.f32 v31, v21;
	v21 =	vld.idx.msk [tilespmem:v26+s3+$0x0], $0xffff  }
0x30a: {  	v26 =	vld.idx.msk [tilespmem:v30+s1+$0x0], $0xffff  }
0x30b: {  	v19 =	vadd.f32 v22, v19;
	v20 =	vadd.f32 v27, v20;
	v27 =	vor.u32 $0xA, v18;
	v22 =	vld.idx.msk [tilespmem:v30+s3+$0x0], $0xffff  }
0x30c: {  	v28 =	vld.idx.msk [tilespmem:v33+s1+$0x0], $0xffff  }
0x30d: {  	v29 =	vor.u32 $0xB, v18;
	v19 =	vadd.f32 v32, v19;
	v20 =	vadd.f32 v24, v20;
	v24 =	vld.idx.msk [tilespmem:v33+s3+$0x0], $0xffff  }
0x30e: {  	v30 =	vld.idx.msk [tilespmem:v23+s1+$0x0], $0xffff  }
0x30f: {  	v19 =	vadd.f32 v25, v19;
	v25 =	vor.u32 $0xC, v18;
	v20 =	vadd.f32 v21, v20;
	v23 =	vld.idx.msk [tilespmem:v23+s3+$0x0], $0xffff  }
0x310: {  	v31 =	vld.idx.msk [tilespmem:v27+s1+$0x0], $0xffff  }
0x311: {  	v32 =	vor.u32 $0xD, v18;
	v21 =	vadd.f32 v26, v19;
	v20 =	vadd.f32 v22, v20;
	v26 =	vld.idx.msk [tilespmem:v27+s3+$0x0], $0xffff  }
0x312: {  	v19 =	vld.idx.msk [tilespmem:v29+s1+$0x0], $0xffff  }
.Ltmp5:
0x313: {  	v22 =	vadd.f32 v28, v21;
	v28 =	vor.u32 $0xE, v18;
	v24 =	vadd.f32 v24, v20;
	v21 =	vld.idx.msk [tilespmem:v29+s3+$0x0], $0xffff;
	(pc) =	sbr.rel @p0 .LBB2_12-.Ltmp5, $4  }
0x314: {  	v29 =	vmov s5;
	v20 =	vld.idx.msk [tilespmem:v25+s1+$0x0], $0xffff  }
0x315: {  	v27 =	vor.u32 $0xF, v18;
	v30 =	vadd.f32 v30, v22;
	v24 =	vadd.f32 v23, v24;
	v23 =	vld.idx.msk [tilespmem:v25+s3+$0x0], $0xffff  }
0x316: {  	v18 =	vshll.u32 v29, $0x7;
	v22 =	vld.idx.msk [tilespmem:v32+s1+$0x0], $0xffff  }
0x317: {  	s5 =	sadd.s32 $0x10, s5;
	v18 =	vor.u32 v0, v18;
	v25 =	vadd.f32 v31, v30;
	v26 =	vadd.f32 v26, v24;
	v24 =	vld.idx.msk [tilespmem:v32+s3+$0x0], $0xffff  }
0x318: {  	_ =	sdelay $0x3  }
0x319: {  	v29 =	vld.idx.msk [tilespmem:v28+s1+$0x0], $0xffff  }
0x31a: {  	v30 =	vor.u32 $0x1, v18;
	v28 =	vld.idx.msk [tilespmem:v28+s3+$0x0], $0xffff  }
0x31b: {  	v31 =	vld.idx.msk [tilespmem:v27+s1+$0x0], $0xffff  }
0x31c: {  	v32 =	vor.u32 $0x2, v18;
	v27 =	vld.idx.msk [tilespmem:v27+s3+$0x0], $0xffff  }
0x31d: {  	v33 =	vld.idx.msk [tilespmem:v18+s1+$0x0], $0xffff  }
0x31e: {  	v34 =	vld.idx.msk [tilespmem:v18+s3+$0x0], $0xffff;
	v35 =	vor.u32 $0x3, v18  }
0x31f: {  	v36 =	vld.idx.msk [tilespmem:v30+s1+$0x0], $0xffff  }
0x320: {  	v37 =	vor.u32 $0x4, v18;
	v30 =	vld.idx.msk [tilespmem:v30+s3+$0x0], $0xffff  }
0x321: {  	v38 =	vld.idx.msk [tilespmem:v32+s1+$0x0], $0xffff  }
0x322: {  	v39 =	vor.u32 $0x5, v18;
	v32 =	vld.idx.msk [tilespmem:v32+s3+$0x0], $0xffff  }
0x323: {  	v33 =	vadd.f32 $0.0e+00, v33;
	v40 =	vld.idx.msk [tilespmem:v35+s1+$0x0], $0xffff;
	v34 =	vadd.f32 $0.0e+00, v34  }
0x324: {  	v41 =	vor.u32 $0x6, v18;
	v35 =	vld.idx.msk [tilespmem:v35+s3+$0x0], $0xffff  }
0x325: {  	v51 =	vld.idx.msk [tilespmem:v37+s1+$0x0], $0xffff;
	v33 =	vadd.f32 v36, v33;
	v30 =	vadd.f32 v30, v34  }
0x326: {  	v53 =	vor.u32 $0x7, v18;
	v52 =	vld.idx.msk [tilespmem:v37+s3+$0x0], $0xffff  }
0x327: {  	v42 =	vld.idx.msk [tilespmem:v39+s1+$0x0], $0xffff;
	v33 =	vadd.f32 v38, v33;
	v30 =	vadd.f32 v32, v30  }
0x328: {  	v54 =	vor.u32 $0x8, v18;
	v55 =	vld.idx.msk [tilespmem:v39+s3+$0x0], $0xffff  }
0x329: {  	v56 =	vld.idx.msk [tilespmem:v41+s1+$0x0], $0xffff;
	v33 =	vadd.f32 v40, v33;
	v30 =	vadd.f32 v35, v30  }
0x32a: {  	v58 =	vor.u32 $0x9, v18;
	v57 =	vld.idx.msk [tilespmem:v41+s3+$0x0], $0xffff  }
0x32b: {  	v59 =	vld.idx.msk [tilespmem:v53+s1+$0x0], $0xffff;
	v33 =	vadd.f32 v51, v33;
	v30 =	vadd.f32 v52, v30  }
0x32c: {  	v61 =	vor.u32 $0xA, v18;
	v60 =	vld.idx.msk [tilespmem:v53+s3+$0x0], $0xffff  }
0x32d: {  	v62 =	vld.idx.msk [tilespmem:v54+s1+$0x0], $0xffff;
	v33 =	vadd.f32 v42, v33;
	v30 =	vadd.f32 v55, v30  }
0x32e: {  	v63 =	vor.u32 $0xB, v18;
	v32 =	vld.idx.msk [tilespmem:v54+s3+$0x0], $0xffff  }
0x32f: {  	v45 =	vld.idx.msk [tilespmem:v58+s1+$0x0], $0xffff;
	v33 =	vadd.f32 v56, v33;
	v30 =	vadd.f32 v57, v30  }
0x330: {  	v47 =	vor.u32 $0xC, v18;
	v46 =	vld.idx.msk [tilespmem:v58+s3+$0x0], $0xffff  }
0x331: {  	v48 =	vld.idx.msk [tilespmem:v61+s1+$0x0], $0xffff;
	v33 =	vadd.f32 v59, v33;
	v30 =	vadd.f32 v60, v30  }
0x332: {  	v50 =	vor.u32 $0xD, v18;
	v49 =	vld.idx.msk [tilespmem:v61+s3+$0x0], $0xffff  }
0x333: {  	v51 =	vld.idx.msk [tilespmem:v63+s1+$0x0], $0xffff;
	v33 =	vadd.f32 v62, v33;
	v30 =	vadd.f32 v32, v30  }
0x334: {  	v19 =	vadd.f32 v19, v25;
	v53 =	vor.u32 $0xE, v18;
	v52 =	vld.idx.msk [tilespmem:v63+s3+$0x0], $0xffff  }
0x335: {  	v25 =	vld.idx.msk [tilespmem:v47+s3+$0x0], $0xffff;
	v33 =	vadd.f32 v45, v33;
	v30 =	vadd.f32 v46, v30  }
0x336: {  	v21 =	vadd.f32 v21, v26;
	v18 =	vor.u32 $0xF, v18;
	v54 =	vld.idx.msk [tilespmem:v47+s1+$0x0], $0xffff  }
0x337: {  	v26 =	vld.idx.msk [tilespmem:v50+s1+$0x0], $0xffff;
	v33 =	vadd.f32 v48, v33;
	v30 =	vadd.f32 v49, v30  }
0x338: {  	v19 =	vadd.f32 v20, v19;
	v20 =	vadd.f32 v23, v21;
	v21 =	vld.idx.msk [tilespmem:v50+s3+$0x0], $0xffff  }
0x339: {  	v23 =	vld.idx.msk [tilespmem:v53+s1+$0x0], $0xffff;
	v33 =	vadd.f32 v51, v33;
	v30 =	vadd.f32 v52, v30  }
0x33a: {  	v19 =	vadd.f32 v22, v19;
	v20 =	vadd.f32 v24, v20;
	v22 =	vld.idx.msk [tilespmem:v53+s3+$0x0], $0xffff  }
0x33b: {  	v24 =	vld.idx.msk [tilespmem:v18+s1+$0x0], $0xffff;
	v55 =	vadd.f32 v54, v33;
	v25 =	vadd.f32 v25, v30  }
0x33c: {  	v19 =	vadd.f32 v29, v19;
	v20 =	vadd.f32 v28, v20;
	v18 =	vld.idx.msk [tilespmem:v18+s3+$0x0], $0xffff  }
0x33d: {  	v26 =	vadd.f32 v26, v55;
	v21 =	vadd.f32 v21, v25  }
0x33e: {  	v19 =	vadd.f32 v31, v19;
	v20 =	vadd.f32 v27, v20  }
0x33f: {  	v23 =	vadd.f32 v23, v26;
	v21 =	vadd.f32 v22, v21  }
0x340: {  	v20 =	vmul.f32 $1.999999960e-02, v20  }
0x341: {  	v22 =	vmul.f32 $9.800000190e-01, v19;
	v23 =	vadd.f32 v24, v23;
	v18 =	vadd.f32 v18, v21;
	_ =	sdelay $0x1  }
0x342: {  	v20 =	vadd.f32 v20, v22;
	v21 =	vmul.f32 $9.800000190e-01, v23;
	v18 =	vmul.f32 $1.999999960e-02, v18  }
0x343: {  	s4 =	sadd.s32 $0x10, s23;
	vm0 =	veq.f32 v19, $0.0e+00  }
0x344: {  	s5 =	sadd.s32 $0x10, s24;
	v19 =	vsel vm0, $0x1, v1;
	[tilespmem:s4+$0x0] =	vst v20;
	v18 =	vadd.f32 v18, v21  }
0x345: {  	vm15 =	veq.f32 v23, $0.0e+00;
	s4 =	sadd.s32 $0x10, s4;
	[tilespmem:s5+$0x0] =	vst v19  }
0x346: {  	s23 =	sadd.s32 $0x10, s5;
	[tilespmem:s4+$0x0] =	vst v18;
	v18 =	vsel vm15, $0x1, v1  }
0x347: {  	s24 =	simm.s32 $0x18680;
	[tilespmem:s23+$0x0] =	vst v18;
	s23 =	simm.s32 $0x0  }
0x348: {  	[hbm4b:s13+s23] =	stream.linear.scatter [tilespmem:s24], [sflag:$0x5], $0x80, $0x38;
	[tilespmem:$0x18880] =	vst v63  }
0x349: {  	s26 =	simm.s32 $0x18780  }
0x34a: {  	[hbm4b:s14+s23] =	stream.linear.scatter [tilespmem:s26], [sflag:$0x5], $0x80, $0x38;
	[tilespmem:$0x18880] =	vst v63  }
0x34b: {  	_ =	swait.ge [sflag:s28], $0x4000  }
0x34c: {  	[sflag:s28] =	ssyncset.done $0x0  }
0x34d: {  	[sflag:s28] =	ssyncadd.s32 $0xFFFFC000  }
0x34e: {  	_ =	swait.ge [sflag:s29], $0x4000  }
0x34f: {  	[sflag:s29] =	ssyncset.done $0x0  }
0x350: {  	[sflag:s29] =	ssyncadd.s32 $0xFFFFC000  }
0x351: {  	_ =	swait.ge [sflag:s18], $0x80  }
0x352: {  	[sflag:s18] =	ssyncset.done $0x0  }
0x353: {  	[sflag:s18] =	ssyncadd.s32 $0xFFFFFF80  }
0x354: {  	_ =	swait.ge [sflag:s18], $0x80  }
0x355: {  	[sflag:s18] =	ssyncset.done $0x0  }
0x356: {  	s24 =	simm.s32 $0x0;
	[sflag:s18] =	ssyncadd.s32 $0xFFFFFF80  }
0x357: {  	v18 =	vld [tilespmem:s24+$0xC6F0]  }
0x358: {  	v19 =	vld [tilespmem:s24+$0x46F0]  }
0x359: {  	v20 =	vld [tilespmem:s24+$0xC6E0]  }
0x35a: {  	v21 =	vld [tilespmem:s24+$0xC6B0]  }
0x35b: {  	v22 =	vld [tilespmem:s24+$0x46D0]  }
0x35c: {  	v23 =	vld [tilespmem:s24+$0xC6A0]  }
0x35d: {  	v24 =	vld [tilespmem:s24+$0xC690]  }
0x35e: {  	v25 =	vld [tilespmem:s24+$0x46E0]  }
0x35f: {  	v26 =	vld [tilespmem:s24+$0xC6C0]  }
0x360: {  	v27 =	vld [tilespmem:s24+$0x46A0]  }
0x361: {  	v28 =	vld [tilespmem:s24+$0x46C0]  }
0x362: {  	v29 =	vld [tilespmem:s24+$0xC680]  }
0x363: {  	v30 =	vld [tilespmem:s24+$0x4680]  }
0x364: {  	v31 =	vld [tilespmem:s24+$0x46B0]  }
0x365: {  	v56 =	vld [tilespmem:s24+$0x4690]  }
0x366: {  	s31 =	simm.s32 $0x80;
	v57 =	vld [tilespmem:s24+$0xC6D0]  }
0x367: {  	v62 =	vld [tilespmem:s31+$0xC680]  }
0x368: {  	v45 =	vld [tilespmem:s31+$0x4680]  }
0x369: {  	v18 =	vsub.f32 v19, v18;
	v29 =	vsub.f32 v30, v29  }
0x36a: {  	v20 =	vsub.f32 v25, v20;
	v23 =	vsub.f32 v27, v23  }
0x36b: {  	v26 =	vsub.f32 v28, v26;
	v21 =	vsub.f32 v31, v21  }
0x36c: {  	v58 =	vld [tilespmem:s31+$0x46E0];
	v24 =	vsub.f32 v56, v24;
	v22 =	vsub.f32 v22, v57  }
0x36d: {  	v46 =	vld [tilespmem:s31+$0x46A0];
	v33 =	vsub.f32 v45, v62;
	v34 =	vsub.f32 v18, v17  }
0x36e: {  	v47 =	vld [tilespmem:s31+$0x46B0];
	v25 =	vsub.f32 v29, v10;
	v20 =	vsub.f32 v20, v16  }
0x36f: {  	v19 =	vld [tilespmem:s31+$0xC6F0];
	v23 =	vsub.f32 v23, v13;
	v26 =	vsub.f32 v26, v15  }
0x370: {  	v30 =	vld [tilespmem:s31+$0x46F0];
	v21 =	vsub.f32 v21, v12;
	v24 =	vsub.f32 v24, v7  }
0x371: {  	v28 =	vld [tilespmem:s31+$0xC6A0];
	v22 =	vsub.f32 v22, v9;
	v48 =	vsub.f32 v33, v10  }
0x372: {  	v27 =	vld [tilespmem:s31+$0xC6B0];
	v25 =	vand.u32 $0x7FFFFFFF, v25;
	v23 =	vand.u32 $0x7FFFFFFF, v23;
	v26 =	vand.u32 $0x7FFFFFFF, v26  }
0x373: {  	v18 =	vld [tilespmem:s31+$0xC6E0];
	v21 =	vand.u32 $0x7FFFFFFF, v21;
	v31 =	vsub.f32 v25, v8;
	v60 =	vsub.f32 v23, v11  }
0x374: {  	v24 =	vand.u32 $0x7FFFFFFF, v24;
	v63 =	vsub.f32 v26, v14;
	v44 =	vsub.f32 v21, v6  }
0x375: {  	v59 =	vld [tilespmem:s31+$0xC6C0];
	v22 =	vand.u32 $0x7FFFFFFF, v22;
	v25 =	vadd.f32 v24, v25;
	v19 =	vsub.f32 v30, v19  }
0x376: {  	v61 =	vld [tilespmem:s31+$0x46C0];
	v32 =	vand.u32 $0x7FFFFFFF, v48;
	v24 =	vsub.f32 v24, v3;
	v28 =	vsub.f32 v46, v28  }
0x377: {  	v34 =	vand.u32 $0x7FFFFFFF, v34;
	v27 =	vsub.f32 v47, v27;
	v51 =	vsub.f32 v22, v2  }
0x378: {  	v49 =	vld [tilespmem:s31+$0x46D0];
	v30 =	vsub.f32 v58, v18;
	v31 =	vmax.f32 v31, $0.0e+00;
	v23 =	vadd.f32 v23, v25  }
0x379: {  	v29 =	vld [tilespmem:s31+$0xC690];
	v18 =	vsub.f32 v19, v17;
	v24 =	vmax.f32 v24, $0.0e+00;
	v27 =	vsub.f32 v27, v12  }
0x37a: {  	s5 =	simm.s32 $0x100;
	v25 =	vld [tilespmem:s31+$0x4690];
	v36 =	vmax.f32 v60, $0.0e+00;
	v31 =	vadd.f32 v24, v31;
	v24 =	vsub.f32 v28, v13  }
0x37b: {  	v52 =	vld [tilespmem:s5+$0x46F0];
	v19 =	vsub.f32 v30, v16;
	v30 =	vand.u32 $0x7FFFFFFF, v20;
	v20 =	vsub.f32 v61, v59  }
0x37c: {  	v47 =	vld [tilespmem:s5+$0xC680];
	v50 =	vmax.f32 v63, $0.0e+00;
	v21 =	vadd.f32 v21, v23;
	v61 =	vsub.f32 v34, v5  }
0x37d: {  	v63 =	vmax.f32 v51, $0.0e+00;
	v59 =	vld [tilespmem:s5+$0x4680];
	v31 =	vadd.f32 v36, v31;
	v57 =	vsub.f32 v30, v4  }
0x37e: {  	v43 =	vld [tilespmem:s5+$0xC6C0];
	v23 =	vmax.f32 v44, $0.0e+00;
	v21 =	vadd.f32 v26, v21;
	v26 =	vsub.f32 v32, v8  }
0x37f: {  	v44 =	vand.u32 $0x7FFFFFFF, v27;
	v20 =	vsub.f32 v20, v15;
	v25 =	vsub.f32 v25, v29;
	v29 =	vld [tilespmem:s31+$0xC6D0]  }
0x380: {  	v56 =	vld [tilespmem:s5+$0x46E0];
	v53 =	vand.u32 $0x7FFFFFFF, v24;
	v45 =	vadd.f32 v23, v31;
	v21 =	vadd.f32 v22, v21  }
0x381: {  	v28 =	vld [tilespmem:s5+$0xC6F0];
	v24 =	vmax.f32 v26, $0.0e+00;
	v26 =	vsub.f32 v53, v11;
	v54 =	vsub.f32 v25, v7  }
0x382: {  	v31 =	vld [tilespmem:s5+$0x46C0];
	v25 =	vand.u32 $0x7FFFFFFF, v20;
	v62 =	vadd.f32 v50, v45;
	v40 =	vsub.f32 v59, v47  }
0x383: {  	v22 =	vld [tilespmem:s5+$0xC6E0];
	v20 =	vmax.f32 v26, $0.0e+00;
	v26 =	vsub.f32 v25, v14;
	v21 =	vadd.f32 v30, v21  }
0x384: {  	v55 =	vld [tilespmem:s5+$0xC6A0];
	v23 =	vand.u32 $0x7FFFFFFF, v54;
	v39 =	vadd.f32 v63, v62;
	v27 =	vsub.f32 v49, v29  }
0x385: {  	v46 =	vld [tilespmem:s5+$0x46A0];
	v29 =	vsub.f32 v44, v6;
	v32 =	vadd.f32 v23, v32  }
0x386: {  	v37 =	vld [tilespmem:s5+$0x46B0];
	v23 =	vsub.f32 v23, v3;
	v60 =	vadd.f32 v34, v21  }
0x387: {  	v30 =	vmax.f32 v57, $0.0e+00;
	v58 =	vsub.f32 v27, v9;
	v27 =	vsub.f32 v52, v28;
	v28 =	vld [tilespmem:s5+$0xC6B0]  }
0x388: {  	v35 =	vld [tilespmem:s5+$0x4690];
	v31 =	vsub.f32 v31, v43;
	v36 =	vsub.f32 v56, v22;
	v22 =	vand.u32 $0x7FFFFFFF, v19  }
0x389: {  	v32 =	vadd.f32 v53, v32;
	v19 =	vsub.f32 v27, v17;
	v27 =	vmax.f32 v29, $0.0e+00;
	v29 =	vld [tilespmem:s5+$0xC690]  }
0x38a: {  	v34 =	vsub.f32 v46, v55;
	v33 =	vmax.f32 v23, $0.0e+00;
	v21 =	vsub.f32 v36, v16  }
0x38b: {  	s4 =	simm.s32 $0x600;
	v23 =	vld [tilespmem:s5+$0x46D0];
	[tilespmem:s24+$0x14680] =	vst v60;
	v36 =	vmax.f32 v61, $0.0e+00;
	v38 =	vadd.f32 v44, v32;
	v32 =	vand.u32 $0x7FFFFFFF, v58  }
.LBB2_14:
0x38c: {  	s26 =	sshra.s32 s4, $0x2;
	p0 =	sne.s32 s4, $0xFE00;
	s4 =	sadd.s32 $0x200, s4;
	v37 =	vsub.f32 v37, v28;
	v41 =	vld [tilespmem:s5+$0xC6D0];
	v33 =	vadd.f32 v33, v24  }
0x38d: {  	v42 =	vld [tilespmem:s26+$0xC6F0];
	v24 =	vsub.f32 v40, v10;
	v40 =	vmax.f32 v26, $0.0e+00;
	v26 =	vadd.f32 v30, v39  }
0x38e: {  	v25 =	vadd.f32 v25, v38;
	v29 =	vsub.f32 v35, v29;
	v30 =	vld [tilespmem:s26+$0x46F0]  }
0x38f: {  	v35 =	vld [tilespmem:s26+$0xC6E0];
	v38 =	vand.u32 $0x7FFFFFFF, v24;
	v24 =	vsub.f32 v34, v13;
	v34 =	vsub.f32 v32, v2  }
0x390: {  	v26 =	vadd.f32 v36, v26;
	v28 =	vld [tilespmem:s26+$0xC6B0];
	v39 =	vsub.f32 v38, v8  }
0x391: {  	v31 =	vsub.f32 v31, v15;
	v32 =	vadd.f32 v32, v25;
	v36 =	vld [tilespmem:s26+$0x46D0];
	v43 =	vand.u32 $0x7FFFFFFF, v24  }
0x392: {  	v44 =	vld [tilespmem:s26+$0xC6A0];
	v24 =	vmax.f32 v39, $0.0e+00;
	v39 =	vsub.f32 v29, v7;
	v45 =	vsub.f32 v43, v11;
	[tilespmem:s24+$0x10680] =	vst v26;
	s24 =	smov.u32 s31;
	s31 =	smov.u32 s5;
	s5 =	smov.u32 s26  }
0x393: {  	v37 =	vsub.f32 v37, v12;
	v25 =	vand.u32 $0x7FFFFFFF, v31;
	v31 =	vadd.f32 v20, v33;
	v29 =	vld [tilespmem:s5+$0xC690]  }
0x394: {  	v26 =	vsub.f32 v25, v14;
	v33 =	vld [tilespmem:s5+$0x46E0];
	v20 =	vmax.f32 v45, $0.0e+00;
	v45 =	vsub.f32 v22, v4  }
0x395: {  	v47 =	vand.u32 $0x7FFFFFFF, v37;
	v37 =	vsub.f32 v23, v41;
	v41 =	vadd.f32 v27, v31;
	v46 =	vld [tilespmem:s5+$0xC6C0]  }
0x396: {  	v31 =	vsub.f32 v47, v6;
	v32 =	vadd.f32 v22, v32;
	v27 =	vand.u32 $0x7FFFFFFF, v39;
	v48 =	vld [tilespmem:s5+$0x46A0];
	v23 =	vmovc v36  }
0x397: {  	v39 =	vsub.f32 v37, v9;
	v22 =	vadd.f32 v27, v38;
	v38 =	vand.u32 $0x7FFFFFFF, v18;
	v18 =	vmovc v19;
	v36 =	vld [tilespmem:s5+$0x46C0]  }
0x398: {  	v19 =	vsub.f32 v30, v42;
	v27 =	vsub.f32 v27, v3;
	v30 =	vmax.f32 v45, $0.0e+00;
	v49 =	vld [tilespmem:s5+$0xC680]  }
0x399: {  	v43 =	vadd.f32 v43, v22;
	v22 =	vand.u32 $0x7FFFFFFF, v21;
	v42 =	vld [tilespmem:s5+$0x4680];
	v45 =	vsub.f32 v33, v35  }
.Ltmp6:
0x39a: {  	v32 =	vadd.f32 v38, v32;
	v19 =	vsub.f32 v19, v17;
	v33 =	vmax.f32 v27, $0.0e+00;
	v37 =	vld [tilespmem:s5+$0x46B0];
	(pc) =	sbr.rel @p0 .LBB2_14-.Ltmp6, $4  }
0x39b: {  	v27 =	vmax.f32 v31, $0.0e+00;
	v35 =	vld [tilespmem:s5+$0x4690];
	v21 =	vsub.f32 v45, v16;
	v45 =	vsub.f32 v38, v5  }
0x39c: {  	v31 =	vsub.f32 v36, v46;
	v36 =	vadd.f32 v40, v41;
	v41 =	vmax.f32 v34, $0.0e+00;
	[tilespmem:s24+$0x14680] =	vst v32  }
0x39d: {  	v38 =	vadd.f32 v47, v43;
	v34 =	vsub.f32 v48, v44;
	v32 =	vand.u32 $0x7FFFFFFF, v39  }
0x39e: {  	v40 =	vsub.f32 v42, v49;
	v39 =	vadd.f32 v41, v36;
	v36 =	vmax.f32 v45, $0.0e+00  }
0x39f: {  	v16 =	vsub.f32 v37, v28  }
0x3a0: {  	v17 =	vadd.f32 v33, v24;
	v25 =	vadd.f32 v25, v38  }
0x3a1: {  	v13 =	vsub.f32 v34, v13;
	v63 =	vsub.f32 v32, v2  }
0x3a2: {  	v15 =	vsub.f32 v31, v15;
	v10 =	vsub.f32 v40, v10  }
0x3a3: {  	v61 =	vadd.f32 v30, v39;
	v62 =	vsub.f32 v35, v29  }
0x3a4: {  	v33 =	vld [tilespmem:s5+$0xC6D0];
	v35 =	vsub.f32 v22, v4;
	v25 =	vadd.f32 v32, v25  }
0x3a5: {  	v13 =	vand.u32 $0x7FFFFFFF, v13;
	v12 =	vsub.f32 v16, v12;
	v34 =	vadd.f32 v20, v17  }
0x3a6: {  	v15 =	vand.u32 $0x7FFFFFFF, v15;
	v24 =	vadd.f32 v36, v61;
	v7 =	vsub.f32 v62, v7  }
0x3a7: {  	v10 =	vand.u32 $0x7FFFFFFF, v10;
	v11 =	vsub.f32 v13, v11;
	v14 =	vsub.f32 v15, v14  }
0x3a8: {  	v8 =	vsub.f32 v10, v8;
	v16 =	vadd.f32 v27, v34;
	v12 =	vand.u32 $0x7FFFFFFF, v12  }
0x3a9: {  	v36 =	vsub.f32 v23, v33;
	v7 =	vand.u32 $0x7FFFFFFF, v7;
	v6 =	vsub.f32 v12, v6  }
0x3aa: {  	v8 =	vmax.f32 v8, $0.0e+00;
	v10 =	vadd.f32 v7, v10;
	v3 =	vsub.f32 v7, v3  }
0x3ab: {  	v7 =	vmax.f32 v11, $0.0e+00;
	v11 =	vadd.f32 v22, v25;
	v9 =	vsub.f32 v36, v9  }
0x3ac: {  	v10 =	vadd.f32 v13, v10;
	v3 =	vmax.f32 v3, $0.0e+00;
	v13 =	vand.u32 $0x7FFFFFFF, v18  }
0x3ad: {  	v26 =	vmax.f32 v26, $0.0e+00;
	v3 =	vadd.f32 v3, v8;
	v11 =	vadd.f32 v13, v11  }
0x3ae: {  	v9 =	vand.u32 $0x7FFFFFFF, v9;
	v10 =	vadd.f32 v12, v10;
	v12 =	vadd.f32 v26, v16  }
0x3af: {  	v8 =	vand.u32 $0x7FFFFFFF, v21;
	v2 =	vsub.f32 v9, v2;
	v3 =	vadd.f32 v7, v3  }
0x3b0: {  	v6 =	vmax.f32 v6, $0.0e+00;
	v4 =	vsub.f32 v8, v4;
	v10 =	vadd.f32 v15, v10  }
0x3b1: {  	v7 =	vsub.f32 v13, v5;
	v13 =	vmax.f32 v63, $0.0e+00;
	v3 =	vadd.f32 v6, v3  }
0x3b2: {  	v12 =	vadd.f32 v13, v12;
	v6 =	vmax.f32 v14, $0.0e+00;
	v9 =	vadd.f32 v9, v10  }
0x3b3: {  	v17 =	vmax.f32 v35, $0.0e+00;
	v2 =	vmax.f32 v2, $0.0e+00;
	v3 =	vadd.f32 v6, v3  }
0x3b4: {  	v4 =	vmax.f32 v4, $0.0e+00;
	v10 =	vadd.f32 v17, v12;
	v6 =	vadd.f32 v8, v9  }
0x3b5: {  	v8 =	vand.u32 $0x7FFFFFFF, v19;
	v2 =	vadd.f32 v2, v3;
	v3 =	vmov s23  }
0x3b6: {  	v7 =	vmax.f32 v7, $0.0e+00;
	v5 =	vsub.f32 v8, v5;
	v3 =	vshll.u32 v3, $0x7  }
0x3b7: {  	[tilespmem:s24+$0x10680] =	vst v24;
	v7 =	vadd.f32 v7, v10;
	v2 =	vadd.f32 v4, v2;
	v3 =	vor.u32 v0, v3  }
0x3b8: {  	[tilespmem:s31+$0x14680] =	vst v11;
	v4 =	vadd.f32 v8, v6;
	v5 =	vmax.f32 v5, $0.0e+00  }
0x3b9: {  	[tilespmem:s31+$0x10680] =	vst v7;
	v7 =	vor.u32 $0x3, v3;
	v2 =	vadd.f32 v5, v2  }
0x3ba: {  	[tilespmem:s5+$0x14680] =	vst v4  }
0x3bb: {  	v9 =	vor.u32 $0x4, v3;
	[tilespmem:s5+$0x10680] =	vst v2  }
0x3bc: {  	v4 =	vld.idx.msk [tilespmem:v3+s1+$0x0], $0xffff  }
0x3bd: {  	v11 =	vor.u32 $0x5, v3;
	v6 =	vld.idx.msk [tilespmem:v3+s3+$0x0], $0xffff  }
0x3be: {  	v12 =	vld.idx.msk [tilespmem:v7+s1+$0x0], $0xffff  }
0x3bf: {  	v13 =	vor.u32 $0x6, v3;
	v7 =	vld.idx.msk [tilespmem:v7+s3+$0x0], $0xffff  }
0x3c0: {  	v14 =	vld.idx.msk [tilespmem:v9+s1+$0x0], $0xffff  }
0x3c1: {  	v15 =	vor.u32 $0x7, v3;
	v9 =	vld.idx.msk [tilespmem:v9+s3+$0x0], $0xffff  }
0x3c2: {  	v37 =	vld.idx.msk [tilespmem:v11+s1+$0x0], $0xffff  }
0x3c3: {  	v38 =	vor.u32 $0x8, v3;
	v11 =	vld.idx.msk [tilespmem:v11+s3+$0x0], $0xffff  }
0x3c4: {  	v39 =	vld.idx.msk [tilespmem:v13+s1+$0x0], $0xffff  }
0x3c5: {  	v40 =	vor.u32 $0x9, v3;
	v13 =	vld.idx.msk [tilespmem:v13+s3+$0x0], $0xffff  }
0x3c6: {  	v41 =	vld.idx.msk [tilespmem:v15+s1+$0x0], $0xffff  }
0x3c7: {  	v5 =	vor.u32 $0x1, v3;
	v15 =	vld.idx.msk [tilespmem:v15+s3+$0x0], $0xffff  }
0x3c8: {  	v43 =	vld.idx.msk [tilespmem:v38+s1+$0x0], $0xffff  }
0x3c9: {  	v2 =	vor.u32 $0x2, v3;
	v17 =	vld.idx.msk [tilespmem:v38+s3+$0x0], $0xffff  }
0x3ca: {  	v24 =	vld.idx.msk [tilespmem:v40+s1+$0x0], $0xffff  }
0x3cb: {  	v42 =	vor.u32 $0xA, v3;
	v19 =	vld.idx.msk [tilespmem:v40+s3+$0x0], $0xffff  }
0x3cc: {  	v8 =	vld.idx.msk [tilespmem:v5+s1+$0x0], $0xffff  }
0x3cd: {  	v45 =	vor.u32 $0xC, v3;
	v5 =	vld.idx.msk [tilespmem:v5+s3+$0x0], $0xffff  }
0x3ce: {  	v44 =	vor.u32 $0xB, v3;
	v10 =	vld.idx.msk [tilespmem:v2+s1+$0x0], $0xffff  }
0x3cf: {  	v2 =	vld.idx.msk [tilespmem:v2+s3+$0x0], $0xffff  }
0x3d0: {  	v46 =	vld.idx.msk [tilespmem:v42+s1+$0x0], $0xffff;
	v4 =	vadd.f32 $0.0e+00, v4;
	v6 =	vadd.f32 $0.0e+00, v6  }
0x3d1: {  	v47 =	vor.u32 $0xD, v3;
	v21 =	vld.idx.msk [tilespmem:v42+s3+$0x0], $0xffff  }
0x3d2: {  	v25 =	vld.idx.msk [tilespmem:v45+s3+$0x0], $0xffff;
	v4 =	vadd.f32 v8, v4;
	v5 =	vadd.f32 v5, v6  }
0x3d3: {  	v48 =	vor.u32 $0xE, v3;
	v6 =	vld.idx.msk [tilespmem:v44+s1+$0x0], $0xffff  }
0x3d4: {  	s4 =	simm.s32 $0x10;
	v8 =	vld.idx.msk [tilespmem:v44+s3+$0x0], $0xffff;
	v4 =	vadd.f32 v10, v4;
	v2 =	vadd.f32 v2, v5  }
0x3d5: {  	v3 =	vor.u32 $0xF, v3;
	v5 =	vld.idx.msk [tilespmem:v45+s1+$0x0], $0xffff;
	v10 =	vmov s4  }
0x3d6: {  	v4 =	vadd.f32 v12, v4;
	v2 =	vadd.f32 v7, v2;
	v7 =	vshll.u32 v10, $0x7;
	v10 =	vld.idx.msk [tilespmem:v47+s1+$0x0], $0xffff  }
0x3d7: {  	v49 =	vor.u32 v0, v7;
	v7 =	vld.idx.msk [tilespmem:v47+s3+$0x0], $0xffff  }
0x3d8: {  	v4 =	vadd.f32 v14, v4;
	v2 =	vadd.f32 v9, v2;
	v9 =	vld.idx.msk [tilespmem:v48+s1+$0x0], $0xffff  }
0x3d9: {  	v14 =	vld.idx.msk [tilespmem:v48+s3+$0x0], $0xffff;
	v50 =	vor.u32 $0x2, v49  }
0x3da: {  	v12 =	vor.u32 $0x1, v49;
	v4 =	vadd.f32 v37, v4;
	v2 =	vadd.f32 v11, v2;
	v11 =	vld.idx.msk [tilespmem:v3+s1+$0x0], $0xffff  }
0x3db: {  	v3 =	vld.idx.msk [tilespmem:v3+s3+$0x0], $0xffff  }
0x3dc: {  	v4 =	vadd.f32 v39, v4;
	v2 =	vadd.f32 v13, v2;
	v13 =	vld.idx.msk [tilespmem:v49+s1+$0x0], $0xffff  }
0x3dd: {  	v52 =	vor.u32 $0x3, v49;
	v51 =	vld.idx.msk [tilespmem:v49+s3+$0x0], $0xffff  }
0x3de: {  	v54 =	vld.idx.msk [tilespmem:v50+s1+$0x0], $0xffff;
	v4 =	vadd.f32 v41, v4;
	v2 =	vadd.f32 v15, v2  }
0x3df: {  	v53 =	vor.u32 $0x4, v49;
	v15 =	vld.idx.msk [tilespmem:v12+s1+$0x0], $0xffff  }
0x3e0: {  	v55 =	vor.u32 $0x5, v49;
	v12 =	vld.idx.msk [tilespmem:v12+s3+$0x0], $0xffff;
	v4 =	vadd.f32 v43, v4;
	v2 =	vadd.f32 v17, v2  }
0x3e1: {  	v16 =	vld.idx.msk [tilespmem:v50+s3+$0x0], $0xffff  }
0x3e2: {  	v57 =	vor.u32 $0x6, v49;
	v56 =	vld.idx.msk [tilespmem:v52+s1+$0x0], $0xffff;
	v4 =	vadd.f32 v24, v4;
	v2 =	vadd.f32 v19, v2  }
0x3e3: {  	v23 =	vld.idx.msk [tilespmem:v52+s3+$0x0], $0xffff;
	v13 =	vadd.f32 $0.0e+00, v13;
	v18 =	vadd.f32 $0.0e+00, v51  }
0x3e4: {  	v58 =	vld.idx.msk [tilespmem:v53+s1+$0x0], $0xffff;
	v4 =	vadd.f32 v46, v4;
	v2 =	vadd.f32 v21, v2  }
0x3e5: {  	v59 =	vor.u32 $0x7, v49;
	v60 =	vld.idx.msk [tilespmem:v55+s3+$0x0], $0xffff;
	v13 =	vadd.f32 v15, v13;
	v12 =	vadd.f32 v12, v18  }
0x3e6: {  	v15 =	vld.idx.msk [tilespmem:v53+s3+$0x0], $0xffff;
	v4 =	vadd.f32 v6, v4;
	v2 =	vadd.f32 v8, v2  }
0x3e7: {  	v61 =	vld.idx.msk [tilespmem:v57+s3+$0x0], $0xffff;
	v13 =	vadd.f32 v54, v13;
	v12 =	vadd.f32 v16, v12;
	v8 =	vor.u32 $0x8, v49  }
0x3e8: {  	v6 =	vld.idx.msk [tilespmem:v55+s1+$0x0], $0xffff;
	v4 =	vadd.f32 v5, v4;
	v2 =	vadd.f32 v25, v2  }
0x3e9: {  	v62 =	vor.u32 $0x9, v49;
	v13 =	vadd.f32 v56, v13;
	v12 =	vadd.f32 v23, v12;
	v5 =	vld.idx.msk [tilespmem:v57+s1+$0x0], $0xffff  }
0x3ea: {  	v4 =	vadd.f32 v10, v4;
	v2 =	vadd.f32 v7, v2;
	v7 =	vld.idx.msk [tilespmem:v59+s1+$0x0], $0xffff  }
0x3eb: {  	v12 =	vadd.f32 v15, v12;
	v15 =	vor.u32 $0xA, v49;
	v10 =	vadd.f32 v58, v13;
	v13 =	vld.idx.msk [tilespmem:v59+s3+$0x0], $0xffff  }
0x3ec: {  	v4 =	vadd.f32 v9, v4;
	v2 =	vadd.f32 v14, v2;
	v9 =	vld.idx.msk [tilespmem:v8+s1+$0x0], $0xffff  }
0x3ed: {  	v6 =	vadd.f32 v6, v10;
	v10 =	vadd.f32 v60, v12;
	v8 =	vld.idx.msk [tilespmem:v8+s3+$0x0], $0xffff;
	v12 =	vor.u32 $0xB, v49  }
0x3ee: {  	v4 =	vadd.f32 v11, v4;
	v2 =	vadd.f32 v3, v2;
	v11 =	vld.idx.msk [tilespmem:v62+s1+$0x0], $0xffff  }
0x3ef: {  	v3 =	vadd.f32 v5, v6;
	v5 =	vadd.f32 v61, v10;
	v6 =	vld.idx.msk [tilespmem:v62+s3+$0x0], $0xffff;
	v10 =	vor.u32 $0xC, v49  }
0x3f0: {  	v63 =	vld.idx.msk [tilespmem:v15+s1+$0x0], $0xffff;
	v14 =	vmul.f32 $9.800000190e-01, v4;
	v2 =	vmul.f32 $1.999999960e-02, v2  }
0x3f1: {  	v7 =	vadd.f32 v7, v3;
	v5 =	vadd.f32 v13, v5;
	v13 =	vld.idx.msk [tilespmem:v15+s3+$0x0], $0xffff;
	v15 =	vor.u32 $0xD, v49  }
0x3f2: {  	vm0 =	veq.f32 v4, $0.0e+00;
	v3 =	vld.idx.msk [tilespmem:v12+s1+$0x0], $0xffff;
	v2 =	vadd.f32 v2, v14  }
0x3f3: {  	s23 =	simm.s32 $0x18700;
	s31 =	simm.s32 $0x20;
	v7 =	vadd.f32 v9, v7;
	v8 =	vadd.f32 v8, v5;
	v5 =	vld.idx.msk [tilespmem:v12+s3+$0x0], $0xffff;
	v12 =	vor.u32 $0xE, v49  }
0x3f4: {  	v9 =	vsel vm0, $0x1, v1;
	v4 =	vld.idx.msk [tilespmem:v10+s1+$0x0], $0xffff;
	[tilespmem:s23+$0x0] =	vst v2;
	v2 =	vmov s31  }
0x3f5: {  	s24 =	simm.s32 $0x18800;
	v14 =	vadd.f32 v11, v7;
	v8 =	vadd.f32 v6, v8;
	v7 =	vld.idx.msk [tilespmem:v10+s3+$0x0], $0xffff;
	v11 =	vor.u32 $0xF, v49  }
0x3f6: {  	[tilespmem:s24+$0x0] =	vst v9;
	v2 =	vshll.u32 v2, $0x7;
	v6 =	vld.idx.msk [tilespmem:v15+s1+$0x0], $0xffff  }
0x3f7: {  	s5 =	simm.s32 $0x30;
	v2 =	vor.u32 v0, v2;
	v9 =	vadd.f32 v63, v14;
	v10 =	vadd.f32 v13, v8;
	v8 =	vld.idx.msk [tilespmem:v15+s3+$0x0], $0xffff  }
.LBB2_16:
0x3f8: {  	p0 =	sne.s32 s5, $0x70;
	v13 =	vld.idx.msk [tilespmem:v12+s1+$0x0], $0xffff  }
0x3f9: {  	v14 =	vor.u32 $0x1, v2;
	v3 =	vadd.f32 v3, v9;
	v5 =	vadd.f32 v5, v10;
	v9 =	vld.idx.msk [tilespmem:v12+s3+$0x0], $0xffff  }
0x3fa: {  	v10 =	vld.idx.msk [tilespmem:v11+s1+$0x0], $0xffff  }
0x3fb: {  	v12 =	vor.u32 $0x2, v2;
	v3 =	vadd.f32 v4, v3;
	v4 =	vadd.f32 v7, v5;
	v5 =	vld.idx.msk [tilespmem:v11+s3+$0x0], $0xffff  }
0x3fc: {  	v7 =	vld.idx.msk [tilespmem:v2+s1+$0x0], $0xffff  }
0x3fd: {  	v15 =	vor.u32 $0x3, v2;
	v11 =	vld.idx.msk [tilespmem:v2+s3+$0x0], $0xffff;
	v3 =	vadd.f32 v6, v3;
	v4 =	vadd.f32 v8, v4  }
0x3fe: {  	v6 =	vld.idx.msk [tilespmem:v14+s1+$0x0], $0xffff  }
0x3ff: {  	v8 =	vld.idx.msk [tilespmem:v14+s3+$0x0], $0xffff;
	v14 =	vor.u32 $0x4, v2;
	v3 =	vadd.f32 v13, v3;
	v4 =	vadd.f32 v9, v4  }
0x400: {  	v9 =	vld.idx.msk [tilespmem:v12+s1+$0x0], $0xffff  }
0x401: {  	v13 =	vor.u32 $0x5, v2;
	v12 =	vld.idx.msk [tilespmem:v12+s3+$0x0], $0xffff;
	v3 =	vadd.f32 v10, v3;
	v4 =	vadd.f32 v5, v4  }
0x402: {  	v5 =	vadd.f32 $0.0e+00, v7;
	v10 =	vor.u32 $0x6, v2;
	v7 =	vld.idx.msk [tilespmem:v15+s1+$0x0], $0xffff  }
0x403: {  	v11 =	vadd.f32 $0.0e+00, v11;
	v15 =	vld.idx.msk [tilespmem:v15+s3+$0x0], $0xffff;
	v16 =	vmul.f32 $9.800000190e-01, v3;
	v4 =	vmul.f32 $1.999999960e-02, v4  }
0x404: {  	v5 =	vadd.f32 v6, v5;
	v6 =	vld.idx.msk [tilespmem:v14+s1+$0x0], $0xffff  }
0x405: {  	v8 =	vadd.f32 v8, v11;
	v11 =	vld.idx.msk [tilespmem:v14+s3+$0x0], $0xffff;
	v14 =	vor.u32 $0x7, v2;
	v4 =	vadd.f32 v4, v16  }
0x406: {  	v17 =	vor.u32 $0x8, v2;
	s23 =	sadd.s32 $0x10, s23;
	vm0 =	veq.f32 v3, $0.0e+00;
	v16 =	vld.idx.msk [tilespmem:v13+s1+$0x0], $0xffff  }
0x407: {  	s24 =	sadd.s32 $0x10, s24;
	v3 =	vadd.f32 v9, v5;
	v5 =	vadd.f32 v12, v8;
	v8 =	vld.idx.msk [tilespmem:v13+s3+$0x0], $0xffff;
	[tilespmem:s23+$0x0] =	vst v4;
	v4 =	vsel vm0, $0x1, v1  }
0x408: {  	v9 =	vld.idx.msk [tilespmem:v10+s1+$0x0], $0xffff;
	[tilespmem:s24+$0x0] =	vst v4  }
0x409: {  	v3 =	vadd.f32 v7, v3;
	v7 =	vor.u32 $0x9, v2;
	v4 =	vadd.f32 v15, v5;
	v5 =	vld.idx.msk [tilespmem:v10+s3+$0x0], $0xffff  }
0x40a: {  	v10 =	vld.idx.msk [tilespmem:v14+s1+$0x0], $0xffff  }
0x40b: {  	v3 =	vadd.f32 v6, v3;
	v4 =	vadd.f32 v11, v4;
	v11 =	vor.u32 $0xA, v2;
	v6 =	vld.idx.msk [tilespmem:v14+s3+$0x0], $0xffff  }
0x40c: {  	v12 =	vld.idx.msk [tilespmem:v17+s1+$0x0], $0xffff  }
0x40d: {  	v13 =	vor.u32 $0xB, v2;
	v3 =	vadd.f32 v16, v3;
	v4 =	vadd.f32 v8, v4;
	v8 =	vld.idx.msk [tilespmem:v17+s3+$0x0], $0xffff  }
0x40e: {  	v14 =	vld.idx.msk [tilespmem:v7+s1+$0x0], $0xffff  }
0x40f: {  	v3 =	vadd.f32 v9, v3;
	v9 =	vor.u32 $0xC, v2;
	v4 =	vadd.f32 v5, v4;
	v7 =	vld.idx.msk [tilespmem:v7+s3+$0x0], $0xffff  }
0x410: {  	v15 =	vld.idx.msk [tilespmem:v11+s1+$0x0], $0xffff  }
0x411: {  	v16 =	vor.u32 $0xD, v2;
	v5 =	vadd.f32 v10, v3;
	v4 =	vadd.f32 v6, v4;
	v10 =	vld.idx.msk [tilespmem:v11+s3+$0x0], $0xffff  }
0x412: {  	v3 =	vld.idx.msk [tilespmem:v13+s1+$0x0], $0xffff  }
.Ltmp7:
0x413: {  	v6 =	vadd.f32 v12, v5;
	v12 =	vor.u32 $0xE, v2;
	v8 =	vadd.f32 v8, v4;
	v5 =	vld.idx.msk [tilespmem:v13+s3+$0x0], $0xffff;
	(pc) =	sbr.rel @p0 .LBB2_16-.Ltmp7, $4  }
0x414: {  	v13 =	vmov s5;
	v4 =	vld.idx.msk [tilespmem:v9+s1+$0x0], $0xffff  }
0x415: {  	v11 =	vor.u32 $0xF, v2;
	v14 =	vadd.f32 v14, v6;
	v8 =	vadd.f32 v7, v8;
	v7 =	vld.idx.msk [tilespmem:v9+s3+$0x0], $0xffff  }
0x416: {  	v2 =	vshll.u32 v13, $0x7;
	v6 =	vld.idx.msk [tilespmem:v16+s1+$0x0], $0xffff  }
0x417: {  	s5 =	sadd.s32 $0x10, s5;
	v2 =	vor.u32 v0, v2;
	v9 =	vadd.f32 v15, v14;
	v10 =	vadd.f32 v10, v8;
	v8 =	vld.idx.msk [tilespmem:v16+s3+$0x0], $0xffff  }
0x418: {  	_ =	sdelay $0x3  }
0x419: {  	v13 =	vld.idx.msk [tilespmem:v12+s1+$0x0], $0xffff  }
0x41a: {  	v14 =	vor.u32 $0x1, v2;
	v63 =	vld.idx.msk [tilespmem:v12+s3+$0x0], $0xffff  }
0x41b: {  	v15 =	vld.idx.msk [tilespmem:v11+s1+$0x0], $0xffff  }
0x41c: {  	v16 =	vor.u32 $0x2, v2;
	v28 =	vld.idx.msk [tilespmem:v11+s3+$0x0], $0xffff  }
0x41d: {  	v17 =	vld.idx.msk [tilespmem:v2+s1+$0x0], $0xffff  }
0x41e: {  	v18 =	vld.idx.msk [tilespmem:v2+s3+$0x0], $0xffff;
	v19 =	vor.u32 $0x3, v2  }
0x41f: {  	v20 =	vld.idx.msk [tilespmem:v14+s1+$0x0], $0xffff  }
0x420: {  	v21 =	vor.u32 $0x4, v2;
	v14 =	vld.idx.msk [tilespmem:v14+s3+$0x0], $0xffff  }
0x421: {  	v22 =	vld.idx.msk [tilespmem:v16+s1+$0x0], $0xffff  }
0x422: {  	v23 =	vor.u32 $0x5, v2;
	v16 =	vld.idx.msk [tilespmem:v16+s3+$0x0], $0xffff  }
0x423: {  	v17 =	vadd.f32 $0.0e+00, v17;
	v24 =	vld.idx.msk [tilespmem:v19+s1+$0x0], $0xffff;
	v18 =	vadd.f32 $0.0e+00, v18  }
0x424: {  	v25 =	vor.u32 $0x6, v2;
	v19 =	vld.idx.msk [tilespmem:v19+s3+$0x0], $0xffff  }
0x425: {  	v29 =	vld.idx.msk [tilespmem:v21+s1+$0x0], $0xffff;
	v17 =	vadd.f32 v20, v17;
	v14 =	vadd.f32 v14, v18  }
0x426: {  	v31 =	vor.u32 $0x7, v2;
	v30 =	vld.idx.msk [tilespmem:v21+s3+$0x0], $0xffff  }
0x427: {  	v32 =	vld.idx.msk [tilespmem:v23+s1+$0x0], $0xffff;
	v17 =	vadd.f32 v22, v17;
	v14 =	vadd.f32 v16, v14  }
0x428: {  	v33 =	vor.u32 $0x8, v2;
	v23 =	vld.idx.msk [tilespmem:v23+s3+$0x0], $0xffff  }
0x429: {  	v34 =	vld.idx.msk [tilespmem:v25+s1+$0x0], $0xffff;
	v17 =	vadd.f32 v24, v17;
	v14 =	vadd.f32 v19, v14  }
0x42a: {  	v36 =	vor.u32 $0x9, v2;
	v35 =	vld.idx.msk [tilespmem:v25+s3+$0x0], $0xffff  }
0x42b: {  	v37 =	vld.idx.msk [tilespmem:v31+s1+$0x0], $0xffff;
	v17 =	vadd.f32 v29, v17;
	v14 =	vadd.f32 v30, v14  }
0x42c: {  	v39 =	vor.u32 $0xA, v2;
	v38 =	vld.idx.msk [tilespmem:v31+s3+$0x0], $0xffff  }
0x42d: {  	v40 =	vld.idx.msk [tilespmem:v33+s1+$0x0], $0xffff;
	v17 =	vadd.f32 v32, v17;
	v14 =	vadd.f32 v23, v14  }
0x42e: {  	v41 =	vor.u32 $0xB, v2;
	v16 =	vld.idx.msk [tilespmem:v33+s3+$0x0], $0xffff  }
0x42f: {  	v42 =	vld.idx.msk [tilespmem:v36+s1+$0x0], $0xffff;
	v17 =	vadd.f32 v34, v17;
	v14 =	vadd.f32 v35, v14  }
0x430: {  	v44 =	vor.u32 $0xC, v2;
	v43 =	vld.idx.msk [tilespmem:v36+s3+$0x0], $0xffff  }
0x431: {  	v45 =	vld.idx.msk [tilespmem:v39+s1+$0x0], $0xffff;
	v17 =	vadd.f32 v37, v17;
	v14 =	vadd.f32 v38, v14  }
0x432: {  	v47 =	vor.u32 $0xD, v2;
	v46 =	vld.idx.msk [tilespmem:v39+s3+$0x0], $0xffff  }
0x433: {  	v48 =	vld.idx.msk [tilespmem:v41+s1+$0x0], $0xffff;
	v17 =	vadd.f32 v40, v17;
	v14 =	vadd.f32 v16, v14  }
0x434: {  	v50 =	vor.u32 $0xE, v2;
	v49 =	vld.idx.msk [tilespmem:v41+s3+$0x0], $0xffff  }
0x435: {  	v51 =	vld.idx.msk [tilespmem:v44+s1+$0x0], $0xffff;
	v17 =	vadd.f32 v42, v17;
	v14 =	vadd.f32 v43, v14  }
0x436: {  	v2 =	vor.u32 $0xF, v2;
	v3 =	vadd.f32 v3, v9;
	v5 =	vadd.f32 v5, v10;
	v52 =	vld.idx.msk [tilespmem:v44+s3+$0x0], $0xffff  }
0x437: {  	v54 =	vld.idx.msk [tilespmem:v47+s1+$0x0], $0xffff;
	v53 =	vadd.f32 v45, v17;
	v14 =	vadd.f32 v46, v14  }
0x438: {  	v3 =	vadd.f32 v4, v3;
	v55 =	vadd.f32 v7, v5;
	v56 =	vld.idx.msk [tilespmem:v47+s3+$0x0], $0xffff  }
0x439: {  	v59 =	vld.idx.msk [tilespmem:v50+s1+$0x0], $0xffff;
	v57 =	vadd.f32 v48, v53;
	v58 =	vadd.f32 v49, v14  }
0x43a: {  	v3 =	vadd.f32 v6, v3;
	v4 =	vadd.f32 v8, v55;
	v60 =	vld.idx.msk [tilespmem:v50+s3+$0x0], $0xffff  }
0x43b: {  	v61 =	vld.idx.msk [tilespmem:v2+s1+$0x0], $0xffff;
	v7 =	vadd.f32 v51, v57;
	v9 =	vadd.f32 v52, v58  }
0x43c: {  	v2 =	vld.idx.msk [tilespmem:v2+s3+$0x0], $0xffff;
	v3 =	vadd.f32 v13, v3;
	v4 =	vadd.f32 v63, v4  }
0x43d: {  	v7 =	vadd.f32 v54, v7;
	v5 =	vadd.f32 v56, v9  }
0x43e: {  	v3 =	vadd.f32 v15, v3;
	v4 =	vadd.f32 v28, v4  }
0x43f: {  	v7 =	vadd.f32 v59, v7;
	v5 =	vadd.f32 v60, v5  }
0x440: {  	v62 =	vmul.f32 $9.800000190e-01, v3  }
0x441: {  	v4 =	vmul.f32 $1.999999960e-02, v4;
	v7 =	vadd.f32 v61, v7;
	v2 =	vadd.f32 v2, v5;
	_ =	sdelay $0x1  }
0x442: {  	v4 =	vadd.f32 v4, v62;
	v63 =	vmul.f32 $9.800000190e-01, v7;
	v2 =	vmul.f32 $1.999999960e-02, v2  }
0x443: {  	s4 =	sadd.s32 $0x10, s23;
	vm0 =	veq.f32 v3, $0.0e+00  }
0x444: {  	s5 =	sadd.s32 $0x10, s24;
	v3 =	vsel vm0, $0x1, v1;
	[tilespmem:s4+$0x0] =	vst v4;
	v2 =	vadd.f32 v2, v63  }
0x445: {  	s4 =	sadd.s32 $0x10, s4;
	[tilespmem:s5+$0x0] =	vst v3;
	vm15 =	veq.f32 v7, $0.0e+00  }
0x446: {  	s31 =	sadd.s32 $0x10, s5;
	[tilespmem:s4+$0x0] =	vst v2;
	v2 =	vsel vm15, $0x1, v1  }
0x447: {  	[tilespmem:s31+$0x0] =	vst v2  }
0x448: {  	[hbm4b:s15+s6] =	stream.linear.scatter [tilespmem:s30], [sflag:$0x5], $0x80, $0x38;
	[tilespmem:$0x18880] =	vst v63  }
0x449: {  	_ = 	snop  }
0x44a: {  	[hbm4b:s16+s6] =	stream.linear.scatter [tilespmem:s2], [sflag:$0x5], $0x80, $0x38;
	[tilespmem:$0x18880] =	vst v63  }
0x44b: {  	_ =	swait.ge [sflag:s18], $0x80  }
0x44c: {  	[sflag:s18] =	ssyncset.done $0x0  }
0x44d: {  	[sflag:s18] =	ssyncadd.s32 $0xFFFFFF80  }
0x44e: {  	_ =	swait.ge [sflag:s18], $0x80  }
0x44f: {  	[sflag:s18] =	ssyncset.done $0x0  }
0x450: {  	s19 =	sadd.s32 $0x1, s19;
	[sflag:s18] =	ssyncadd.s32 $0xFFFFFF80  }
0x451: {  	p0 =	sne.s32 s19, s17;
	_ =	swait.ge [sflag:s18], $0x80  }
.Ltmp8:
0x452: {  	[sflag:s18] =	ssyncset.done $0x0;
	(pc) =	sbr.rel @p0 .LBB2_1-.Ltmp8, $4  }
0x453: {  	[sflag:s18] =	ssyncadd.s32 $0xFFFFFF80  }
0x454: {  	_ =	swait.ge [sflag:s18], $0x80  }
0x455: {  	[sflag:s18] =	ssyncset.done $0x0  }
0x456: {  	s26 =	simm.s32 $0x680;
	[sflag:s18] =	ssyncadd.s32 $0xFFFFFF80  }
0x457: {  	_ =	sfence.sel $0x180000  }
0x458: {  	[bflag:$0x0] =	sbarrier.arrive $0xFFFF  }
0x459: {  	_ =	strace $0x90000047  }
0x45a: {  	s0 =	stileid.u32;
	[bflag:$0x2] =	sbarrier.arrive $0xFFFF  }
0x45b: {  	p0 =	sne.s32 s0, $0x0;
	s0 =	rddreg [dreg:$0x8]  }
0x45c: {  	s0 =	sadd.s32 @!p0 $0x100000, s0  }
0x45d: {  	[sflag:s0] =	ssyncadd.tile.s32 @!p0 $0x1;
	_ =	shalt  }
.Lfunc_end2:
_tile_overlayer_lowered:
.L_overlay_start_2:
0x45e: {  	(tag) =	ssettag $0x2  }
0x45f: {  	s0 =	rddreg [dreg:$0x0];
	s2 =	stileid.u32  }
0x460: {  	s1 =	rddreg [dreg:$0x1];
	p0 =	sne.s32 s2, $0x0  }
0x461: {  	s3 =	rddreg [dreg:$0x2];
	[bflag:$0x3] =	sbarrier.arrive $0xFFFF;
	s2 =	simm.s32 @!p0 $0x1C06  }
0x462: {  	[timem:s3], [sflag:s2] =	dma.local @!p0 [hbm:s0], s1  }
0x463: {  	s0 =	simm.s32 @!p0 $0x6  }
0x464: {  	_ =	swait.ge @!p0 [sflag:s0], s1  }
0x465: {  	s1 =	ssub.s32 @!p0 $0x0, s1;
	[sflag:s0] =	ssyncset.done @!p0 $0x0  }
0x466: {  	[sflag:s0] =	ssyncadd.s32 @!p0 s1  }
0x467: {  	[bflag:$0x3] =	sbarrier.arrive $0xFFFF  }
0x468: {  	_ =	shalt  }

</sc_bundles>
